<compile_context>
chip_gen: v7x
topology: tpu7x:2x2x1
jax: 0.10.2.dev20260603
libtpu: 0.0.44.dev20260713+nightly
codegen_flags: <defaults>
</compile_context>

<pallas_src>
import functools

import jax
import jax.numpy as jnp
from jax import lax
from jax.experimental import pallas as pl
from jax.experimental.pallas import tpu as pltpu
from jax.experimental.pallas import tpu_sc as plsc

N = 100000
D = 256
G = 512
BLK = 4000
NB = N // BLK
R = 128
NCHUNK = N // R
TAIL = N - NCHUNK * R
NC = 2
NS = 16
NW = NC * NS


def _att_kernel(z_ref, wa1_ref, ba1_ref, wa2_ref, w_ref, zsum_ref,
                a_scr, m_scr):
    j = pl.program_id(0)
    z = z_ref[...]
    h = lax.dot_general(z, wa1_ref[...], (((1,), (1,)), ((), ())),
                        preferred_element_type=jnp.float32)
    h = jnp.tanh(h + ba1_ref[...])
    a = lax.dot_general(wa2_ref[...], h, (((1,), (1,)), ((), ())),
                        preferred_element_type=jnp.float32)
    a_scr[j] = a.reshape(1, 1, BLK)[0]
    bmax = jnp.max(a)

    @pl.when(j == 0)
    def _():
        m_scr[0] = bmax

    @pl.when(j > 0)
    def _():
        m_scr[0] = jnp.maximum(m_scr[0], bmax)

    @pl.when(j == NB - 1)
    def _():
        w = jnp.exp(a_scr[...] - m_scr[0])
        w_ref[...] = w
        zsum_ref[...] = jnp.sum(w).reshape(1, 1)



CSPLIT = 128
HD = CSPLIT
NKMAX = (NCHUNK + NW - 1) // NW
NPAD = NKMAX * NW * R


def _sc_segsum(z_hbm, w_hbm, b_hbm, out_hbm, acc,
               zbuf0, zbuf1, wall, ball, sem0, sem1, semp):
    c = lax.axis_index("c")
    s = lax.axis_index("s")
    wid = s * NC + c
    col0 = 0
    lane = lax.iota(jnp.int32, 16)
    zero16 = jnp.zeros((16,), jnp.float32)
    zbufs = ((zbuf0, sem0), (zbuf1, sem1))

    pltpu.async_copy(w_hbm.at[:, wid], wall, semp)
    pltpu.async_copy(b_hbm.at[:, wid], ball, semp)

    def zero_body(r, carry):
        for cc in range(HD // 16):
            acc[r, pl.ds(cc * 16, 16)] = zero16
        return carry

    lax.fori_loop(0, G, zero_body, 0)

    def issue(ch, zb, sem):
        base = ch * R
        pltpu.async_copy(z_hbm.at[pl.ds(base, R), pl.ds(col0, HD)], zb, sem)

    def wait(zb, sem):
        pltpu.make_async_copy(z_hbm.at[pl.ds(0, R), pl.ds(col0, HD)], zb,
                              sem).wait()

    nacc = HD // 16
    fzeros = tuple(jnp.zeros((16,), jnp.float32) for _ in range(nacc))
    izero = jnp.zeros((16,), jnp.int32)

    def flush(carry):
        for cc in range(nacc):
            plsc.addupdate_scatter(acc, [carry[nacc], lane + (cc * 16)],
                                   carry[cc])

    def process_rows(zb, k, nrows, carry):
        kvec = jnp.full((16,), k, dtype=jnp.int32)

        def row_range(r0, nr, carry):
            def row_body(r, carry):
                ridx = jnp.full((16,), r, dtype=jnp.int32)
                wr = plsc.load_gather(wall, [kvec, ridx])
                br = plsc.load_gather(ball, [kvec, ridx])
                prev = carry[nacc]
                same = jnp.all(br == prev)

                def keep(carry=carry):
                    return carry[:nacc]

                def spill(carry=carry, prev=prev):
                    for cc in range(nacc):
                        plsc.addupdate_scatter(acc, [prev, lane + (cc * 16)],
                                               carry[cc])
                    return fzeros

                accs = lax.cond(same, keep, spill)
                new = tuple(accs[cc] + zb[r, pl.ds(cc * 16, 16)] * wr
                            for cc in range(nacc))
                return new + (br,)

            return lax.fori_loop(r0, r0 + nr, row_body, carry)

        def grp_body(g, carry):
            r0 = g * 16
            br16 = ball[k, pl.ds(r0, 16)]
            prev = carry[nacc]
            same_all = jnp.all(br16 == prev)

            def fast(carry=carry, r0=r0):
                accs = list(carry[:nacc])
                for i in range(16):
                    ridx = jnp.full((16,), r0 + i, dtype=jnp.int32)
                    wr = plsc.load_gather(wall, [kvec, ridx])
                    for cc in range(nacc):
                        accs[cc] = accs[cc] + zb[r0 + i, pl.ds(cc * 16, 16)] * wr
                return tuple(accs) + (prev,)

            def slow(carry=carry, r0=r0):
                return row_range(r0, 16, carry)

            return lax.cond(same_all, fast, slow)

        if nrows >= 16:
            carry = lax.fori_loop(0, nrows // 16, grp_body, carry)
        if nrows % 16:
            carry = row_range(nrows - nrows % 16, nrows % 16, carry)
        return carry

    issue(wid, zbuf0, sem0)
    issue(wid + NW, zbuf1, sem1)
    pltpu.make_async_copy(w_hbm.at[:, 0], wall, semp).wait()
    pltpu.make_async_copy(b_hbm.at[:, 0], ball, semp).wait()

    def chunk_body(k2, carry):
        for par in (0, 1):
            k = 2 * k2 + par
            ch = wid + NW * k
            zb, sem = zbufs[par]

            def run(carry=carry, zb=zb, sem=sem, k=k):
                wait(zb, sem)
                return process_rows(zb, k, R, carry)

            carry = lax.cond(ch < NCHUNK, run, lambda carry=carry: carry)

            ch2 = ch + 2 * NW

            @pl.when(ch2 < NCHUNK)
            def _():
                issue(ch2, zb, sem)

        return carry

    carry0 = fzeros + (izero,)
    carry = lax.fori_loop(0, (NKMAX + 1) // 2, chunk_body, carry0)
    flush(carry)

    @pl.when(wid == NCHUNK % NW)
    def _():
        base = NCHUNK * R
        pltpu.sync_copy(z_hbm.at[pl.ds(base, TAIL), pl.ds(col0, HD)],
                        zbuf0.at[pl.ds(0, TAIL)])
        tcarry = process_rows(zbuf0, NCHUNK // NW, TAIL, carry0)
        flush(tcarry)

    pltpu.sync_copy(acc, out_hbm.at[c, s])




def _tc_segsum(z_ref, w_ref, b_ref, out_ref, acc_ref, *, nblocks):
    j = pl.program_id(0)

    @pl.when(j == 0)
    def _():
        acc_ref[...] = jnp.zeros_like(acc_ref)

    ids = b_ref[0, 0, :]
    wrow = w_ref[0, 0, :]
    seg = lax.broadcasted_iota(jnp.int32, (G, ids.shape[0]), 0)
    wonehot = jnp.where(seg == ids[None, :], wrow[None, :], 0.0)
    acc_ref[...] += jnp.dot(wonehot, z_ref[...],
                            preferred_element_type=jnp.float32)

    @pl.when(j == nblocks - 1)
    def _():
        out_ref[...] = acc_ref[...]


def _mlp_kernel(acc_ref, tcacc_ref, zsum_ref, w1_ref, b1_ref, w2_ref, b2_ref,
                w3_ref, b3_ref, out_ref):
    sc_cols = jnp.sum(acc_ref[0] + acc_ref[1], axis=0)
    gr = jnp.concatenate([sc_cols, tcacc_ref[...]], axis=1) / zsum_ref[...]
    h1 = jnp.maximum(
        lax.dot_general(gr, w1_ref[...], (((1,), (1,)), ((), ())),
                        preferred_element_type=jnp.float32) + b1_ref[...], 0.0)
    h2 = jnp.maximum(
        lax.dot_general(h1, w2_ref[...], (((1,), (1,)), ((), ())),
                        preferred_element_type=jnp.float32) + b2_ref[...], 0.0)
    out_ref[...] = lax.dot_general(
        h2, w3_ref[...], (((1,), (1,)), ((), ())),
        preferred_element_type=jnp.float32) + b3_ref[...]


def kernel(z, batch, Wa1, ba1, Wa2, ba2, W1, b1, W2, b2, W3, b3):
    h = Wa1.shape[0]
    c = W3.shape[0]
    hh = W2.shape[0]

    w2d, zsum = pl.pallas_call(
        _att_kernel,
        grid=(NB,),
        in_specs=[
            pl.BlockSpec((BLK, D), lambda j: (j, 0)),
            pl.BlockSpec((h, D), lambda j: (0, 0)),
            pl.BlockSpec((1, h), lambda j: (0, 0)),
            pl.BlockSpec((1, h), lambda j: (0, 0)),
        ],
        out_specs=[
            pl.BlockSpec((NB, 1, BLK), lambda j: (0, 0, 0)),
            pl.BlockSpec((1, 1), lambda j: (0, 0)),
        ],
        out_shape=[
            jax.ShapeDtypeStruct((NB, 1, BLK), jnp.float32),
            jax.ShapeDtypeStruct((1, 1), jnp.float32),
        ],
        scratch_shapes=[
            pltpu.VMEM((NB, 1, BLK), jnp.float32),
            pltpu.SMEM((1,), jnp.float32),
        ],
    )(z, Wa1, ba1.reshape(1, h), Wa2)

    w1d = w2d.reshape(N)
    batch32 = batch.astype(jnp.int32)

    w3d = jnp.pad(w1d, (0, NPAD - N)).reshape(NKMAX, NW, R)
    b3d = jnp.pad(batch32, (0, NPAD - N)).reshape(NKMAX, NW, R)

    mesh = plsc.VectorSubcoreMesh(core_axis_name="c", subcore_axis_name="s")
    acc = pl.kernel(
        _sc_segsum,
        mesh=mesh,
        compiler_params=pltpu.CompilerParams(needs_layout_passes=False),
        out_type=jax.ShapeDtypeStruct((NC, NS, G, HD), jnp.float32),
        scratch_types=[
            pltpu.VMEM((G, HD), jnp.float32),
            pltpu.VMEM((R, HD), jnp.float32),
            pltpu.VMEM((R, HD), jnp.float32),
            pltpu.VMEM((NKMAX, R), jnp.float32),
            pltpu.VMEM((NKMAX, R), jnp.int32),
            pltpu.SemaphoreType.DMA,
            pltpu.SemaphoreType.DMA,
            pltpu.SemaphoreType.DMA,
        ],
    )(z, w3d, b3d)

    batch3d = batch32.reshape(NB, 1, BLK)
    tcacc = pl.pallas_call(
        functools.partial(_tc_segsum, nblocks=NB),
        grid=(NB,),
        in_specs=[
            pl.BlockSpec((BLK, D - CSPLIT), lambda j: (j, CSPLIT // (D - CSPLIT))),
            pl.BlockSpec((1, 1, BLK), lambda j: (j, 0, 0)),
            pl.BlockSpec((1, 1, BLK), lambda j: (j, 0, 0)),
        ],
        out_specs=pl.BlockSpec((G, D - CSPLIT), lambda j: (0, 0)),
        out_shape=jax.ShapeDtypeStruct((G, D - CSPLIT), jnp.float32),
        scratch_shapes=[pltpu.VMEM((G, D - CSPLIT), jnp.float32)],
    )(z, w2d, batch3d)

    out = pl.pallas_call(
        _mlp_kernel,
        in_specs=[
            pl.BlockSpec((NC, NS, G, HD), lambda: (0, 0, 0, 0)),
            pl.BlockSpec((G, D - CSPLIT), lambda: (0, 0)),
            pl.BlockSpec((1, 1), lambda: (0, 0)),
            pl.BlockSpec((h, D), lambda: (0, 0)),
            pl.BlockSpec((1, h), lambda: (0, 0)),
            pl.BlockSpec((hh, h), lambda: (0, 0)),
            pl.BlockSpec((1, hh), lambda: (0, 0)),
            pl.BlockSpec((c, hh), lambda: (0, 0)),
            pl.BlockSpec((1, c), lambda: (0, 0)),
        ],
        out_specs=pl.BlockSpec((G, c), lambda: (0, 0)),
        out_shape=jax.ShapeDtypeStruct((G, c), jnp.float32),
    )(acc, tcacc, zsum, W1, b1.reshape(1, h), W2, b2.reshape(1, hh),
      W3, b3.reshape(1, c))

    return out

# --- scband reference (transcript-rebuilt; emitter-appended) ---
"""Pipeline reference for scband-graph-classifier-56925496541775 (READ-ONLY COPY).

The authoritative reference and input builder live on the scoring server;
editing this copy changes nothing except your own understanding.
"""

import jax, jax.numpy as jnp
import numpy as np

N = 100000
D = 256
H = 128
C = 16
G = 512


def setup_inputs(seed: int = 0) -> dict:
    key = jax.random.key(seed)
    ks = jax.random.split(key, 8)
    z = jax.random.normal(ks[0], (N, D), dtype=jnp.float32)
    batch = jnp.sort(jax.random.randint(ks[1], (N,), 0, G, dtype=jnp.int64))

    def lin(k, out_f, in_f):
        return (jax.random.normal(k, (out_f, in_f), dtype=jnp.float32) / np.sqrt(in_f)).astype(jnp.float32)

    Wa1 = lin(ks[2], H, D)
    ba1 = jnp.zeros((H,), dtype=jnp.float32)
    Wa2 = lin(ks[3], 1, H)
    ba2 = jnp.zeros((1,), dtype=jnp.float32)
    W1 = lin(ks[4], H, D)
    b1 = jnp.zeros((H,), dtype=jnp.float32)
    W2 = lin(ks[5], H // 2, H)
    b2 = jnp.zeros((H // 2,), dtype=jnp.float32)
    W3 = lin(ks[6], C, H // 2)
    b3 = jnp.zeros((C,), dtype=jnp.float32)
    return {"z": z, "batch": batch, "Wa1": Wa1, "ba1": ba1, "Wa2": Wa2, "ba2": ba2,
            "W1": W1, "b1": b1, "W2": W2, "b2": b2, "W3": W3, "b3": b3}


def reference(z, batch, Wa1, ba1, Wa2, ba2, W1, b1, W2, b2, W3, b3):
    # attention pooling: att = Linear(D->H) -> tanh -> Linear(H->1), softmax over ALL nodes (dim=0, faithful to torch code)
    att = jnp.tanh(z @ Wa1.T + ba1) @ Wa2.T + ba2  # [N, 1]
    att = jax.nn.softmax(att, axis=0)
    # global_add_pool of weighted node features
    graph_repr = jax.ops.segment_sum(z * att, batch, num_segments=G)  # [G, D]
    # classifier MLP (dropout is identity in eval)
    h = jax.nn.relu(graph_repr @ W1.T + b1)
    h = jax.nn.relu(h @ W2.T + b2)
    return h @ W3.T + b3

if __name__ == "__main__":
    import jax
    _d = setup_inputs()
    print(jax.jit(kernel)(*tuple(_d.values())))

</pallas_src>

<mosaic_0001>
#map = affine_map<(d0, d1) -> (0, 0)>
#map1 = affine_map<(d0, d1) -> (0, 0, 0)>
#map2 = affine_map<(d0, d1) -> (0, 0, 0, 0)>
module attributes {stable_mosaic.version = 14 : i64} {
  func.func @_sc_segsum(%arg0: i32, %arg1: i32, %arg2: memref<100000x256xf32, #tpu.memory_space<hbm>>, %arg3: memref<25x32x128xf32, #tpu.memory_space<hbm>>, %arg4: memref<25x32x128xi32, #tpu.memory_space<hbm>>, %arg5: memref<2x16x512x128xf32, #tpu.memory_space<hbm>>, %arg6: memref<512x128xf32, #tpu.memory_space<vmem>>, %arg7: memref<128x128xf32, #tpu.memory_space<vmem>>, %arg8: memref<128x128xf32, #tpu.memory_space<vmem>>, %arg9: memref<25x128xf32, #tpu.memory_space<vmem>>, %arg10: memref<25x128xi32, #tpu.memory_space<vmem>>, %arg11: memref<!tpu.dma_semaphore, #tpu.memory_space<semaphore_mem>>, %arg12: memref<!tpu.dma_semaphore, #tpu.memory_space<semaphore_mem>>, %arg13: memref<!tpu.dma_semaphore, #tpu.memory_space<semaphore_mem>>) attributes {dimension_semantics = [#tpu.dimension_semantics<core_parallel>, #tpu.dimension_semantics<subcore_parallel>], iteration_bounds = array<i64: 2, 16>, scalar_prefetch = 0 : i64, scratch_operands = 8 : i64, tpu.core_type = #tpu.core_type<sc_vector_subcore>, window_params = [{transform_indices = #map}, {transform_indices = #map1}, {transform_indices = #map1}, {transform_indices = #map2}]} {
    %mul3A = arith.constant 2 : i32
    %mul3A_0 = arith.muli %arg1, %mul3A : i32
    %add3A = arith.addi %mul3A_0, %arg0 : i32
    %iota3A = tpu.iota {dimensions = array<i32: 0>} : vector<16xi32>
    %broadcast_in_dim3A = arith.constant 0.000000e+00 : f32
    %broadcast_in_dim3A_1 = vector.broadcast %broadcast_in_dim3A : f32 to vector<16xf32>
    %dma_start3A = arith.constant 0 : i32
    %dma_start3A_2 = arith.constant 0 : i32
    %dma_start3A_3 = tpu.memref_slice %arg3[%dma_start3A, %add3A, %dma_start3A_2] : memref<25x32x128xf32, #tpu.memory_space<hbm>> -> memref<25x1x128xf32, #tpu.memory_space<hbm>>
    %dma_start3A_4 = tpu.memref_squeeze %dma_start3A_3 : memref<25x1x128xf32, #tpu.memory_space<hbm>> -> memref<25x128xf32, #tpu.memory_space<hbm>>
    %dma_start3A_5 = arith.constant 0 : i32
    %dma_start3A_6 = arith.constant 0 : i32
    %dma_start3A_7 = tpu.memref_slice %arg3[%dma_start3A_5, %add3A, %dma_start3A_6] : memref<25x32x128xf32, #tpu.memory_space<hbm>> -> memref<25x1x128xf32, #tpu.memory_space<hbm>>
    %dma_start3A_8 = tpu.memref_squeeze %dma_start3A_7 : memref<25x1x128xf32, #tpu.memory_space<hbm>> -> memref<25x128xf32, #tpu.memory_space<hbm>>
    tpu.enqueue_dma source(%dma_start3A_8 : memref<25x128xf32, #tpu.memory_space<hbm>>) target(%arg9 : memref<25x128xf32, #tpu.memory_space<vmem>>) target_semaphore(%arg13 : memref<!tpu.dma_semaphore, #tpu.memory_space<semaphore_mem>>)
    %dma_start3A_9 = arith.constant 0 : i32
    %dma_start3A_10 = arith.constant 0 : i32
    %dma_start3A_11 = tpu.memref_slice %arg4[%dma_start3A_9, %add3A, %dma_start3A_10] : memref<25x32x128xi32, #tpu.memory_space<hbm>> -> memref<25x1x128xi32, #tpu.memory_space<hbm>>
    %dma_start3A_12 = tpu.memref_squeeze %dma_start3A_11 : memref<25x1x128xi32, #tpu.memory_space<hbm>> -> memref<25x128xi32, #tpu.memory_space<hbm>>
    %dma_start3A_13 = arith.constant 0 : i32
    %dma_start3A_14 = arith.constant 0 : i32
    %dma_start3A_15 = tpu.memref_slice %arg4[%dma_start3A_13, %add3A, %dma_start3A_14] : memref<25x32x128xi32, #tpu.memory_space<hbm>> -> memref<25x1x128xi32, #tpu.memory_space<hbm>>
    %dma_start3A_16 = tpu.memref_squeeze %dma_start3A_15 : memref<25x1x128xi32, #tpu.memory_space<hbm>> -> memref<25x128xi32, #tpu.memory_space<hbm>>
    tpu.enqueue_dma source(%dma_start3A_16 : memref<25x128xi32, #tpu.memory_space<hbm>>) target(%arg10 : memref<25x128xi32, #tpu.memory_space<vmem>>) target_semaphore(%arg13 : memref<!tpu.dma_semaphore, #tpu.memory_space<semaphore_mem>>)
    %scan3A = arith.constant 0 : i32
    %scan3A_17 = arith.constant 0 : i32
    %scan3A_18 = arith.constant 512 : i32
    %scan3A_19 = arith.addi %scan3A_17, %scan3A_18 : i32
    %scan3A_20 = arith.constant 1 : i32
    scf.for %scan3A_103 = %scan3A_17 to %scan3A_19 step %scan3A_20  : i32 {
      %swap3A = arith.index_cast %scan3A_103 : i32 to index
      %swap3A_104 = arith.constant 0 : index
      %swap3A_105 = tpu.vector_load %arg6[%swap3A, %swap3A_104] {strides = array<i32>} : memref<512x128xf32, #tpu.memory_space<vmem>>, vector<16xf32>,
      tpu.vector_store %arg6[%swap3A, %swap3A_104], %broadcast_in_dim3A_1 {strides = array<i32>} : memref<512x128xf32, #tpu.memory_space<vmem>>, vector<16xf32>,
      %swap3A_106 = arith.index_cast %scan3A_103 : i32 to index
      %swap3A_107 = arith.constant 16 : index
      %swap3A_108 = tpu.vector_load %arg6[%swap3A_106, %swap3A_107] {strides = array<i32>} : memref<512x128xf32, #tpu.memory_space<vmem>>, vector<16xf32>,
      tpu.vector_store %arg6[%swap3A_106, %swap3A_107], %broadcast_in_dim3A_1 {strides = array<i32>} : memref<512x128xf32, #tpu.memory_space<vmem>>, vector<16xf32>,
      %swap3A_109 = arith.index_cast %scan3A_103 : i32 to index
      %swap3A_110 = arith.constant 32 : index
      %swap3A_111 = tpu.vector_load %arg6[%swap3A_109, %swap3A_110] {strides = array<i32>} : memref<512x128xf32, #tpu.memory_space<vmem>>, vector<16xf32>,
      tpu.vector_store %arg6[%swap3A_109, %swap3A_110], %broadcast_in_dim3A_1 {strides = array<i32>} : memref<512x128xf32, #tpu.memory_space<vmem>>, vector<16xf32>,
      %swap3A_112 = arith.index_cast %scan3A_103 : i32 to index
      %swap3A_113 = arith.constant 48 : index
      %swap3A_114 = tpu.vector_load %arg6[%swap3A_112, %swap3A_113] {strides = array<i32>} : memref<512x128xf32, #tpu.memory_space<vmem>>, vector<16xf32>,
      tpu.vector_store %arg6[%swap3A_112, %swap3A_113], %broadcast_in_dim3A_1 {strides = array<i32>} : memref<512x128xf32, #tpu.memory_space<vmem>>, vector<16xf32>,
      %swap3A_115 = arith.index_cast %scan3A_103 : i32 to index
      %swap3A_116 = arith.constant 64 : index
      %swap3A_117 = tpu.vector_load %arg6[%swap3A_115, %swap3A_116] {strides = array<i32>} : memref<512x128xf32, #tpu.memory_space<vmem>>, vector<16xf32>,
      tpu.vector_store %arg6[%swap3A_115, %swap3A_116], %broadcast_in_dim3A_1 {strides = array<i32>} : memref<512x128xf32, #tpu.memory_space<vmem>>, vector<16xf32>,
      %swap3A_118 = arith.index_cast %scan3A_103 : i32 to index
      %swap3A_119 = arith.constant 80 : index
      %swap3A_120 = tpu.vector_load %arg6[%swap3A_118, %swap3A_119] {strides = array<i32>} : memref<512x128xf32, #tpu.memory_space<vmem>>, vector<16xf32>,
      tpu.vector_store %arg6[%swap3A_118, %swap3A_119], %broadcast_in_dim3A_1 {strides = array<i32>} : memref<512x128xf32, #tpu.memory_space<vmem>>, vector<16xf32>,
      %swap3A_121 = arith.index_cast %scan3A_103 : i32 to index
      %swap3A_122 = arith.constant 96 : index
      %swap3A_123 = tpu.vector_load %arg6[%swap3A_121, %swap3A_122] {strides = array<i32>} : memref<512x128xf32, #tpu.memory_space<vmem>>, vector<16xf32>,
      tpu.vector_store %arg6[%swap3A_121, %swap3A_122], %broadcast_in_dim3A_1 {strides = array<i32>} : memref<512x128xf32, #tpu.memory_space<vmem>>, vector<16xf32>,
      %swap3A_124 = arith.index_cast %scan3A_103 : i32 to index
      %swap3A_125 = arith.constant 112 : index
      %swap3A_126 = tpu.vector_load %arg6[%swap3A_124, %swap3A_125] {strides = array<i32>} : memref<512x128xf32, #tpu.memory_space<vmem>>, vector<16xf32>,
      tpu.vector_store %arg6[%swap3A_124, %swap3A_125], %broadcast_in_dim3A_1 {strides = array<i32>} : memref<512x128xf32, #tpu.memory_space<vmem>>, vector<16xf32>,
    }
    %scan3A_21 = arith.constant 512 : i32
    %broadcast_in_dim3A_22 = arith.constant 0.000000e+00 : f32
    %broadcast_in_dim3A_23 = vector.broadcast %broadcast_in_dim3A_22 : f32 to vector<16xf32>
    %broadcast_in_dim3A_24 = arith.constant 0.000000e+00 : f32
    %broadcast_in_dim3A_25 = vector.broadcast %broadcast_in_dim3A_24 : f32 to vector<16xf32>
    %broadcast_in_dim3A_26 = arith.constant 0.000000e+00 : f32
    %broadcast_in_dim3A_27 = vector.broadcast %broadcast_in_dim3A_26 : f32 to vector<16xf32>
    %broadcast_in_dim3A_28 = arith.constant 0.000000e+00 : f32
    %broadcast_in_dim3A_29 = vector.broadcast %broadcast_in_dim3A_28 : f32 to vector<16xf32>
    %broadcast_in_dim3A_30 = arith.constant 0.000000e+00 : f32
    %broadcast_in_dim3A_31 = vector.broadcast %broadcast_in_dim3A_30 : f32 to vector<16xf32>
    %broadcast_in_dim3A_32 = arith.constant 0.000000e+00 : f32
    %broadcast_in_dim3A_33 = vector.broadcast %broadcast_in_dim3A_32 : f32 to vector<16xf32>
    %broadcast_in_dim3A_34 = arith.constant 0.000000e+00 : f32
    %broadcast_in_dim3A_35 = vector.broadcast %broadcast_in_dim3A_34 : f32 to vector<16xf32>
    %broadcast_in_dim3A_36 = arith.constant 0.000000e+00 : f32
    %broadcast_in_dim3A_37 = vector.broadcast %broadcast_in_dim3A_36 : f32 to vector<16xf32>
    %broadcast_in_dim3A_38 = arith.constant 0 : i32
    %broadcast_in_dim3A_39 = vector.broadcast %broadcast_in_dim3A_38 : i32 to vector<16xi32>
    %mul3A_40 = arith.constant 128 : i32
    %mul3A_41 = arith.muli %add3A, %mul3A_40 : i32
    %dma_start3A_42 = arith.constant 0 : i32
    %dma_start3A_43 = tpu.memref_slice %arg2[%mul3A_41, %dma_start3A_42] : memref<100000x256xf32, #tpu.memory_space<hbm>> -> memref<128x128xf32, #tpu.memory_space<hbm>>
    %dma_start3A_44 = arith.constant 0 : i32
    %dma_start3A_45 = tpu.memref_slice %arg2[%mul3A_41, %dma_start3A_44] : memref<100000x256xf32, #tpu.memory_space<hbm>> -> memref<128x128xf32, #tpu.memory_space<hbm>>
    tpu.enqueue_dma source(%dma_start3A_45 : memref<128x128xf32, #tpu.memory_space<hbm>>) target(%arg7 : memref<128x128xf32, #tpu.memory_space<vmem>>) target_semaphore(%arg11 : memref<!tpu.dma_semaphore, #tpu.memory_space<semaphore_mem>>)
    %add3A_46 = arith.constant 32 : i32
    %add3A_47 = arith.addi %add3A, %add3A_46 : i32
    %mul3A_48 = arith.constant 128 : i32
    %mul3A_49 = arith.muli %add3A_47, %mul3A_48 : i32
    %dma_start3A_50 = arith.constant 0 : i32
    %dma_start3A_51 = tpu.memref_slice %arg2[%mul3A_49, %dma_start3A_50] : memref<100000x256xf32, #tpu.memory_space<hbm>> -> memref<128x128xf32, #tpu.memory_space<hbm>>
    %dma_start3A_52 = arith.constant 0 : i32
    %dma_start3A_53 = tpu.memref_slice %arg2[%mul3A_49, %dma_start3A_52] : memref<100000x256xf32, #tpu.memory_space<hbm>> -> memref<128x128xf32, #tpu.memory_space<hbm>>
    tpu.enqueue_dma source(%dma_start3A_53 : memref<128x128xf32, #tpu.memory_space<hbm>>) target(%arg8 : memref<128x128xf32, #tpu.memory_space<vmem>>) target_semaphore(%arg12 : memref<!tpu.dma_semaphore, #tpu.memory_space<semaphore_mem>>)
    %dma_wait3A = arith.constant 0 : i32
    %dma_wait3A_54 = arith.constant 0 : i32
    %dma_wait3A_55 = arith.constant 0 : i32
    %dma_wait3A_56 = tpu.memref_slice %arg3[%dma_wait3A_54, %dma_wait3A, %dma_wait3A_55] : memref<25x32x128xf32, #tpu.memory_space<hbm>> -> memref<25x1x128xf32, #tpu.memory_space<hbm>>
    %dma_wait3A_57 = tpu.memref_squeeze %dma_wait3A_56 : memref<25x1x128xf32, #tpu.memory_space<hbm>> -> memref<25x128xf32, #tpu.memory_space<hbm>>
    %dma_wait3A_58 = arith.constant 0 : i32
    %dma_wait3A_59 = arith.constant 0 : i32
    %dma_wait3A_60 = tpu.memref_slice %arg3[%dma_wait3A_58, %dma_wait3A, %dma_wait3A_59] : memref<25x32x128xf32, #tpu.memory_space<hbm>> -> memref<25x1x128xf32, #tpu.memory_space<hbm>>
    %dma_wait3A_61 = tpu.memref_squeeze %dma_wait3A_60 : memref<25x1x128xf32, #tpu.memory_space<hbm>> -> memref<25x128xf32, #tpu.memory_space<hbm>>
    tpu.wait_dma2 semaphore(%arg13 : memref<!tpu.dma_semaphore, #tpu.memory_space<semaphore_mem>>) src(%dma_wait3A_61 : memref<25x128xf32, #tpu.memory_space<hbm>>) dst(%arg9 : memref<25x128xf32, #tpu.memory_space<vmem>>)
    %dma_wait3A_62 = arith.constant 0 : i32
    %dma_wait3A_63 = arith.constant 0 : i32
    %dma_wait3A_64 = arith.constant 0 : i32
    %dma_wait3A_65 = tpu.memref_slice %arg4[%dma_wait3A_63, %dma_wait3A_62, %dma_wait3A_64] : memref<25x32x128xi32, #tpu.memory_space<hbm>> -> memref<25x1x128xi32, #tpu.memory_space<hbm>>
    %dma_wait3A_66 = tpu.memref_squeeze %dma_wait3A_65 : memref<25x1x128xi32, #tpu.memory_space<hbm>> -> memref<25x128xi32, #tpu.memory_space<hbm>>
    %dma_wait3A_67 = arith.constant 0 : i32
    %dma_wait3A_68 = arith.constant 0 : i32
    %dma_wait3A_69 = tpu.memref_slice %arg4[%dma_wait3A_67, %dma_wait3A_62, %dma_wait3A_68] : memref<25x32x128xi32, #tpu.memory_space<hbm>> -> memref<25x1x128xi32, #tpu.memory_space<hbm>>
    %dma_wait3A_70 = tpu.memref_squeeze %dma_wait3A_69 : memref<25x1x128xi32, #tpu.memory_space<hbm>> -> memref<25x128xi32, #tpu.memory_space<hbm>>
    tpu.wait_dma2 semaphore(%arg13 : memref<!tpu.dma_semaphore, #tpu.memory_space<semaphore_mem>>) src(%dma_wait3A_70 : memref<25x128xi32, #tpu.memory_space<hbm>>) dst(%arg10 : memref<25x128xi32, #tpu.memory_space<vmem>>)
    %scan3A_71 = arith.constant 0 : i32
    %scan3A_72 = arith.constant 13 : i32
    %scan3A_73 = arith.addi %scan3A_71, %scan3A_72 : i32
    %scan3A_74 = arith.constant 1 : i32
    %scan3A_75:9 = scf.for %scan3A_103 = %scan3A_71 to %scan3A_73 step %scan3A_74 iter_args(%scan3A_104 = %broadcast_in_dim3A_23, %scan3A_105 = %broadcast_in_dim3A_25, %scan3A_106 = %broadcast_in_dim3A_27, %scan3A_107 = %broadcast_in_dim3A_29, %scan3A_108 = %broadcast_in_dim3A_31, %scan3A_109 = %broadcast_in_dim3A_33, %scan3A_110 = %broadcast_in_dim3A_35, %scan3A_111 = %broadcast_in_dim3A_37, %scan3A_112 = %broadcast_in_dim3A_39) -> (vector<16xf32>, vector<16xf32>, vector<16xf32>, vector<16xf32>, vector<16xf32>, vector<16xf32>, vector<16xf32>, vector<16xf32>, vector<16xi32>)  : i32 {
      %mul3A_113 = arith.constant 2 : i32
      %mul3A_114 = arith.muli %mul3A_113, %scan3A_103 : i32
      %add3A_115 = arith.constant 0 : i32
      %add3A_116 = arith.addi %mul3A_114, %add3A_115 : i32
      %mul3A_117 = arith.constant 32 : i32
      %mul3A_118 = arith.muli %mul3A_117, %add3A_116 : i32
      %add3A_119 = arith.addi %add3A, %mul3A_118 : i32
      %lt3A = arith.constant 781 : i32
      %lt3A_120 = arith.cmpi slt, %add3A_119, %lt3A : i32
      %convert_element_type3A_121 = arith.extui %lt3A_120 : i1 to i32
      %cond3A_122 = arith.constant 0 : i32
      %cond3A_123 = arith.cmpi ne, %convert_element_type3A_121, %cond3A_122 : i32
      %cond3A_124:9 = scf.if %cond3A_123 -> (vector<16xf32>, vector<16xf32>, vector<16xf32>, vector<16xf32>, vector<16xf32>, vector<16xf32>, vector<16xf32>, vector<16xf32>, vector<16xi32>) {
        %dma_wait3A_152 = arith.constant 0 : i32
        %dma_wait3A_153 = arith.constant 0 : i32
        %dma_wait3A_154 = tpu.memref_slice %arg2[%dma_wait3A_152, %dma_wait3A_153] : memref<100000x256xf32, #tpu.memory_space<hbm>> -> memref<128x128xf32, #tpu.memory_space<hbm>>
        %dma_wait3A_155 = arith.constant 0 : i32
        %dma_wait3A_156 = arith.constant 0 : i32
        %dma_wait3A_157 = tpu.memref_slice %arg2[%dma_wait3A_155, %dma_wait3A_156] : memref<100000x256xf32, #tpu.memory_space<hbm>> -> memref<128x128xf32, #tpu.memory_space<hbm>>
        tpu.wait_dma2 semaphore(%arg11 : memref<!tpu.dma_semaphore, #tpu.memory_space<semaphore_mem>>) src(%dma_wait3A_157 : memref<128x128xf32, #tpu.memory_space<hbm>>) dst(%arg7 : memref<128x128xf32, #tpu.memory_space<vmem>>)
        %broadcast_in_dim3A_158 = vector.broadcast %add3A_116 : i32 to vector<16xi32>
        %scan3A_159 = arith.constant 0 : i32
        %scan3A_160 = arith.constant 8 : i32
        %scan3A_161 = arith.addi %scan3A_159, %scan3A_160 : i32
        %scan3A_162 = arith.constant 1 : i32
        %scan3A_163:9 = scf.for %scan3A_165 = %scan3A_159 to %scan3A_161 step %scan3A_162 iter_args(%scan3A_166 = %scan3A_104, %scan3A_167 = %scan3A_105, %scan3A_168 = %scan3A_106, %scan3A_169 = %scan3A_107, %scan3A_170 = %scan3A_108, %scan3A_171 = %scan3A_109, %scan3A_172 = %scan3A_110, %scan3A_173 = %scan3A_111, %scan3A_174 = %scan3A_112) -> (vector<16xf32>, vector<16xf32>, vector<16xf32>, vector<16xf32>, vector<16xf32>, vector<16xf32>, vector<16xf32>, vector<16xf32>, vector<16xi32>)  : i32 {
          %mul3A_175 = arith.constant 16 : i32
          %mul3A_176 = arith.muli %scan3A_165, %mul3A_175 : i32
          %get3A = arith.index_cast %add3A_116 : i32 to index
          %get3A_177 = arith.index_cast %mul3A_176 : i32 to index
          %get3A_178 = tpu.vector_load %arg10[%get3A, %get3A_177] {strides = array<i32>} : memref<25x128xi32, #tpu.memory_space<vmem>>, vector<16xi32>,
          %eq3A_179 = arith.cmpi eq, %get3A_178, %scan3A_174 : vector<16xi32>
          %reduce_and3A = arith.constant 1.000000e+00 : f32
          %reduce_and3A_180 = arith.constant 0.000000e+00 : f32
          %reduce_and3A_181 = vector.broadcast %reduce_and3A : f32 to vector<16xf32>
          %reduce_and3A_182 = vector.broadcast %reduce_and3A_180 : f32 to vector<16xf32>
          %reduce_and3A_183 = arith.select %eq3A_179, %reduce_and3A_181, %reduce_and3A_182 : vector<16xi1>, vector<16xf32>
          %reduce_and3A_184 = arith.constant true
          %reduce_and3A_185 = vector.broadcast %reduce_and3A_184 : i1 to vector<16xi1>
          %reduce_and3A_186 = tpu.scan <min>, %reduce_and3A_183 masked %reduce_and3A_185 : vector<16xf32>, vector<16xi1> -> vector<16xf32>
          %reduce_and3A_187 = vector.extract %reduce_and3A_186[15] : f32 from vector<16xf32>
          %reduce_and3A_188 = arith.constant 0.000000e+00 : f32
          %reduce_and3A_189 = arith.cmpf ogt, %reduce_and3A_187, %reduce_and3A_188 : f32
          %convert_element_type3A_190 = arith.extui %reduce_and3A_189 : i1 to i32
          %cond3A_191 = arith.constant 0 : i32
          %cond3A_192 = arith.cmpi ne, %convert_element_type3A_190, %cond3A_191 : i32
          %cond3A_193:9 = scf.if %cond3A_192 -> (vector<16xf32>, vector<16xf32>, vector<16xf32>, vector<16xf32>, vector<16xf32>, vector<16xf32>, vector<16xf32>, vector<16xf32>, vector<16xi32>) {
            %add3A_194 = arith.constant 0 : i32
            %add3A_195 = arith.addi %mul3A_176, %add3A_194 : i32
            %broadcast_in_dim3A_196 = vector.broadcast %add3A_195 : i32 to vector<16xi32>
            %gather3A = tpu.vector_load_idx %arg9[%broadcast_in_dim3A_158, %broadcast_in_dim3A_196] : memref<25x128xf32, #tpu.memory_space<vmem>>[vector<16xi32>, vector<16xi32>], vector<16xf32>,
            %add3A_197 = arith.constant 0 : i32
            %add3A_198 = arith.addi %mul3A_176, %add3A_197 : i32
            %get3A_199 = arith.index_cast %add3A_198 : i32 to index
            %get3A_200 = arith.constant 0 : index
            %get3A_201 = tpu.vector_load %arg7[%get3A_199, %get3A_200] {strides = array<i32>} : memref<128x128xf32, #tpu.memory_space<vmem>>, vector<16xf32>,
            %mul3A_202 = arith.mulf %get3A_201, %gather3A : vector<16xf32>
            %add3A_203 = arith.addf %scan3A_166, %mul3A_202 : vector<16xf32>
            %add3A_204 = arith.constant 0 : i32
            %add3A_205 = arith.addi %mul3A_176, %add3A_204 : i32
            %get3A_206 = arith.index_cast %add3A_205 : i32 to index
            %get3A_207 = arith.constant 16 : index
            %get3A_208 = tpu.vector_load %arg7[%get3A_206, %get3A_207] {strides = array<i32>} : memref<128x128xf32, #tpu.memory_space<vmem>>, vector<16xf32>,
            %mul3A_209 = arith.mulf %get3A_208, %gather3A : vector<16xf32>
            %add3A_210 = arith.addf %scan3A_167, %mul3A_209 : vector<16xf32>
            %add3A_211 = arith.constant 0 : i32
            %add3A_212 = arith.addi %mul3A_176, %add3A_211 : i32
            %get3A_213 = arith.index_cast %add3A_212 : i32 to index
            %get3A_214 = arith.constant 32 : index
            %get3A_215 = tpu.vector_load %arg7[%get3A_213, %get3A_214] {strides = array<i32>} : memref<128x128xf32, #tpu.memory_space<vmem>>, vector<16xf32>,
            %mul3A_216 = arith.mulf %get3A_215, %gather3A : vector<16xf32>
            %add3A_217 = arith.addf %scan3A_168, %mul3A_216 : vector<16xf32>
            %add3A_218 = arith.constant 0 : i32
            %add3A_219 = arith.addi %mul3A_176, %add3A_218 : i32
            %get3A_220 = arith.index_cast %add3A_219 : i32 to index
            %get3A_221 = arith.constant 48 : index
            %get3A_222 = tpu.vector_load %arg7[%get3A_220, %get3A_221] {strides = array<i32>} : memref<128x128xf32, #tpu.memory_space<vmem>>, vector<16xf32>,
            %mul3A_223 = arith.mulf %get3A_222, %gather3A : vector<16xf32>
            %add3A_224 = arith.addf %scan3A_169, %mul3A_223 : vector<16xf32>
            %add3A_225 = arith.constant 0 : i32
            %add3A_226 = arith.addi %mul3A_176, %add3A_225 : i32
            %get3A_227 = arith.index_cast %add3A_226 : i32 to index
            %get3A_228 = arith.constant 64 : index
            %get3A_229 = tpu.vector_load %arg7[%get3A_227, %get3A_228] {strides = array<i32>} : memref<128x128xf32, #tpu.memory_space<vmem>>, vector<16xf32>,
            %mul3A_230 = arith.mulf %get3A_229, %gather3A : vector<16xf32>
            %add3A_231 = arith.addf %scan3A_170, %mul3A_230 : vector<16xf32>
            %add3A_232 = arith.constant 0 : i32
            %add3A_233 = arith.addi %mul3A_176, %add3A_232 : i32
            %get3A_234 = arith.index_cast %add3A_233 : i32 to index
            %get3A_235 = arith.constant 80 : index
            %get3A_236 = tpu.vector_load %arg7[%get3A_234, %get3A_235] {strides = array<i32>} : memref<128x128xf32, #tpu.memory_space<vmem>>, vector<16xf32>,
            %mul3A_237 = arith.mulf %get3A_236, %gather3A : vector<16xf32>
            %add3A_238 = arith.addf %scan3A_171, %mul3A_237 : vector<16xf32>
            %add3A_239 = arith.constant 0 : i32
            %add3A_240 = arith.addi %mul3A_176, %add3A_239 : i32
            %get3A_241 = arith.index_cast %add3A_240 : i32 to index
            %get3A_242 = arith.constant 96 : index
            %get3A_243 = tpu.vector_load %arg7[%get3A_241, %get3A_242] {strides = array<i32>} : memref<128x128xf32, #tpu.memory_space<vmem>>, vector<16xf32>,
            %mul3A_244 = arith.mulf %get3A_243, %gather3A : vector<16xf32>
            %add3A_245 = arith.addf %scan3A_172, %mul3A_244 : vector<16xf32>
            %add3A_246 = arith.constant 0 : i32
            %add3A_247 = arith.addi %mul3A_176, %add3A_246 : i32
            %get3A_248 = arith.index_cast %add3A_247 : i32 to index
            %get3A_249 = arith.constant 112 : index
            %get3A_250 = tpu.vector_load %arg7[%get3A_248, %get3A_249] {strides = array<i32>} : memref<128x128xf32, #tpu.memory_space<vmem>>, vector<16xf32>,
            %mul3A_251 = arith.mulf %get3A_250, %gather3A : vector<16xf32>
            %add3A_252 = arith.addf %scan3A_173, %mul3A_251 : vector<16xf32>
            %add3A_253 = arith.constant 1 : i32
            %add3A_254 = arith.addi %mul3A_176, %add3A_253 : i32
            %broadcast_in_dim3A_255 = vector.broadcast %add3A_254 : i32 to vector<16xi32>
            %gather3A_256 = tpu.vector_load_idx %arg9[%broadcast_in_dim3A_158, %broadcast_in_dim3A_255] : memref<25x128xf32, #tpu.memory_space<vmem>>[vector<16xi32>, vector<16xi32>], vector<16xf32>,
            %add3A_257 = arith.constant 1 : i32
            %add3A_258 = arith.addi %mul3A_176, %add3A_257 : i32
            %get3A_259 = arith.index_cast %add3A_258 : i32 to index
            %get3A_260 = arith.constant 0 : index
            %get3A_261 = tpu.vector_load %arg7[%get3A_259, %get3A_260] {strides = array<i32>} : memref<128x128xf32, #tpu.memory_space<vmem>>, vector<16xf32>,
            %mul3A_262 = arith.mulf %get3A_261, %gather3A_256 : vector<16xf32>
            %add3A_263 = arith.addf %add3A_203, %mul3A_262 : vector<16xf32>
            %add3A_264 = arith.constant 1 : i32
            %add3A_265 = arith.addi %mul3A_176, %add3A_264 : i32
            %get3A_266 = arith.index_cast %add3A_265 : i32 to index
            %get3A_267 = arith.constant 16 : index
            %get3A_268 = tpu.vector_load %arg7[%get3A_266, %get3A_267] {strides = array<i32>} : memref<128x128xf32, #tpu.memory_space<vmem>>, vector<16xf32>,
            %mul3A_269 = arith.mulf %get3A_268, %gather3A_256 : vector<16xf32>
            %add3A_270 = arith.addf %add3A_210, %mul3A_269 : vector<16xf32>
            %add3A_271 = arith.constant 1 : i32
            %add3A_272 = arith.addi %mul3A_176, %add3A_271 : i32
            %get3A_273 = arith.index_cast %add3A_272 : i32 to index
            %get3A_274 = arith.constant 32 : index
            %get3A_275 = tpu.vector_load %arg7[%get3A_273, %get3A_274] {strides = array<i32>} : memref<128x128xf32, #tpu.memory_space<vmem>>, vector<16xf32>,
            %mul3A_276 = arith.mulf %get3A_275, %gather3A_256 : vector<16xf32>
            %add3A_277 = arith.addf %add3A_217, %mul3A_276 : vector<16xf32>
            %add3A_278 = arith.constant 1 : i32
            %add3A_279 = arith.addi %mul3A_176, %add3A_278 : i32
            %get3A_280 = arith.index_cast %add3A_279 : i32 to index
            %get3A_281 = arith.constant 48 : index
            %get3A_282 = tpu.vector_load %arg7[%get3A_280, %get3A_281] {strides = array<i32>} : memref<128x128xf32, #tpu.memory_space<vmem>>, vector<16xf32>,
            %mul3A_283 = arith.mulf %get3A_282, %gather3A_256 : vector<16xf32>
            %add3A_284 = arith.addf %add3A_224, %mul3A_283 : vector<16xf32>
            %add3A_285 = arith.constant 1 : i32
            %add3A_286 = arith.addi %mul3A_176, %add3A_285 : i32
            %get3A_287 = arith.index_cast %add3A_286 : i32 to index
            %get3A_288 = arith.constant 64 : index
            %get3A_289 = tpu.vector_load %arg7[%get3A_287, %get3A_288] {strides = array<i32>} : memref<128x128xf32, #tpu.memory_space<vmem>>, vector<16xf32>,
            %mul3A_290 = arith.mulf %get3A_289, %gather3A_256 : vector<16xf32>
            %add3A_291 = arith.addf %add3A_231, %mul3A_290 : vector<16xf32>
            %add3A_292 = arith.constant 1 : i32
            %add3A_293 = arith.addi %mul3A_176, %add3A_292 : i32
            %get3A_294 = arith.index_cast %add3A_293 : i32 to index
            %get3A_295 = arith.constant 80 : index
            %get3A_296 = tpu.vector_load %arg7[%get3A_294, %get3A_295] {strides = array<i32>} : memref<128x128xf32, #tpu.memory_space<vmem>>, vector<16xf32>,
            %mul3A_297 = arith.mulf %get3A_296, %gather3A_256 : vector<16xf32>
            %add3A_298 = arith.addf %add3A_238, %mul3A_297 : vector<16xf32>
            %add3A_299 = arith.constant 1 : i32
            %add3A_300 = arith.addi %mul3A_176, %add3A_299 : i32
            %get3A_301 = arith.index_cast %add3A_300 : i32 to index
            %get3A_302 = arith.constant 96 : index
            %get3A_303 = tpu.vector_load %arg7[%get3A_301, %get3A_302] {strides = array<i32>} : memref<128x128xf32, #tpu.memory_space<vmem>>, vector<16xf32>,
            %mul3A_304 = arith.mulf %get3A_303, %gather3A_256 : vector<16xf32>
            %add3A_305 = arith.addf %add3A_245, %mul3A_304 : vector<16xf32>
            %add3A_306 = arith.constant 1 : i32
            %add3A_307 = arith.addi %mul3A_176, %add3A_306 : i32
            %get3A_308 = arith.index_cast %add3A_307 : i32 to index
            %get3A_309 = arith.constant 112 : index
            %get3A_310 = tpu.vector_load %arg7[%get3A_308, %get3A_309] {strides = array<i32>} : memref<128x128xf32, #tpu.memory_space<vmem>>, vector<16xf32>,
            %mul3A_311 = arith.mulf %get3A_310, %gather3A_256 : vector<16xf32>
            %add3A_312 = arith.addf %add3A_252, %mul3A_311 : vector<16xf32>
            %add3A_313 = arith.constant 2 : i32
            %add3A_314 = arith.addi %mul3A_176, %add3A_313 : i32
            %broadcast_in_dim3A_315 = vector.broadcast %add3A_314 : i32 to vector<16xi32>
            %gather3A_316 = tpu.vector_load_idx %arg9[%broadcast_in_dim3A_158, %broadcast_in_dim3A_315] : memref<25x128xf32, #tpu.memory_space<vmem>>[vector<16xi32>, vector<16xi32>], vector<16xf32>,
            %add3A_317 = arith.constant 2 : i32
            %add3A_318 = arith.addi %mul3A_176, %add3A_317 : i32
            %get3A_319 = arith.index_cast %add3A_318 : i32 to index
            %get3A_320 = arith.constant 0 : index
            %get3A_321 = tpu.vector_load %arg7[%get3A_319, %get3A_320] {strides = array<i32>} : memref<128x128xf32, #tpu.memory_space<vmem>>, vector<16xf32>,
            %mul3A_322 = arith.mulf %get3A_321, %gather3A_316 : vector<16xf32>
            %add3A_323 = arith.addf %add3A_263, %mul3A_322 : vector<16xf32>
            %add3A_324 = arith.constant 2 : i32
            %add3A_325 = arith.addi %mul3A_176, %add3A_324 : i32
            %get3A_326 = arith.index_cast %add3A_325 : i32 to index
            %get3A_327 = arith.constant 16 : index
            %get3A_328 = tpu.vector_load %arg7[%get3A_326, %get3A_327] {strides = array<i32>} : memref<128x128xf32, #tpu.memory_space<vmem>>, vector<16xf32>,
            %mul3A_329 = arith.mulf %get3A_328, %gather3A_316 : vector<16xf32>
            %add3A_330 = arith.addf %add3A_270, %mul3A_329 : vector<16xf32>
            %add3A_331 = arith.constant 2 : i32
            %add3A_332 = arith.addi %mul3A_176, %add3A_331 : i32
            %get3A_333 = arith.index_cast %add3A_332 : i32 to index
            %get3A_334 = arith.constant 32 : index
            %get3A_335 = tpu.vector_load %arg7[%get3A_333, %get3A_334] {strides = array<i32>} : memref<128x128xf32, #tpu.memory_space<vmem>>, vector<16xf32>,
            %mul3A_336 = arith.mulf %get3A_335, %gather3A_316 : vector<16xf32>
            %add3A_337 = arith.addf %add3A_277, %mul3A_336 : vector<16xf32>
            %add3A_338 = arith.constant 2 : i32
            %add3A_339 = arith.addi %mul3A_176, %add3A_338 : i32
            %get3A_340 = arith.index_cast %add3A_339 : i32 to index
            %get3A_341 = arith.constant 48 : index
            %get3A_342 = tpu.vector_load %arg7[%get3A_340, %get3A_341] {strides = array<i32>} : memref<128x128xf32, #tpu.memory_space<vmem>>, vector<16xf32>,
            %mul3A_343 = arith.mulf %get3A_342, %gather3A_316 : vector<16xf32>
            %add3A_344 = arith.addf %add3A_284, %mul3A_343 : vector<16xf32>
            %add3A_345 = arith.constant 2 : i32
            %add3A_346 = arith.addi %mul3A_176, %add3A_345 : i32
            %get3A_347 = arith.index_cast %add3A_346 : i32 to index
            %get3A_348 = arith.constant 64 : index
            %get3A_349 = tpu.vector_load %arg7[%get3A_347, %get3A_348] {strides = array<i32>} : memref<128x128xf32, #tpu.memory_space<vmem>>, vector<16xf32>,
            %mul3A_350 = arith.mulf %get3A_349, %gather3A_316 : vector<16xf32>
            %add3A_351 = arith.addf %add3A_291, %mul3A_350 : vector<16xf32>
            %add3A_352 = arith.constant 2 : i32
            %add3A_353 = arith.addi %mul3A_176, %add3A_352 : i32
            %get3A_354 = arith.index_cast %add3A_353 : i32 to index
            %get3A_355 = arith.constant 80 : index
            %get3A_356 = tpu.vector_load %arg7[%get3A_354, %get3A_355] {strides = array<i32>} : memref<128x128xf32, #tpu.memory_space<vmem>>, vector<16xf32>,
            %mul3A_357 = arith.mulf %get3A_356, %gather3A_316 : vector<16xf32>
            %add3A_358 = arith.addf %add3A_298, %mul3A_357 : vector<16xf32>
            %add3A_359 = arith.constant 2 : i32
            %add3A_360 = arith.addi %mul3A_176, %add3A_359 : i32
            %get3A_361 = arith.index_cast %add3A_360 : i32 to index
            %get3A_362 = arith.constant 96 : index
            %get3A_363 = tpu.vector_load %arg7[%get3A_361, %get3A_362] {strides = array<i32>} : memref<128x128xf32, #tpu.memory_space<vmem>>, vector<16xf32>,
            %mul3A_364 = arith.mulf %get3A_363, %gather3A_316 : vector<16xf32>
            %add3A_365 = arith.addf %add3A_305, %mul3A_364 : vector<16xf32>
            %add3A_366 = arith.constant 2 : i32
            %add3A_367 = arith.addi %mul3A_176, %add3A_366 : i32
            %get3A_368 = arith.index_cast %add3A_367 : i32 to index
            %get3A_369 = arith.constant 112 : index
            %get3A_370 = tpu.vector_load %arg7[%get3A_368, %get3A_369] {strides = array<i32>} : memref<128x128xf32, #tpu.memory_space<vmem>>, vector<16xf32>,
            %mul3A_371 = arith.mulf %get3A_370, %gather3A_316 : vector<16xf32>
            %add3A_372 = arith.addf %add3A_312, %mul3A_371 : vector<16xf32>
            %add3A_373 = arith.constant 3 : i32
            %add3A_374 = arith.addi %mul3A_176, %add3A_373 : i32
            %broadcast_in_dim3A_375 = vector.broadcast %add3A_374 : i32 to vector<16xi32>
            %gather3A_376 = tpu.vector_load_idx %arg9[%broadcast_in_dim3A_158, %broadcast_in_dim3A_375] : memref<25x128xf32, #tpu.memory_space<vmem>>[vector<16xi32>, vector<16xi32>], vector<16xf32>,
            %add3A_377 = arith.constant 3 : i32
            %add3A_378 = arith.addi %mul3A_176, %add3A_377 : i32
            %get3A_379 = arith.index_cast %add3A_378 : i32 to index
            %get3A_380 = arith.constant 0 : index
            %get3A_381 = tpu.vector_load %arg7[%get3A_379, %get3A_380] {strides = array<i32>} : memref<128x128xf32, #tpu.memory_space<vmem>>, vector<16xf32>,
            %mul3A_382 = arith.mulf %get3A_381, %gather3A_376 : vector<16xf32>
            %add3A_383 = arith.addf %add3A_323, %mul3A_382 : vector<16xf32>
            %add3A_384 = arith.constant 3 : i32
            %add3A_385 = arith.addi %mul3A_176, %add3A_384 : i32
            %get3A_386 = arith.index_cast %add3A_385 : i32 to index
            %get3A_387 = arith.constant 16 : index
            %get3A_388 = tpu.vector_load %arg7[%get3A_386, %get3A_387] {strides = array<i32>} : memref<128x128xf32, #tpu.memory_space<vmem>>, vector<16xf32>,
            %mul3A_389 = arith.mulf %get3A_388, %gather3A_376 : vector<16xf32>
            %add3A_390 = arith.addf %add3A_330, %mul3A_389 : vector<16xf32>
            %add3A_391 = arith.constant 3 : i32
            %add3A_392 = arith.addi %mul3A_176, %add3A_391 : i32
            %get3A_393 = arith.index_cast %add3A_392 : i32 to index
            %get3A_394 = arith.constant 32 : index
            %get3A_395 = tpu.vector_load %arg7[%get3A_393, %get3A_394] {strides = array<i32>} : memref<128x128xf32, #tpu.memory_space<vmem>>, vector<16xf32>,
            %mul3A_396 = arith.mulf %get3A_395, %gather3A_376 : vector<16xf32>
            %add3A_397 = arith.addf %add3A_337, %mul3A_396 : vector<16xf32>
            %add3A_398 = arith.constant 3 : i32
            %add3A_399 = arith.addi %mul3A_176, %add3A_398 : i32
            %get3A_400 = arith.index_cast %add3A_399 : i32 to index
            %get3A_401 = arith.constant 48 : index
            %get3A_402 = tpu.vector_load %arg7[%get3A_400, %get3A_401] {strides = array<i32>} : memref<128x128xf32, #tpu.memory_space<vmem>>, vector<16xf32>,
            %mul3A_403 = arith.mulf %get3A_402, %gather3A_376 : vector<16xf32>
            %add3A_404 = arith.addf %add3A_344, %mul3A_403 : vector<16xf32>
            %add3A_405 = arith.constant 3 : i32
            %add3A_406 = arith.addi %mul3A_176, %add3A_405 : i32
            %get3A_407 = arith.index_cast %add3A_406 : i32 to index
            %get3A_408 = arith.constant 64 : index
            %get3A_409 = tpu.vector_load %arg7[%get3A_407, %get3A_408] {strides = array<i32>} : memref<128x128xf32, #tpu.memory_space<vmem>>, vector<16xf32>,
            %mul3A_410 = arith.mulf %get3A_409, %gather3A_376 : vector<16xf32>
            %add3A_411 = arith.addf %add3A_351, %mul3A_410 : vector<16xf32>
            %add3A_412 = arith.constant 3 : i32
            %add3A_413 = arith.addi %mul3A_176, %add3A_412 : i32
            %get3A_414 = arith.index_cast %add3A_413 : i32 to index
            %get3A_415 = arith.constant 80 : index
            %get3A_416 = tpu.vector_load %arg7[%get3A_414, %get3A_415] {strides = array<i32>} : memref<128x128xf32, #tpu.memory_space<vmem>>, vector<16xf32>,
            %mul3A_417 = arith.mulf %get3A_416, %gather3A_376 : vector<16xf32>
            %add3A_418 = arith.addf %add3A_358, %mul3A_417 : vector<16xf32>
            %add3A_419 = arith.constant 3 : i32
            %add3A_420 = arith.addi %mul3A_176, %add3A_419 : i32
            %get3A_421 = arith.index_cast %add3A_420 : i32 to index
            %get3A_422 = arith.constant 96 : index
            %get3A_423 = tpu.vector_load %arg7[%get3A_421, %get3A_422] {strides = array<i32>} : memref<128x128xf32, #tpu.memory_space<vmem>>, vector<16xf32>,
            %mul3A_424 = arith.mulf %get3A_423, %gather3A_376 : vector<16xf32>
            %add3A_425 = arith.addf %add3A_365, %mul3A_424 : vector<16xf32>
            %add3A_426 = arith.constant 3 : i32
            %add3A_427 = arith.addi %mul3A_176, %add3A_426 : i32
            %get3A_428 = arith.index_cast %add3A_427 : i32 to index
            %get3A_429 = arith.constant 112 : index
            %get3A_430 = tpu.vector_load %arg7[%get3A_428, %get3A_429] {strides = array<i32>} : memref<128x128xf32, #tpu.memory_space<vmem>>, vector<16xf32>,
            %mul3A_431 = arith.mulf %get3A_430, %gather3A_376 : vector<16xf32>
            %add3A_432 = arith.addf %add3A_372, %mul3A_431 : vector<16xf32>
            %add3A_433 = arith.constant 4 : i32
            %add3A_434 = arith.addi %mul3A_176, %add3A_433 : i32
            %broadcast_in_dim3A_435 = vector.broadcast %add3A_434 : i32 to vector<16xi32>
            %gather3A_436 = tpu.vector_load_idx %arg9[%broadcast_in_dim3A_158, %broadcast_in_dim3A_435] : memref<25x128xf32, #tpu.memory_space<vmem>>[vector<16xi32>, vector<16xi32>], vector<16xf32>,
            %add3A_437 = arith.constant 4 : i32
            %add3A_438 = arith.addi %mul3A_176, %add3A_437 : i32
            %get3A_439 = arith.index_cast %add3A_438 : i32 to index
            %get3A_440 = arith.constant 0 : index
            %get3A_441 = tpu.vector_load %arg7[%get3A_439, %get3A_440] {strides = array<i32>} : memref<128x128xf32, #tpu.memory_space<vmem>>, vector<16xf32>,
            %mul3A_442 = arith.mulf %get3A_441, %gather3A_436 : vector<16xf32>
            %add3A_443 = arith.addf %add3A_383, %mul3A_442 : vector<16xf32>
            %add3A_444 = arith.constant 4 : i32
            %add3A_445 = arith.addi %mul3A_176, %add3A_444 : i32
            %get3A_446 = arith.index_cast %add3A_445 : i32 to index
            %get3A_447 = arith.constant 16 : index
            %get3A_448 = tpu.vector_load %arg7[%get3A_446, %get3A_447] {strides = array<i32>} : memref<128x128xf32, #tpu.memory_space<vmem>>, vector<16xf32>,
            %mul3A_449 = arith.mulf %get3A_448, %gather3A_436 : vector<16xf32>
            %add3A_450 = arith.addf %add3A_390, %mul3A_449 : vector<16xf32>
            %add3A_451 = arith.constant 4 : i32
            %add3A_452 = arith.addi %mul3A_176, %add3A_451 : i32
            %get3A_453 = arith.index_cast %add3A_452 : i32 to index
            %get3A_454 = arith.constant 32 : index
            %get3A_455 = tpu.vector_load %arg7[%get3A_453, %get3A_454] {strides = array<i32>} : memref<128x128xf32, #tpu.memory_space<vmem>>, vector<16xf32>,
            %mul3A_456 = arith.mulf %get3A_455, %gather3A_436 : vector<16xf32>
            %add3A_457 = arith.addf %add3A_397, %mul3A_456 : vector<16xf32>
            %add3A_458 = arith.constant 4 : i32
            %add3A_459 = arith.addi %mul3A_176, %add3A_458 : i32
            %get3A_460 = arith.index_cast %add3A_459 : i32 to index
            %get3A_461 = arith.constant 48 : index
            %get3A_462 = tpu.vector_load %arg7[%get3A_460, %get3A_461] {strides = array<i32>} : memref<128x128xf32, #tpu.memory_space<vmem>>, vector<16xf32>,
            %mul3A_463 = arith.mulf %get3A_462, %gather3A_436 : vector<16xf32>
            %add3A_464 = arith.addf %add3A_404, %mul3A_463 : vector<16xf32>
            %add3A_465 = arith.constant 4 : i32
            %add3A_466 = arith.addi %mul3A_176, %add3A_465 : i32
            %get3A_467 = arith.index_cast %add3A_466 : i32 to index
            %get3A_468 = arith.constant 64 : index
            %get3A_469 = tpu.vector_load %arg7[%get3A_467, %get3A_468] {strides = array<i32>} : memref<128x128xf32, #tpu.memory_space<vmem>>, vector<16xf32>,
            %mul3A_470 = arith.mulf %get3A_469, %gather3A_436 : vector<16xf32>
            %add3A_471 = arith.addf %add3A_411, %mul3A_470 : vector<16xf32>
            %add3A_472 = arith.constant 4 : i32
            %add3A_473 = arith.addi %mul3A_176, %add3A_472 : i32
            %get3A_474 = arith.index_cast %add3A_473 : i32 to index
            %get3A_475 = arith.constant 80 : index
            %get3A_476 = tpu.vector_load %arg7[%get3A_474, %get3A_475] {strides = array<i32>} : memref<128x128xf32, #tpu.memory_space<vmem>>, vector<16xf32>,
            %mul3A_477 = arith.mulf %get3A_476, %gather3A_436 : vector<16xf32>
            %add3A_478 = arith.addf %add3A_418, %mul3A_477 : vector<16xf32>
            %add3A_479 = arith.constant 4 : i32
            %add3A_480 = arith.addi %mul3A_176, %add3A_479 : i32
            %get3A_481 = arith.index_cast %add3A_480 : i32 to index
            %get3A_482 = arith.constant 96 : index
            %get3A_483 = tpu.vector_load %arg7[%get3A_481, %get3A_482] {strides = array<i32>} : memref<128x128xf32, #tpu.memory_space<vmem>>, vector<16xf32>,
            %mul3A_484 = arith.mulf %get3A_483, %gather3A_436 : vector<16xf32>
            %add3A_485 = arith.addf %add3A_425, %mul3A_484 : vector<16xf32>
            %add3A_486 = arith.constant 4 : i32
            %add3A_487 = arith.addi %mul3A_176, %add3A_486 : i32
            %get3A_488 = arith.index_cast %add3A_487 : i32 to index
            %get3A_489 = arith.constant 112 : index
            %get3A_490 = tpu.vector_load %arg7[%get3A_488, %get3A_489] {strides = array<i32>} : memref<128x128xf32, #tpu.memory_space<vmem>>, vector<16xf32>,
            %mul3A_491 = arith.mulf %get3A_490, %gather3A_436 : vector<16xf32>
            %add3A_492 = arith.addf %add3A_432, %mul3A_491 : vector<16xf32>
            %add3A_493 = arith.constant 5 : i32
            %add3A_494 = arith.addi %mul3A_176, %add3A_493 : i32
            %broadcast_in_dim3A_495 = vector.broadcast %add3A_494 : i32 to vector<16xi32>
            %gather3A_496 = tpu.vector_load_idx %arg9[%broadcast_in_dim3A_158, %broadcast_in_dim3A_495] : memref<25x128xf32, #tpu.memory_space<vmem>>[vector<16xi32>, vector<16xi32>], vector<16xf32>,
            %add3A_497 = arith.constant 5 : i32
            %add3A_498 = arith.addi %mul3A_176, %add3A_497 : i32
            %get3A_499 = arith.index_cast %add3A_498 : i32 to index
            %get3A_500 = arith.constant 0 : index
            %get3A_501 = tpu.vector_load %arg7[%get3A_499, %get3A_500] {strides = array<i32>} : memref<128x128xf32, #tpu.memory_space<vmem>>, vector<16xf32>,
            %mul3A_502 = arith.mulf %get3A_501, %gather3A_496 : vector<16xf32>
            %add3A_503 = arith.addf %add3A_443, %mul3A_502 : vector<16xf32>
            %add3A_504 = arith.constant 5 : i32
            %add3A_505 = arith.addi %mul3A_176, %add3A_504 : i32
            %get3A_506 = arith.index_cast %add3A_505 : i32 to index
            %get3A_507 = arith.constant 16 : index
            %get3A_508 = tpu.vector_load %arg7[%get3A_506, %get3A_507] {strides = array<i32>} : memref<128x128xf32, #tpu.memory_space<vmem>>, vector<16xf32>,
            %mul3A_509 = arith.mulf %get3A_508, %gather3A_496 : vector<16xf32>
            %add3A_510 = arith.addf %add3A_450, %mul3A_509 : vector<16xf32>
            %add3A_511 = arith.constant 5 : i32
            %add3A_512 = arith.addi %mul3A_176, %add3A_511 : i32
            %get3A_513 = arith.index_cast %add3A_512 : i32 to index
            %get3A_514 = arith.constant 32 : index
            %get3A_515 = tpu.vector_load %arg7[%get3A_513, %get3A_514] {strides = array<i32>} : memref<128x128xf32, #tpu.memory_space<vmem>>, vector<16xf32>,
            %mul3A_516 = arith.mulf %get3A_515, %gather3A_496 : vector<16xf32>
            %add3A_517 = arith.addf %add3A_457, %mul3A_516 : vector<16xf32>
            %add3A_518 = arith.constant 5 : i32
            %add3A_519 = arith.addi %mul3A_176, %add3A_518 : i32
            %get3A_520 = arith.index_cast %add3A_519 : i32 to index
            %get3A_521 = arith.constant 48 : index
            %get3A_522 = tpu.vector_load %arg7[%get3A_520, %get3A_521] {strides = array<i32>} : memref<128x128xf32, #tpu.memory_space<vmem>>, vector<16xf32>,
            %mul3A_523 = arith.mulf %get3A_522, %gather3A_496 : vector<16xf32>
            %add3A_524 = arith.addf %add3A_464, %mul3A_523 : vector<16xf32>
            %add3A_525 = arith.constant 5 : i32
            %add3A_526 = arith.addi %mul3A_176, %add3A_525 : i32
            %get3A_527 = arith.index_cast %add3A_526 : i32 to index
            %get3A_528 = arith.constant 64 : index
            %get3A_529 = tpu.vector_load %arg7[%get3A_527, %get3A_528] {strides = array<i32>} : memref<128x128xf32, #tpu.memory_space<vmem>>, vector<16xf32>,
            %mul3A_530 = arith.mulf %get3A_529, %gather3A_496 : vector<16xf32>
            %add3A_531 = arith.addf %add3A_471, %mul3A_530 : vector<16xf32>
            %add3A_532 = arith.constant 5 : i32
            %add3A_533 = arith.addi %mul3A_176, %add3A_532 : i32
            %get3A_534 = arith.index_cast %add3A_533 : i32 to index
            %get3A_535 = arith.constant 80 : index
            %get3A_536 = tpu.vector_load %arg7[%get3A_534, %get3A_535] {strides = array<i32>} : memref<128x128xf32, #tpu.memory_space<vmem>>, vector<16xf32>,
            %mul3A_537 = arith.mulf %get3A_536, %gather3A_496 : vector<16xf32>
            %add3A_538 = arith.addf %add3A_478, %mul3A_537 : vector<16xf32>
            %add3A_539 = arith.constant 5 : i32
            %add3A_540 = arith.addi %mul3A_176, %add3A_539 : i32
            %get3A_541 = arith.index_cast %add3A_540 : i32 to index
            %get3A_542 = arith.constant 96 : index
            %get3A_543 = tpu.vector_load %arg7[%get3A_541, %get3A_542] {strides = array<i32>} : memref<128x128xf32, #tpu.memory_space<vmem>>, vector<16xf32>,
            %mul3A_544 = arith.mulf %get3A_543, %gather3A_496 : vector<16xf32>
            %add3A_545 = arith.addf %add3A_485, %mul3A_544 : vector<16xf32>
            %add3A_546 = arith.constant 5 : i32
            %add3A_547 = arith.addi %mul3A_176, %add3A_546 : i32
            %get3A_548 = arith.index_cast %add3A_547 : i32 to index
            %get3A_549 = arith.constant 112 : index
            %get3A_550 = tpu.vector_load %arg7[%get3A_548, %get3A_549] {strides = array<i32>} : memref<128x128xf32, #tpu.memory_space<vmem>>, vector<16xf32>,
            %mul3A_551 = arith.mulf %get3A_550, %gather3A_496 : vector<16xf32>
            %add3A_552 = arith.addf %add3A_492, %mul3A_551 : vector<16xf32>
            %add3A_553 = arith.constant 6 : i32
            %add3A_554 = arith.addi %mul3A_176, %add3A_553 : i32
            %broadcast_in_dim3A_555 = vector.broadcast %add3A_554 : i32 to vector<16xi32>
            %gather3A_556 = tpu.vector_load_idx %arg9[%broadcast_in_dim3A_158, %broadcast_in_dim3A_555] : memref<25x128xf32, #tpu.memory_space<vmem>>[vector<16xi32>, vector<16xi32>], vector<16xf32>,
            %add3A_557 = arith.constant 6 : i32
            %add3A_558 = arith.addi %mul3A_176, %add3A_557 : i32
            %get3A_559 = arith.index_cast %add3A_558 : i32 to index
            %get3A_560 = arith.constant 0 : index
            %get3A_561 = tpu.vector_load %arg7[%get3A_559, %get3A_560] {strides = array<i32>} : memref<128x128xf32, #tpu.memory_space<vmem>>, vector<16xf32>,
            %mul3A_562 = arith.mulf %get3A_561, %gather3A_556 : vector<16xf32>
            %add3A_563 = arith.addf %add3A_503, %mul3A_562 : vector<16xf32>
            %add3A_564 = arith.constant 6 : i32
            %add3A_565 = arith.addi %mul3A_176, %add3A_564 : i32
            %get3A_566 = arith.index_cast %add3A_565 : i32 to index
            %get3A_567 = arith.constant 16 : index
            %get3A_568 = tpu.vector_load %arg7[%get3A_566, %get3A_567] {strides = array<i32>} : memref<128x128xf32, #tpu.memory_space<vmem>>, vector<16xf32>,
            %mul3A_569 = arith.mulf %get3A_568, %gather3A_556 : vector<16xf32>
            %add3A_570 = arith.addf %add3A_510, %mul3A_569 : vector<16xf32>
            %add3A_571 = arith.constant 6 : i32
            %add3A_572 = arith.addi %mul3A_176, %add3A_571 : i32
            %get3A_573 = arith.index_cast %add3A_572 : i32 to index
            %get3A_574 = arith.constant 32 : index
            %get3A_575 = tpu.vector_load %arg7[%get3A_573, %get3A_574] {strides = array<i32>} : memref<128x128xf32, #tpu.memory_space<vmem>>, vector<16xf32>,
            %mul3A_576 = arith.mulf %get3A_575, %gather3A_556 : vector<16xf32>
            %add3A_577 = arith.addf %add3A_517, %mul3A_576 : vector<16xf32>
            %add3A_578 = arith.constant 6 : i32
            %add3A_579 = arith.addi %mul3A_176, %add3A_578 : i32
            %get3A_580 = arith.index_cast %add3A_579 : i32 to index
            %get3A_581 = arith.constant 48 : index
            %get3A_582 = tpu.vector_load %arg7[%get3A_580, %get3A_581] {strides = array<i32>} : memref<128x128xf32, #tpu.memory_space<vmem>>, vector<16xf32>,
            %mul3A_583 = arith.mulf %get3A_582, %gather3A_556 : vector<16xf32>
            %add3A_584 = arith.addf %add3A_524, %mul3A_583 : vector<16xf32>
            %add3A_585 = arith.constant 6 : i32
            %add3A_586 = arith.addi %mul3A_176, %add3A_585 : i32
            %get3A_587 = arith.index_cast %add3A_586 : i32 to index
            %get3A_588 = arith.constant 64 : index
            %get3A_589 = tpu.vector_load %arg7[%get3A_587, %get3A_588] {strides = array<i32>} : memref<128x128xf32, #tpu.memory_space<vmem>>, vector<16xf32>,
            %mul3A_590 = arith.mulf %get3A_589, %gather3A_556 : vector<16xf32>
            %add3A_591 = arith.addf %add3A_531, %mul3A_590 : vector<16xf32>
            %add3A_592 = arith.constant 6 : i32
            %add3A_593 = arith.addi %mul3A_176, %add3A_592 : i32
            %get3A_594 = arith.index_cast %add3A_593 : i32 to index
            %get3A_595 = arith.constant 80 : index
            %get3A_596 = tpu.vector_load %arg7[%get3A_594, %get3A_595] {strides = array<i32>} : memref<128x128xf32, #tpu.memory_space<vmem>>, vector<16xf32>,
            %mul3A_597 = arith.mulf %get3A_596, %gather3A_556 : vector<16xf32>
            %add3A_598 = arith.addf %add3A_538, %mul3A_597 : vector<16xf32>
            %add3A_599 = arith.constant 6 : i32
            %add3A_600 = arith.addi %mul3A_176, %add3A_599 : i32
            %get3A_601 = arith.index_cast %add3A_600 : i32 to index
            %get3A_602 = arith.constant 96 : index
            %get3A_603 = tpu.vector_load %arg7[%get3A_601, %get3A_602] {strides = array<i32>} : memref<128x128xf32, #tpu.memory_space<vmem>>, vector<16xf32>,
            %mul3A_604 = arith.mulf %get3A_603, %gather3A_556 : vector<16xf32>
            %add3A_605 = arith.addf %add3A_545, %mul3A_604 : vector<16xf32>
            %add3A_606 = arith.constant 6 : i32
            %add3A_607 = arith.addi %mul3A_176, %add3A_606 : i32
            %get3A_608 = arith.index_cast %add3A_607 : i32 to index
            %get3A_609 = arith.constant 112 : index
            %get3A_610 = tpu.vector_load %arg7[%get3A_608, %get3A_609] {strides = array<i32>} : memref<128x128xf32, #tpu.memory_space<vmem>>, vector<16xf32>,
            %mul3A_611 = arith.mulf %get3A_610, %gather3A_556 : vector<16xf32>
            %add3A_612 = arith.addf %add3A_552, %mul3A_611 : vector<16xf32>
            %add3A_613 = arith.constant 7 : i32
            %add3A_614 = arith.addi %mul3A_176, %add3A_613 : i32
            %broadcast_in_dim3A_615 = vector.broadcast %add3A_614 : i32 to vector<16xi32>
            %gather3A_616 = tpu.vector_load_idx %arg9[%broadcast_in_dim3A_158, %broadcast_in_dim3A_615] : memref<25x128xf32, #tpu.memory_space<vmem>>[vector<16xi32>, vector<16xi32>], vector<16xf32>,
            %add3A_617 = arith.constant 7 : i32
            %add3A_618 = arith.addi %mul3A_176, %add3A_617 : i32
            %get3A_619 = arith.index_cast %add3A_618 : i32 to index
            %get3A_620 = arith.constant 0 : index
            %get3A_621 = tpu.vector_load %arg7[%get3A_619, %get3A_620] {strides = array<i32>} : memref<128x128xf32, #tpu.memory_space<vmem>>, vector<16xf32>,
            %mul3A_622 = arith.mulf %get3A_621, %gather3A_616 : vector<16xf32>
            %add3A_623 = arith.addf %add3A_563, %mul3A_622 : vector<16xf32>
            %add3A_624 = arith.constant 7 : i32
            %add3A_625 = arith.addi %mul3A_176, %add3A_624 : i32
            %get3A_626 = arith.index_cast %add3A_625 : i32 to index
            %get3A_627 = arith.constant 16 : index
            %get3A_628 = tpu.vector_load %arg7[%get3A_626, %get3A_627] {strides = array<i32>} : memref<128x128xf32, #tpu.memory_space<vmem>>, vector<16xf32>,
            %mul3A_629 = arith.mulf %get3A_628, %gather3A_616 : vector<16xf32>
            %add3A_630 = arith.addf %add3A_570, %mul3A_629 : vector<16xf32>
            %add3A_631 = arith.constant 7 : i32
            %add3A_632 = arith.addi %mul3A_176, %add3A_631 : i32
            %get3A_633 = arith.index_cast %add3A_632 : i32 to index
            %get3A_634 = arith.constant 32 : index
            %get3A_635 = tpu.vector_load %arg7[%get3A_633, %get3A_634] {strides = array<i32>} : memref<128x128xf32, #tpu.memory_space<vmem>>, vector<16xf32>,
            %mul3A_636 = arith.mulf %get3A_635, %gather3A_616 : vector<16xf32>
            %add3A_637 = arith.addf %add3A_577, %mul3A_636 : vector<16xf32>
            %add3A_638 = arith.constant 7 : i32
            %add3A_639 = arith.addi %mul3A_176, %add3A_638 : i32
            %get3A_640 = arith.index_cast %add3A_639 : i32 to index
            %get3A_641 = arith.constant 48 : index
            %get3A_642 = tpu.vector_load %arg7[%get3A_640, %get3A_641] {strides = array<i32>} : memref<128x128xf32, #tpu.memory_space<vmem>>, vector<16xf32>,
            %mul3A_643 = arith.mulf %get3A_642, %gather3A_616 : vector<16xf32>
            %add3A_644 = arith.addf %add3A_584, %mul3A_643 : vector<16xf32>
            %add3A_645 = arith.constant 7 : i32
            %add3A_646 = arith.addi %mul3A_176, %add3A_645 : i32
            %get3A_647 = arith.index_cast %add3A_646 : i32 to index
            %get3A_648 = arith.constant 64 : index
            %get3A_649 = tpu.vector_load %arg7[%get3A_647, %get3A_648] {strides = array<i32>} : memref<128x128xf32, #tpu.memory_space<vmem>>, vector<16xf32>,
            %mul3A_650 = arith.mulf %get3A_649, %gather3A_616 : vector<16xf32>
            %add3A_651 = arith.addf %add3A_591, %mul3A_650 : vector<16xf32>
            %add3A_652 = arith.constant 7 : i32
            %add3A_653 = arith.addi %mul3A_176, %add3A_652 : i32
            %get3A_654 = arith.index_cast %add3A_653 : i32 to index
            %get3A_655 = arith.constant 80 : index
            %get3A_656 = tpu.vector_load %arg7[%get3A_654, %get3A_655] {strides = array<i32>} : memref<128x128xf32, #tpu.memory_space<vmem>>, vector<16xf32>,
            %mul3A_657 = arith.mulf %get3A_656, %gather3A_616 : vector<16xf32>
            %add3A_658 = arith.addf %add3A_598, %mul3A_657 : vector<16xf32>
            %add3A_659 = arith.constant 7 : i32
            %add3A_660 = arith.addi %mul3A_176, %add3A_659 : i32
            %get3A_661 = arith.index_cast %add3A_660 : i32 to index
            %get3A_662 = arith.constant 96 : index
            %get3A_663 = tpu.vector_load %arg7[%get3A_661, %get3A_662] {strides = array<i32>} : memref<128x128xf32, #tpu.memory_space<vmem>>, vector<16xf32>,
            %mul3A_664 = arith.mulf %get3A_663, %gather3A_616 : vector<16xf32>
            %add3A_665 = arith.addf %add3A_605, %mul3A_664 : vector<16xf32>
            %add3A_666 = arith.constant 7 : i32
            %add3A_667 = arith.addi %mul3A_176, %add3A_666 : i32
            %get3A_668 = arith.index_cast %add3A_667 : i32 to index
            %get3A_669 = arith.constant 112 : index
            %get3A_670 = tpu.vector_load %arg7[%get3A_668, %get3A_669] {strides = array<i32>} : memref<128x128xf32, #tpu.memory_space<vmem>>, vector<16xf32>,
            %mul3A_671 = arith.mulf %get3A_670, %gather3A_616 : vector<16xf32>
            %add3A_672 = arith.addf %add3A_612, %mul3A_671 : vector<16xf32>
            %add3A_673 = arith.constant 8 : i32
            %add3A_674 = arith.addi %mul3A_176, %add3A_673 : i32
            %broadcast_in_dim3A_675 = vector.broadcast %add3A_674 : i32 to vector<16xi32>
            %gather3A_676 = tpu.vector_load_idx %arg9[%broadcast_in_dim3A_158, %broadcast_in_dim3A_675] : memref<25x128xf32, #tpu.memory_space<vmem>>[vector<16xi32>, vector<16xi32>], vector<16xf32>,
            %add3A_677 = arith.constant 8 : i32
            %add3A_678 = arith.addi %mul3A_176, %add3A_677 : i32
            %get3A_679 = arith.index_cast %add3A_678 : i32 to index
            %get3A_680 = arith.constant 0 : index
            %get3A_681 = tpu.vector_load %arg7[%get3A_679, %get3A_680] {strides = array<i32>} : memref<128x128xf32, #tpu.memory_space<vmem>>, vector<16xf32>,
            %mul3A_682 = arith.mulf %get3A_681, %gather3A_676 : vector<16xf32>
            %add3A_683 = arith.addf %add3A_623, %mul3A_682 : vector<16xf32>
            %add3A_684 = arith.constant 8 : i32
            %add3A_685 = arith.addi %mul3A_176, %add3A_684 : i32
            %get3A_686 = arith.index_cast %add3A_685 : i32 to index
            %get3A_687 = arith.constant 16 : index
            %get3A_688 = tpu.vector_load %arg7[%get3A_686, %get3A_687] {strides = array<i32>} : memref<128x128xf32, #tpu.memory_space<vmem>>, vector<16xf32>,
            %mul3A_689 = arith.mulf %get3A_688, %gather3A_676 : vector<16xf32>
            %add3A_690 = arith.addf %add3A_630, %mul3A_689 : vector<16xf32>
            %add3A_691 = arith.constant 8 : i32
            %add3A_692 = arith.addi %mul3A_176, %add3A_691 : i32
            %get3A_693 = arith.index_cast %add3A_692 : i32 to index
            %get3A_694 = arith.constant 32 : index
            %get3A_695 = tpu.vector_load %arg7[%get3A_693, %get3A_694] {strides = array<i32>} : memref<128x128xf32, #tpu.memory_space<vmem>>, vector<16xf32>,
            %mul3A_696 = arith.mulf %get3A_695, %gather3A_676 : vector<16xf32>
            %add3A_697 = arith.addf %add3A_637, %mul3A_696 : vector<16xf32>
            %add3A_698 = arith.constant 8 : i32
            %add3A_699 = arith.addi %mul3A_176, %add3A_698 : i32
            %get3A_700 = arith.index_cast %add3A_699 : i32 to index
            %get3A_701 = arith.constant 48 : index
            %get3A_702 = tpu.vector_load %arg7[%get3A_700, %get3A_701] {strides = array<i32>} : memref<128x128xf32, #tpu.memory_space<vmem>>, vector<16xf32>,
            %mul3A_703 = arith.mulf %get3A_702, %gather3A_676 : vector<16xf32>
            %add3A_704 = arith.addf %add3A_644, %mul3A_703 : vector<16xf32>
            %add3A_705 = arith.constant 8 : i32
            %add3A_706 = arith.addi %mul3A_176, %add3A_705 : i32
            %get3A_707 = arith.index_cast %add3A_706 : i32 to index
            %get3A_708 = arith.constant 64 : index
            %get3A_709 = tpu.vector_load %arg7[%get3A_707, %get3A_708] {strides = array<i32>} : memref<128x128xf32, #tpu.memory_space<vmem>>, vector<16xf32>,
            %mul3A_710 = arith.mulf %get3A_709, %gather3A_676 : vector<16xf32>
            %add3A_711 = arith.addf %add3A_651, %mul3A_710 : vector<16xf32>
            %add3A_712 = arith.constant 8 : i32
            %add3A_713 = arith.addi %mul3A_176, %add3A_712 : i32
            %get3A_714 = arith.index_cast %add3A_713 : i32 to index
            %get3A_715 = arith.constant 80 : index
            %get3A_716 = tpu.vector_load %arg7[%get3A_714, %get3A_715] {strides = array<i32>} : memref<128x128xf32, #tpu.memory_space<vmem>>, vector<16xf32>,
            %mul3A_717 = arith.mulf %get3A_716, %gather3A_676 : vector<16xf32>
            %add3A_718 = arith.addf %add3A_658, %mul3A_717 : vector<16xf32>
            %add3A_719 = arith.constant 8 : i32
            %add3A_720 = arith.addi %mul3A_176, %add3A_719 : i32
            %get3A_721 = arith.index_cast %add3A_720 : i32 to index
            %get3A_722 = arith.constant 96 : index
            %get3A_723 = tpu.vector_load %arg7[%get3A_721, %get3A_722] {strides = array<i32>} : memref<128x128xf32, #tpu.memory_space<vmem>>, vector<16xf32>,
            %mul3A_724 = arith.mulf %get3A_723, %gather3A_676 : vector<16xf32>
            %add3A_725 = arith.addf %add3A_665, %mul3A_724 : vector<16xf32>
            %add3A_726 = arith.constant 8 : i32
            %add3A_727 = arith.addi %mul3A_176, %add3A_726 : i32
            %get3A_728 = arith.index_cast %add3A_727 : i32 to index
            %get3A_729 = arith.constant 112 : index
            %get3A_730 = tpu.vector_load %arg7[%get3A_728, %get3A_729] {strides = array<i32>} : memref<128x128xf32, #tpu.memory_space<vmem>>, vector<16xf32>,
            %mul3A_731 = arith.mulf %get3A_730, %gather3A_676 : vector<16xf32>
            %add3A_732 = arith.addf %add3A_672, %mul3A_731 : vector<16xf32>
            %add3A_733 = arith.constant 9 : i32
            %add3A_734 = arith.addi %mul3A_176, %add3A_733 : i32
            %broadcast_in_dim3A_735 = vector.broadcast %add3A_734 : i32 to vector<16xi32>
            %gather3A_736 = tpu.vector_load_idx %arg9[%broadcast_in_dim3A_158, %broadcast_in_dim3A_735] : memref<25x128xf32, #tpu.memory_space<vmem>>[vector<16xi32>, vector<16xi32>], vector<16xf32>,
            %add3A_737 = arith.constant 9 : i32
            %add3A_738 = arith.addi %mul3A_176, %add3A_737 : i32
            %get3A_739 = arith.index_cast %add3A_738 : i32 to index
            %get3A_740 = arith.constant 0 : index
            %get3A_741 = tpu.vector_load %arg7[%get3A_739, %get3A_740] {strides = array<i32>} : memref<128x128xf32, #tpu.memory_space<vmem>>, vector<16xf32>,
            %mul3A_742 = arith.mulf %get3A_741, %gather3A_736 : vector<16xf32>
            %add3A_743 = arith.addf %add3A_683, %mul3A_742 : vector<16xf32>
            %add3A_744 = arith.constant 9 : i32
            %add3A_745 = arith.addi %mul3A_176, %add3A_744 : i32
            %get3A_746 = arith.index_cast %add3A_745 : i32 to index
            %get3A_747 = arith.constant 16 : index
            %get3A_748 = tpu.vector_load %arg7[%get3A_746, %get3A_747] {strides = array<i32>} : memref<128x128xf32, #tpu.memory_space<vmem>>, vector<16xf32>,
            %mul3A_749 = arith.mulf %get3A_748, %gather3A_736 : vector<16xf32>
            %add3A_750 = arith.addf %add3A_690, %mul3A_749 : vector<16xf32>
            %add3A_751 = arith.constant 9 : i32
            %add3A_752 = arith.addi %mul3A_176, %add3A_751 : i32
            %get3A_753 = arith.index_cast %add3A_752 : i32 to index
            %get3A_754 = arith.constant 32 : index
            %get3A_755 = tpu.vector_load %arg7[%get3A_753, %get3A_754] {strides = array<i32>} : memref<128x128xf32, #tpu.memory_space<vmem>>, vector<16xf32>,
            %mul3A_756 = arith.mulf %get3A_755, %gather3A_736 : vector<16xf32>
            %add3A_757 = arith.addf %add3A_697, %mul3A_756 : vector<16xf32>
            %add3A_758 = arith.constant 9 : i32
            %add3A_759 = arith.addi %mul3A_176, %add3A_758 : i32
            %get3A_760 = arith.index_cast %add3A_759 : i32 to index
            %get3A_761 = arith.constant 48 : index
            %get3A_762 = tpu.vector_load %arg7[%get3A_760, %get3A_761] {strides = array<i32>} : memref<128x128xf32, #tpu.memory_space<vmem>>, vector<16xf32>,
            %mul3A_763 = arith.mulf %get3A_762, %gather3A_736 : vector<16xf32>
            %add3A_764 = arith.addf %add3A_704, %mul3A_763 : vector<16xf32>
            %add3A_765 = arith.constant 9 : i32
            %add3A_766 = arith.addi %mul3A_176, %add3A_765 : i32
            %get3A_767 = arith.index_cast %add3A_766 : i32 to index
            %get3A_768 = arith.constant 64 : index
            %get3A_769 = tpu.vector_load %arg7[%get3A_767, %get3A_768] {strides = array<i32>} : memref<128x128xf32, #tpu.memory_space<vmem>>, vector<16xf32>,
            %mul3A_770 = arith.mulf %get3A_769, %gather3A_736 : vector<16xf32>
            %add3A_771 = arith.addf %add3A_711, %mul3A_770 : vector<16xf32>
            %add3A_772 = arith.constant 9 : i32
            %add3A_773 = arith.addi %mul3A_176, %add3A_772 : i32
            %get3A_774 = arith.index_cast %add3A_773 : i32 to index
            %get3A_775 = arith.constant 80 : index
            %get3A_776 = tpu.vector_load %arg7[%get3A_774, %get3A_775] {strides = array<i32>} : memref<128x128xf32, #tpu.memory_space<vmem>>, vector<16xf32>,
            %mul3A_777 = arith.mulf %get3A_776, %gather3A_736 : vector<16xf32>
            %add3A_778 = arith.addf %add3A_718, %mul3A_777 : vector<16xf32>
            %add3A_779 = arith.constant 9 : i32
            %add3A_780 = arith.addi %mul3A_176, %add3A_779 : i32
            %get3A_781 = arith.index_cast %add3A_780 : i32 to index
            %get3A_782 = arith.constant 96 : index
            %get3A_783 = tpu.vector_load %arg7[%get3A_781, %get3A_782] {strides = array<i32>} : memref<128x128xf32, #tpu.memory_space<vmem>>, vector<16xf32>,
            %mul3A_784 = arith.mulf %get3A_783, %gather3A_736 : vector<16xf32>
            %add3A_785 = arith.addf %add3A_725, %mul3A_784 : vector<16xf32>
            %add3A_786 = arith.constant 9 : i32
            %add3A_787 = arith.addi %mul3A_176, %add3A_786 : i32
            %get3A_788 = arith.index_cast %add3A_787 : i32 to index
            %get3A_789 = arith.constant 112 : index
            %get3A_790 = tpu.vector_load %arg7[%get3A_788, %get3A_789] {strides = array<i32>} : memref<128x128xf32, #tpu.memory_space<vmem>>, vector<16xf32>,
            %mul3A_791 = arith.mulf %get3A_790, %gather3A_736 : vector<16xf32>
            %add3A_792 = arith.addf %add3A_732, %mul3A_791 : vector<16xf32>
            %add3A_793 = arith.constant 10 : i32
            %add3A_794 = arith.addi %mul3A_176, %add3A_793 : i32
            %broadcast_in_dim3A_795 = vector.broadcast %add3A_794 : i32 to vector<16xi32>
            %gather3A_796 = tpu.vector_load_idx %arg9[%broadcast_in_dim3A_158, %broadcast_in_dim3A_795] : memref<25x128xf32, #tpu.memory_space<vmem>>[vector<16xi32>, vector<16xi32>], vector<16xf32>,
            %add3A_797 = arith.constant 10 : i32
            %add3A_798 = arith.addi %mul3A_176, %add3A_797 : i32
            %get3A_799 = arith.index_cast %add3A_798 : i32 to index
            %get3A_800 = arith.constant 0 : index
            %get3A_801 = tpu.vector_load %arg7[%get3A_799, %get3A_800] {strides = array<i32>} : memref<128x128xf32, #tpu.memory_space<vmem>>, vector<16xf32>,
            %mul3A_802 = arith.mulf %get3A_801, %gather3A_796 : vector<16xf32>
            %add3A_803 = arith.addf %add3A_743, %mul3A_802 : vector<16xf32>
            %add3A_804 = arith.constant 10 : i32
            %add3A_805 = arith.addi %mul3A_176, %add3A_804 : i32
            %get3A_806 = arith.index_cast %add3A_805 : i32 to index
            %get3A_807 = arith.constant 16 : index
            %get3A_808 = tpu.vector_load %arg7[%get3A_806, %get3A_807] {strides = array<i32>} : memref<128x128xf32, #tpu.memory_space<vmem>>, vector<16xf32>,
            %mul3A_809 = arith.mulf %get3A_808, %gather3A_796 : vector<16xf32>
            %add3A_810 = arith.addf %add3A_750, %mul3A_809 : vector<16xf32>
            %add3A_811 = arith.constant 10 : i32
            %add3A_812 = arith.addi %mul3A_176, %add3A_811 : i32
            %get3A_813 = arith.index_cast %add3A_812 : i32 to index
            %get3A_814 = arith.constant 32 : index
            %get3A_815 = tpu.vector_load %arg7[%get3A_813, %get3A_814] {strides = array<i32>} : memref<128x128xf32, #tpu.memory_space<vmem>>, vector<16xf32>,
            %mul3A_816 = arith.mulf %get3A_815, %gather3A_796 : vector<16xf32>
            %add3A_817 = arith.addf %add3A_757, %mul3A_816 : vector<16xf32>
            %add3A_818 = arith.constant 10 : i32
            %add3A_819 = arith.addi %mul3A_176, %add3A_818 : i32
            %get3A_820 = arith.index_cast %add3A_819 : i32 to index
            %get3A_821 = arith.constant 48 : index
            %get3A_822 = tpu.vector_load %arg7[%get3A_820, %get3A_821] {strides = array<i32>} : memref<128x128xf32, #tpu.memory_space<vmem>>, vector<16xf32>,
            %mul3A_823 = arith.mulf %get3A_822, %gather3A_796 : vector<16xf32>
            %add3A_824 = arith.addf %add3A_764, %mul3A_823 : vector<16xf32>
            %add3A_825 = arith.constant 10 : i32
            %add3A_826 = arith.addi %mul3A_176, %add3A_825 : i32
            %get3A_827 = arith.index_cast %add3A_826 : i32 to index
            %get3A_828 = arith.constant 64 : index
            %get3A_829 = tpu.vector_load %arg7[%get3A_827, %get3A_828] {strides = array<i32>} : memref<128x128xf32, #tpu.memory_space<vmem>>, vector<16xf32>,
            %mul3A_830 = arith.mulf %get3A_829, %gather3A_796 : vector<16xf32>
            %add3A_831 = arith.addf %add3A_771, %mul3A_830 : vector<16xf32>
            %add3A_832 = arith.constant 10 : i32
            %add3A_833 = arith.addi %mul3A_176, %add3A_832 : i32
            %get3A_834 = arith.index_cast %add3A_833 : i32 to index
            %get3A_835 = arith.constant 80 : index
            %get3A_836 = tpu.vector_load %arg7[%get3A_834, %get3A_835] {strides = array<i32>} : memref<128x128xf32, #tpu.memory_space<vmem>>, vector<16xf32>,
            %mul3A_837 = arith.mulf %get3A_836, %gather3A_796 : vector<16xf32>
            %add3A_838 = arith.addf %add3A_778, %mul3A_837 : vector<16xf32>
            %add3A_839 = arith.constant 10 : i32
            %add3A_840 = arith.addi %mul3A_176, %add3A_839 : i32
            %get3A_841 = arith.index_cast %add3A_840 : i32 to index
            %get3A_842 = arith.constant 96 : index
            %get3A_843 = tpu.vector_load %arg7[%get3A_841, %get3A_842] {strides = array<i32>} : memref<128x128xf32, #tpu.memory_space<vmem>>, vector<16xf32>,
            %mul3A_844 = arith.mulf %get3A_843, %gather3A_796 : vector<16xf32>
            %add3A_845 = arith.addf %add3A_785, %mul3A_844 : vector<16xf32>
            %add3A_846 = arith.constant 10 : i32
            %add3A_847 = arith.addi %mul3A_176, %add3A_846 : i32
            %get3A_848 = arith.index_cast %add3A_847 : i32 to index
            %get3A_849 = arith.constant 112 : index
            %get3A_850 = tpu.vector_load %arg7[%get3A_848, %get3A_849] {strides = array<i32>} : memref<128x128xf32, #tpu.memory_space<vmem>>, vector<16xf32>,
            %mul3A_851 = arith.mulf %get3A_850, %gather3A_796 : vector<16xf32>
            %add3A_852 = arith.addf %add3A_792, %mul3A_851 : vector<16xf32>
            %add3A_853 = arith.constant 11 : i32
            %add3A_854 = arith.addi %mul3A_176, %add3A_853 : i32
            %broadcast_in_dim3A_855 = vector.broadcast %add3A_854 : i32 to vector<16xi32>
            %gather3A_856 = tpu.vector_load_idx %arg9[%broadcast_in_dim3A_158, %broadcast_in_dim3A_855] : memref<25x128xf32, #tpu.memory_space<vmem>>[vector<16xi32>, vector<16xi32>], vector<16xf32>,
            %add3A_857 = arith.constant 11 : i32
            %add3A_858 = arith.addi %mul3A_176, %add3A_857 : i32
            %get3A_859 = arith.index_cast %add3A_858 : i32 to index
            %get3A_860 = arith.constant 0 : index
            %get3A_861 = tpu.vector_load %arg7[%get3A_859, %get3A_860] {strides = array<i32>} : memref<128x128xf32, #tpu.memory_space<vmem>>, vector<16xf32>,
            %mul3A_862 = arith.mulf %get3A_861, %gather3A_856 : vector<16xf32>
            %add3A_863 = arith.addf %add3A_803, %mul3A_862 : vector<16xf32>
            %add3A_864 = arith.constant 11 : i32
            %add3A_865 = arith.addi %mul3A_176, %add3A_864 : i32
            %get3A_866 = arith.index_cast %add3A_865 : i32 to index
            %get3A_867 = arith.constant 16 : index
            %get3A_868 = tpu.vector_load %arg7[%get3A_866, %get3A_867] {strides = array<i32>} : memref<128x128xf32, #tpu.memory_space<vmem>>, vector<16xf32>,
            %mul3A_869 = arith.mulf %get3A_868, %gather3A_856 : vector<16xf32>
            %add3A_870 = arith.addf %add3A_810, %mul3A_869 : vector<16xf32>
            %add3A_871 = arith.constant 11 : i32
            %add3A_872 = arith.addi %mul3A_176, %add3A_871 : i32
            %get3A_873 = arith.index_cast %add3A_872 : i32 to index
            %get3A_874 = arith.constant 32 : index
            %get3A_875 = tpu.vector_load %arg7[%get3A_873, %get3A_874] {strides = array<i32>} : memref<128x128xf32, #tpu.memory_space<vmem>>, vector<16xf32>,
            %mul3A_876 = arith.mulf %get3A_875, %gather3A_856 : vector<16xf32>
            %add3A_877 = arith.addf %add3A_817, %mul3A_876 : vector<16xf32>
            %add3A_878 = arith.constant 11 : i32
            %add3A_879 = arith.addi %mul3A_176, %add3A_878 : i32
            %get3A_880 = arith.index_cast %add3A_879 : i32 to index
            %get3A_881 = arith.constant 48 : index
            %get3A_882 = tpu.vector_load %arg7[%get3A_880, %get3A_881] {strides = array<i32>} : memref<128x128xf32, #tpu.memory_space<vmem>>, vector<16xf32>,
            %mul3A_883 = arith.mulf %get3A_882, %gather3A_856 : vector<16xf32>
            %add3A_884 = arith.addf %add3A_824, %mul3A_883 : vector<16xf32>
            %add3A_885 = arith.constant 11 : i32
            %add3A_886 = arith.addi %mul3A_176, %add3A_885 : i32
            %get3A_887 = arith.index_cast %add3A_886 : i32 to index
            %get3A_888 = arith.constant 64 : index
            %get3A_889 = tpu.vector_load %arg7[%get3A_887, %get3A_888] {strides = array<i32>} : memref<128x128xf32, #tpu.memory_space<vmem>>, vector<16xf32>,
            %mul3A_890 = arith.mulf %get3A_889, %gather3A_856 : vector<16xf32>
            %add3A_891 = arith.addf %add3A_831, %mul3A_890 : vector<16xf32>
            %add3A_892 = arith.constant 11 : i32
            %add3A_893 = arith.addi %mul3A_176, %add3A_892 : i32
            %get3A_894 = arith.index_cast %add3A_893 : i32 to index
            %get3A_895 = arith.constant 80 : index
            %get3A_896 = tpu.vector_load %arg7[%get3A_894, %get3A_895] {strides = array<i32>} : memref<128x128xf32, #tpu.memory_space<vmem>>, vector<16xf32>,
            %mul3A_897 = arith.mulf %get3A_896, %gather3A_856 : vector<16xf32>
            %add3A_898 = arith.addf %add3A_838, %mul3A_897 : vector<16xf32>
            %add3A_899 = arith.constant 11 : i32
            %add3A_900 = arith.addi %mul3A_176, %add3A_899 : i32
            %get3A_901 = arith.index_cast %add3A_900 : i32 to index
            %get3A_902 = arith.constant 96 : index
            %get3A_903 = tpu.vector_load %arg7[%get3A_901, %get3A_902] {strides = array<i32>} : memref<128x128xf32, #tpu.memory_space<vmem>>, vector<16xf32>,
            %mul3A_904 = arith.mulf %get3A_903, %gather3A_856 : vector<16xf32>
            %add3A_905 = arith.addf %add3A_845, %mul3A_904 : vector<16xf32>
            %add3A_906 = arith.constant 11 : i32
            %add3A_907 = arith.addi %mul3A_176, %add3A_906 : i32
            %get3A_908 = arith.index_cast %add3A_907 : i32 to index
            %get3A_909 = arith.constant 112 : index
            %get3A_910 = tpu.vector_load %arg7[%get3A_908, %get3A_909] {strides = array<i32>} : memref<128x128xf32, #tpu.memory_space<vmem>>, vector<16xf32>,
            %mul3A_911 = arith.mulf %get3A_910, %gather3A_856 : vector<16xf32>
            %add3A_912 = arith.addf %add3A_852, %mul3A_911 : vector<16xf32>
            %add3A_913 = arith.constant 12 : i32
            %add3A_914 = arith.addi %mul3A_176, %add3A_913 : i32
            %broadcast_in_dim3A_915 = vector.broadcast %add3A_914 : i32 to vector<16xi32>
            %gather3A_916 = tpu.vector_load_idx %arg9[%broadcast_in_dim3A_158, %broadcast_in_dim3A_915] : memref<25x128xf32, #tpu.memory_space<vmem>>[vector<16xi32>, vector<16xi32>], vector<16xf32>,
            %add3A_917 = arith.constant 12 : i32
            %add3A_918 = arith.addi %mul3A_176, %add3A_917 : i32
            %get3A_919 = arith.index_cast %add3A_918 : i32 to index
            %get3A_920 = arith.constant 0 : index
            %get3A_921 = tpu.vector_load %arg7[%get3A_919, %get3A_920] {strides = array<i32>} : memref<128x128xf32, #tpu.memory_space<vmem>>, vector<16xf32>,
            %mul3A_922 = arith.mulf %get3A_921, %gather3A_916 : vector<16xf32>
            %add3A_923 = arith.addf %add3A_863, %mul3A_922 : vector<16xf32>
            %add3A_924 = arith.constant 12 : i32
            %add3A_925 = arith.addi %mul3A_176, %add3A_924 : i32
            %get3A_926 = arith.index_cast %add3A_925 : i32 to index
            %get3A_927 = arith.constant 16 : index
            %get3A_928 = tpu.vector_load %arg7[%get3A_926, %get3A_927] {strides = array<i32>} : memref<128x128xf32, #tpu.memory_space<vmem>>, vector<16xf32>,
            %mul3A_929 = arith.mulf %get3A_928, %gather3A_916 : vector<16xf32>
            %add3A_930 = arith.addf %add3A_870, %mul3A_929 : vector<16xf32>
            %add3A_931 = arith.constant 12 : i32
            %add3A_932 = arith.addi %mul3A_176, %add3A_931 : i32
            %get3A_933 = arith.index_cast %add3A_932 : i32 to index
            %get3A_934 = arith.constant 32 : index
            %get3A_935 = tpu.vector_load %arg7[%get3A_933, %get3A_934] {strides = array<i32>} : memref<128x128xf32, #tpu.memory_space<vmem>>, vector<16xf32>,
            %mul3A_936 = arith.mulf %get3A_935, %gather3A_916 : vector<16xf32>
            %add3A_937 = arith.addf %add3A_877, %mul3A_936 : vector<16xf32>
            %add3A_938 = arith.constant 12 : i32
            %add3A_939 = arith.addi %mul3A_176, %add3A_938 : i32
            %get3A_940 = arith.index_cast %add3A_939 : i32 to index
            %get3A_941 = arith.constant 48 : index
            %get3A_942 = tpu.vector_load %arg7[%get3A_940, %get3A_941] {strides = array<i32>} : memref<128x128xf32, #tpu.memory_space<vmem>>, vector<16xf32>,
            %mul3A_943 = arith.mulf %get3A_942, %gather3A_916 : vector<16xf32>
            %add3A_944 = arith.addf %add3A_884, %mul3A_943 : vector<16xf32>
            %add3A_945 = arith.constant 12 : i32
            %add3A_946 = arith.addi %mul3A_176, %add3A_945 : i32
            %get3A_947 = arith.index_cast %add3A_946 : i32 to index
            %get3A_948 = arith.constant 64 : index
            %get3A_949 = tpu.vector_load %arg7[%get3A_947, %get3A_948] {strides = array<i32>} : memref<128x128xf32, #tpu.memory_space<vmem>>, vector<16xf32>,
            %mul3A_950 = arith.mulf %get3A_949, %gather3A_916 : vector<16xf32>
            %add3A_951 = arith.addf %add3A_891, %mul3A_950 : vector<16xf32>
            %add3A_952 = arith.constant 12 : i32
            %add3A_953 = arith.addi %mul3A_176, %add3A_952 : i32
            %get3A_954 = arith.index_cast %add3A_953 : i32 to index
            %get3A_955 = arith.constant 80 : index
            %get3A_956 = tpu.vector_load %arg7[%get3A_954, %get3A_955] {strides = array<i32>} : memref<128x128xf32, #tpu.memory_space<vmem>>, vector<16xf32>,
            %mul3A_957 = arith.mulf %get3A_956, %gather3A_916 : vector<16xf32>
            %add3A_958 = arith.addf %add3A_898, %mul3A_957 : vector<16xf32>
            %add3A_959 = arith.constant 12 : i32
            %add3A_960 = arith.addi %mul3A_176, %add3A_959 : i32
            %get3A_961 = arith.index_cast %add3A_960 : i32 to index
            %get3A_962 = arith.constant 96 : index
            %get3A_963 = tpu.vector_load %arg7[%get3A_961, %get3A_962] {strides = array<i32>} : memref<128x128xf32, #tpu.memory_space<vmem>>, vector<16xf32>,
            %mul3A_964 = arith.mulf %get3A_963, %gather3A_916 : vector<16xf32>
            %add3A_965 = arith.addf %add3A_905, %mul3A_964 : vector<16xf32>
            %add3A_966 = arith.constant 12 : i32
            %add3A_967 = arith.addi %mul3A_176, %add3A_966 : i32
            %get3A_968 = arith.index_cast %add3A_967 : i32 to index
            %get3A_969 = arith.constant 112 : index
            %get3A_970 = tpu.vector_load %arg7[%get3A_968, %get3A_969] {strides = array<i32>} : memref<128x128xf32, #tpu.memory_space<vmem>>, vector<16xf32>,
            %mul3A_971 = arith.mulf %get3A_970, %gather3A_916 : vector<16xf32>
            %add3A_972 = arith.addf %add3A_912, %mul3A_971 : vector<16xf32>
            %add3A_973 = arith.constant 13 : i32
            %add3A_974 = arith.addi %mul3A_176, %add3A_973 : i32
            %broadcast_in_dim3A_975 = vector.broadcast %add3A_974 : i32 to vector<16xi32>
            %gather3A_976 = tpu.vector_load_idx %arg9[%broadcast_in_dim3A_158, %broadcast_in_dim3A_975] : memref<25x128xf32, #tpu.memory_space<vmem>>[vector<16xi32>, vector<16xi32>], vector<16xf32>,
            %add3A_977 = arith.constant 13 : i32
            %add3A_978 = arith.addi %mul3A_176, %add3A_977 : i32
            %get3A_979 = arith.index_cast %add3A_978 : i32 to index
            %get3A_980 = arith.constant 0 : index
            %get3A_981 = tpu.vector_load %arg7[%get3A_979, %get3A_980] {strides = array<i32>} : memref<128x128xf32, #tpu.memory_space<vmem>>, vector<16xf32>,
            %mul3A_982 = arith.mulf %get3A_981, %gather3A_976 : vector<16xf32>
            %add3A_983 = arith.addf %add3A_923, %mul3A_982 : vector<16xf32>
            %add3A_984 = arith.constant 13 : i32
            %add3A_985 = arith.addi %mul3A_176, %add3A_984 : i32
            %get3A_986 = arith.index_cast %add3A_985 : i32 to index
            %get3A_987 = arith.constant 16 : index
            %get3A_988 = tpu.vector_load %arg7[%get3A_986, %get3A_987] {strides = array<i32>} : memref<128x128xf32, #tpu.memory_space<vmem>>, vector<16xf32>,
            %mul3A_989 = arith.mulf %get3A_988, %gather3A_976 : vector<16xf32>
            %add3A_990 = arith.addf %add3A_930, %mul3A_989 : vector<16xf32>
            %add3A_991 = arith.constant 13 : i32
            %add3A_992 = arith.addi %mul3A_176, %add3A_991 : i32
            %get3A_993 = arith.index_cast %add3A_992 : i32 to index
            %get3A_994 = arith.constant 32 : index
            %get3A_995 = tpu.vector_load %arg7[%get3A_993, %get3A_994] {strides = array<i32>} : memref<128x128xf32, #tpu.memory_space<vmem>>, vector<16xf32>,
            %mul3A_996 = arith.mulf %get3A_995, %gather3A_976 : vector<16xf32>
            %add3A_997 = arith.addf %add3A_937, %mul3A_996 : vector<16xf32>
            %add3A_998 = arith.constant 13 : i32
            %add3A_999 = arith.addi %mul3A_176, %add3A_998 : i32
            %get3A_1000 = arith.index_cast %add3A_999 : i32 to index
            %get3A_1001 = arith.constant 48 : index
            %get3A_1002 = tpu.vector_load %arg7[%get3A_1000, %get3A_1001] {strides = array<i32>} : memref<128x128xf32, #tpu.memory_space<vmem>>, vector<16xf32>,
            %mul3A_1003 = arith.mulf %get3A_1002, %gather3A_976 : vector<16xf32>
            %add3A_1004 = arith.addf %add3A_944, %mul3A_1003 : vector<16xf32>
            %add3A_1005 = arith.constant 13 : i32
            %add3A_1006 = arith.addi %mul3A_176, %add3A_1005 : i32
            %get3A_1007 = arith.index_cast %add3A_1006 : i32 to index
            %get3A_1008 = arith.constant 64 : index
            %get3A_1009 = tpu.vector_load %arg7[%get3A_1007, %get3A_1008] {strides = array<i32>} : memref<128x128xf32, #tpu.memory_space<vmem>>, vector<16xf32>,
            %mul3A_1010 = arith.mulf %get3A_1009, %gather3A_976 : vector<16xf32>
            %add3A_1011 = arith.addf %add3A_951, %mul3A_1010 : vector<16xf32>
            %add3A_1012 = arith.constant 13 : i32
            %add3A_1013 = arith.addi %mul3A_176, %add3A_1012 : i32
            %get3A_1014 = arith.index_cast %add3A_1013 : i32 to index
            %get3A_1015 = arith.constant 80 : index
            %get3A_1016 = tpu.vector_load %arg7[%get3A_1014, %get3A_1015] {strides = array<i32>} : memref<128x128xf32, #tpu.memory_space<vmem>>, vector<16xf32>,
            %mul3A_1017 = arith.mulf %get3A_1016, %gather3A_976 : vector<16xf32>
            %add3A_1018 = arith.addf %add3A_958, %mul3A_1017 : vector<16xf32>
            %add3A_1019 = arith.constant 13 : i32
            %add3A_1020 = arith.addi %mul3A_176, %add3A_1019 : i32
            %get3A_1021 = arith.index_cast %add3A_1020 : i32 to index
            %get3A_1022 = arith.constant 96 : index
            %get3A_1023 = tpu.vector_load %arg7[%get3A_1021, %get3A_1022] {strides = array<i32>} : memref<128x128xf32, #tpu.memory_space<vmem>>, vector<16xf32>,
            %mul3A_1024 = arith.mulf %get3A_1023, %gather3A_976 : vector<16xf32>
            %add3A_1025 = arith.addf %add3A_965, %mul3A_1024 : vector<16xf32>
            %add3A_1026 = arith.constant 13 : i32
            %add3A_1027 = arith.addi %mul3A_176, %add3A_1026 : i32
            %get3A_1028 = arith.index_cast %add3A_1027 : i32 to index
            %get3A_1029 = arith.constant 112 : index
            %get3A_1030 = tpu.vector_load %arg7[%get3A_1028, %get3A_1029] {strides = array<i32>} : memref<128x128xf32, #tpu.memory_space<vmem>>, vector<16xf32>,
            %mul3A_1031 = arith.mulf %get3A_1030, %gather3A_976 : vector<16xf32>
            %add3A_1032 = arith.addf %add3A_972, %mul3A_1031 : vector<16xf32>
            %add3A_1033 = arith.constant 14 : i32
            %add3A_1034 = arith.addi %mul3A_176, %add3A_1033 : i32
            %broadcast_in_dim3A_1035 = vector.broadcast %add3A_1034 : i32 to vector<16xi32>
            %gather3A_1036 = tpu.vector_load_idx %arg9[%broadcast_in_dim3A_158, %broadcast_in_dim3A_1035] : memref<25x128xf32, #tpu.memory_space<vmem>>[vector<16xi32>, vector<16xi32>], vector<16xf32>,
            %add3A_1037 = arith.constant 14 : i32
            %add3A_1038 = arith.addi %mul3A_176, %add3A_1037 : i32
            %get3A_1039 = arith.index_cast %add3A_1038 : i32 to index
            %get3A_1040 = arith.constant 0 : index
            %get3A_1041 = tpu.vector_load %arg7[%get3A_1039, %get3A_1040] {strides = array<i32>} : memref<128x128xf32, #tpu.memory_space<vmem>>, vector<16xf32>,
            %mul3A_1042 = arith.mulf %get3A_1041, %gather3A_1036 : vector<16xf32>
            %add3A_1043 = arith.addf %add3A_983, %mul3A_1042 : vector<16xf32>
            %add3A_1044 = arith.constant 14 : i32
            %add3A_1045 = arith.addi %mul3A_176, %add3A_1044 : i32
            %get3A_1046 = arith.index_cast %add3A_1045 : i32 to index
            %get3A_1047 = arith.constant 16 : index
            %get3A_1048 = tpu.vector_load %arg7[%get3A_1046, %get3A_1047] {strides = array<i32>} : memref<128x128xf32, #tpu.memory_space<vmem>>, vector<16xf32>,
            %mul3A_1049 = arith.mulf %get3A_1048, %gather3A_1036 : vector<16xf32>
            %add3A_1050 = arith.addf %add3A_990, %mul3A_1049 : vector<16xf32>
            %add3A_1051 = arith.constant 14 : i32
            %add3A_1052 = arith.addi %mul3A_176, %add3A_1051 : i32
            %get3A_1053 = arith.index_cast %add3A_1052 : i32 to index
            %get3A_1054 = arith.constant 32 : index
            %get3A_1055 = tpu.vector_load %arg7[%get3A_1053, %get3A_1054] {strides = array<i32>} : memref<128x128xf32, #tpu.memory_space<vmem>>, vector<16xf32>,
            %mul3A_1056 = arith.mulf %get3A_1055, %gather3A_1036 : vector<16xf32>
            %add3A_1057 = arith.addf %add3A_997, %mul3A_1056 : vector<16xf32>
            %add3A_1058 = arith.constant 14 : i32
            %add3A_1059 = arith.addi %mul3A_176, %add3A_1058 : i32
            %get3A_1060 = arith.index_cast %add3A_1059 : i32 to index
            %get3A_1061 = arith.constant 48 : index
            %get3A_1062 = tpu.vector_load %arg7[%get3A_1060, %get3A_1061] {strides = array<i32>} : memref<128x128xf32, #tpu.memory_space<vmem>>, vector<16xf32>,
            %mul3A_1063 = arith.mulf %get3A_1062, %gather3A_1036 : vector<16xf32>
            %add3A_1064 = arith.addf %add3A_1004, %mul3A_1063 : vector<16xf32>
            %add3A_1065 = arith.constant 14 : i32
            %add3A_1066 = arith.addi %mul3A_176, %add3A_1065 : i32
            %get3A_1067 = arith.index_cast %add3A_1066 : i32 to index
            %get3A_1068 = arith.constant 64 : index
            %get3A_1069 = tpu.vector_load %arg7[%get3A_1067, %get3A_1068] {strides = array<i32>} : memref<128x128xf32, #tpu.memory_space<vmem>>, vector<16xf32>,
            %mul3A_1070 = arith.mulf %get3A_1069, %gather3A_1036 : vector<16xf32>
            %add3A_1071 = arith.addf %add3A_1011, %mul3A_1070 : vector<16xf32>
            %add3A_1072 = arith.constant 14 : i32
            %add3A_1073 = arith.addi %mul3A_176, %add3A_1072 : i32
            %get3A_1074 = arith.index_cast %add3A_1073 : i32 to index
            %get3A_1075 = arith.constant 80 : index
            %get3A_1076 = tpu.vector_load %arg7[%get3A_1074, %get3A_1075] {strides = array<i32>} : memref<128x128xf32, #tpu.memory_space<vmem>>, vector<16xf32>,
            %mul3A_1077 = arith.mulf %get3A_1076, %gather3A_1036 : vector<16xf32>
            %add3A_1078 = arith.addf %add3A_1018, %mul3A_1077 : vector<16xf32>
            %add3A_1079 = arith.constant 14 : i32
            %add3A_1080 = arith.addi %mul3A_176, %add3A_1079 : i32
            %get3A_1081 = arith.index_cast %add3A_1080 : i32 to index
            %get3A_1082 = arith.constant 96 : index
            %get3A_1083 = tpu.vector_load %arg7[%get3A_1081, %get3A_1082] {strides = array<i32>} : memref<128x128xf32, #tpu.memory_space<vmem>>, vector<16xf32>,
            %mul3A_1084 = arith.mulf %get3A_1083, %gather3A_1036 : vector<16xf32>
            %add3A_1085 = arith.addf %add3A_1025, %mul3A_1084 : vector<16xf32>
            %add3A_1086 = arith.constant 14 : i32
            %add3A_1087 = arith.addi %mul3A_176, %add3A_1086 : i32
            %get3A_1088 = arith.index_cast %add3A_1087 : i32 to index
            %get3A_1089 = arith.constant 112 : index
            %get3A_1090 = tpu.vector_load %arg7[%get3A_1088, %get3A_1089] {strides = array<i32>} : memref<128x128xf32, #tpu.memory_space<vmem>>, vector<16xf32>,
            %mul3A_1091 = arith.mulf %get3A_1090, %gather3A_1036 : vector<16xf32>
            %add3A_1092 = arith.addf %add3A_1032, %mul3A_1091 : vector<16xf32>
            %add3A_1093 = arith.constant 15 : i32
            %add3A_1094 = arith.addi %mul3A_176, %add3A_1093 : i32
            %broadcast_in_dim3A_1095 = vector.broadcast %add3A_1094 : i32 to vector<16xi32>
            %gather3A_1096 = tpu.vector_load_idx %arg9[%broadcast_in_dim3A_158, %broadcast_in_dim3A_1095] : memref<25x128xf32, #tpu.memory_space<vmem>>[vector<16xi32>, vector<16xi32>], vector<16xf32>,
            %add3A_1097 = arith.constant 15 : i32
            %add3A_1098 = arith.addi %mul3A_176, %add3A_1097 : i32
            %get3A_1099 = arith.index_cast %add3A_1098 : i32 to index
            %get3A_1100 = arith.constant 0 : index
            %get3A_1101 = tpu.vector_load %arg7[%get3A_1099, %get3A_1100] {strides = array<i32>} : memref<128x128xf32, #tpu.memory_space<vmem>>, vector<16xf32>,
            %mul3A_1102 = arith.mulf %get3A_1101, %gather3A_1096 : vector<16xf32>
            %add3A_1103 = arith.addf %add3A_1043, %mul3A_1102 : vector<16xf32>
            %add3A_1104 = arith.constant 15 : i32
            %add3A_1105 = arith.addi %mul3A_176, %add3A_1104 : i32
            %get3A_1106 = arith.index_cast %add3A_1105 : i32 to index
            %get3A_1107 = arith.constant 16 : index
            %get3A_1108 = tpu.vector_load %arg7[%get3A_1106, %get3A_1107] {strides = array<i32>} : memref<128x128xf32, #tpu.memory_space<vmem>>, vector<16xf32>,
            %mul3A_1109 = arith.mulf %get3A_1108, %gather3A_1096 : vector<16xf32>
            %add3A_1110 = arith.addf %add3A_1050, %mul3A_1109 : vector<16xf32>
            %add3A_1111 = arith.constant 15 : i32
            %add3A_1112 = arith.addi %mul3A_176, %add3A_1111 : i32
            %get3A_1113 = arith.index_cast %add3A_1112 : i32 to index
            %get3A_1114 = arith.constant 32 : index
            %get3A_1115 = tpu.vector_load %arg7[%get3A_1113, %get3A_1114] {strides = array<i32>} : memref<128x128xf32, #tpu.memory_space<vmem>>, vector<16xf32>,
            %mul3A_1116 = arith.mulf %get3A_1115, %gather3A_1096 : vector<16xf32>
            %add3A_1117 = arith.addf %add3A_1057, %mul3A_1116 : vector<16xf32>
            %add3A_1118 = arith.constant 15 : i32
            %add3A_1119 = arith.addi %mul3A_176, %add3A_1118 : i32
            %get3A_1120 = arith.index_cast %add3A_1119 : i32 to index
            %get3A_1121 = arith.constant 48 : index
            %get3A_1122 = tpu.vector_load %arg7[%get3A_1120, %get3A_1121] {strides = array<i32>} : memref<128x128xf32, #tpu.memory_space<vmem>>, vector<16xf32>,
            %mul3A_1123 = arith.mulf %get3A_1122, %gather3A_1096 : vector<16xf32>
            %add3A_1124 = arith.addf %add3A_1064, %mul3A_1123 : vector<16xf32>
            %add3A_1125 = arith.constant 15 : i32
            %add3A_1126 = arith.addi %mul3A_176, %add3A_1125 : i32
            %get3A_1127 = arith.index_cast %add3A_1126 : i32 to index
            %get3A_1128 = arith.constant 64 : index
            %get3A_1129 = tpu.vector_load %arg7[%get3A_1127, %get3A_1128] {strides = array<i32>} : memref<128x128xf32, #tpu.memory_space<vmem>>, vector<16xf32>,
            %mul3A_1130 = arith.mulf %get3A_1129, %gather3A_1096 : vector<16xf32>
            %add3A_1131 = arith.addf %add3A_1071, %mul3A_1130 : vector<16xf32>
            %add3A_1132 = arith.constant 15 : i32
            %add3A_1133 = arith.addi %mul3A_176, %add3A_1132 : i32
            %get3A_1134 = arith.index_cast %add3A_1133 : i32 to index
            %get3A_1135 = arith.constant 80 : index
            %get3A_1136 = tpu.vector_load %arg7[%get3A_1134, %get3A_1135] {strides = array<i32>} : memref<128x128xf32, #tpu.memory_space<vmem>>, vector<16xf32>,
            %mul3A_1137 = arith.mulf %get3A_1136, %gather3A_1096 : vector<16xf32>
            %add3A_1138 = arith.addf %add3A_1078, %mul3A_1137 : vector<16xf32>
            %add3A_1139 = arith.constant 15 : i32
            %add3A_1140 = arith.addi %mul3A_176, %add3A_1139 : i32
            %get3A_1141 = arith.index_cast %add3A_1140 : i32 to index
            %get3A_1142 = arith.constant 96 : index
            %get3A_1143 = tpu.vector_load %arg7[%get3A_1141, %get3A_1142] {strides = array<i32>} : memref<128x128xf32, #tpu.memory_space<vmem>>, vector<16xf32>,
            %mul3A_1144 = arith.mulf %get3A_1143, %gather3A_1096 : vector<16xf32>
            %add3A_1145 = arith.addf %add3A_1085, %mul3A_1144 : vector<16xf32>
            %add3A_1146 = arith.constant 15 : i32
            %add3A_1147 = arith.addi %mul3A_176, %add3A_1146 : i32
            %get3A_1148 = arith.index_cast %add3A_1147 : i32 to index
            %get3A_1149 = arith.constant 112 : index
            %get3A_1150 = tpu.vector_load %arg7[%get3A_1148, %get3A_1149] {strides = array<i32>} : memref<128x128xf32, #tpu.memory_space<vmem>>, vector<16xf32>,
            %mul3A_1151 = arith.mulf %get3A_1150, %gather3A_1096 : vector<16xf32>
            %add3A_1152 = arith.addf %add3A_1092, %mul3A_1151 : vector<16xf32>
            scf.yield %add3A_1103, %add3A_1110, %add3A_1117, %add3A_1124, %add3A_1131, %add3A_1138, %add3A_1145, %add3A_1152, %scan3A_174 : vector<16xf32>, vector<16xf32>, vector<16xf32>, vector<16xf32>, vector<16xf32>, vector<16xf32>, vector<16xf32>, vector<16xf32>, vector<16xi32>
          } else {
            %add3A_194 = arith.constant 16 : i32
            %add3A_195 = arith.addi %mul3A_176, %add3A_194 : i32
            %while3A = arith.subi %add3A_195, %mul3A_176 : i32
            %while3A_196 = arith.addi %mul3A_176, %while3A : i32
            %while3A_197 = arith.constant 1 : i32
            %while3A_198 = arith.divsi %while3A, %while3A_197 : i32
            %while3A_199 = arith.muli %while3A_198, %while3A_197 : i32
            %while3A_200 = arith.addi %mul3A_176, %while3A_199 : i32
            %while3A_201 = arith.constant 1 : i32
            %while3A_202:9 = scf.for %while3A_205 = %mul3A_176 to %while3A_200 step %while3A_201 iter_args(%while3A_206 = %scan3A_166, %while3A_207 = %scan3A_167, %while3A_208 = %scan3A_168, %while3A_209 = %scan3A_169, %while3A_210 = %scan3A_170, %while3A_211 = %scan3A_171, %while3A_212 = %scan3A_172, %while3A_213 = %scan3A_173, %while3A_214 = %scan3A_174) -> (vector<16xf32>, vector<16xf32>, vector<16xf32>, vector<16xf32>, vector<16xf32>, vector<16xf32>, vector<16xf32>, vector<16xf32>, vector<16xi32>)  : i32 {
              %broadcast_in_dim3A_215 = vector.broadcast %while3A_205 : i32 to vector<16xi32>
              %gather3A = tpu.vector_load_idx %arg9[%broadcast_in_dim3A_158, %broadcast_in_dim3A_215] : memref<25x128xf32, #tpu.memory_space<vmem>>[vector<16xi32>, vector<16xi32>], vector<16xf32>,
              %gather3A_216 = tpu.vector_load_idx %arg10[%broadcast_in_dim3A_158, %broadcast_in_dim3A_215] : memref<25x128xi32, #tpu.memory_space<vmem>>[vector<16xi32>, vector<16xi32>], vector<16xi32>,
              %eq3A_217 = arith.cmpi eq, %gather3A_216, %while3A_214 : vector<16xi32>
              %reduce_and3A_218 = arith.constant 1.000000e+00 : f32
              %reduce_and3A_219 = arith.constant 0.000000e+00 : f32
              %reduce_and3A_220 = vector.broadcast %reduce_and3A_218 : f32 to vector<16xf32>
              %reduce_and3A_221 = vector.broadcast %reduce_and3A_219 : f32 to vector<16xf32>
              %reduce_and3A_222 = arith.select %eq3A_217, %reduce_and3A_220, %reduce_and3A_221 : vector<16xi1>, vector<16xf32>
              %reduce_and3A_223 = arith.constant true
              %reduce_and3A_224 = vector.broadcast %reduce_and3A_223 : i1 to vector<16xi1>
              %reduce_and3A_225 = tpu.scan <min>, %reduce_and3A_222 masked %reduce_and3A_224 : vector<16xf32>, vector<16xi1> -> vector<16xf32>
              %reduce_and3A_226 = vector.extract %reduce_and3A_225[15] : f32 from vector<16xf32>
              %reduce_and3A_227 = arith.constant 0.000000e+00 : f32
              %reduce_and3A_228 = arith.cmpf ogt, %reduce_and3A_226, %reduce_and3A_227 : f32
              %convert_element_type3A_229 = arith.extui %reduce_and3A_228 : i1 to i32
              %cond3A_230 = arith.constant 0 : i32
              %cond3A_231 = arith.cmpi ne, %convert_element_type3A_229, %cond3A_230 : i32
              %cond3A_232:8 = scf.if %cond3A_231 -> (vector<16xf32>, vector<16xf32>, vector<16xf32>, vector<16xf32>, vector<16xf32>, vector<16xf32>, vector<16xf32>, vector<16xf32>) {
                scf.yield %while3A_206, %while3A_207, %while3A_208, %while3A_209, %while3A_210, %while3A_211, %while3A_212, %while3A_213 : vector<16xf32>, vector<16xf32>, vector<16xf32>, vector<16xf32>, vector<16xf32>, vector<16xf32>, vector<16xf32>, vector<16xf32>
              } else {
                %add3A_273 = arith.constant 0 : i32
                %add3A_274 = vector.broadcast %add3A_273 : i32 to vector<16xi32>
                %add3A_275 = arith.addi %iota3A, %add3A_274 : vector<16xi32>
                tpu.vector_store_idx %arg6[%while3A_214, %add3A_275], %while3A_206 {add = true} : memref<512x128xf32, #tpu.memory_space<vmem>>[vector<16xi32>, vector<16xi32>], vector<16xf32>,
                %add3A_276 = arith.constant 16 : i32
                %add3A_277 = vector.broadcast %add3A_276 : i32 to vector<16xi32>
                %add3A_278 = arith.addi %iota3A, %add3A_277 : vector<16xi32>
                tpu.vector_store_idx %arg6[%while3A_214, %add3A_278], %while3A_207 {add = true} : memref<512x128xf32, #tpu.memory_space<vmem>>[vector<16xi32>, vector<16xi32>], vector<16xf32>,
                %add3A_279 = arith.constant 32 : i32
                %add3A_280 = vector.broadcast %add3A_279 : i32 to vector<16xi32>
                %add3A_281 = arith.addi %iota3A, %add3A_280 : vector<16xi32>
                tpu.vector_store_idx %arg6[%while3A_214, %add3A_281], %while3A_208 {add = true} : memref<512x128xf32, #tpu.memory_space<vmem>>[vector<16xi32>, vector<16xi32>], vector<16xf32>,
                %add3A_282 = arith.constant 48 : i32
                %add3A_283 = vector.broadcast %add3A_282 : i32 to vector<16xi32>
                %add3A_284 = arith.addi %iota3A, %add3A_283 : vector<16xi32>
                tpu.vector_store_idx %arg6[%while3A_214, %add3A_284], %while3A_209 {add = true} : memref<512x128xf32, #tpu.memory_space<vmem>>[vector<16xi32>, vector<16xi32>], vector<16xf32>,
                %add3A_285 = arith.constant 64 : i32
                %add3A_286 = vector.broadcast %add3A_285 : i32 to vector<16xi32>
                %add3A_287 = arith.addi %iota3A, %add3A_286 : vector<16xi32>
                tpu.vector_store_idx %arg6[%while3A_214, %add3A_287], %while3A_210 {add = true} : memref<512x128xf32, #tpu.memory_space<vmem>>[vector<16xi32>, vector<16xi32>], vector<16xf32>,
                %add3A_288 = arith.constant 80 : i32
                %add3A_289 = vector.broadcast %add3A_288 : i32 to vector<16xi32>
                %add3A_290 = arith.addi %iota3A, %add3A_289 : vector<16xi32>
                tpu.vector_store_idx %arg6[%while3A_214, %add3A_290], %while3A_211 {add = true} : memref<512x128xf32, #tpu.memory_space<vmem>>[vector<16xi32>, vector<16xi32>], vector<16xf32>,
                %add3A_291 = arith.constant 96 : i32
                %add3A_292 = vector.broadcast %add3A_291 : i32 to vector<16xi32>
                %add3A_293 = arith.addi %iota3A, %add3A_292 : vector<16xi32>
                tpu.vector_store_idx %arg6[%while3A_214, %add3A_293], %while3A_212 {add = true} : memref<512x128xf32, #tpu.memory_space<vmem>>[vector<16xi32>, vector<16xi32>], vector<16xf32>,
                %add3A_294 = arith.constant 112 : i32
                %add3A_295 = vector.broadcast %add3A_294 : i32 to vector<16xi32>
                %add3A_296 = arith.addi %iota3A, %add3A_295 : vector<16xi32>
                tpu.vector_store_idx %arg6[%while3A_214, %add3A_296], %while3A_213 {add = true} : memref<512x128xf32, #tpu.memory_space<vmem>>[vector<16xi32>, vector<16xi32>], vector<16xf32>,
                scf.yield %broadcast_in_dim3A_23, %broadcast_in_dim3A_25, %broadcast_in_dim3A_27, %broadcast_in_dim3A_29, %broadcast_in_dim3A_31, %broadcast_in_dim3A_33, %broadcast_in_dim3A_35, %broadcast_in_dim3A_37 : vector<16xf32>, vector<16xf32>, vector<16xf32>, vector<16xf32>, vector<16xf32>, vector<16xf32>, vector<16xf32>, vector<16xf32>
              }
              %get3A_233 = arith.index_cast %while3A_205 : i32 to index
              %get3A_234 = arith.constant 0 : index
              %get3A_235 = tpu.vector_load %arg7[%get3A_233, %get3A_234] {strides = array<i32>} : memref<128x128xf32, #tpu.memory_space<vmem>>, vector<16xf32>,
              %mul3A_236 = arith.mulf %get3A_235, %gather3A : vector<16xf32>
              %add3A_237 = arith.addf %cond3A_232#0, %mul3A_236 : vector<16xf32>
              %get3A_238 = arith.index_cast %while3A_205 : i32 to index
              %get3A_239 = arith.constant 16 : index
              %get3A_240 = tpu.vector_load %arg7[%get3A_238, %get3A_239] {strides = array<i32>} : memref<128x128xf32, #tpu.memory_space<vmem>>, vector<16xf32>,
              %mul3A_241 = arith.mulf %get3A_240, %gather3A : vector<16xf32>
              %add3A_242 = arith.addf %cond3A_232#1, %mul3A_241 : vector<16xf32>
              %get3A_243 = arith.index_cast %while3A_205 : i32 to index
              %get3A_244 = arith.constant 32 : index
              %get3A_245 = tpu.vector_load %arg7[%get3A_243, %get3A_244] {strides = array<i32>} : memref<128x128xf32, #tpu.memory_space<vmem>>, vector<16xf32>,
              %mul3A_246 = arith.mulf %get3A_245, %gather3A : vector<16xf32>
              %add3A_247 = arith.addf %cond3A_232#2, %mul3A_246 : vector<16xf32>
              %get3A_248 = arith.index_cast %while3A_205 : i32 to index
              %get3A_249 = arith.constant 48 : index
              %get3A_250 = tpu.vector_load %arg7[%get3A_248, %get3A_249] {strides = array<i32>} : memref<128x128xf32, #tpu.memory_space<vmem>>, vector<16xf32>,
              %mul3A_251 = arith.mulf %get3A_250, %gather3A : vector<16xf32>
              %add3A_252 = arith.addf %cond3A_232#3, %mul3A_251 : vector<16xf32>
              %get3A_253 = arith.index_cast %while3A_205 : i32 to index
              %get3A_254 = arith.constant 64 : index
              %get3A_255 = tpu.vector_load %arg7[%get3A_253, %get3A_254] {strides = array<i32>} : memref<128x128xf32, #tpu.memory_space<vmem>>, vector<16xf32>,
              %mul3A_256 = arith.mulf %get3A_255, %gather3A : vector<16xf32>
              %add3A_257 = arith.addf %cond3A_232#4, %mul3A_256 : vector<16xf32>
              %get3A_258 = arith.index_cast %while3A_205 : i32 to index
              %get3A_259 = arith.constant 80 : index
              %get3A_260 = tpu.vector_load %arg7[%get3A_258, %get3A_259] {strides = array<i32>} : memref<128x128xf32, #tpu.memory_space<vmem>>, vector<16xf32>,
              %mul3A_261 = arith.mulf %get3A_260, %gather3A : vector<16xf32>
              %add3A_262 = arith.addf %cond3A_232#5, %mul3A_261 : vector<16xf32>
              %get3A_263 = arith.index_cast %while3A_205 : i32 to index
              %get3A_264 = arith.constant 96 : index
              %get3A_265 = tpu.vector_load %arg7[%get3A_263, %get3A_264] {strides = array<i32>} : memref<128x128xf32, #tpu.memory_space<vmem>>, vector<16xf32>,
              %mul3A_266 = arith.mulf %get3A_265, %gather3A : vector<16xf32>
              %add3A_267 = arith.addf %cond3A_232#6, %mul3A_266 : vector<16xf32>
              %get3A_268 = arith.index_cast %while3A_205 : i32 to index
              %get3A_269 = arith.constant 112 : index
              %get3A_270 = tpu.vector_load %arg7[%get3A_268, %get3A_269] {strides = array<i32>} : memref<128x128xf32, #tpu.memory_space<vmem>>, vector<16xf32>,
              %mul3A_271 = arith.mulf %get3A_270, %gather3A : vector<16xf32>
              %add3A_272 = arith.addf %cond3A_232#7, %mul3A_271 : vector<16xf32>
              scf.yield %add3A_237, %add3A_242, %add3A_247, %add3A_252, %add3A_257, %add3A_262, %add3A_267, %add3A_272, %gather3A_216 : vector<16xf32>, vector<16xf32>, vector<16xf32>, vector<16xf32>, vector<16xf32>, vector<16xf32>, vector<16xf32>, vector<16xf32>, vector<16xi32>
            }
            %while3A_203 = arith.constant 1 : i32
            %while3A_204:9 = scf.for %while3A_205 = %while3A_200 to %while3A_196 step %while3A_203 iter_args(%while3A_206 = %while3A_202#0, %while3A_207 = %while3A_202#1, %while3A_208 = %while3A_202#2, %while3A_209 = %while3A_202#3, %while3A_210 = %while3A_202#4, %while3A_211 = %while3A_202#5, %while3A_212 = %while3A_202#6, %while3A_213 = %while3A_202#7, %while3A_214 = %while3A_202#8) -> (vector<16xf32>, vector<16xf32>, vector<16xf32>, vector<16xf32>, vector<16xf32>, vector<16xf32>, vector<16xf32>, vector<16xf32>, vector<16xi32>)  : i32 {
              %broadcast_in_dim3A_215 = vector.broadcast %while3A_205 : i32 to vector<16xi32>
              %gather3A = tpu.vector_load_idx %arg9[%broadcast_in_dim3A_158, %broadcast_in_dim3A_215] : memref<25x128xf32, #tpu.memory_space<vmem>>[vector<16xi32>, vector<16xi32>], vector<16xf32>,
              %gather3A_216 = tpu.vector_load_idx %arg10[%broadcast_in_dim3A_158, %broadcast_in_dim3A_215] : memref<25x128xi32, #tpu.memory_space<vmem>>[vector<16xi32>, vector<16xi32>], vector<16xi32>,
              %eq3A_217 = arith.cmpi eq, %gather3A_216, %while3A_214 : vector<16xi32>
              %reduce_and3A_218 = arith.constant 1.000000e+00 : f32
              %reduce_and3A_219 = arith.constant 0.000000e+00 : f32
              %reduce_and3A_220 = vector.broadcast %reduce_and3A_218 : f32 to vector<16xf32>
              %reduce_and3A_221 = vector.broadcast %reduce_and3A_219 : f32 to vector<16xf32>
              %reduce_and3A_222 = arith.select %eq3A_217, %reduce_and3A_220, %reduce_and3A_221 : vector<16xi1>, vector<16xf32>
              %reduce_and3A_223 = arith.constant true
              %reduce_and3A_224 = vector.broadcast %reduce_and3A_223 : i1 to vector<16xi1>
              %reduce_and3A_225 = tpu.scan <min>, %reduce_and3A_222 masked %reduce_and3A_224 : vector<16xf32>, vector<16xi1> -> vector<16xf32>
              %reduce_and3A_226 = vector.extract %reduce_and3A_225[15] : f32 from vector<16xf32>
              %reduce_and3A_227 = arith.constant 0.000000e+00 : f32
              %reduce_and3A_228 = arith.cmpf ogt, %reduce_and3A_226, %reduce_and3A_227 : f32
              %convert_element_type3A_229 = arith.extui %reduce_and3A_228 : i1 to i32
              %cond3A_230 = arith.constant 0 : i32
              %cond3A_231 = arith.cmpi ne, %convert_element_type3A_229, %cond3A_230 : i32
              %cond3A_232:8 = scf.if %cond3A_231 -> (vector<16xf32>, vector<16xf32>, vector<16xf32>, vector<16xf32>, vector<16xf32>, vector<16xf32>, vector<16xf32>, vector<16xf32>) {
                scf.yield %while3A_206, %while3A_207, %while3A_208, %while3A_209, %while3A_210, %while3A_211, %while3A_212, %while3A_213 : vector<16xf32>, vector<16xf32>, vector<16xf32>, vector<16xf32>, vector<16xf32>, vector<16xf32>, vector<16xf32>, vector<16xf32>
              } else {
                %add3A_273 = arith.constant 0 : i32
                %add3A_274 = vector.broadcast %add3A_273 : i32 to vector<16xi32>
                %add3A_275 = arith.addi %iota3A, %add3A_274 : vector<16xi32>
                tpu.vector_store_idx %arg6[%while3A_214, %add3A_275], %while3A_206 {add = true} : memref<512x128xf32, #tpu.memory_space<vmem>>[vector<16xi32>, vector<16xi32>], vector<16xf32>,
                %add3A_276 = arith.constant 16 : i32
                %add3A_277 = vector.broadcast %add3A_276 : i32 to vector<16xi32>
                %add3A_278 = arith.addi %iota3A, %add3A_277 : vector<16xi32>
                tpu.vector_store_idx %arg6[%while3A_214, %add3A_278], %while3A_207 {add = true} : memref<512x128xf32, #tpu.memory_space<vmem>>[vector<16xi32>, vector<16xi32>], vector<16xf32>,
                %add3A_279 = arith.constant 32 : i32
                %add3A_280 = vector.broadcast %add3A_279 : i32 to vector<16xi32>
                %add3A_281 = arith.addi %iota3A, %add3A_280 : vector<16xi32>
                tpu.vector_store_idx %arg6[%while3A_214, %add3A_281], %while3A_208 {add = true} : memref<512x128xf32, #tpu.memory_space<vmem>>[vector<16xi32>, vector<16xi32>], vector<16xf32>,
                %add3A_282 = arith.constant 48 : i32
                %add3A_283 = vector.broadcast %add3A_282 : i32 to vector<16xi32>
                %add3A_284 = arith.addi %iota3A, %add3A_283 : vector<16xi32>
                tpu.vector_store_idx %arg6[%while3A_214, %add3A_284], %while3A_209 {add = true} : memref<512x128xf32, #tpu.memory_space<vmem>>[vector<16xi32>, vector<16xi32>], vector<16xf32>,
                %add3A_285 = arith.constant 64 : i32
                %add3A_286 = vector.broadcast %add3A_285 : i32 to vector<16xi32>
                %add3A_287 = arith.addi %iota3A, %add3A_286 : vector<16xi32>
                tpu.vector_store_idx %arg6[%while3A_214, %add3A_287], %while3A_210 {add = true} : memref<512x128xf32, #tpu.memory_space<vmem>>[vector<16xi32>, vector<16xi32>], vector<16xf32>,
                %add3A_288 = arith.constant 80 : i32
                %add3A_289 = vector.broadcast %add3A_288 : i32 to vector<16xi32>
                %add3A_290 = arith.addi %iota3A, %add3A_289 : vector<16xi32>
                tpu.vector_store_idx %arg6[%while3A_214, %add3A_290], %while3A_211 {add = true} : memref<512x128xf32, #tpu.memory_space<vmem>>[vector<16xi32>, vector<16xi32>], vector<16xf32>,
                %add3A_291 = arith.constant 96 : i32
                %add3A_292 = vector.broadcast %add3A_291 : i32 to vector<16xi32>
                %add3A_293 = arith.addi %iota3A, %add3A_292 : vector<16xi32>
                tpu.vector_store_idx %arg6[%while3A_214, %add3A_293], %while3A_212 {add = true} : memref<512x128xf32, #tpu.memory_space<vmem>>[vector<16xi32>, vector<16xi32>], vector<16xf32>,
                %add3A_294 = arith.constant 112 : i32
                %add3A_295 = vector.broadcast %add3A_294 : i32 to vector<16xi32>
                %add3A_296 = arith.addi %iota3A, %add3A_295 : vector<16xi32>
                tpu.vector_store_idx %arg6[%while3A_214, %add3A_296], %while3A_213 {add = true} : memref<512x128xf32, #tpu.memory_space<vmem>>[vector<16xi32>, vector<16xi32>], vector<16xf32>,
                scf.yield %broadcast_in_dim3A_23, %broadcast_in_dim3A_25, %broadcast_in_dim3A_27, %broadcast_in_dim3A_29, %broadcast_in_dim3A_31, %broadcast_in_dim3A_33, %broadcast_in_dim3A_35, %broadcast_in_dim3A_37 : vector<16xf32>, vector<16xf32>, vector<16xf32>, vector<16xf32>, vector<16xf32>, vector<16xf32>, vector<16xf32>, vector<16xf32>
              }
              %get3A_233 = arith.index_cast %while3A_205 : i32 to index
              %get3A_234 = arith.constant 0 : index
              %get3A_235 = tpu.vector_load %arg7[%get3A_233, %get3A_234] {strides = array<i32>} : memref<128x128xf32, #tpu.memory_space<vmem>>, vector<16xf32>,
              %mul3A_236 = arith.mulf %get3A_235, %gather3A : vector<16xf32>
              %add3A_237 = arith.addf %cond3A_232#0, %mul3A_236 : vector<16xf32>
              %get3A_238 = arith.index_cast %while3A_205 : i32 to index
              %get3A_239 = arith.constant 16 : index
              %get3A_240 = tpu.vector_load %arg7[%get3A_238, %get3A_239] {strides = array<i32>} : memref<128x128xf32, #tpu.memory_space<vmem>>, vector<16xf32>,
              %mul3A_241 = arith.mulf %get3A_240, %gather3A : vector<16xf32>
              %add3A_242 = arith.addf %cond3A_232#1, %mul3A_241 : vector<16xf32>
              %get3A_243 = arith.index_cast %while3A_205 : i32 to index
              %get3A_244 = arith.constant 32 : index
              %get3A_245 = tpu.vector_load %arg7[%get3A_243, %get3A_244] {strides = array<i32>} : memref<128x128xf32, #tpu.memory_space<vmem>>, vector<16xf32>,
              %mul3A_246 = arith.mulf %get3A_245, %gather3A : vector<16xf32>
              %add3A_247 = arith.addf %cond3A_232#2, %mul3A_246 : vector<16xf32>
              %get3A_248 = arith.index_cast %while3A_205 : i32 to index
              %get3A_249 = arith.constant 48 : index
              %get3A_250 = tpu.vector_load %arg7[%get3A_248, %get3A_249] {strides = array<i32>} : memref<128x128xf32, #tpu.memory_space<vmem>>, vector<16xf32>,
              %mul3A_251 = arith.mulf %get3A_250, %gather3A : vector<16xf32>
              %add3A_252 = arith.addf %cond3A_232#3, %mul3A_251 : vector<16xf32>
              %get3A_253 = arith.index_cast %while3A_205 : i32 to index
              %get3A_254 = arith.constant 64 : index
              %get3A_255 = tpu.vector_load %arg7[%get3A_253, %get3A_254] {strides = array<i32>} : memref<128x128xf32, #tpu.memory_space<vmem>>, vector<16xf32>,
              %mul3A_256 = arith.mulf %get3A_255, %gather3A : vector<16xf32>
              %add3A_257 = arith.addf %cond3A_232#4, %mul3A_256 : vector<16xf32>
              %get3A_258 = arith.index_cast %while3A_205 : i32 to index
              %get3A_259 = arith.constant 80 : index
              %get3A_260 = tpu.vector_load %arg7[%get3A_258, %get3A_259] {strides = array<i32>} : memref<128x128xf32, #tpu.memory_space<vmem>>, vector<16xf32>,
              %mul3A_261 = arith.mulf %get3A_260, %gather3A : vector<16xf32>
              %add3A_262 = arith.addf %cond3A_232#5, %mul3A_261 : vector<16xf32>
              %get3A_263 = arith.index_cast %while3A_205 : i32 to index
              %get3A_264 = arith.constant 96 : index
              %get3A_265 = tpu.vector_load %arg7[%get3A_263, %get3A_264] {strides = array<i32>} : memref<128x128xf32, #tpu.memory_space<vmem>>, vector<16xf32>,
              %mul3A_266 = arith.mulf %get3A_265, %gather3A : vector<16xf32>
              %add3A_267 = arith.addf %cond3A_232#6, %mul3A_266 : vector<16xf32>
              %get3A_268 = arith.index_cast %while3A_205 : i32 to index
              %get3A_269 = arith.constant 112 : index
              %get3A_270 = tpu.vector_load %arg7[%get3A_268, %get3A_269] {strides = array<i32>} : memref<128x128xf32, #tpu.memory_space<vmem>>, vector<16xf32>,
              %mul3A_271 = arith.mulf %get3A_270, %gather3A : vector<16xf32>
              %add3A_272 = arith.addf %cond3A_232#7, %mul3A_271 : vector<16xf32>
              scf.yield %add3A_237, %add3A_242, %add3A_247, %add3A_252, %add3A_257, %add3A_262, %add3A_267, %add3A_272, %gather3A_216 : vector<16xf32>, vector<16xf32>, vector<16xf32>, vector<16xf32>, vector<16xf32>, vector<16xf32>, vector<16xf32>, vector<16xf32>, vector<16xi32>
            }
            scf.yield %while3A_204#0, %while3A_204#1, %while3A_204#2, %while3A_204#3, %while3A_204#4, %while3A_204#5, %while3A_204#6, %while3A_204#7, %while3A_204#8 : vector<16xf32>, vector<16xf32>, vector<16xf32>, vector<16xf32>, vector<16xf32>, vector<16xf32>, vector<16xf32>, vector<16xf32>, vector<16xi32>
          }
          scf.yield %cond3A_193#0, %cond3A_193#1, %cond3A_193#2, %cond3A_193#3, %cond3A_193#4, %cond3A_193#5, %cond3A_193#6, %cond3A_193#7, %cond3A_193#8 : vector<16xf32>, vector<16xf32>, vector<16xf32>, vector<16xf32>, vector<16xf32>, vector<16xf32>, vector<16xf32>, vector<16xf32>, vector<16xi32>
        }
        %scan3A_164 = arith.constant 8 : i32
        scf.yield %scan3A_163#0, %scan3A_163#1, %scan3A_163#2, %scan3A_163#3, %scan3A_163#4, %scan3A_163#5, %scan3A_163#6, %scan3A_163#7, %scan3A_163#8 : vector<16xf32>, vector<16xf32>, vector<16xf32>, vector<16xf32>, vector<16xf32>, vector<16xf32>, vector<16xf32>, vector<16xf32>, vector<16xi32>
      } else {
        scf.yield %scan3A_104, %scan3A_105, %scan3A_106, %scan3A_107, %scan3A_108, %scan3A_109, %scan3A_110, %scan3A_111, %scan3A_112 : vector<16xf32>, vector<16xf32>, vector<16xf32>, vector<16xf32>, vector<16xf32>, vector<16xf32>, vector<16xf32>, vector<16xf32>, vector<16xi32>
      }
      %add3A_125 = arith.constant 64 : i32
      %add3A_126 = arith.addi %add3A_119, %add3A_125 : i32
      %lt3A_127 = arith.constant 781 : i32
      %lt3A_128 = arith.cmpi slt, %add3A_126, %lt3A_127 : i32
      %convert_element_type3A_129 = arith.extui %lt3A_128 : i1 to i32
      %cond3A_130 = arith.constant 0 : i32
      %cond3A_131 = arith.cmpi ne, %convert_element_type3A_129, %cond3A_130 : i32
      scf.if %cond3A_131 {
        %mul3A_152 = arith.constant 128 : i32
        %mul3A_153 = arith.muli %add3A_126, %mul3A_152 : i32
        %dma_start3A_154 = arith.constant 0 : i32
        %dma_start3A_155 = tpu.memref_slice %arg2[%mul3A_153, %dma_start3A_154] : memref<100000x256xf32, #tpu.memory_space<hbm>> -> memref<128x128xf32, #tpu.memory_space<hbm>>
        %dma_start3A_156 = arith.constant 0 : i32
        %dma_start3A_157 = tpu.memref_slice %arg2[%mul3A_153, %dma_start3A_156] : memref<100000x256xf32, #tpu.memory_space<hbm>> -> memref<128x128xf32, #tpu.memory_space<hbm>>
        tpu.enqueue_dma source(%dma_start3A_157 : memref<128x128xf32, #tpu.memory_space<hbm>>) target(%arg7 : memref<128x128xf32, #tpu.memory_space<vmem>>) target_semaphore(%arg11 : memref<!tpu.dma_semaphore, #tpu.memory_space<semaphore_mem>>)
      } else {
      }
      %mul3A_132 = arith.constant 2 : i32
      %mul3A_133 = arith.muli %mul3A_132, %scan3A_103 : i32
      %add3A_134 = arith.constant 1 : i32
      %add3A_135 = arith.addi %mul3A_133, %add3A_134 : i32
      %mul3A_136 = arith.constant 32 : i32
      %mul3A_137 = arith.muli %mul3A_136, %add3A_135 : i32
      %add3A_138 = arith.addi %add3A, %mul3A_137 : i32
      %lt3A_139 = arith.constant 781 : i32
      %lt3A_140 = arith.cmpi slt, %add3A_138, %lt3A_139 : i32
      %convert_element_type3A_141 = arith.extui %lt3A_140 : i1 to i32
      %cond3A_142 = arith.constant 0 : i32
      %cond3A_143 = arith.cmpi ne, %convert_element_type3A_141, %cond3A_142 : i32
      %cond3A_144:9 = scf.if %cond3A_143 -> (vector<16xf32>, vector<16xf32>, vector<16xf32>, vector<16xf32>, vector<16xf32>, vector<16xf32>, vector<16xf32>, vector<16xf32>, vector<16xi32>) {
        %dma_wait3A_152 = arith.constant 0 : i32
        %dma_wait3A_153 = arith.constant 0 : i32
        %dma_wait3A_154 = tpu.memref_slice %arg2[%dma_wait3A_152, %dma_wait3A_153] : memref<100000x256xf32, #tpu.memory_space<hbm>> -> memref<128x128xf32, #tpu.memory_space<hbm>>
        %dma_wait3A_155 = arith.constant 0 : i32
        %dma_wait3A_156 = arith.constant 0 : i32
        %dma_wait3A_157 = tpu.memref_slice %arg2[%dma_wait3A_155, %dma_wait3A_156] : memref<100000x256xf32, #tpu.memory_space<hbm>> -> memref<128x128xf32, #tpu.memory_space<hbm>>
        tpu.wait_dma2 semaphore(%arg12 : memref<!tpu.dma_semaphore, #tpu.memory_space<semaphore_mem>>) src(%dma_wait3A_157 : memref<128x128xf32, #tpu.memory_space<hbm>>) dst(%arg8 : memref<128x128xf32, #tpu.memory_space<vmem>>)
        %broadcast_in_dim3A_158 = vector.broadcast %add3A_135 : i32 to vector<16xi32>
        %scan3A_159 = arith.constant 0 : i32
        %scan3A_160 = arith.constant 8 : i32
        %scan3A_161 = arith.addi %scan3A_159, %scan3A_160 : i32
        %scan3A_162 = arith.constant 1 : i32
        %scan3A_163:9 = scf.for %scan3A_165 = %scan3A_159 to %scan3A_161 step %scan3A_162 iter_args(%scan3A_166 = %cond3A_124#0, %scan3A_167 = %cond3A_124#1, %scan3A_168 = %cond3A_124#2, %scan3A_169 = %cond3A_124#3, %scan3A_170 = %cond3A_124#4, %scan3A_171 = %cond3A_124#5, %scan3A_172 = %cond3A_124#6, %scan3A_173 = %cond3A_124#7, %scan3A_174 = %cond3A_124#8) -> (vector<16xf32>, vector<16xf32>, vector<16xf32>, vector<16xf32>, vector<16xf32>, vector<16xf32>, vector<16xf32>, vector<16xf32>, vector<16xi32>)  : i32 {
          %mul3A_175 = arith.constant 16 : i32
          %mul3A_176 = arith.muli %scan3A_165, %mul3A_175 : i32
          %get3A = arith.index_cast %add3A_135 : i32 to index
          %get3A_177 = arith.index_cast %mul3A_176 : i32 to index
          %get3A_178 = tpu.vector_load %arg10[%get3A, %get3A_177] {strides = array<i32>} : memref<25x128xi32, #tpu.memory_space<vmem>>, vector<16xi32>,
          %eq3A_179 = arith.cmpi eq, %get3A_178, %scan3A_174 : vector<16xi32>
          %reduce_and3A = arith.constant 1.000000e+00 : f32
          %reduce_and3A_180 = arith.constant 0.000000e+00 : f32
          %reduce_and3A_181 = vector.broadcast %reduce_and3A : f32 to vector<16xf32>
          %reduce_and3A_182 = vector.broadcast %reduce_and3A_180 : f32 to vector<16xf32>
          %reduce_and3A_183 = arith.select %eq3A_179, %reduce_and3A_181, %reduce_and3A_182 : vector<16xi1>, vector<16xf32>
          %reduce_and3A_184 = arith.constant true
          %reduce_and3A_185 = vector.broadcast %reduce_and3A_184 : i1 to vector<16xi1>
          %reduce_and3A_186 = tpu.scan <min>, %reduce_and3A_183 masked %reduce_and3A_185 : vector<16xf32>, vector<16xi1> -> vector<16xf32>
          %reduce_and3A_187 = vector.extract %reduce_and3A_186[15] : f32 from vector<16xf32>
          %reduce_and3A_188 = arith.constant 0.000000e+00 : f32
          %reduce_and3A_189 = arith.cmpf ogt, %reduce_and3A_187, %reduce_and3A_188 : f32
          %convert_element_type3A_190 = arith.extui %reduce_and3A_189 : i1 to i32
          %cond3A_191 = arith.constant 0 : i32
          %cond3A_192 = arith.cmpi ne, %convert_element_type3A_190, %cond3A_191 : i32
          %cond3A_193:9 = scf.if %cond3A_192 -> (vector<16xf32>, vector<16xf32>, vector<16xf32>, vector<16xf32>, vector<16xf32>, vector<16xf32>, vector<16xf32>, vector<16xf32>, vector<16xi32>) {
            %add3A_194 = arith.constant 0 : i32
            %add3A_195 = arith.addi %mul3A_176, %add3A_194 : i32
            %broadcast_in_dim3A_196 = vector.broadcast %add3A_195 : i32 to vector<16xi32>
            %gather3A = tpu.vector_load_idx %arg9[%broadcast_in_dim3A_158, %broadcast_in_dim3A_196] : memref<25x128xf32, #tpu.memory_space<vmem>>[vector<16xi32>, vector<16xi32>], vector<16xf32>,
            %add3A_197 = arith.constant 0 : i32
            %add3A_198 = arith.addi %mul3A_176, %add3A_197 : i32
            %get3A_199 = arith.index_cast %add3A_198 : i32 to index
            %get3A_200 = arith.constant 0 : index
            %get3A_201 = tpu.vector_load %arg8[%get3A_199, %get3A_200] {strides = array<i32>} : memref<128x128xf32, #tpu.memory_space<vmem>>, vector<16xf32>,
            %mul3A_202 = arith.mulf %get3A_201, %gather3A : vector<16xf32>
            %add3A_203 = arith.addf %scan3A_166, %mul3A_202 : vector<16xf32>
            %add3A_204 = arith.constant 0 : i32
            %add3A_205 = arith.addi %mul3A_176, %add3A_204 : i32
            %get3A_206 = arith.index_cast %add3A_205 : i32 to index
            %get3A_207 = arith.constant 16 : index
            %get3A_208 = tpu.vector_load %arg8[%get3A_206, %get3A_207] {strides = array<i32>} : memref<128x128xf32, #tpu.memory_space<vmem>>, vector<16xf32>,
            %mul3A_209 = arith.mulf %get3A_208, %gather3A : vector<16xf32>
            %add3A_210 = arith.addf %scan3A_167, %mul3A_209 : vector<16xf32>
            %add3A_211 = arith.constant 0 : i32
            %add3A_212 = arith.addi %mul3A_176, %add3A_211 : i32
            %get3A_213 = arith.index_cast %add3A_212 : i32 to index
            %get3A_214 = arith.constant 32 : index
            %get3A_215 = tpu.vector_load %arg8[%get3A_213, %get3A_214] {strides = array<i32>} : memref<128x128xf32, #tpu.memory_space<vmem>>, vector<16xf32>,
            %mul3A_216 = arith.mulf %get3A_215, %gather3A : vector<16xf32>
            %add3A_217 = arith.addf %scan3A_168, %mul3A_216 : vector<16xf32>
            %add3A_218 = arith.constant 0 : i32
            %add3A_219 = arith.addi %mul3A_176, %add3A_218 : i32
            %get3A_220 = arith.index_cast %add3A_219 : i32 to index
            %get3A_221 = arith.constant 48 : index
            %get3A_222 = tpu.vector_load %arg8[%get3A_220, %get3A_221] {strides = array<i32>} : memref<128x128xf32, #tpu.memory_space<vmem>>, vector<16xf32>,
            %mul3A_223 = arith.mulf %get3A_222, %gather3A : vector<16xf32>
            %add3A_224 = arith.addf %scan3A_169, %mul3A_223 : vector<16xf32>
            %add3A_225 = arith.constant 0 : i32
            %add3A_226 = arith.addi %mul3A_176, %add3A_225 : i32
            %get3A_227 = arith.index_cast %add3A_226 : i32 to index
            %get3A_228 = arith.constant 64 : index
            %get3A_229 = tpu.vector_load %arg8[%get3A_227, %get3A_228] {strides = array<i32>} : memref<128x128xf32, #tpu.memory_space<vmem>>, vector<16xf32>,
            %mul3A_230 = arith.mulf %get3A_229, %gather3A : vector<16xf32>
            %add3A_231 = arith.addf %scan3A_170, %mul3A_230 : vector<16xf32>
            %add3A_232 = arith.constant 0 : i32
            %add3A_233 = arith.addi %mul3A_176, %add3A_232 : i32
            %get3A_234 = arith.index_cast %add3A_233 : i32 to index
            %get3A_235 = arith.constant 80 : index
            %get3A_236 = tpu.vector_load %arg8[%get3A_234, %get3A_235] {strides = array<i32>} : memref<128x128xf32, #tpu.memory_space<vmem>>, vector<16xf32>,
            %mul3A_237 = arith.mulf %get3A_236, %gather3A : vector<16xf32>
            %add3A_238 = arith.addf %scan3A_171, %mul3A_237 : vector<16xf32>
            %add3A_239 = arith.constant 0 : i32
            %add3A_240 = arith.addi %mul3A_176, %add3A_239 : i32
            %get3A_241 = arith.index_cast %add3A_240 : i32 to index
            %get3A_242 = arith.constant 96 : index
            %get3A_243 = tpu.vector_load %arg8[%get3A_241, %get3A_242] {strides = array<i32>} : memref<128x128xf32, #tpu.memory_space<vmem>>, vector<16xf32>,
            %mul3A_244 = arith.mulf %get3A_243, %gather3A : vector<16xf32>
            %add3A_245 = arith.addf %scan3A_172, %mul3A_244 : vector<16xf32>
            %add3A_246 = arith.constant 0 : i32
            %add3A_247 = arith.addi %mul3A_176, %add3A_246 : i32
            %get3A_248 = arith.index_cast %add3A_247 : i32 to index
            %get3A_249 = arith.constant 112 : index
            %get3A_250 = tpu.vector_load %arg8[%get3A_248, %get3A_249] {strides = array<i32>} : memref<128x128xf32, #tpu.memory_space<vmem>>, vector<16xf32>,
            %mul3A_251 = arith.mulf %get3A_250, %gather3A : vector<16xf32>
            %add3A_252 = arith.addf %scan3A_173, %mul3A_251 : vector<16xf32>
            %add3A_253 = arith.constant 1 : i32
            %add3A_254 = arith.addi %mul3A_176, %add3A_253 : i32
            %broadcast_in_dim3A_255 = vector.broadcast %add3A_254 : i32 to vector<16xi32>
            %gather3A_256 = tpu.vector_load_idx %arg9[%broadcast_in_dim3A_158, %broadcast_in_dim3A_255] : memref<25x128xf32, #tpu.memory_space<vmem>>[vector<16xi32>, vector<16xi32>], vector<16xf32>,
            %add3A_257 = arith.constant 1 : i32
            %add3A_258 = arith.addi %mul3A_176, %add3A_257 : i32
            %get3A_259 = arith.index_cast %add3A_258 : i32 to index
            %get3A_260 = arith.constant 0 : index
            %get3A_261 = tpu.vector_load %arg8[%get3A_259, %get3A_260] {strides = array<i32>} : memref<128x128xf32, #tpu.memory_space<vmem>>, vector<16xf32>,
            %mul3A_262 = arith.mulf %get3A_261, %gather3A_256 : vector<16xf32>
            %add3A_263 = arith.addf %add3A_203, %mul3A_262 : vector<16xf32>
            %add3A_264 = arith.constant 1 : i32
            %add3A_265 = arith.addi %mul3A_176, %add3A_264 : i32
            %get3A_266 = arith.index_cast %add3A_265 : i32 to index
            %get3A_267 = arith.constant 16 : index
            %get3A_268 = tpu.vector_load %arg8[%get3A_266, %get3A_267] {strides = array<i32>} : memref<128x128xf32, #tpu.memory_space<vmem>>, vector<16xf32>,
            %mul3A_269 = arith.mulf %get3A_268, %gather3A_256 : vector<16xf32>
            %add3A_270 = arith.addf %add3A_210, %mul3A_269 : vector<16xf32>
            %add3A_271 = arith.constant 1 : i32
            %add3A_272 = arith.addi %mul3A_176, %add3A_271 : i32
            %get3A_273 = arith.index_cast %add3A_272 : i32 to index
            %get3A_274 = arith.constant 32 : index
            %get3A_275 = tpu.vector_load %arg8[%get3A_273, %get3A_274] {strides = array<i32>} : memref<128x128xf32, #tpu.memory_space<vmem>>, vector<16xf32>,
            %mul3A_276 = arith.mulf %get3A_275, %gather3A_256 : vector<16xf32>
            %add3A_277 = arith.addf %add3A_217, %mul3A_276 : vector<16xf32>
            %add3A_278 = arith.constant 1 : i32
            %add3A_279 = arith.addi %mul3A_176, %add3A_278 : i32
            %get3A_280 = arith.index_cast %add3A_279 : i32 to index
            %get3A_281 = arith.constant 48 : index
            %get3A_282 = tpu.vector_load %arg8[%get3A_280, %get3A_281] {strides = array<i32>} : memref<128x128xf32, #tpu.memory_space<vmem>>, vector<16xf32>,
            %mul3A_283 = arith.mulf %get3A_282, %gather3A_256 : vector<16xf32>
            %add3A_284 = arith.addf %add3A_224, %mul3A_283 : vector<16xf32>
            %add3A_285 = arith.constant 1 : i32
            %add3A_286 = arith.addi %mul3A_176, %add3A_285 : i32
            %get3A_287 = arith.index_cast %add3A_286 : i32 to index
            %get3A_288 = arith.constant 64 : index
            %get3A_289 = tpu.vector_load %arg8[%get3A_287, %get3A_288] {strides = array<i32>} : memref<128x128xf32, #tpu.memory_space<vmem>>, vector<16xf32>,
            %mul3A_290 = arith.mulf %get3A_289, %gather3A_256 : vector<16xf32>
            %add3A_291 = arith.addf %add3A_231, %mul3A_290 : vector<16xf32>
            %add3A_292 = arith.constant 1 : i32
            %add3A_293 = arith.addi %mul3A_176, %add3A_292 : i32
            %get3A_294 = arith.index_cast %add3A_293 : i32 to index
            %get3A_295 = arith.constant 80 : index
            %get3A_296 = tpu.vector_load %arg8[%get3A_294, %get3A_295] {strides = array<i32>} : memref<128x128xf32, #tpu.memory_space<vmem>>, vector<16xf32>,
            %mul3A_297 = arith.mulf %get3A_296, %gather3A_256 : vector<16xf32>
            %add3A_298 = arith.addf %add3A_238, %mul3A_297 : vector<16xf32>
            %add3A_299 = arith.constant 1 : i32
            %add3A_300 = arith.addi %mul3A_176, %add3A_299 : i32
            %get3A_301 = arith.index_cast %add3A_300 : i32 to index
            %get3A_302 = arith.constant 96 : index
            %get3A_303 = tpu.vector_load %arg8[%get3A_301, %get3A_302] {strides = array<i32>} : memref<128x128xf32, #tpu.memory_space<vmem>>, vector<16xf32>,
            %mul3A_304 = arith.mulf %get3A_303, %gather3A_256 : vector<16xf32>
            %add3A_305 = arith.addf %add3A_245, %mul3A_304 : vector<16xf32>
            %add3A_306 = arith.constant 1 : i32
            %add3A_307 = arith.addi %mul3A_176, %add3A_306 : i32
            %get3A_308 = arith.index_cast %add3A_307 : i32 to index
            %get3A_309 = arith.constant 112 : index
            %get3A_310 = tpu.vector_load %arg8[%get3A_308, %get3A_309] {strides = array<i32>} : memref<128x128xf32, #tpu.memory_space<vmem>>, vector<16xf32>,
            %mul3A_311 = arith.mulf %get3A_310, %gather3A_256 : vector<16xf32>
            %add3A_312 = arith.addf %add3A_252, %mul3A_311 : vector<16xf32>
            %add3A_313 = arith.constant 2 : i32
            %add3A_314 = arith.addi %mul3A_176, %add3A_313 : i32
            %broadcast_in_dim3A_315 = vector.broadcast %add3A_314 : i32 to vector<16xi32>
            %gather3A_316 = tpu.vector_load_idx %arg9[%broadcast_in_dim3A_158, %broadcast_in_dim3A_315] : memref<25x128xf32, #tpu.memory_space<vmem>>[vector<16xi32>, vector<16xi32>], vector<16xf32>,
            %add3A_317 = arith.constant 2 : i32
            %add3A_318 = arith.addi %mul3A_176, %add3A_317 : i32
            %get3A_319 = arith.index_cast %add3A_318 : i32 to index
            %get3A_320 = arith.constant 0 : index
            %get3A_321 = tpu.vector_load %arg8[%get3A_319, %get3A_320] {strides = array<i32>} : memref<128x128xf32, #tpu.memory_space<vmem>>, vector<16xf32>,
            %mul3A_322 = arith.mulf %get3A_321, %gather3A_316 : vector<16xf32>
            %add3A_323 = arith.addf %add3A_263, %mul3A_322 : vector<16xf32>
            %add3A_324 = arith.constant 2 : i32
            %add3A_325 = arith.addi %mul3A_176, %add3A_324 : i32
            %get3A_326 = arith.index_cast %add3A_325 : i32 to index
            %get3A_327 = arith.constant 16 : index
            %get3A_328 = tpu.vector_load %arg8[%get3A_326, %get3A_327] {strides = array<i32>} : memref<128x128xf32, #tpu.memory_space<vmem>>, vector<16xf32>,
            %mul3A_329 = arith.mulf %get3A_328, %gather3A_316 : vector<16xf32>
            %add3A_330 = arith.addf %add3A_270, %mul3A_329 : vector<16xf32>
            %add3A_331 = arith.constant 2 : i32
            %add3A_332 = arith.addi %mul3A_176, %add3A_331 : i32
            %get3A_333 = arith.index_cast %add3A_332 : i32 to index
            %get3A_334 = arith.constant 32 : index
            %get3A_335 = tpu.vector_load %arg8[%get3A_333, %get3A_334] {strides = array<i32>} : memref<128x128xf32, #tpu.memory_space<vmem>>, vector<16xf32>,
            %mul3A_336 = arith.mulf %get3A_335, %gather3A_316 : vector<16xf32>
            %add3A_337 = arith.addf %add3A_277, %mul3A_336 : vector<16xf32>
            %add3A_338 = arith.constant 2 : i32
            %add3A_339 = arith.addi %mul3A_176, %add3A_338 : i32
            %get3A_340 = arith.index_cast %add3A_339 : i32 to index
            %get3A_341 = arith.constant 48 : index
            %get3A_342 = tpu.vector_load %arg8[%get3A_340, %get3A_341] {strides = array<i32>} : memref<128x128xf32, #tpu.memory_space<vmem>>, vector<16xf32>,
            %mul3A_343 = arith.mulf %get3A_342, %gather3A_316 : vector<16xf32>
            %add3A_344 = arith.addf %add3A_284, %mul3A_343 : vector<16xf32>
            %add3A_345 = arith.constant 2 : i32
            %add3A_346 = arith.addi %mul3A_176, %add3A_345 : i32
            %get3A_347 = arith.index_cast %add3A_346 : i32 to index
            %get3A_348 = arith.constant 64 : index
            %get3A_349 = tpu.vector_load %arg8[%get3A_347, %get3A_348] {strides = array<i32>} : memref<128x128xf32, #tpu.memory_space<vmem>>, vector<16xf32>,
            %mul3A_350 = arith.mulf %get3A_349, %gather3A_316 : vector<16xf32>
            %add3A_351 = arith.addf %add3A_291, %mul3A_350 : vector<16xf32>
            %add3A_352 = arith.constant 2 : i32
            %add3A_353 = arith.addi %mul3A_176, %add3A_352 : i32
            %get3A_354 = arith.index_cast %add3A_353 : i32 to index
            %get3A_355 = arith.constant 80 : index
            %get3A_356 = tpu.vector_load %arg8[%get3A_354, %get3A_355] {strides = array<i32>} : memref<128x128xf32, #tpu.memory_space<vmem>>, vector<16xf32>,
            %mul3A_357 = arith.mulf %get3A_356, %gather3A_316 : vector<16xf32>
            %add3A_358 = arith.addf %add3A_298, %mul3A_357 : vector<16xf32>
            %add3A_359 = arith.constant 2 : i32
            %add3A_360 = arith.addi %mul3A_176, %add3A_359 : i32
            %get3A_361 = arith.index_cast %add3A_360 : i32 to index
            %get3A_362 = arith.constant 96 : index
            %get3A_363 = tpu.vector_load %arg8[%get3A_361, %get3A_362] {strides = array<i32>} : memref<128x128xf32, #tpu.memory_space<vmem>>, vector<16xf32>,
            %mul3A_364 = arith.mulf %get3A_363, %gather3A_316 : vector<16xf32>
            %add3A_365 = arith.addf %add3A_305, %mul3A_364 : vector<16xf32>
            %add3A_366 = arith.constant 2 : i32
            %add3A_367 = arith.addi %mul3A_176, %add3A_366 : i32
            %get3A_368 = arith.index_cast %add3A_367 : i32 to index
            %get3A_369 = arith.constant 112 : index
            %get3A_370 = tpu.vector_load %arg8[%get3A_368, %get3A_369] {strides = array<i32>} : memref<128x128xf32, #tpu.memory_space<vmem>>, vector<16xf32>,
            %mul3A_371 = arith.mulf %get3A_370, %gather3A_316 : vector<16xf32>
            %add3A_372 = arith.addf %add3A_312, %mul3A_371 : vector<16xf32>
            %add3A_373 = arith.constant 3 : i32
            %add3A_374 = arith.addi %mul3A_176, %add3A_373 : i32
            %broadcast_in_dim3A_375 = vector.broadcast %add3A_374 : i32 to vector<16xi32>
            %gather3A_376 = tpu.vector_load_idx %arg9[%broadcast_in_dim3A_158, %broadcast_in_dim3A_375] : memref<25x128xf32, #tpu.memory_space<vmem>>[vector<16xi32>, vector<16xi32>], vector<16xf32>,
            %add3A_377 = arith.constant 3 : i32
            %add3A_378 = arith.addi %mul3A_176, %add3A_377 : i32
            %get3A_379 = arith.index_cast %add3A_378 : i32 to index
            %get3A_380 = arith.constant 0 : index
            %get3A_381 = tpu.vector_load %arg8[%get3A_379, %get3A_380] {strides = array<i32>} : memref<128x128xf32, #tpu.memory_space<vmem>>, vector<16xf32>,
            %mul3A_382 = arith.mulf %get3A_381, %gather3A_376 : vector<16xf32>
            %add3A_383 = arith.addf %add3A_323, %mul3A_382 : vector<16xf32>
            %add3A_384 = arith.constant 3 : i32
            %add3A_385 = arith.addi %mul3A_176, %add3A_384 : i32
            %get3A_386 = arith.index_cast %add3A_385 : i32 to index
            %get3A_387 = arith.constant 16 : index
            %get3A_388 = tpu.vector_load %arg8[%get3A_386, %get3A_387] {strides = array<i32>} : memref<128x128xf32, #tpu.memory_space<vmem>>, vector<16xf32>,
            %mul3A_389 = arith.mulf %get3A_388, %gather3A_376 : vector<16xf32>
            %add3A_390 = arith.addf %add3A_330, %mul3A_389 : vector<16xf32>
            %add3A_391 = arith.constant 3 : i32
            %add3A_392 = arith.addi %mul3A_176, %add3A_391 : i32
            %get3A_393 = arith.index_cast %add3A_392 : i32 to index
            %get3A_394 = arith.constant 32 : index
            %get3A_395 = tpu.vector_load %arg8[%get3A_393, %get3A_394] {strides = array<i32>} : memref<128x128xf32, #tpu.memory_space<vmem>>, vector<16xf32>,
            %mul3A_396 = arith.mulf %get3A_395, %gather3A_376 : vector<16xf32>
            %add3A_397 = arith.addf %add3A_337, %mul3A_396 : vector<16xf32>
            %add3A_398 = arith.constant 3 : i32
            %add3A_399 = arith.addi %mul3A_176, %add3A_398 : i32
            %get3A_400 = arith.index_cast %add3A_399 : i32 to index
            %get3A_401 = arith.constant 48 : index
            %get3A_402 = tpu.vector_load %arg8[%get3A_400, %get3A_401] {strides = array<i32>} : memref<128x128xf32, #tpu.memory_space<vmem>>, vector<16xf32>,
            %mul3A_403 = arith.mulf %get3A_402, %gather3A_376 : vector<16xf32>
            %add3A_404 = arith.addf %add3A_344, %mul3A_403 : vector<16xf32>
            %add3A_405 = arith.constant 3 : i32
            %add3A_406 = arith.addi %mul3A_176, %add3A_405 : i32
            %get3A_407 = arith.index_cast %add3A_406 : i32 to index
            %get3A_408 = arith.constant 64 : index
            %get3A_409 = tpu.vector_load %arg8[%get3A_407, %get3A_408] {strides = array<i32>} : memref<128x128xf32, #tpu.memory_space<vmem>>, vector<16xf32>,
            %mul3A_410 = arith.mulf %get3A_409, %gather3A_376 : vector<16xf32>
            %add3A_411 = arith.addf %add3A_351, %mul3A_410 : vector<16xf32>
            %add3A_412 = arith.constant 3 : i32
            %add3A_413 = arith.addi %mul3A_176, %add3A_412 : i32
            %get3A_414 = arith.index_cast %add3A_413 : i32 to index
            %get3A_415 = arith.constant 80 : index
            %get3A_416 = tpu.vector_load %arg8[%get3A_414, %get3A_415] {strides = array<i32>} : memref<128x128xf32, #tpu.memory_space<vmem>>, vector<16xf32>,
            %mul3A_417 = arith.mulf %get3A_416, %gather3A_376 : vector<16xf32>
            %add3A_418 = arith.addf %add3A_358, %mul3A_417 : vector<16xf32>
            %add3A_419 = arith.constant 3 : i32
            %add3A_420 = arith.addi %mul3A_176, %add3A_419 : i32
            %get3A_421 = arith.index_cast %add3A_420 : i32 to index
            %get3A_422 = arith.constant 96 : index
            %get3A_423 = tpu.vector_load %arg8[%get3A_421, %get3A_422] {strides = array<i32>} : memref<128x128xf32, #tpu.memory_space<vmem>>, vector<16xf32>,
            %mul3A_424 = arith.mulf %get3A_423, %gather3A_376 : vector<16xf32>
            %add3A_425 = arith.addf %add3A_365, %mul3A_424 : vector<16xf32>
            %add3A_426 = arith.constant 3 : i32
            %add3A_427 = arith.addi %mul3A_176, %add3A_426 : i32
            %get3A_428 = arith.index_cast %add3A_427 : i32 to index
            %get3A_429 = arith.constant 112 : index
            %get3A_430 = tpu.vector_load %arg8[%get3A_428, %get3A_429] {strides = array<i32>} : memref<128x128xf32, #tpu.memory_space<vmem>>, vector<16xf32>,
            %mul3A_431 = arith.mulf %get3A_430, %gather3A_376 : vector<16xf32>
            %add3A_432 = arith.addf %add3A_372, %mul3A_431 : vector<16xf32>
            %add3A_433 = arith.constant 4 : i32
            %add3A_434 = arith.addi %mul3A_176, %add3A_433 : i32
            %broadcast_in_dim3A_435 = vector.broadcast %add3A_434 : i32 to vector<16xi32>
            %gather3A_436 = tpu.vector_load_idx %arg9[%broadcast_in_dim3A_158, %broadcast_in_dim3A_435] : memref<25x128xf32, #tpu.memory_space<vmem>>[vector<16xi32>, vector<16xi32>], vector<16xf32>,
            %add3A_437 = arith.constant 4 : i32
            %add3A_438 = arith.addi %mul3A_176, %add3A_437 : i32
            %get3A_439 = arith.index_cast %add3A_438 : i32 to index
            %get3A_440 = arith.constant 0 : index
            %get3A_441 = tpu.vector_load %arg8[%get3A_439, %get3A_440] {strides = array<i32>} : memref<128x128xf32, #tpu.memory_space<vmem>>, vector<16xf32>,
            %mul3A_442 = arith.mulf %get3A_441, %gather3A_436 : vector<16xf32>
            %add3A_443 = arith.addf %add3A_383, %mul3A_442 : vector<16xf32>
            %add3A_444 = arith.constant 4 : i32
            %add3A_445 = arith.addi %mul3A_176, %add3A_444 : i32
            %get3A_446 = arith.index_cast %add3A_445 : i32 to index
            %get3A_447 = arith.constant 16 : index
            %get3A_448 = tpu.vector_load %arg8[%get3A_446, %get3A_447] {strides = array<i32>} : memref<128x128xf32, #tpu.memory_space<vmem>>, vector<16xf32>,
            %mul3A_449 = arith.mulf %get3A_448, %gather3A_436 : vector<16xf32>
            %add3A_450 = arith.addf %add3A_390, %mul3A_449 : vector<16xf32>
            %add3A_451 = arith.constant 4 : i32
            %add3A_452 = arith.addi %mul3A_176, %add3A_451 : i32
            %get3A_453 = arith.index_cast %add3A_452 : i32 to index
            %get3A_454 = arith.constant 32 : index
            %get3A_455 = tpu.vector_load %arg8[%get3A_453, %get3A_454] {strides = array<i32>} : memref<128x128xf32, #tpu.memory_space<vmem>>, vector<16xf32>,
            %mul3A_456 = arith.mulf %get3A_455, %gather3A_436 : vector<16xf32>
            %add3A_457 = arith.addf %add3A_397, %mul3A_456 : vector<16xf32>
            %add3A_458 = arith.constant 4 : i32
            %add3A_459 = arith.addi %mul3A_176, %add3A_458 : i32
            %get3A_460 = arith.index_cast %add3A_459 : i32 to index
            %get3A_461 = arith.constant 48 : index
            %get3A_462 = tpu.vector_load %arg8[%get3A_460, %get3A_461] {strides = array<i32>} : memref<128x128xf32, #tpu.memory_space<vmem>>, vector<16xf32>,
            %mul3A_463 = arith.mulf %get3A_462, %gather3A_436 : vector<16xf32>
            %add3A_464 = arith.addf %add3A_404, %mul3A_463 : vector<16xf32>
            %add3A_465 = arith.constant 4 : i32
            %add3A_466 = arith.addi %mul3A_176, %add3A_465 : i32
            %get3A_467 = arith.index_cast %add3A_466 : i32 to index
            %get3A_468 = arith.constant 64 : index
            %get3A_469 = tpu.vector_load %arg8[%get3A_467, %get3A_468] {strides = array<i32>} : memref<128x128xf32, #tpu.memory_space<vmem>>, vector<16xf32>,
            %mul3A_470 = arith.mulf %get3A_469, %gather3A_436 : vector<16xf32>
            %add3A_471 = arith.addf %add3A_411, %mul3A_470 : vector<16xf32>
            %add3A_472 = arith.constant 4 : i32
            %add3A_473 = arith.addi %mul3A_176, %add3A_472 : i32
            %get3A_474 = arith.index_cast %add3A_473 : i32 to index
            %get3A_475 = arith.constant 80 : index
            %get3A_476 = tpu.vector_load %arg8[%get3A_474, %get3A_475] {strides = array<i32>} : memref<128x128xf32, #tpu.memory_space<vmem>>, vector<16xf32>,
            %mul3A_477 = arith.mulf %get3A_476, %gather3A_436 : vector<16xf32>
            %add3A_478 = arith.addf %add3A_418, %mul3A_477 : vector<16xf32>
            %add3A_479 = arith.constant 4 : i32
            %add3A_480 = arith.addi %mul3A_176, %add3A_479 : i32
            %get3A_481 = arith.index_cast %add3A_480 : i32 to index
            %get3A_482 = arith.constant 96 : index
            %get3A_483 = tpu.vector_load %arg8[%get3A_481, %get3A_482] {strides = array<i32>} : memref<128x128xf32, #tpu.memory_space<vmem>>, vector<16xf32>,
            %mul3A_484 = arith.mulf %get3A_483, %gather3A_436 : vector<16xf32>
            %add3A_485 = arith.addf %add3A_425, %mul3A_484 : vector<16xf32>
            %add3A_486 = arith.constant 4 : i32
            %add3A_487 = arith.addi %mul3A_176, %add3A_486 : i32
            %get3A_488 = arith.index_cast %add3A_487 : i32 to index
            %get3A_489 = arith.constant 112 : index
            %get3A_490 = tpu.vector_load %arg8[%get3A_488, %get3A_489] {strides = array<i32>} : memref<128x128xf32, #tpu.memory_space<vmem>>, vector<16xf32>,
            %mul3A_491 = arith.mulf %get3A_490, %gather3A_436 : vector<16xf32>
            %add3A_492 = arith.addf %add3A_432, %mul3A_491 : vector<16xf32>
            %add3A_493 = arith.constant 5 : i32
            %add3A_494 = arith.addi %mul3A_176, %add3A_493 : i32
            %broadcast_in_dim3A_495 = vector.broadcast %add3A_494 : i32 to vector<16xi32>
            %gather3A_496 = tpu.vector_load_idx %arg9[%broadcast_in_dim3A_158, %broadcast_in_dim3A_495] : memref<25x128xf32, #tpu.memory_space<vmem>>[vector<16xi32>, vector<16xi32>], vector<16xf32>,
            %add3A_497 = arith.constant 5 : i32
            %add3A_498 = arith.addi %mul3A_176, %add3A_497 : i32
            %get3A_499 = arith.index_cast %add3A_498 : i32 to index
            %get3A_500 = arith.constant 0 : index
            %get3A_501 = tpu.vector_load %arg8[%get3A_499, %get3A_500] {strides = array<i32>} : memref<128x128xf32, #tpu.memory_space<vmem>>, vector<16xf32>,
            %mul3A_502 = arith.mulf %get3A_501, %gather3A_496 : vector<16xf32>
            %add3A_503 = arith.addf %add3A_443, %mul3A_502 : vector<16xf32>
            %add3A_504 = arith.constant 5 : i32
            %add3A_505 = arith.addi %mul3A_176, %add3A_504 : i32
            %get3A_506 = arith.index_cast %add3A_505 : i32 to index
            %get3A_507 = arith.constant 16 : index
            %get3A_508 = tpu.vector_load %arg8[%get3A_506, %get3A_507] {strides = array<i32>} : memref<128x128xf32, #tpu.memory_space<vmem>>, vector<16xf32>,
            %mul3A_509 = arith.mulf %get3A_508, %gather3A_496 : vector<16xf32>
            %add3A_510 = arith.addf %add3A_450, %mul3A_509 : vector<16xf32>
            %add3A_511 = arith.constant 5 : i32
            %add3A_512 = arith.addi %mul3A_176, %add3A_511 : i32
            %get3A_513 = arith.index_cast %add3A_512 : i32 to index
            %get3A_514 = arith.constant 32 : index
            %get3A_515 = tpu.vector_load %arg8[%get3A_513, %get3A_514] {strides = array<i32>} : memref<128x128xf32, #tpu.memory_space<vmem>>, vector<16xf32>,
            %mul3A_516 = arith.mulf %get3A_515, %gather3A_496 : vector<16xf32>
            %add3A_517 = arith.addf %add3A_457, %mul3A_516 : vector<16xf32>
            %add3A_518 = arith.constant 5 : i32
            %add3A_519 = arith.addi %mul3A_176, %add3A_518 : i32
            %get3A_520 = arith.index_cast %add3A_519 : i32 to index
            %get3A_521 = arith.constant 48 : index
            %get3A_522 = tpu.vector_load %arg8[%get3A_520, %get3A_521] {strides = array<i32>} : memref<128x128xf32, #tpu.memory_space<vmem>>, vector<16xf32>,
            %mul3A_523 = arith.mulf %get3A_522, %gather3A_496 : vector<16xf32>
            %add3A_524 = arith.addf %add3A_464, %mul3A_523 : vector<16xf32>
            %add3A_525 = arith.constant 5 : i32
            %add3A_526 = arith.addi %mul3A_176, %add3A_525 : i32
            %get3A_527 = arith.index_cast %add3A_526 : i32 to index
            %get3A_528 = arith.constant 64 : index
            %get3A_529 = tpu.vector_load %arg8[%get3A_527, %get3A_528] {strides = array<i32>} : memref<128x128xf32, #tpu.memory_space<vmem>>, vector<16xf32>,
            %mul3A_530 = arith.mulf %get3A_529, %gather3A_496 : vector<16xf32>
            %add3A_531 = arith.addf %add3A_471, %mul3A_530 : vector<16xf32>
            %add3A_532 = arith.constant 5 : i32
            %add3A_533 = arith.addi %mul3A_176, %add3A_532 : i32
            %get3A_534 = arith.index_cast %add3A_533 : i32 to index
            %get3A_535 = arith.constant 80 : index
            %get3A_536 = tpu.vector_load %arg8[%get3A_534, %get3A_535] {strides = array<i32>} : memref<128x128xf32, #tpu.memory_space<vmem>>, vector<16xf32>,
            %mul3A_537 = arith.mulf %get3A_536, %gather3A_496 : vector<16xf32>
            %add3A_538 = arith.addf %add3A_478, %mul3A_537 : vector<16xf32>
            %add3A_539 = arith.constant 5 : i32
            %add3A_540 = arith.addi %mul3A_176, %add3A_539 : i32
            %get3A_541 = arith.index_cast %add3A_540 : i32 to index
            %get3A_542 = arith.constant 96 : index
            %get3A_543 = tpu.vector_load %arg8[%get3A_541, %get3A_542] {strides = array<i32>} : memref<128x128xf32, #tpu.memory_space<vmem>>, vector<16xf32>,
            %mul3A_544 = arith.mulf %get3A_543, %gather3A_496 : vector<16xf32>
            %add3A_545 = arith.addf %add3A_485, %mul3A_544 : vector<16xf32>
            %add3A_546 = arith.constant 5 : i32
            %add3A_547 = arith.addi %mul3A_176, %add3A_546 : i32
            %get3A_548 = arith.index_cast %add3A_547 : i32 to index
            %get3A_549 = arith.constant 112 : index
            %get3A_550 = tpu.vector_load %arg8[%get3A_548, %get3A_549] {strides = array<i32>} : memref<128x128xf32, #tpu.memory_space<vmem>>, vector<16xf32>,
            %mul3A_551 = arith.mulf %get3A_550, %gather3A_496 : vector<16xf32>
            %add3A_552 = arith.addf %add3A_492, %mul3A_551 : vector<16xf32>
            %add3A_553 = arith.constant 6 : i32
            %add3A_554 = arith.addi %mul3A_176, %add3A_553 : i32
            %broadcast_in_dim3A_555 = vector.broadcast %add3A_554 : i32 to vector<16xi32>
            %gather3A_556 = tpu.vector_load_idx %arg9[%broadcast_in_dim3A_158, %broadcast_in_dim3A_555] : memref<25x128xf32, #tpu.memory_space<vmem>>[vector<16xi32>, vector<16xi32>], vector<16xf32>,
            %add3A_557 = arith.constant 6 : i32
            %add3A_558 = arith.addi %mul3A_176, %add3A_557 : i32
            %get3A_559 = arith.index_cast %add3A_558 : i32 to index
            %get3A_560 = arith.constant 0 : index
            %get3A_561 = tpu.vector_load %arg8[%get3A_559, %get3A_560] {strides = array<i32>} : memref<128x128xf32, #tpu.memory_space<vmem>>, vector<16xf32>,
            %mul3A_562 = arith.mulf %get3A_561, %gather3A_556 : vector<16xf32>
            %add3A_563 = arith.addf %add3A_503, %mul3A_562 : vector<16xf32>
            %add3A_564 = arith.constant 6 : i32
            %add3A_565 = arith.addi %mul3A_176, %add3A_564 : i32
            %get3A_566 = arith.index_cast %add3A_565 : i32 to index
            %get3A_567 = arith.constant 16 : index
            %get3A_568 = tpu.vector_load %arg8[%get3A_566, %get3A_567] {strides = array<i32>} : memref<128x128xf32, #tpu.memory_space<vmem>>, vector<16xf32>,
            %mul3A_569 = arith.mulf %get3A_568, %gather3A_556 : vector<16xf32>
            %add3A_570 = arith.addf %add3A_510, %mul3A_569 : vector<16xf32>
            %add3A_571 = arith.constant 6 : i32
            %add3A_572 = arith.addi %mul3A_176, %add3A_571 : i32
            %get3A_573 = arith.index_cast %add3A_572 : i32 to index
            %get3A_574 = arith.constant 32 : index
            %get3A_575 = tpu.vector_load %arg8[%get3A_573, %get3A_574] {strides = array<i32>} : memref<128x128xf32, #tpu.memory_space<vmem>>, vector<16xf32>,
            %mul3A_576 = arith.mulf %get3A_575, %gather3A_556 : vector<16xf32>
            %add3A_577 = arith.addf %add3A_517, %mul3A_576 : vector<16xf32>
            %add3A_578 = arith.constant 6 : i32
            %add3A_579 = arith.addi %mul3A_176, %add3A_578 : i32
            %get3A_580 = arith.index_cast %add3A_579 : i32 to index
            %get3A_581 = arith.constant 48 : index
            %get3A_582 = tpu.vector_load %arg8[%get3A_580, %get3A_581] {strides = array<i32>} : memref<128x128xf32, #tpu.memory_space<vmem>>, vector<16xf32>,
            %mul3A_583 = arith.mulf %get3A_582, %gather3A_556 : vector<16xf32>
            %add3A_584 = arith.addf %add3A_524, %mul3A_583 : vector<16xf32>
            %add3A_585 = arith.constant 6 : i32
            %add3A_586 = arith.addi %mul3A_176, %add3A_585 : i32
            %get3A_587 = arith.index_cast %add3A_586 : i32 to index
            %get3A_588 = arith.constant 64 : index
            %get3A_589 = tpu.vector_load %arg8[%get3A_587, %get3A_588] {strides = array<i32>} : memref<128x128xf32, #tpu.memory_space<vmem>>, vector<16xf32>,
            %mul3A_590 = arith.mulf %get3A_589, %gather3A_556 : vector<16xf32>
            %add3A_591 = arith.addf %add3A_531, %mul3A_590 : vector<16xf32>
            %add3A_592 = arith.constant 6 : i32
            %add3A_593 = arith.addi %mul3A_176, %add3A_592 : i32
            %get3A_594 = arith.index_cast %add3A_593 : i32 to index
            %get3A_595 = arith.constant 80 : index
            %get3A_596 = tpu.vector_load %arg8[%get3A_594, %get3A_595] {strides = array<i32>} : memref<128x128xf32, #tpu.memory_space<vmem>>, vector<16xf32>,
            %mul3A_597 = arith.mulf %get3A_596, %gather3A_556 : vector<16xf32>
            %add3A_598 = arith.addf %add3A_538, %mul3A_597 : vector<16xf32>
            %add3A_599 = arith.constant 6 : i32
            %add3A_600 = arith.addi %mul3A_176, %add3A_599 : i32
            %get3A_601 = arith.index_cast %add3A_600 : i32 to index
            %get3A_602 = arith.constant 96 : index
            %get3A_603 = tpu.vector_load %arg8[%get3A_601, %get3A_602] {strides = array<i32>} : memref<128x128xf32, #tpu.memory_space<vmem>>, vector<16xf32>,
            %mul3A_604 = arith.mulf %get3A_603, %gather3A_556 : vector<16xf32>
            %add3A_605 = arith.addf %add3A_545, %mul3A_604 : vector<16xf32>
            %add3A_606 = arith.constant 6 : i32
            %add3A_607 = arith.addi %mul3A_176, %add3A_606 : i32
            %get3A_608 = arith.index_cast %add3A_607 : i32 to index
            %get3A_609 = arith.constant 112 : index
            %get3A_610 = tpu.vector_load %arg8[%get3A_608, %get3A_609] {strides = array<i32>} : memref<128x128xf32, #tpu.memory_space<vmem>>, vector<16xf32>,
            %mul3A_611 = arith.mulf %get3A_610, %gather3A_556 : vector<16xf32>
            %add3A_612 = arith.addf %add3A_552, %mul3A_611 : vector<16xf32>
            %add3A_613 = arith.constant 7 : i32
            %add3A_614 = arith.addi %mul3A_176, %add3A_613 : i32
            %broadcast_in_dim3A_615 = vector.broadcast %add3A_614 : i32 to vector<16xi32>
            %gather3A_616 = tpu.vector_load_idx %arg9[%broadcast_in_dim3A_158, %broadcast_in_dim3A_615] : memref<25x128xf32, #tpu.memory_space<vmem>>[vector<16xi32>, vector<16xi32>], vector<16xf32>,
            %add3A_617 = arith.constant 7 : i32
            %add3A_618 = arith.addi %mul3A_176, %add3A_617 : i32
            %get3A_619 = arith.index_cast %add3A_618 : i32 to index
            %get3A_620 = arith.constant 0 : index
            %get3A_621 = tpu.vector_load %arg8[%get3A_619, %get3A_620] {strides = array<i32>} : memref<128x128xf32, #tpu.memory_space<vmem>>, vector<16xf32>,
            %mul3A_622 = arith.mulf %get3A_621, %gather3A_616 : vector<16xf32>
            %add3A_623 = arith.addf %add3A_563, %mul3A_622 : vector<16xf32>
            %add3A_624 = arith.constant 7 : i32
            %add3A_625 = arith.addi %mul3A_176, %add3A_624 : i32
            %get3A_626 = arith.index_cast %add3A_625 : i32 to index
            %get3A_627 = arith.constant 16 : index
            %get3A_628 = tpu.vector_load %arg8[%get3A_626, %get3A_627] {strides = array<i32>} : memref<128x128xf32, #tpu.memory_space<vmem>>, vector<16xf32>,
            %mul3A_629 = arith.mulf %get3A_628, %gather3A_616 : vector<16xf32>
            %add3A_630 = arith.addf %add3A_570, %mul3A_629 : vector<16xf32>
            %add3A_631 = arith.constant 7 : i32
            %add3A_632 = arith.addi %mul3A_176, %add3A_631 : i32
            %get3A_633 = arith.index_cast %add3A_632 : i32 to index
            %get3A_634 = arith.constant 32 : index
            %get3A_635 = tpu.vector_load %arg8[%get3A_633, %get3A_634] {strides = array<i32>} : memref<128x128xf32, #tpu.memory_space<vmem>>, vector<16xf32>,
            %mul3A_636 = arith.mulf %get3A_635, %gather3A_616 : vector<16xf32>
            %add3A_637 = arith.addf %add3A_577, %mul3A_636 : vector<16xf32>
            %add3A_638 = arith.constant 7 : i32
            %add3A_639 = arith.addi %mul3A_176, %add3A_638 : i32
            %get3A_640 = arith.index_cast %add3A_639 : i32 to index
            %get3A_641 = arith.constant 48 : index
            %get3A_642 = tpu.vector_load %arg8[%get3A_640, %get3A_641] {strides = array<i32>} : memref<128x128xf32, #tpu.memory_space<vmem>>, vector<16xf32>,
            %mul3A_643 = arith.mulf %get3A_642, %gather3A_616 : vector<16xf32>
            %add3A_644 = arith.addf %add3A_584, %mul3A_643 : vector<16xf32>
            %add3A_645 = arith.constant 7 : i32
            %add3A_646 = arith.addi %mul3A_176, %add3A_645 : i32
            %get3A_647 = arith.index_cast %add3A_646 : i32 to index
            %get3A_648 = arith.constant 64 : index
            %get3A_649 = tpu.vector_load %arg8[%get3A_647, %get3A_648] {strides = array<i32>} : memref<128x128xf32, #tpu.memory_space<vmem>>, vector<16xf32>,
            %mul3A_650 = arith.mulf %get3A_649, %gather3A_616 : vector<16xf32>
            %add3A_651 = arith.addf %add3A_591, %mul3A_650 : vector<16xf32>
            %add3A_652 = arith.constant 7 : i32
            %add3A_653 = arith.addi %mul3A_176, %add3A_652 : i32
            %get3A_654 = arith.index_cast %add3A_653 : i32 to index
            %get3A_655 = arith.constant 80 : index
            %get3A_656 = tpu.vector_load %arg8[%get3A_654, %get3A_655] {strides = array<i32>} : memref<128x128xf32, #tpu.memory_space<vmem>>, vector<16xf32>,
            %mul3A_657 = arith.mulf %get3A_656, %gather3A_616 : vector<16xf32>
            %add3A_658 = arith.addf %add3A_598, %mul3A_657 : vector<16xf32>
            %add3A_659 = arith.constant 7 : i32
            %add3A_660 = arith.addi %mul3A_176, %add3A_659 : i32
            %get3A_661 = arith.index_cast %add3A_660 : i32 to index
            %get3A_662 = arith.constant 96 : index
            %get3A_663 = tpu.vector_load %arg8[%get3A_661, %get3A_662] {strides = array<i32>} : memref<128x128xf32, #tpu.memory_space<vmem>>, vector<16xf32>,
            %mul3A_664 = arith.mulf %get3A_663, %gather3A_616 : vector<16xf32>
            %add3A_665 = arith.addf %add3A_605, %mul3A_664 : vector<16xf32>
            %add3A_666 = arith.constant 7 : i32
            %add3A_667 = arith.addi %mul3A_176, %add3A_666 : i32
            %get3A_668 = arith.index_cast %add3A_667 : i32 to index
            %get3A_669 = arith.constant 112 : index
            %get3A_670 = tpu.vector_load %arg8[%get3A_668, %get3A_669] {strides = array<i32>} : memref<128x128xf32, #tpu.memory_space<vmem>>, vector<16xf32>,
            %mul3A_671 = arith.mulf %get3A_670, %gather3A_616 : vector<16xf32>
            %add3A_672 = arith.addf %add3A_612, %mul3A_671 : vector<16xf32>
            %add3A_673 = arith.constant 8 : i32
            %add3A_674 = arith.addi %mul3A_176, %add3A_673 : i32
            %broadcast_in_dim3A_675 = vector.broadcast %add3A_674 : i32 to vector<16xi32>
            %gather3A_676 = tpu.vector_load_idx %arg9[%broadcast_in_dim3A_158, %broadcast_in_dim3A_675] : memref<25x128xf32, #tpu.memory_space<vmem>>[vector<16xi32>, vector<16xi32>], vector<16xf32>,
            %add3A_677 = arith.constant 8 : i32
            %add3A_678 = arith.addi %mul3A_176, %add3A_677 : i32
            %get3A_679 = arith.index_cast %add3A_678 : i32 to index
            %get3A_680 = arith.constant 0 : index
            %get3A_681 = tpu.vector_load %arg8[%get3A_679, %get3A_680] {strides = array<i32>} : memref<128x128xf32, #tpu.memory_space<vmem>>, vector<16xf32>,
            %mul3A_682 = arith.mulf %get3A_681, %gather3A_676 : vector<16xf32>
            %add3A_683 = arith.addf %add3A_623, %mul3A_682 : vector<16xf32>
            %add3A_684 = arith.constant 8 : i32
            %add3A_685 = arith.addi %mul3A_176, %add3A_684 : i32
            %get3A_686 = arith.index_cast %add3A_685 : i32 to index
            %get3A_687 = arith.constant 16 : index
            %get3A_688 = tpu.vector_load %arg8[%get3A_686, %get3A_687] {strides = array<i32>} : memref<128x128xf32, #tpu.memory_space<vmem>>, vector<16xf32>,
            %mul3A_689 = arith.mulf %get3A_688, %gather3A_676 : vector<16xf32>
            %add3A_690 = arith.addf %add3A_630, %mul3A_689 : vector<16xf32>
            %add3A_691 = arith.constant 8 : i32
            %add3A_692 = arith.addi %mul3A_176, %add3A_691 : i32
            %get3A_693 = arith.index_cast %add3A_692 : i32 to index
            %get3A_694 = arith.constant 32 : index
            %get3A_695 = tpu.vector_load %arg8[%get3A_693, %get3A_694] {strides = array<i32>} : memref<128x128xf32, #tpu.memory_space<vmem>>, vector<16xf32>,
            %mul3A_696 = arith.mulf %get3A_695, %gather3A_676 : vector<16xf32>
            %add3A_697 = arith.addf %add3A_637, %mul3A_696 : vector<16xf32>
            %add3A_698 = arith.constant 8 : i32
            %add3A_699 = arith.addi %mul3A_176, %add3A_698 : i32
            %get3A_700 = arith.index_cast %add3A_699 : i32 to index
            %get3A_701 = arith.constant 48 : index
            %get3A_702 = tpu.vector_load %arg8[%get3A_700, %get3A_701] {strides = array<i32>} : memref<128x128xf32, #tpu.memory_space<vmem>>, vector<16xf32>,
            %mul3A_703 = arith.mulf %get3A_702, %gather3A_676 : vector<16xf32>
            %add3A_704 = arith.addf %add3A_644, %mul3A_703 : vector<16xf32>
            %add3A_705 = arith.constant 8 : i32
            %add3A_706 = arith.addi %mul3A_176, %add3A_705 : i32
            %get3A_707 = arith.index_cast %add3A_706 : i32 to index
            %get3A_708 = arith.constant 64 : index
            %get3A_709 = tpu.vector_load %arg8[%get3A_707, %get3A_708] {strides = array<i32>} : memref<128x128xf32, #tpu.memory_space<vmem>>, vector<16xf32>,
            %mul3A_710 = arith.mulf %get3A_709, %gather3A_676 : vector<16xf32>
            %add3A_711 = arith.addf %add3A_651, %mul3A_710 : vector<16xf32>
            %add3A_712 = arith.constant 8 : i32
            %add3A_713 = arith.addi %mul3A_176, %add3A_712 : i32
            %get3A_714 = arith.index_cast %add3A_713 : i32 to index
            %get3A_715 = arith.constant 80 : index
            %get3A_716 = tpu.vector_load %arg8[%get3A_714, %get3A_715] {strides = array<i32>} : memref<128x128xf32, #tpu.memory_space<vmem>>, vector<16xf32>,
            %mul3A_717 = arith.mulf %get3A_716, %gather3A_676 : vector<16xf32>
            %add3A_718 = arith.addf %add3A_658, %mul3A_717 : vector<16xf32>
            %add3A_719 = arith.constant 8 : i32
            %add3A_720 = arith.addi %mul3A_176, %add3A_719 : i32
            %get3A_721 = arith.index_cast %add3A_720 : i32 to index
            %get3A_722 = arith.constant 96 : index
            %get3A_723 = tpu.vector_load %arg8[%get3A_721, %get3A_722] {strides = array<i32>} : memref<128x128xf32, #tpu.memory_space<vmem>>, vector<16xf32>,
            %mul3A_724 = arith.mulf %get3A_723, %gather3A_676 : vector<16xf32>
            %add3A_725 = arith.addf %add3A_665, %mul3A_724 : vector<16xf32>
            %add3A_726 = arith.constant 8 : i32
            %add3A_727 = arith.addi %mul3A_176, %add3A_726 : i32
            %get3A_728 = arith.index_cast %add3A_727 : i32 to index
            %get3A_729 = arith.constant 112 : index
            %get3A_730 = tpu.vector_load %arg8[%get3A_728, %get3A_729] {strides = array<i32>} : memref<128x128xf32, #tpu.memory_space<vmem>>, vector<16xf32>,
            %mul3A_731 = arith.mulf %get3A_730, %gather3A_676 : vector<16xf32>
            %add3A_732 = arith.addf %add3A_672, %mul3A_731 : vector<16xf32>
            %add3A_733 = arith.constant 9 : i32
            %add3A_734 = arith.addi %mul3A_176, %add3A_733 : i32
            %broadcast_in_dim3A_735 = vector.broadcast %add3A_734 : i32 to vector<16xi32>
            %gather3A_736 = tpu.vector_load_idx %arg9[%broadcast_in_dim3A_158, %broadcast_in_dim3A_735] : memref<25x128xf32, #tpu.memory_space<vmem>>[vector<16xi32>, vector<16xi32>], vector<16xf32>,
            %add3A_737 = arith.constant 9 : i32
            %add3A_738 = arith.addi %mul3A_176, %add3A_737 : i32
            %get3A_739 = arith.index_cast %add3A_738 : i32 to index
            %get3A_740 = arith.constant 0 : index
            %get3A_741 = tpu.vector_load %arg8[%get3A_739, %get3A_740] {strides = array<i32>} : memref<128x128xf32, #tpu.memory_space<vmem>>, vector<16xf32>,
            %mul3A_742 = arith.mulf %get3A_741, %gather3A_736 : vector<16xf32>
            %add3A_743 = arith.addf %add3A_683, %mul3A_742 : vector<16xf32>
            %add3A_744 = arith.constant 9 : i32
            %add3A_745 = arith.addi %mul3A_176, %add3A_744 : i32
            %get3A_746 = arith.index_cast %add3A_745 : i32 to index
            %get3A_747 = arith.constant 16 : index
            %get3A_748 = tpu.vector_load %arg8[%get3A_746, %get3A_747] {strides = array<i32>} : memref<128x128xf32, #tpu.memory_space<vmem>>, vector<16xf32>,
            %mul3A_749 = arith.mulf %get3A_748, %gather3A_736 : vector<16xf32>
            %add3A_750 = arith.addf %add3A_690, %mul3A_749 : vector<16xf32>
            %add3A_751 = arith.constant 9 : i32
            %add3A_752 = arith.addi %mul3A_176, %add3A_751 : i32
            %get3A_753 = arith.index_cast %add3A_752 : i32 to index
            %get3A_754 = arith.constant 32 : index
            %get3A_755 = tpu.vector_load %arg8[%get3A_753, %get3A_754] {strides = array<i32>} : memref<128x128xf32, #tpu.memory_space<vmem>>, vector<16xf32>,
            %mul3A_756 = arith.mulf %get3A_755, %gather3A_736 : vector<16xf32>
            %add3A_757 = arith.addf %add3A_697, %mul3A_756 : vector<16xf32>
            %add3A_758 = arith.constant 9 : i32
            %add3A_759 = arith.addi %mul3A_176, %add3A_758 : i32
            %get3A_760 = arith.index_cast %add3A_759 : i32 to index
            %get3A_761 = arith.constant 48 : index
            %get3A_762 = tpu.vector_load %arg8[%get3A_760, %get3A_761] {strides = array<i32>} : memref<128x128xf32, #tpu.memory_space<vmem>>, vector<16xf32>,
            %mul3A_763 = arith.mulf %get3A_762, %gather3A_736 : vector<16xf32>
            %add3A_764 = arith.addf %add3A_704, %mul3A_763 : vector<16xf32>
            %add3A_765 = arith.constant 9 : i32
            %add3A_766 = arith.addi %mul3A_176, %add3A_765 : i32
            %get3A_767 = arith.index_cast %add3A_766 : i32 to index
            %get3A_768 = arith.constant 64 : index
            %get3A_769 = tpu.vector_load %arg8[%get3A_767, %get3A_768] {strides = array<i32>} : memref<128x128xf32, #tpu.memory_space<vmem>>, vector<16xf32>,
            %mul3A_770 = arith.mulf %get3A_769, %gather3A_736 : vector<16xf32>
            %add3A_771 = arith.addf %add3A_711, %mul3A_770 : vector<16xf32>
            %add3A_772 = arith.constant 9 : i32
            %add3A_773 = arith.addi %mul3A_176, %add3A_772 : i32
            %get3A_774 = arith.index_cast %add3A_773 : i32 to index
            %get3A_775 = arith.constant 80 : index
            %get3A_776 = tpu.vector_load %arg8[%get3A_774, %get3A_775] {strides = array<i32>} : memref<128x128xf32, #tpu.memory_space<vmem>>, vector<16xf32>,
            %mul3A_777 = arith.mulf %get3A_776, %gather3A_736 : vector<16xf32>
            %add3A_778 = arith.addf %add3A_718, %mul3A_777 : vector<16xf32>
            %add3A_779 = arith.constant 9 : i32
            %add3A_780 = arith.addi %mul3A_176, %add3A_779 : i32
            %get3A_781 = arith.index_cast %add3A_780 : i32 to index
            %get3A_782 = arith.constant 96 : index
            %get3A_783 = tpu.vector_load %arg8[%get3A_781, %get3A_782] {strides = array<i32>} : memref<128x128xf32, #tpu.memory_space<vmem>>, vector<16xf32>,
            %mul3A_784 = arith.mulf %get3A_783, %gather3A_736 : vector<16xf32>
            %add3A_785 = arith.addf %add3A_725, %mul3A_784 : vector<16xf32>
            %add3A_786 = arith.constant 9 : i32
            %add3A_787 = arith.addi %mul3A_176, %add3A_786 : i32
            %get3A_788 = arith.index_cast %add3A_787 : i32 to index
            %get3A_789 = arith.constant 112 : index
            %get3A_790 = tpu.vector_load %arg8[%get3A_788, %get3A_789] {strides = array<i32>} : memref<128x128xf32, #tpu.memory_space<vmem>>, vector<16xf32>,
            %mul3A_791 = arith.mulf %get3A_790, %gather3A_736 : vector<16xf32>
            %add3A_792 = arith.addf %add3A_732, %mul3A_791 : vector<16xf32>
            %add3A_793 = arith.constant 10 : i32
            %add3A_794 = arith.addi %mul3A_176, %add3A_793 : i32
            %broadcast_in_dim3A_795 = vector.broadcast %add3A_794 : i32 to vector<16xi32>
            %gather3A_796 = tpu.vector_load_idx %arg9[%broadcast_in_dim3A_158, %broadcast_in_dim3A_795] : memref<25x128xf32, #tpu.memory_space<vmem>>[vector<16xi32>, vector<16xi32>], vector<16xf32>,
            %add3A_797 = arith.constant 10 : i32
            %add3A_798 = arith.addi %mul3A_176, %add3A_797 : i32
            %get3A_799 = arith.index_cast %add3A_798 : i32 to index
            %get3A_800 = arith.constant 0 : index
            %get3A_801 = tpu.vector_load %arg8[%get3A_799, %get3A_800] {strides = array<i32>} : memref<128x128xf32, #tpu.memory_space<vmem>>, vector<16xf32>,
            %mul3A_802 = arith.mulf %get3A_801, %gather3A_796 : vector<16xf32>
            %add3A_803 = arith.addf %add3A_743, %mul3A_802 : vector<16xf32>
            %add3A_804 = arith.constant 10 : i32
            %add3A_805 = arith.addi %mul3A_176, %add3A_804 : i32
            %get3A_806 = arith.index_cast %add3A_805 : i32 to index
            %get3A_807 = arith.constant 16 : index
            %get3A_808 = tpu.vector_load %arg8[%get3A_806, %get3A_807] {strides = array<i32>} : memref<128x128xf32, #tpu.memory_space<vmem>>, vector<16xf32>,
            %mul3A_809 = arith.mulf %get3A_808, %gather3A_796 : vector<16xf32>
            %add3A_810 = arith.addf %add3A_750, %mul3A_809 : vector<16xf32>
            %add3A_811 = arith.constant 10 : i32
            %add3A_812 = arith.addi %mul3A_176, %add3A_811 : i32
            %get3A_813 = arith.index_cast %add3A_812 : i32 to index
            %get3A_814 = arith.constant 32 : index
            %get3A_815 = tpu.vector_load %arg8[%get3A_813, %get3A_814] {strides = array<i32>} : memref<128x128xf32, #tpu.memory_space<vmem>>, vector<16xf32>,
            %mul3A_816 = arith.mulf %get3A_815, %gather3A_796 : vector<16xf32>
            %add3A_817 = arith.addf %add3A_757, %mul3A_816 : vector<16xf32>
            %add3A_818 = arith.constant 10 : i32
            %add3A_819 = arith.addi %mul3A_176, %add3A_818 : i32
            %get3A_820 = arith.index_cast %add3A_819 : i32 to index
            %get3A_821 = arith.constant 48 : index
            %get3A_822 = tpu.vector_load %arg8[%get3A_820, %get3A_821] {strides = array<i32>} : memref<128x128xf32, #tpu.memory_space<vmem>>, vector<16xf32>,
            %mul3A_823 = arith.mulf %get3A_822, %gather3A_796 : vector<16xf32>
            %add3A_824 = arith.addf %add3A_764, %mul3A_823 : vector<16xf32>
            %add3A_825 = arith.constant 10 : i32
            %add3A_826 = arith.addi %mul3A_176, %add3A_825 : i32
            %get3A_827 = arith.index_cast %add3A_826 : i32 to index
            %get3A_828 = arith.constant 64 : index
            %get3A_829 = tpu.vector_load %arg8[%get3A_827, %get3A_828] {strides = array<i32>} : memref<128x128xf32, #tpu.memory_space<vmem>>, vector<16xf32>,
            %mul3A_830 = arith.mulf %get3A_829, %gather3A_796 : vector<16xf32>
            %add3A_831 = arith.addf %add3A_771, %mul3A_830 : vector<16xf32>
            %add3A_832 = arith.constant 10 : i32
            %add3A_833 = arith.addi %mul3A_176, %add3A_832 : i32
            %get3A_834 = arith.index_cast %add3A_833 : i32 to index
            %get3A_835 = arith.constant 80 : index
            %get3A_836 = tpu.vector_load %arg8[%get3A_834, %get3A_835] {strides = array<i32>} : memref<128x128xf32, #tpu.memory_space<vmem>>, vector<16xf32>,
            %mul3A_837 = arith.mulf %get3A_836, %gather3A_796 : vector<16xf32>
            %add3A_838 = arith.addf %add3A_778, %mul3A_837 : vector<16xf32>
            %add3A_839 = arith.constant 10 : i32
            %add3A_840 = arith.addi %mul3A_176, %add3A_839 : i32
            %get3A_841 = arith.index_cast %add3A_840 : i32 to index
            %get3A_842 = arith.constant 96 : index
            %get3A_843 = tpu.vector_load %arg8[%get3A_841, %get3A_842] {strides = array<i32>} : memref<128x128xf32, #tpu.memory_space<vmem>>, vector<16xf32>,
            %mul3A_844 = arith.mulf %get3A_843, %gather3A_796 : vector<16xf32>
            %add3A_845 = arith.addf %add3A_785, %mul3A_844 : vector<16xf32>
            %add3A_846 = arith.constant 10 : i32
            %add3A_847 = arith.addi %mul3A_176, %add3A_846 : i32
            %get3A_848 = arith.index_cast %add3A_847 : i32 to index
            %get3A_849 = arith.constant 112 : index
            %get3A_850 = tpu.vector_load %arg8[%get3A_848, %get3A_849] {strides = array<i32>} : memref<128x128xf32, #tpu.memory_space<vmem>>, vector<16xf32>,
            %mul3A_851 = arith.mulf %get3A_850, %gather3A_796 : vector<16xf32>
            %add3A_852 = arith.addf %add3A_792, %mul3A_851 : vector<16xf32>
            %add3A_853 = arith.constant 11 : i32
            %add3A_854 = arith.addi %mul3A_176, %add3A_853 : i32
            %broadcast_in_dim3A_855 = vector.broadcast %add3A_854 : i32 to vector<16xi32>
            %gather3A_856 = tpu.vector_load_idx %arg9[%broadcast_in_dim3A_158, %broadcast_in_dim3A_855] : memref<25x128xf32, #tpu.memory_space<vmem>>[vector<16xi32>, vector<16xi32>], vector<16xf32>,
            %add3A_857 = arith.constant 11 : i32
            %add3A_858 = arith.addi %mul3A_176, %add3A_857 : i32
            %get3A_859 = arith.index_cast %add3A_858 : i32 to index
            %get3A_860 = arith.constant 0 : index
            %get3A_861 = tpu.vector_load %arg8[%get3A_859, %get3A_860] {strides = array<i32>} : memref<128x128xf32, #tpu.memory_space<vmem>>, vector<16xf32>,
            %mul3A_862 = arith.mulf %get3A_861, %gather3A_856 : vector<16xf32>
            %add3A_863 = arith.addf %add3A_803, %mul3A_862 : vector<16xf32>
            %add3A_864 = arith.constant 11 : i32
            %add3A_865 = arith.addi %mul3A_176, %add3A_864 : i32
            %get3A_866 = arith.index_cast %add3A_865 : i32 to index
            %get3A_867 = arith.constant 16 : index
            %get3A_868 = tpu.vector_load %arg8[%get3A_866, %get3A_867] {strides = array<i32>} : memref<128x128xf32, #tpu.memory_space<vmem>>, vector<16xf32>,
            %mul3A_869 = arith.mulf %get3A_868, %gather3A_856 : vector<16xf32>
            %add3A_870 = arith.addf %add3A_810, %mul3A_869 : vector<16xf32>
            %add3A_871 = arith.constant 11 : i32
            %add3A_872 = arith.addi %mul3A_176, %add3A_871 : i32
            %get3A_873 = arith.index_cast %add3A_872 : i32 to index
            %get3A_874 = arith.constant 32 : index
            %get3A_875 = tpu.vector_load %arg8[%get3A_873, %get3A_874] {strides = array<i32>} : memref<128x128xf32, #tpu.memory_space<vmem>>, vector<16xf32>,
            %mul3A_876 = arith.mulf %get3A_875, %gather3A_856 : vector<16xf32>
            %add3A_877 = arith.addf %add3A_817, %mul3A_876 : vector<16xf32>
            %add3A_878 = arith.constant 11 : i32
            %add3A_879 = arith.addi %mul3A_176, %add3A_878 : i32
            %get3A_880 = arith.index_cast %add3A_879 : i32 to index
            %get3A_881 = arith.constant 48 : index
            %get3A_882 = tpu.vector_load %arg8[%get3A_880, %get3A_881] {strides = array<i32>} : memref<128x128xf32, #tpu.memory_space<vmem>>, vector<16xf32>,
            %mul3A_883 = arith.mulf %get3A_882, %gather3A_856 : vector<16xf32>
            %add3A_884 = arith.addf %add3A_824, %mul3A_883 : vector<16xf32>
            %add3A_885 = arith.constant 11 : i32
            %add3A_886 = arith.addi %mul3A_176, %add3A_885 : i32
            %get3A_887 = arith.index_cast %add3A_886 : i32 to index
            %get3A_888 = arith.constant 64 : index
            %get3A_889 = tpu.vector_load %arg8[%get3A_887, %get3A_888] {strides = array<i32>} : memref<128x128xf32, #tpu.memory_space<vmem>>, vector<16xf32>,
            %mul3A_890 = arith.mulf %get3A_889, %gather3A_856 : vector<16xf32>
            %add3A_891 = arith.addf %add3A_831, %mul3A_890 : vector<16xf32>
            %add3A_892 = arith.constant 11 : i32
            %add3A_893 = arith.addi %mul3A_176, %add3A_892 : i32
            %get3A_894 = arith.index_cast %add3A_893 : i32 to index
            %get3A_895 = arith.constant 80 : index
            %get3A_896 = tpu.vector_load %arg8[%get3A_894, %get3A_895] {strides = array<i32>} : memref<128x128xf32, #tpu.memory_space<vmem>>, vector<16xf32>,
            %mul3A_897 = arith.mulf %get3A_896, %gather3A_856 : vector<16xf32>
            %add3A_898 = arith.addf %add3A_838, %mul3A_897 : vector<16xf32>
            %add3A_899 = arith.constant 11 : i32
            %add3A_900 = arith.addi %mul3A_176, %add3A_899 : i32
            %get3A_901 = arith.index_cast %add3A_900 : i32 to index
            %get3A_902 = arith.constant 96 : index
            %get3A_903 = tpu.vector_load %arg8[%get3A_901, %get3A_902] {strides = array<i32>} : memref<128x128xf32, #tpu.memory_space<vmem>>, vector<16xf32>,
            %mul3A_904 = arith.mulf %get3A_903, %gather3A_856 : vector<16xf32>
            %add3A_905 = arith.addf %add3A_845, %mul3A_904 : vector<16xf32>
            %add3A_906 = arith.constant 11 : i32
            %add3A_907 = arith.addi %mul3A_176, %add3A_906 : i32
            %get3A_908 = arith.index_cast %add3A_907 : i32 to index
            %get3A_909 = arith.constant 112 : index
            %get3A_910 = tpu.vector_load %arg8[%get3A_908, %get3A_909] {strides = array<i32>} : memref<128x128xf32, #tpu.memory_space<vmem>>, vector<16xf32>,
            %mul3A_911 = arith.mulf %get3A_910, %gather3A_856 : vector<16xf32>
            %add3A_912 = arith.addf %add3A_852, %mul3A_911 : vector<16xf32>
            %add3A_913 = arith.constant 12 : i32
            %add3A_914 = arith.addi %mul3A_176, %add3A_913 : i32
            %broadcast_in_dim3A_915 = vector.broadcast %add3A_914 : i32 to vector<16xi32>
            %gather3A_916 = tpu.vector_load_idx %arg9[%broadcast_in_dim3A_158, %broadcast_in_dim3A_915] : memref<25x128xf32, #tpu.memory_space<vmem>>[vector<16xi32>, vector<16xi32>], vector<16xf32>,
            %add3A_917 = arith.constant 12 : i32
            %add3A_918 = arith.addi %mul3A_176, %add3A_917 : i32
            %get3A_919 = arith.index_cast %add3A_918 : i32 to index
            %get3A_920 = arith.constant 0 : index
            %get3A_921 = tpu.vector_load %arg8[%get3A_919, %get3A_920] {strides = array<i32>} : memref<128x128xf32, #tpu.memory_space<vmem>>, vector<16xf32>,
            %mul3A_922 = arith.mulf %get3A_921, %gather3A_916 : vector<16xf32>
            %add3A_923 = arith.addf %add3A_863, %mul3A_922 : vector<16xf32>
            %add3A_924 = arith.constant 12 : i32
            %add3A_925 = arith.addi %mul3A_176, %add3A_924 : i32
            %get3A_926 = arith.index_cast %add3A_925 : i32 to index
            %get3A_927 = arith.constant 16 : index
            %get3A_928 = tpu.vector_load %arg8[%get3A_926, %get3A_927] {strides = array<i32>} : memref<128x128xf32, #tpu.memory_space<vmem>>, vector<16xf32>,
            %mul3A_929 = arith.mulf %get3A_928, %gather3A_916 : vector<16xf32>
            %add3A_930 = arith.addf %add3A_870, %mul3A_929 : vector<16xf32>
            %add3A_931 = arith.constant 12 : i32
            %add3A_932 = arith.addi %mul3A_176, %add3A_931 : i32
            %get3A_933 = arith.index_cast %add3A_932 : i32 to index
            %get3A_934 = arith.constant 32 : index
            %get3A_935 = tpu.vector_load %arg8[%get3A_933, %get3A_934] {strides = array<i32>} : memref<128x128xf32, #tpu.memory_space<vmem>>, vector<16xf32>,
            %mul3A_936 = arith.mulf %get3A_935, %gather3A_916 : vector<16xf32>
            %add3A_937 = arith.addf %add3A_877, %mul3A_936 : vector<16xf32>
            %add3A_938 = arith.constant 12 : i32
            %add3A_939 = arith.addi %mul3A_176, %add3A_938 : i32
            %get3A_940 = arith.index_cast %add3A_939 : i32 to index
            %get3A_941 = arith.constant 48 : index
            %get3A_942 = tpu.vector_load %arg8[%get3A_940, %get3A_941] {strides = array<i32>} : memref<128x128xf32, #tpu.memory_space<vmem>>, vector<16xf32>,
            %mul3A_943 = arith.mulf %get3A_942, %gather3A_916 : vector<16xf32>
            %add3A_944 = arith.addf %add3A_884, %mul3A_943 : vector<16xf32>
            %add3A_945 = arith.constant 12 : i32
            %add3A_946 = arith.addi %mul3A_176, %add3A_945 : i32
            %get3A_947 = arith.index_cast %add3A_946 : i32 to index
            %get3A_948 = arith.constant 64 : index
            %get3A_949 = tpu.vector_load %arg8[%get3A_947, %get3A_948] {strides = array<i32>} : memref<128x128xf32, #tpu.memory_space<vmem>>, vector<16xf32>,
            %mul3A_950 = arith.mulf %get3A_949, %gather3A_916 : vector<16xf32>
            %add3A_951 = arith.addf %add3A_891, %mul3A_950 : vector<16xf32>
            %add3A_952 = arith.constant 12 : i32
            %add3A_953 = arith.addi %mul3A_176, %add3A_952 : i32
            %get3A_954 = arith.index_cast %add3A_953 : i32 to index
            %get3A_955 = arith.constant 80 : index
            %get3A_956 = tpu.vector_load %arg8[%get3A_954, %get3A_955] {strides = array<i32>} : memref<128x128xf32, #tpu.memory_space<vmem>>, vector<16xf32>,
            %mul3A_957 = arith.mulf %get3A_956, %gather3A_916 : vector<16xf32>
            %add3A_958 = arith.addf %add3A_898, %mul3A_957 : vector<16xf32>
            %add3A_959 = arith.constant 12 : i32
            %add3A_960 = arith.addi %mul3A_176, %add3A_959 : i32
            %get3A_961 = arith.index_cast %add3A_960 : i32 to index
            %get3A_962 = arith.constant 96 : index
            %get3A_963 = tpu.vector_load %arg8[%get3A_961, %get3A_962] {strides = array<i32>} : memref<128x128xf32, #tpu.memory_space<vmem>>, vector<16xf32>,
            %mul3A_964 = arith.mulf %get3A_963, %gather3A_916 : vector<16xf32>
            %add3A_965 = arith.addf %add3A_905, %mul3A_964 : vector<16xf32>
            %add3A_966 = arith.constant 12 : i32
            %add3A_967 = arith.addi %mul3A_176, %add3A_966 : i32
            %get3A_968 = arith.index_cast %add3A_967 : i32 to index
            %get3A_969 = arith.constant 112 : index
            %get3A_970 = tpu.vector_load %arg8[%get3A_968, %get3A_969] {strides = array<i32>} : memref<128x128xf32, #tpu.memory_space<vmem>>, vector<16xf32>,
            %mul3A_971 = arith.mulf %get3A_970, %gather3A_916 : vector<16xf32>
            %add3A_972 = arith.addf %add3A_912, %mul3A_971 : vector<16xf32>
            %add3A_973 = arith.constant 13 : i32
            %add3A_974 = arith.addi %mul3A_176, %add3A_973 : i32
            %broadcast_in_dim3A_975 = vector.broadcast %add3A_974 : i32 to vector<16xi32>
            %gather3A_976 = tpu.vector_load_idx %arg9[%broadcast_in_dim3A_158, %broadcast_in_dim3A_975] : memref<25x128xf32, #tpu.memory_space<vmem>>[vector<16xi32>, vector<16xi32>], vector<16xf32>,
            %add3A_977 = arith.constant 13 : i32
            %add3A_978 = arith.addi %mul3A_176, %add3A_977 : i32
            %get3A_979 = arith.index_cast %add3A_978 : i32 to index
            %get3A_980 = arith.constant 0 : index
            %get3A_981 = tpu.vector_load %arg8[%get3A_979, %get3A_980] {strides = array<i32>} : memref<128x128xf32, #tpu.memory_space<vmem>>, vector<16xf32>,
            %mul3A_982 = arith.mulf %get3A_981, %gather3A_976 : vector<16xf32>
            %add3A_983 = arith.addf %add3A_923, %mul3A_982 : vector<16xf32>
            %add3A_984 = arith.constant 13 : i32
            %add3A_985 = arith.addi %mul3A_176, %add3A_984 : i32
            %get3A_986 = arith.index_cast %add3A_985 : i32 to index
            %get3A_987 = arith.constant 16 : index
            %get3A_988 = tpu.vector_load %arg8[%get3A_986, %get3A_987] {strides = array<i32>} : memref<128x128xf32, #tpu.memory_space<vmem>>, vector<16xf32>,
            %mul3A_989 = arith.mulf %get3A_988, %gather3A_976 : vector<16xf32>
            %add3A_990 = arith.addf %add3A_930, %mul3A_989 : vector<16xf32>
            %add3A_991 = arith.constant 13 : i32
            %add3A_992 = arith.addi %mul3A_176, %add3A_991 : i32
            %get3A_993 = arith.index_cast %add3A_992 : i32 to index
            %get3A_994 = arith.constant 32 : index
            %get3A_995 = tpu.vector_load %arg8[%get3A_993, %get3A_994] {strides = array<i32>} : memref<128x128xf32, #tpu.memory_space<vmem>>, vector<16xf32>,
            %mul3A_996 = arith.mulf %get3A_995, %gather3A_976 : vector<16xf32>
            %add3A_997 = arith.addf %add3A_937, %mul3A_996 : vector<16xf32>
            %add3A_998 = arith.constant 13 : i32
            %add3A_999 = arith.addi %mul3A_176, %add3A_998 : i32
            %get3A_1000 = arith.index_cast %add3A_999 : i32 to index
            %get3A_1001 = arith.constant 48 : index
            %get3A_1002 = tpu.vector_load %arg8[%get3A_1000, %get3A_1001] {strides = array<i32>} : memref<128x128xf32, #tpu.memory_space<vmem>>, vector<16xf32>,
            %mul3A_1003 = arith.mulf %get3A_1002, %gather3A_976 : vector<16xf32>
            %add3A_1004 = arith.addf %add3A_944, %mul3A_1003 : vector<16xf32>
            %add3A_1005 = arith.constant 13 : i32
            %add3A_1006 = arith.addi %mul3A_176, %add3A_1005 : i32
            %get3A_1007 = arith.index_cast %add3A_1006 : i32 to index
            %get3A_1008 = arith.constant 64 : index
            %get3A_1009 = tpu.vector_load %arg8[%get3A_1007, %get3A_1008] {strides = array<i32>} : memref<128x128xf32, #tpu.memory_space<vmem>>, vector<16xf32>,
            %mul3A_1010 = arith.mulf %get3A_1009, %gather3A_976 : vector<16xf32>
            %add3A_1011 = arith.addf %add3A_951, %mul3A_1010 : vector<16xf32>
            %add3A_1012 = arith.constant 13 : i32
            %add3A_1013 = arith.addi %mul3A_176, %add3A_1012 : i32
            %get3A_1014 = arith.index_cast %add3A_1013 : i32 to index
            %get3A_1015 = arith.constant 80 : index
            %get3A_1016 = tpu.vector_load %arg8[%get3A_1014, %get3A_1015] {strides = array<i32>} : memref<128x128xf32, #tpu.memory_space<vmem>>, vector<16xf32>,
            %mul3A_1017 = arith.mulf %get3A_1016, %gather3A_976 : vector<16xf32>
            %add3A_1018 = arith.addf %add3A_958, %mul3A_1017 : vector<16xf32>
            %add3A_1019 = arith.constant 13 : i32
            %add3A_1020 = arith.addi %mul3A_176, %add3A_1019 : i32
            %get3A_1021 = arith.index_cast %add3A_1020 : i32 to index
            %get3A_1022 = arith.constant 96 : index
            %get3A_1023 = tpu.vector_load %arg8[%get3A_1021, %get3A_1022] {strides = array<i32>} : memref<128x128xf32, #tpu.memory_space<vmem>>, vector<16xf32>,
            %mul3A_1024 = arith.mulf %get3A_1023, %gather3A_976 : vector<16xf32>
            %add3A_1025 = arith.addf %add3A_965, %mul3A_1024 : vector<16xf32>
            %add3A_1026 = arith.constant 13 : i32
            %add3A_1027 = arith.addi %mul3A_176, %add3A_1026 : i32
            %get3A_1028 = arith.index_cast %add3A_1027 : i32 to index
            %get3A_1029 = arith.constant 112 : index
            %get3A_1030 = tpu.vector_load %arg8[%get3A_1028, %get3A_1029] {strides = array<i32>} : memref<128x128xf32, #tpu.memory_space<vmem>>, vector<16xf32>,
            %mul3A_1031 = arith.mulf %get3A_1030, %gather3A_976 : vector<16xf32>
            %add3A_1032 = arith.addf %add3A_972, %mul3A_1031 : vector<16xf32>
            %add3A_1033 = arith.constant 14 : i32
            %add3A_1034 = arith.addi %mul3A_176, %add3A_1033 : i32
            %broadcast_in_dim3A_1035 = vector.broadcast %add3A_1034 : i32 to vector<16xi32>
            %gather3A_1036 = tpu.vector_load_idx %arg9[%broadcast_in_dim3A_158, %broadcast_in_dim3A_1035] : memref<25x128xf32, #tpu.memory_space<vmem>>[vector<16xi32>, vector<16xi32>], vector<16xf32>,
            %add3A_1037 = arith.constant 14 : i32
            %add3A_1038 = arith.addi %mul3A_176, %add3A_1037 : i32
            %get3A_1039 = arith.index_cast %add3A_1038 : i32 to index
            %get3A_1040 = arith.constant 0 : index
            %get3A_1041 = tpu.vector_load %arg8[%get3A_1039, %get3A_1040] {strides = array<i32>} : memref<128x128xf32, #tpu.memory_space<vmem>>, vector<16xf32>,
            %mul3A_1042 = arith.mulf %get3A_1041, %gather3A_1036 : vector<16xf32>
            %add3A_1043 = arith.addf %add3A_983, %mul3A_1042 : vector<16xf32>
            %add3A_1044 = arith.constant 14 : i32
            %add3A_1045 = arith.addi %mul3A_176, %add3A_1044 : i32
            %get3A_1046 = arith.index_cast %add3A_1045 : i32 to index
            %get3A_1047 = arith.constant 16 : index
            %get3A_1048 = tpu.vector_load %arg8[%get3A_1046, %get3A_1047] {strides = array<i32>} : memref<128x128xf32, #tpu.memory_space<vmem>>, vector<16xf32>,
            %mul3A_1049 = arith.mulf %get3A_1048, %gather3A_1036 : vector<16xf32>
            %add3A_1050 = arith.addf %add3A_990, %mul3A_1049 : vector<16xf32>
            %add3A_1051 = arith.constant 14 : i32
            %add3A_1052 = arith.addi %mul3A_176, %add3A_1051 : i32
            %get3A_1053 = arith.index_cast %add3A_1052 : i32 to index
            %get3A_1054 = arith.constant 32 : index
            %get3A_1055 = tpu.vector_load %arg8[%get3A_1053, %get3A_1054] {strides = array<i32>} : memref<128x128xf32, #tpu.memory_space<vmem>>, vector<16xf32>,
            %mul3A_1056 = arith.mulf %get3A_1055, %gather3A_1036 : vector<16xf32>
            %add3A_1057 = arith.addf %add3A_997, %mul3A_1056 : vector<16xf32>
            %add3A_1058 = arith.constant 14 : i32
            %add3A_1059 = arith.addi %mul3A_176, %add3A_1058 : i32
            %get3A_1060 = arith.index_cast %add3A_1059 : i32 to index
            %get3A_1061 = arith.constant 48 : index
            %get3A_1062 = tpu.vector_load %arg8[%get3A_1060, %get3A_1061] {strides = array<i32>} : memref<128x128xf32, #tpu.memory_space<vmem>>, vector<16xf32>,
            %mul3A_1063 = arith.mulf %get3A_1062, %gather3A_1036 : vector<16xf32>
            %add3A_1064 = arith.addf %add3A_1004, %mul3A_1063 : vector<16xf32>
            %add3A_1065 = arith.constant 14 : i32
            %add3A_1066 = arith.addi %mul3A_176, %add3A_1065 : i32
            %get3A_1067 = arith.index_cast %add3A_1066 : i32 to index
            %get3A_1068 = arith.constant 64 : index
            %get3A_1069 = tpu.vector_load %arg8[%get3A_1067, %get3A_1068] {strides = array<i32>} : memref<128x128xf32, #tpu.memory_space<vmem>>, vector<16xf32>,
            %mul3A_1070 = arith.mulf %get3A_1069, %gather3A_1036 : vector<16xf32>
            %add3A_1071 = arith.addf %add3A_1011, %mul3A_1070 : vector<16xf32>
            %add3A_1072 = arith.constant 14 : i32
            %add3A_1073 = arith.addi %mul3A_176, %add3A_1072 : i32
            %get3A_1074 = arith.index_cast %add3A_1073 : i32 to index
            %get3A_1075 = arith.constant 80 : index
            %get3A_1076 = tpu.vector_load %arg8[%get3A_1074, %get3A_1075] {strides = array<i32>} : memref<128x128xf32, #tpu.memory_space<vmem>>, vector<16xf32>,
            %mul3A_1077 = arith.mulf %get3A_1076, %gather3A_1036 : vector<16xf32>
            %add3A_1078 = arith.addf %add3A_1018, %mul3A_1077 : vector<16xf32>
            %add3A_1079 = arith.constant 14 : i32
            %add3A_1080 = arith.addi %mul3A_176, %add3A_1079 : i32
            %get3A_1081 = arith.index_cast %add3A_1080 : i32 to index
            %get3A_1082 = arith.constant 96 : index
            %get3A_1083 = tpu.vector_load %arg8[%get3A_1081, %get3A_1082] {strides = array<i32>} : memref<128x128xf32, #tpu.memory_space<vmem>>, vector<16xf32>,
            %mul3A_1084 = arith.mulf %get3A_1083, %gather3A_1036 : vector<16xf32>
            %add3A_1085 = arith.addf %add3A_1025, %mul3A_1084 : vector<16xf32>
            %add3A_1086 = arith.constant 14 : i32
            %add3A_1087 = arith.addi %mul3A_176, %add3A_1086 : i32
            %get3A_1088 = arith.index_cast %add3A_1087 : i32 to index
            %get3A_1089 = arith.constant 112 : index
            %get3A_1090 = tpu.vector_load %arg8[%get3A_1088, %get3A_1089] {strides = array<i32>} : memref<128x128xf32, #tpu.memory_space<vmem>>, vector<16xf32>,
            %mul3A_1091 = arith.mulf %get3A_1090, %gather3A_1036 : vector<16xf32>
            %add3A_1092 = arith.addf %add3A_1032, %mul3A_1091 : vector<16xf32>
            %add3A_1093 = arith.constant 15 : i32
            %add3A_1094 = arith.addi %mul3A_176, %add3A_1093 : i32
            %broadcast_in_dim3A_1095 = vector.broadcast %add3A_1094 : i32 to vector<16xi32>
            %gather3A_1096 = tpu.vector_load_idx %arg9[%broadcast_in_dim3A_158, %broadcast_in_dim3A_1095] : memref<25x128xf32, #tpu.memory_space<vmem>>[vector<16xi32>, vector<16xi32>], vector<16xf32>,
            %add3A_1097 = arith.constant 15 : i32
            %add3A_1098 = arith.addi %mul3A_176, %add3A_1097 : i32
            %get3A_1099 = arith.index_cast %add3A_1098 : i32 to index
            %get3A_1100 = arith.constant 0 : index
            %get3A_1101 = tpu.vector_load %arg8[%get3A_1099, %get3A_1100] {strides = array<i32>} : memref<128x128xf32, #tpu.memory_space<vmem>>, vector<16xf32>,
            %mul3A_1102 = arith.mulf %get3A_1101, %gather3A_1096 : vector<16xf32>
            %add3A_1103 = arith.addf %add3A_1043, %mul3A_1102 : vector<16xf32>
            %add3A_1104 = arith.constant 15 : i32
            %add3A_1105 = arith.addi %mul3A_176, %add3A_1104 : i32
            %get3A_1106 = arith.index_cast %add3A_1105 : i32 to index
            %get3A_1107 = arith.constant 16 : index
            %get3A_1108 = tpu.vector_load %arg8[%get3A_1106, %get3A_1107] {strides = array<i32>} : memref<128x128xf32, #tpu.memory_space<vmem>>, vector<16xf32>,
            %mul3A_1109 = arith.mulf %get3A_1108, %gather3A_1096 : vector<16xf32>
            %add3A_1110 = arith.addf %add3A_1050, %mul3A_1109 : vector<16xf32>
            %add3A_1111 = arith.constant 15 : i32
            %add3A_1112 = arith.addi %mul3A_176, %add3A_1111 : i32
            %get3A_1113 = arith.index_cast %add3A_1112 : i32 to index
            %get3A_1114 = arith.constant 32 : index
            %get3A_1115 = tpu.vector_load %arg8[%get3A_1113, %get3A_1114] {strides = array<i32>} : memref<128x128xf32, #tpu.memory_space<vmem>>, vector<16xf32>,
            %mul3A_1116 = arith.mulf %get3A_1115, %gather3A_1096 : vector<16xf32>
            %add3A_1117 = arith.addf %add3A_1057, %mul3A_1116 : vector<16xf32>
            %add3A_1118 = arith.constant 15 : i32
            %add3A_1119 = arith.addi %mul3A_176, %add3A_1118 : i32
            %get3A_1120 = arith.index_cast %add3A_1119 : i32 to index
            %get3A_1121 = arith.constant 48 : index
            %get3A_1122 = tpu.vector_load %arg8[%get3A_1120, %get3A_1121] {strides = array<i32>} : memref<128x128xf32, #tpu.memory_space<vmem>>, vector<16xf32>,
            %mul3A_1123 = arith.mulf %get3A_1122, %gather3A_1096 : vector<16xf32>
            %add3A_1124 = arith.addf %add3A_1064, %mul3A_1123 : vector<16xf32>
            %add3A_1125 = arith.constant 15 : i32
            %add3A_1126 = arith.addi %mul3A_176, %add3A_1125 : i32
            %get3A_1127 = arith.index_cast %add3A_1126 : i32 to index
            %get3A_1128 = arith.constant 64 : index
            %get3A_1129 = tpu.vector_load %arg8[%get3A_1127, %get3A_1128] {strides = array<i32>} : memref<128x128xf32, #tpu.memory_space<vmem>>, vector<16xf32>,
            %mul3A_1130 = arith.mulf %get3A_1129, %gather3A_1096 : vector<16xf32>
            %add3A_1131 = arith.addf %add3A_1071, %mul3A_1130 : vector<16xf32>
            %add3A_1132 = arith.constant 15 : i32
            %add3A_1133 = arith.addi %mul3A_176, %add3A_1132 : i32
            %get3A_1134 = arith.index_cast %add3A_1133 : i32 to index
            %get3A_1135 = arith.constant 80 : index
            %get3A_1136 = tpu.vector_load %arg8[%get3A_1134, %get3A_1135] {strides = array<i32>} : memref<128x128xf32, #tpu.memory_space<vmem>>, vector<16xf32>,
            %mul3A_1137 = arith.mulf %get3A_1136, %gather3A_1096 : vector<16xf32>
            %add3A_1138 = arith.addf %add3A_1078, %mul3A_1137 : vector<16xf32>
            %add3A_1139 = arith.constant 15 : i32
            %add3A_1140 = arith.addi %mul3A_176, %add3A_1139 : i32
            %get3A_1141 = arith.index_cast %add3A_1140 : i32 to index
            %get3A_1142 = arith.constant 96 : index
            %get3A_1143 = tpu.vector_load %arg8[%get3A_1141, %get3A_1142] {strides = array<i32>} : memref<128x128xf32, #tpu.memory_space<vmem>>, vector<16xf32>,
            %mul3A_1144 = arith.mulf %get3A_1143, %gather3A_1096 : vector<16xf32>
            %add3A_1145 = arith.addf %add3A_1085, %mul3A_1144 : vector<16xf32>
            %add3A_1146 = arith.constant 15 : i32
            %add3A_1147 = arith.addi %mul3A_176, %add3A_1146 : i32
            %get3A_1148 = arith.index_cast %add3A_1147 : i32 to index
            %get3A_1149 = arith.constant 112 : index
            %get3A_1150 = tpu.vector_load %arg8[%get3A_1148, %get3A_1149] {strides = array<i32>} : memref<128x128xf32, #tpu.memory_space<vmem>>, vector<16xf32>,
            %mul3A_1151 = arith.mulf %get3A_1150, %gather3A_1096 : vector<16xf32>
            %add3A_1152 = arith.addf %add3A_1092, %mul3A_1151 : vector<16xf32>
            scf.yield %add3A_1103, %add3A_1110, %add3A_1117, %add3A_1124, %add3A_1131, %add3A_1138, %add3A_1145, %add3A_1152, %scan3A_174 : vector<16xf32>, vector<16xf32>, vector<16xf32>, vector<16xf32>, vector<16xf32>, vector<16xf32>, vector<16xf32>, vector<16xf32>, vector<16xi32>
          } else {
            %add3A_194 = arith.constant 16 : i32
            %add3A_195 = arith.addi %mul3A_176, %add3A_194 : i32
            %while3A = arith.subi %add3A_195, %mul3A_176 : i32
            %while3A_196 = arith.addi %mul3A_176, %while3A : i32
            %while3A_197 = arith.constant 1 : i32
            %while3A_198 = arith.divsi %while3A, %while3A_197 : i32
            %while3A_199 = arith.muli %while3A_198, %while3A_197 : i32
            %while3A_200 = arith.addi %mul3A_176, %while3A_199 : i32
            %while3A_201 = arith.constant 1 : i32
            %while3A_202:9 = scf.for %while3A_205 = %mul3A_176 to %while3A_200 step %while3A_201 iter_args(%while3A_206 = %scan3A_166, %while3A_207 = %scan3A_167, %while3A_208 = %scan3A_168, %while3A_209 = %scan3A_169, %while3A_210 = %scan3A_170, %while3A_211 = %scan3A_171, %while3A_212 = %scan3A_172, %while3A_213 = %scan3A_173, %while3A_214 = %scan3A_174) -> (vector<16xf32>, vector<16xf32>, vector<16xf32>, vector<16xf32>, vector<16xf32>, vector<16xf32>, vector<16xf32>, vector<16xf32>, vector<16xi32>)  : i32 {
              %broadcast_in_dim3A_215 = vector.broadcast %while3A_205 : i32 to vector<16xi32>
              %gather3A = tpu.vector_load_idx %arg9[%broadcast_in_dim3A_158, %broadcast_in_dim3A_215] : memref<25x128xf32, #tpu.memory_space<vmem>>[vector<16xi32>, vector<16xi32>], vector<16xf32>,
              %gather3A_216 = tpu.vector_load_idx %arg10[%broadcast_in_dim3A_158, %broadcast_in_dim3A_215] : memref<25x128xi32, #tpu.memory_space<vmem>>[vector<16xi32>, vector<16xi32>], vector<16xi32>,
              %eq3A_217 = arith.cmpi eq, %gather3A_216, %while3A_214 : vector<16xi32>
              %reduce_and3A_218 = arith.constant 1.000000e+00 : f32
              %reduce_and3A_219 = arith.constant 0.000000e+00 : f32
              %reduce_and3A_220 = vector.broadcast %reduce_and3A_218 : f32 to vector<16xf32>
              %reduce_and3A_221 = vector.broadcast %reduce_and3A_219 : f32 to vector<16xf32>
              %reduce_and3A_222 = arith.select %eq3A_217, %reduce_and3A_220, %reduce_and3A_221 : vector<16xi1>, vector<16xf32>
              %reduce_and3A_223 = arith.constant true
              %reduce_and3A_224 = vector.broadcast %reduce_and3A_223 : i1 to vector<16xi1>
              %reduce_and3A_225 = tpu.scan <min>, %reduce_and3A_222 masked %reduce_and3A_224 : vector<16xf32>, vector<16xi1> -> vector<16xf32>
              %reduce_and3A_226 = vector.extract %reduce_and3A_225[15] : f32 from vector<16xf32>
              %reduce_and3A_227 = arith.constant 0.000000e+00 : f32
              %reduce_and3A_228 = arith.cmpf ogt, %reduce_and3A_226, %reduce_and3A_227 : f32
              %convert_element_type3A_229 = arith.extui %reduce_and3A_228 : i1 to i32
              %cond3A_230 = arith.constant 0 : i32
              %cond3A_231 = arith.cmpi ne, %convert_element_type3A_229, %cond3A_230 : i32
              %cond3A_232:8 = scf.if %cond3A_231 -> (vector<16xf32>, vector<16xf32>, vector<16xf32>, vector<16xf32>, vector<16xf32>, vector<16xf32>, vector<16xf32>, vector<16xf32>) {
                scf.yield %while3A_206, %while3A_207, %while3A_208, %while3A_209, %while3A_210, %while3A_211, %while3A_212, %while3A_213 : vector<16xf32>, vector<16xf32>, vector<16xf32>, vector<16xf32>, vector<16xf32>, vector<16xf32>, vector<16xf32>, vector<16xf32>
              } else {
                %add3A_273 = arith.constant 0 : i32
                %add3A_274 = vector.broadcast %add3A_273 : i32 to vector<16xi32>
                %add3A_275 = arith.addi %iota3A, %add3A_274 : vector<16xi32>
                tpu.vector_store_idx %arg6[%while3A_214, %add3A_275], %while3A_206 {add = true} : memref<512x128xf32, #tpu.memory_space<vmem>>[vector<16xi32>, vector<16xi32>], vector<16xf32>,
                %add3A_276 = arith.constant 16 : i32
                %add3A_277 = vector.broadcast %add3A_276 : i32 to vector<16xi32>
                %add3A_278 = arith.addi %iota3A, %add3A_277 : vector<16xi32>
                tpu.vector_store_idx %arg6[%while3A_214, %add3A_278], %while3A_207 {add = true} : memref<512x128xf32, #tpu.memory_space<vmem>>[vector<16xi32>, vector<16xi32>], vector<16xf32>,
                %add3A_279 = arith.constant 32 : i32
                %add3A_280 = vector.broadcast %add3A_279 : i32 to vector<16xi32>
                %add3A_281 = arith.addi %iota3A, %add3A_280 : vector<16xi32>
                tpu.vector_store_idx %arg6[%while3A_214, %add3A_281], %while3A_208 {add = true} : memref<512x128xf32, #tpu.memory_space<vmem>>[vector<16xi32>, vector<16xi32>], vector<16xf32>,
                %add3A_282 = arith.constant 48 : i32
                %add3A_283 = vector.broadcast %add3A_282 : i32 to vector<16xi32>
                %add3A_284 = arith.addi %iota3A, %add3A_283 : vector<16xi32>
                tpu.vector_store_idx %arg6[%while3A_214, %add3A_284], %while3A_209 {add = true} : memref<512x128xf32, #tpu.memory_space<vmem>>[vector<16xi32>, vector<16xi32>], vector<16xf32>,
                %add3A_285 = arith.constant 64 : i32
                %add3A_286 = vector.broadcast %add3A_285 : i32 to vector<16xi32>
                %add3A_287 = arith.addi %iota3A, %add3A_286 : vector<16xi32>
                tpu.vector_store_idx %arg6[%while3A_214, %add3A_287], %while3A_210 {add = true} : memref<512x128xf32, #tpu.memory_space<vmem>>[vector<16xi32>, vector<16xi32>], vector<16xf32>,
                %add3A_288 = arith.constant 80 : i32
                %add3A_289 = vector.broadcast %add3A_288 : i32 to vector<16xi32>
                %add3A_290 = arith.addi %iota3A, %add3A_289 : vector<16xi32>
                tpu.vector_store_idx %arg6[%while3A_214, %add3A_290], %while3A_211 {add = true} : memref<512x128xf32, #tpu.memory_space<vmem>>[vector<16xi32>, vector<16xi32>], vector<16xf32>,
                %add3A_291 = arith.constant 96 : i32
                %add3A_292 = vector.broadcast %add3A_291 : i32 to vector<16xi32>
                %add3A_293 = arith.addi %iota3A, %add3A_292 : vector<16xi32>
                tpu.vector_store_idx %arg6[%while3A_214, %add3A_293], %while3A_212 {add = true} : memref<512x128xf32, #tpu.memory_space<vmem>>[vector<16xi32>, vector<16xi32>], vector<16xf32>,
                %add3A_294 = arith.constant 112 : i32
                %add3A_295 = vector.broadcast %add3A_294 : i32 to vector<16xi32>
                %add3A_296 = arith.addi %iota3A, %add3A_295 : vector<16xi32>
                tpu.vector_store_idx %arg6[%while3A_214, %add3A_296], %while3A_213 {add = true} : memref<512x128xf32, #tpu.memory_space<vmem>>[vector<16xi32>, vector<16xi32>], vector<16xf32>,
                scf.yield %broadcast_in_dim3A_23, %broadcast_in_dim3A_25, %broadcast_in_dim3A_27, %broadcast_in_dim3A_29, %broadcast_in_dim3A_31, %broadcast_in_dim3A_33, %broadcast_in_dim3A_35, %broadcast_in_dim3A_37 : vector<16xf32>, vector<16xf32>, vector<16xf32>, vector<16xf32>, vector<16xf32>, vector<16xf32>, vector<16xf32>, vector<16xf32>
              }
              %get3A_233 = arith.index_cast %while3A_205 : i32 to index
              %get3A_234 = arith.constant 0 : index
              %get3A_235 = tpu.vector_load %arg8[%get3A_233, %get3A_234] {strides = array<i32>} : memref<128x128xf32, #tpu.memory_space<vmem>>, vector<16xf32>,
              %mul3A_236 = arith.mulf %get3A_235, %gather3A : vector<16xf32>
              %add3A_237 = arith.addf %cond3A_232#0, %mul3A_236 : vector<16xf32>
              %get3A_238 = arith.index_cast %while3A_205 : i32 to index
              %get3A_239 = arith.constant 16 : index
              %get3A_240 = tpu.vector_load %arg8[%get3A_238, %get3A_239] {strides = array<i32>} : memref<128x128xf32, #tpu.memory_space<vmem>>, vector<16xf32>,
              %mul3A_241 = arith.mulf %get3A_240, %gather3A : vector<16xf32>
              %add3A_242 = arith.addf %cond3A_232#1, %mul3A_241 : vector<16xf32>
              %get3A_243 = arith.index_cast %while3A_205 : i32 to index
              %get3A_244 = arith.constant 32 : index
              %get3A_245 = tpu.vector_load %arg8[%get3A_243, %get3A_244] {strides = array<i32>} : memref<128x128xf32, #tpu.memory_space<vmem>>, vector<16xf32>,
              %mul3A_246 = arith.mulf %get3A_245, %gather3A : vector<16xf32>
              %add3A_247 = arith.addf %cond3A_232#2, %mul3A_246 : vector<16xf32>
              %get3A_248 = arith.index_cast %while3A_205 : i32 to index
              %get3A_249 = arith.constant 48 : index
              %get3A_250 = tpu.vector_load %arg8[%get3A_248, %get3A_249] {strides = array<i32>} : memref<128x128xf32, #tpu.memory_space<vmem>>, vector<16xf32>,
              %mul3A_251 = arith.mulf %get3A_250, %gather3A : vector<16xf32>
              %add3A_252 = arith.addf %cond3A_232#3, %mul3A_251 : vector<16xf32>
              %get3A_253 = arith.index_cast %while3A_205 : i32 to index
              %get3A_254 = arith.constant 64 : index
              %get3A_255 = tpu.vector_load %arg8[%get3A_253, %get3A_254] {strides = array<i32>} : memref<128x128xf32, #tpu.memory_space<vmem>>, vector<16xf32>,
              %mul3A_256 = arith.mulf %get3A_255, %gather3A : vector<16xf32>
              %add3A_257 = arith.addf %cond3A_232#4, %mul3A_256 : vector<16xf32>
              %get3A_258 = arith.index_cast %while3A_205 : i32 to index
              %get3A_259 = arith.constant 80 : index
              %get3A_260 = tpu.vector_load %arg8[%get3A_258, %get3A_259] {strides = array<i32>} : memref<128x128xf32, #tpu.memory_space<vmem>>, vector<16xf32>,
              %mul3A_261 = arith.mulf %get3A_260, %gather3A : vector<16xf32>
              %add3A_262 = arith.addf %cond3A_232#5, %mul3A_261 : vector<16xf32>
              %get3A_263 = arith.index_cast %while3A_205 : i32 to index
              %get3A_264 = arith.constant 96 : index
              %get3A_265 = tpu.vector_load %arg8[%get3A_263, %get3A_264] {strides = array<i32>} : memref<128x128xf32, #tpu.memory_space<vmem>>, vector<16xf32>,
              %mul3A_266 = arith.mulf %get3A_265, %gather3A : vector<16xf32>
              %add3A_267 = arith.addf %cond3A_232#6, %mul3A_266 : vector<16xf32>
              %get3A_268 = arith.index_cast %while3A_205 : i32 to index
              %get3A_269 = arith.constant 112 : index
              %get3A_270 = tpu.vector_load %arg8[%get3A_268, %get3A_269] {strides = array<i32>} : memref<128x128xf32, #tpu.memory_space<vmem>>, vector<16xf32>,
              %mul3A_271 = arith.mulf %get3A_270, %gather3A : vector<16xf32>
              %add3A_272 = arith.addf %cond3A_232#7, %mul3A_271 : vector<16xf32>
              scf.yield %add3A_237, %add3A_242, %add3A_247, %add3A_252, %add3A_257, %add3A_262, %add3A_267, %add3A_272, %gather3A_216 : vector<16xf32>, vector<16xf32>, vector<16xf32>, vector<16xf32>, vector<16xf32>, vector<16xf32>, vector<16xf32>, vector<16xf32>, vector<16xi32>
            }
            %while3A_203 = arith.constant 1 : i32
            %while3A_204:9 = scf.for %while3A_205 = %while3A_200 to %while3A_196 step %while3A_203 iter_args(%while3A_206 = %while3A_202#0, %while3A_207 = %while3A_202#1, %while3A_208 = %while3A_202#2, %while3A_209 = %while3A_202#3, %while3A_210 = %while3A_202#4, %while3A_211 = %while3A_202#5, %while3A_212 = %while3A_202#6, %while3A_213 = %while3A_202#7, %while3A_214 = %while3A_202#8) -> (vector<16xf32>, vector<16xf32>, vector<16xf32>, vector<16xf32>, vector<16xf32>, vector<16xf32>, vector<16xf32>, vector<16xf32>, vector<16xi32>)  : i32 {
              %broadcast_in_dim3A_215 = vector.broadcast %while3A_205 : i32 to vector<16xi32>
              %gather3A = tpu.vector_load_idx %arg9[%broadcast_in_dim3A_158, %broadcast_in_dim3A_215] : memref<25x128xf32, #tpu.memory_space<vmem>>[vector<16xi32>, vector<16xi32>], vector<16xf32>,
              %gather3A_216 = tpu.vector_load_idx %arg10[%broadcast_in_dim3A_158, %broadcast_in_dim3A_215] : memref<25x128xi32, #tpu.memory_space<vmem>>[vector<16xi32>, vector<16xi32>], vector<16xi32>,
              %eq3A_217 = arith.cmpi eq, %gather3A_216, %while3A_214 : vector<16xi32>
              %reduce_and3A_218 = arith.constant 1.000000e+00 : f32
              %reduce_and3A_219 = arith.constant 0.000000e+00 : f32
              %reduce_and3A_220 = vector.broadcast %reduce_and3A_218 : f32 to vector<16xf32>
              %reduce_and3A_221 = vector.broadcast %reduce_and3A_219 : f32 to vector<16xf32>
              %reduce_and3A_222 = arith.select %eq3A_217, %reduce_and3A_220, %reduce_and3A_221 : vector<16xi1>, vector<16xf32>
              %reduce_and3A_223 = arith.constant true
              %reduce_and3A_224 = vector.broadcast %reduce_and3A_223 : i1 to vector<16xi1>
              %reduce_and3A_225 = tpu.scan <min>, %reduce_and3A_222 masked %reduce_and3A_224 : vector<16xf32>, vector<16xi1> -> vector<16xf32>
              %reduce_and3A_226 = vector.extract %reduce_and3A_225[15] : f32 from vector<16xf32>
              %reduce_and3A_227 = arith.constant 0.000000e+00 : f32
              %reduce_and3A_228 = arith.cmpf ogt, %reduce_and3A_226, %reduce_and3A_227 : f32
              %convert_element_type3A_229 = arith.extui %reduce_and3A_228 : i1 to i32
              %cond3A_230 = arith.constant 0 : i32
              %cond3A_231 = arith.cmpi ne, %convert_element_type3A_229, %cond3A_230 : i32
              %cond3A_232:8 = scf.if %cond3A_231 -> (vector<16xf32>, vector<16xf32>, vector<16xf32>, vector<16xf32>, vector<16xf32>, vector<16xf32>, vector<16xf32>, vector<16xf32>) {
                scf.yield %while3A_206, %while3A_207, %while3A_208, %while3A_209, %while3A_210, %while3A_211, %while3A_212, %while3A_213 : vector<16xf32>, vector<16xf32>, vector<16xf32>, vector<16xf32>, vector<16xf32>, vector<16xf32>, vector<16xf32>, vector<16xf32>
              } else {
                %add3A_273 = arith.constant 0 : i32
                %add3A_274 = vector.broadcast %add3A_273 : i32 to vector<16xi32>
                %add3A_275 = arith.addi %iota3A, %add3A_274 : vector<16xi32>
                tpu.vector_store_idx %arg6[%while3A_214, %add3A_275], %while3A_206 {add = true} : memref<512x128xf32, #tpu.memory_space<vmem>>[vector<16xi32>, vector<16xi32>], vector<16xf32>,
                %add3A_276 = arith.constant 16 : i32
                %add3A_277 = vector.broadcast %add3A_276 : i32 to vector<16xi32>
                %add3A_278 = arith.addi %iota3A, %add3A_277 : vector<16xi32>
                tpu.vector_store_idx %arg6[%while3A_214, %add3A_278], %while3A_207 {add = true} : memref<512x128xf32, #tpu.memory_space<vmem>>[vector<16xi32>, vector<16xi32>], vector<16xf32>,
                %add3A_279 = arith.constant 32 : i32
                %add3A_280 = vector.broadcast %add3A_279 : i32 to vector<16xi32>
                %add3A_281 = arith.addi %iota3A, %add3A_280 : vector<16xi32>
                tpu.vector_store_idx %arg6[%while3A_214, %add3A_281], %while3A_208 {add = true} : memref<512x128xf32, #tpu.memory_space<vmem>>[vector<16xi32>, vector<16xi32>], vector<16xf32>,
                %add3A_282 = arith.constant 48 : i32
                %add3A_283 = vector.broadcast %add3A_282 : i32 to vector<16xi32>
                %add3A_284 = arith.addi %iota3A, %add3A_283 : vector<16xi32>
                tpu.vector_store_idx %arg6[%while3A_214, %add3A_284], %while3A_209 {add = true} : memref<512x128xf32, #tpu.memory_space<vmem>>[vector<16xi32>, vector<16xi32>], vector<16xf32>,
                %add3A_285 = arith.constant 64 : i32
                %add3A_286 = vector.broadcast %add3A_285 : i32 to vector<16xi32>
                %add3A_287 = arith.addi %iota3A, %add3A_286 : vector<16xi32>
                tpu.vector_store_idx %arg6[%while3A_214, %add3A_287], %while3A_210 {add = true} : memref<512x128xf32, #tpu.memory_space<vmem>>[vector<16xi32>, vector<16xi32>], vector<16xf32>,
                %add3A_288 = arith.constant 80 : i32
                %add3A_289 = vector.broadcast %add3A_288 : i32 to vector<16xi32>
                %add3A_290 = arith.addi %iota3A, %add3A_289 : vector<16xi32>
                tpu.vector_store_idx %arg6[%while3A_214, %add3A_290], %while3A_211 {add = true} : memref<512x128xf32, #tpu.memory_space<vmem>>[vector<16xi32>, vector<16xi32>], vector<16xf32>,
                %add3A_291 = arith.constant 96 : i32
                %add3A_292 = vector.broadcast %add3A_291 : i32 to vector<16xi32>
                %add3A_293 = arith.addi %iota3A, %add3A_292 : vector<16xi32>
                tpu.vector_store_idx %arg6[%while3A_214, %add3A_293], %while3A_212 {add = true} : memref<512x128xf32, #tpu.memory_space<vmem>>[vector<16xi32>, vector<16xi32>], vector<16xf32>,
                %add3A_294 = arith.constant 112 : i32
                %add3A_295 = vector.broadcast %add3A_294 : i32 to vector<16xi32>
                %add3A_296 = arith.addi %iota3A, %add3A_295 : vector<16xi32>
                tpu.vector_store_idx %arg6[%while3A_214, %add3A_296], %while3A_213 {add = true} : memref<512x128xf32, #tpu.memory_space<vmem>>[vector<16xi32>, vector<16xi32>], vector<16xf32>,
                scf.yield %broadcast_in_dim3A_23, %broadcast_in_dim3A_25, %broadcast_in_dim3A_27, %broadcast_in_dim3A_29, %broadcast_in_dim3A_31, %broadcast_in_dim3A_33, %broadcast_in_dim3A_35, %broadcast_in_dim3A_37 : vector<16xf32>, vector<16xf32>, vector<16xf32>, vector<16xf32>, vector<16xf32>, vector<16xf32>, vector<16xf32>, vector<16xf32>
              }
              %get3A_233 = arith.index_cast %while3A_205 : i32 to index
              %get3A_234 = arith.constant 0 : index
              %get3A_235 = tpu.vector_load %arg8[%get3A_233, %get3A_234] {strides = array<i32>} : memref<128x128xf32, #tpu.memory_space<vmem>>, vector<16xf32>,
              %mul3A_236 = arith.mulf %get3A_235, %gather3A : vector<16xf32>
              %add3A_237 = arith.addf %cond3A_232#0, %mul3A_236 : vector<16xf32>
              %get3A_238 = arith.index_cast %while3A_205 : i32 to index
              %get3A_239 = arith.constant 16 : index
              %get3A_240 = tpu.vector_load %arg8[%get3A_238, %get3A_239] {strides = array<i32>} : memref<128x128xf32, #tpu.memory_space<vmem>>, vector<16xf32>,
              %mul3A_241 = arith.mulf %get3A_240, %gather3A : vector<16xf32>
              %add3A_242 = arith.addf %cond3A_232#1, %mul3A_241 : vector<16xf32>
              %get3A_243 = arith.index_cast %while3A_205 : i32 to index
              %get3A_244 = arith.constant 32 : index
              %get3A_245 = tpu.vector_load %arg8[%get3A_243, %get3A_244] {strides = array<i32>} : memref<128x128xf32, #tpu.memory_space<vmem>>, vector<16xf32>,
              %mul3A_246 = arith.mulf %get3A_245, %gather3A : vector<16xf32>
              %add3A_247 = arith.addf %cond3A_232#2, %mul3A_246 : vector<16xf32>
              %get3A_248 = arith.index_cast %while3A_205 : i32 to index
              %get3A_249 = arith.constant 48 : index
              %get3A_250 = tpu.vector_load %arg8[%get3A_248, %get3A_249] {strides = array<i32>} : memref<128x128xf32, #tpu.memory_space<vmem>>, vector<16xf32>,
              %mul3A_251 = arith.mulf %get3A_250, %gather3A : vector<16xf32>
              %add3A_252 = arith.addf %cond3A_232#3, %mul3A_251 : vector<16xf32>
              %get3A_253 = arith.index_cast %while3A_205 : i32 to index
              %get3A_254 = arith.constant 64 : index
              %get3A_255 = tpu.vector_load %arg8[%get3A_253, %get3A_254] {strides = array<i32>} : memref<128x128xf32, #tpu.memory_space<vmem>>, vector<16xf32>,
              %mul3A_256 = arith.mulf %get3A_255, %gather3A : vector<16xf32>
              %add3A_257 = arith.addf %cond3A_232#4, %mul3A_256 : vector<16xf32>
              %get3A_258 = arith.index_cast %while3A_205 : i32 to index
              %get3A_259 = arith.constant 80 : index
              %get3A_260 = tpu.vector_load %arg8[%get3A_258, %get3A_259] {strides = array<i32>} : memref<128x128xf32, #tpu.memory_space<vmem>>, vector<16xf32>,
              %mul3A_261 = arith.mulf %get3A_260, %gather3A : vector<16xf32>
              %add3A_262 = arith.addf %cond3A_232#5, %mul3A_261 : vector<16xf32>
              %get3A_263 = arith.index_cast %while3A_205 : i32 to index
              %get3A_264 = arith.constant 96 : index
              %get3A_265 = tpu.vector_load %arg8[%get3A_263, %get3A_264] {strides = array<i32>} : memref<128x128xf32, #tpu.memory_space<vmem>>, vector<16xf32>,
              %mul3A_266 = arith.mulf %get3A_265, %gather3A : vector<16xf32>
              %add3A_267 = arith.addf %cond3A_232#6, %mul3A_266 : vector<16xf32>
              %get3A_268 = arith.index_cast %while3A_205 : i32 to index
              %get3A_269 = arith.constant 112 : index
              %get3A_270 = tpu.vector_load %arg8[%get3A_268, %get3A_269] {strides = array<i32>} : memref<128x128xf32, #tpu.memory_space<vmem>>, vector<16xf32>,
              %mul3A_271 = arith.mulf %get3A_270, %gather3A : vector<16xf32>
              %add3A_272 = arith.addf %cond3A_232#7, %mul3A_271 : vector<16xf32>
              scf.yield %add3A_237, %add3A_242, %add3A_247, %add3A_252, %add3A_257, %add3A_262, %add3A_267, %add3A_272, %gather3A_216 : vector<16xf32>, vector<16xf32>, vector<16xf32>, vector<16xf32>, vector<16xf32>, vector<16xf32>, vector<16xf32>, vector<16xf32>, vector<16xi32>
            }
            scf.yield %while3A_204#0, %while3A_204#1, %while3A_204#2, %while3A_204#3, %while3A_204#4, %while3A_204#5, %while3A_204#6, %while3A_204#7, %while3A_204#8 : vector<16xf32>, vector<16xf32>, vector<16xf32>, vector<16xf32>, vector<16xf32>, vector<16xf32>, vector<16xf32>, vector<16xf32>, vector<16xi32>
          }
          scf.yield %cond3A_193#0, %cond3A_193#1, %cond3A_193#2, %cond3A_193#3, %cond3A_193#4, %cond3A_193#5, %cond3A_193#6, %cond3A_193#7, %cond3A_193#8 : vector<16xf32>, vector<16xf32>, vector<16xf32>, vector<16xf32>, vector<16xf32>, vector<16xf32>, vector<16xf32>, vector<16xf32>, vector<16xi32>
        }
        %scan3A_164 = arith.constant 8 : i32
        scf.yield %scan3A_163#0, %scan3A_163#1, %scan3A_163#2, %scan3A_163#3, %scan3A_163#4, %scan3A_163#5, %scan3A_163#6, %scan3A_163#7, %scan3A_163#8 : vector<16xf32>, vector<16xf32>, vector<16xf32>, vector<16xf32>, vector<16xf32>, vector<16xf32>, vector<16xf32>, vector<16xf32>, vector<16xi32>
      } else {
        scf.yield %cond3A_124#0, %cond3A_124#1, %cond3A_124#2, %cond3A_124#3, %cond3A_124#4, %cond3A_124#5, %cond3A_124#6, %cond3A_124#7, %cond3A_124#8 : vector<16xf32>, vector<16xf32>, vector<16xf32>, vector<16xf32>, vector<16xf32>, vector<16xf32>, vector<16xf32>, vector<16xf32>, vector<16xi32>
      }
      %add3A_145 = arith.constant 64 : i32
      %add3A_146 = arith.addi %add3A_138, %add3A_145 : i32
      %lt3A_147 = arith.constant 781 : i32
      %lt3A_148 = arith.cmpi slt, %add3A_146, %lt3A_147 : i32
      %convert_element_type3A_149 = arith.extui %lt3A_148 : i1 to i32
      %cond3A_150 = arith.constant 0 : i32
      %cond3A_151 = arith.cmpi ne, %convert_element_type3A_149, %cond3A_150 : i32
      scf.if %cond3A_151 {
        %mul3A_152 = arith.constant 128 : i32
        %mul3A_153 = arith.muli %add3A_146, %mul3A_152 : i32
        %dma_start3A_154 = arith.constant 0 : i32
        %dma_start3A_155 = tpu.memref_slice %arg2[%mul3A_153, %dma_start3A_154] : memref<100000x256xf32, #tpu.memory_space<hbm>> -> memref<128x128xf32, #tpu.memory_space<hbm>>
        %dma_start3A_156 = arith.constant 0 : i32
        %dma_start3A_157 = tpu.memref_slice %arg2[%mul3A_153, %dma_start3A_156] : memref<100000x256xf32, #tpu.memory_space<hbm>> -> memref<128x128xf32, #tpu.memory_space<hbm>>
        tpu.enqueue_dma source(%dma_start3A_157 : memref<128x128xf32, #tpu.memory_space<hbm>>) target(%arg8 : memref<128x128xf32, #tpu.memory_space<vmem>>) target_semaphore(%arg12 : memref<!tpu.dma_semaphore, #tpu.memory_space<semaphore_mem>>)
      } else {
      }
      scf.yield %cond3A_144#0, %cond3A_144#1, %cond3A_144#2, %cond3A_144#3, %cond3A_144#4, %cond3A_144#5, %cond3A_144#6, %cond3A_144#7, %cond3A_144#8 : vector<16xf32>, vector<16xf32>, vector<16xf32>, vector<16xf32>, vector<16xf32>, vector<16xf32>, vector<16xf32>, vector<16xf32>, vector<16xi32>
    }
    %scan3A_76 = arith.constant 13 : i32
    %add3A_77 = arith.constant 0 : i32
    %add3A_78 = vector.broadcast %add3A_77 : i32 to vector<16xi32>
    %add3A_79 = arith.addi %iota3A, %add3A_78 : vector<16xi32>
    tpu.vector_store_idx %arg6[%scan3A_75#8, %add3A_79], %scan3A_75#0 {add = true} : memref<512x128xf32, #tpu.memory_space<vmem>>[vector<16xi32>, vector<16xi32>], vector<16xf32>,
    %add3A_80 = arith.constant 16 : i32
    %add3A_81 = vector.broadcast %add3A_80 : i32 to vector<16xi32>
    %add3A_82 = arith.addi %iota3A, %add3A_81 : vector<16xi32>
    tpu.vector_store_idx %arg6[%scan3A_75#8, %add3A_82], %scan3A_75#1 {add = true} : memref<512x128xf32, #tpu.memory_space<vmem>>[vector<16xi32>, vector<16xi32>], vector<16xf32>,
    %add3A_83 = arith.constant 32 : i32
    %add3A_84 = vector.broadcast %add3A_83 : i32 to vector<16xi32>
    %add3A_85 = arith.addi %iota3A, %add3A_84 : vector<16xi32>
    tpu.vector_store_idx %arg6[%scan3A_75#8, %add3A_85], %scan3A_75#2 {add = true} : memref<512x128xf32, #tpu.memory_space<vmem>>[vector<16xi32>, vector<16xi32>], vector<16xf32>,
    %add3A_86 = arith.constant 48 : i32
    %add3A_87 = vector.broadcast %add3A_86 : i32 to vector<16xi32>
    %add3A_88 = arith.addi %iota3A, %add3A_87 : vector<16xi32>
    tpu.vector_store_idx %arg6[%scan3A_75#8, %add3A_88], %scan3A_75#3 {add = true} : memref<512x128xf32, #tpu.memory_space<vmem>>[vector<16xi32>, vector<16xi32>], vector<16xf32>,
    %add3A_89 = arith.constant 64 : i32
    %add3A_90 = vector.broadcast %add3A_89 : i32 to vector<16xi32>
    %add3A_91 = arith.addi %iota3A, %add3A_90 : vector<16xi32>
    tpu.vector_store_idx %arg6[%scan3A_75#8, %add3A_91], %scan3A_75#4 {add = true} : memref<512x128xf32, #tpu.memory_space<vmem>>[vector<16xi32>, vector<16xi32>], vector<16xf32>,
    %add3A_92 = arith.constant 80 : i32
    %add3A_93 = vector.broadcast %add3A_92 : i32 to vector<16xi32>
    %add3A_94 = arith.addi %iota3A, %add3A_93 : vector<16xi32>
    tpu.vector_store_idx %arg6[%scan3A_75#8, %add3A_94], %scan3A_75#5 {add = true} : memref<512x128xf32, #tpu.memory_space<vmem>>[vector<16xi32>, vector<16xi32>], vector<16xf32>,
    %add3A_95 = arith.constant 96 : i32
    %add3A_96 = vector.broadcast %add3A_95 : i32 to vector<16xi32>
    %add3A_97 = arith.addi %iota3A, %add3A_96 : vector<16xi32>
    tpu.vector_store_idx %arg6[%scan3A_75#8, %add3A_97], %scan3A_75#6 {add = true} : memref<512x128xf32, #tpu.memory_space<vmem>>[vector<16xi32>, vector<16xi32>], vector<16xf32>,
    %add3A_98 = arith.constant 112 : i32
    %add3A_99 = vector.broadcast %add3A_98 : i32 to vector<16xi32>
    %add3A_100 = arith.addi %iota3A, %add3A_99 : vector<16xi32>
    tpu.vector_store_idx %arg6[%scan3A_75#8, %add3A_100], %scan3A_75#7 {add = true} : memref<512x128xf32, #tpu.memory_space<vmem>>[vector<16xi32>, vector<16xi32>], vector<16xf32>,
    %eq3A = arith.constant 13 : i32
    %eq3A_101 = arith.cmpi eq, %add3A, %eq3A : i32
    %convert_element_type3A = arith.extui %eq3A_101 : i1 to i32
    %cond3A = arith.constant 0 : i32
    %cond3A_102 = arith.cmpi ne, %convert_element_type3A, %cond3A : i32
    scf.if %cond3A_102 {
      "tpu.region"() ({
        %run_scoped3A = tpu.sem_alloc : memref<!tpu.dma_semaphore, #tpu.memory_space<semaphore_mem>>
        %dma_start3A_135 = arith.constant 0 : i32
        %dma_start3A_136 = arith.constant 0 : i32
        %dma_start3A_137 = tpu.memref_slice %arg7[%dma_start3A_135, %dma_start3A_136] : memref<128x128xf32, #tpu.memory_space<vmem>> -> memref<32x128xf32, #tpu.memory_space<vmem>>
        %dma_start3A_138 = arith.constant 99968 : i32
        %dma_start3A_139 = arith.constant 0 : i32
        %dma_start3A_140 = tpu.memref_slice %arg2[%dma_start3A_138, %dma_start3A_139] : memref<100000x256xf32, #tpu.memory_space<hbm>> -> memref<32x128xf32, #tpu.memory_space<hbm>>
        %dma_start3A_141 = arith.constant 0 : i32
        %dma_start3A_142 = arith.constant 0 : i32
        %dma_start3A_143 = tpu.memref_slice %arg7[%dma_start3A_141, %dma_start3A_142] : memref<128x128xf32, #tpu.memory_space<vmem>> -> memref<32x128xf32, #tpu.memory_space<vmem>>
        %dma_start3A_144 = arith.constant 99968 : i32
        %dma_start3A_145 = arith.constant 0 : i32
        %dma_start3A_146 = tpu.memref_slice %arg2[%dma_start3A_144, %dma_start3A_145] : memref<100000x256xf32, #tpu.memory_space<hbm>> -> memref<32x128xf32, #tpu.memory_space<hbm>>
        tpu.enqueue_dma source(%dma_start3A_146 : memref<32x128xf32, #tpu.memory_space<hbm>>) target(%dma_start3A_143 : memref<32x128xf32, #tpu.memory_space<vmem>>) target_semaphore(%run_scoped3A : memref<!tpu.dma_semaphore, #tpu.memory_space<semaphore_mem>>)
        %dma_wait3A_147 = arith.constant 0 : i32
        %dma_wait3A_148 = arith.constant 0 : i32
        %dma_wait3A_149 = tpu.memref_slice %arg7[%dma_wait3A_147, %dma_wait3A_148] : memref<128x128xf32, #tpu.memory_space<vmem>> -> memref<32x128xf32, #tpu.memory_space<vmem>>
        %dma_wait3A_150 = arith.constant 99968 : i32
        %dma_wait3A_151 = arith.constant 0 : i32
        %dma_wait3A_152 = tpu.memref_slice %arg2[%dma_wait3A_150, %dma_wait3A_151] : memref<100000x256xf32, #tpu.memory_space<hbm>> -> memref<32x128xf32, #tpu.memory_space<hbm>>
        %dma_wait3A_153 = arith.constant 0 : i32
        %dma_wait3A_154 = arith.constant 0 : i32
        %dma_wait3A_155 = tpu.memref_slice %arg7[%dma_wait3A_153, %dma_wait3A_154] : memref<128x128xf32, #tpu.memory_space<vmem>> -> memref<32x128xf32, #tpu.memory_space<vmem>>
        %dma_wait3A_156 = arith.constant 99968 : i32
        %dma_wait3A_157 = arith.constant 0 : i32
        %dma_wait3A_158 = tpu.memref_slice %arg2[%dma_wait3A_156, %dma_wait3A_157] : memref<100000x256xf32, #tpu.memory_space<hbm>> -> memref<32x128xf32, #tpu.memory_space<hbm>>
        tpu.wait_dma2 semaphore(%run_scoped3A : memref<!tpu.dma_semaphore, #tpu.memory_space<semaphore_mem>>) src(%dma_wait3A_158 : memref<32x128xf32, #tpu.memory_space<hbm>>) dst(%dma_wait3A_155 : memref<32x128xf32, #tpu.memory_space<vmem>>)
        tpu.yield
      }) : () -> ()
      %broadcast_in_dim3A_103 = arith.constant 24 : i32
      %broadcast_in_dim3A_104 = vector.broadcast %broadcast_in_dim3A_103 : i32 to vector<16xi32>
      %scan3A_105 = arith.constant 0 : i32
      %scan3A_106 = arith.constant 2 : i32
      %scan3A_107 = arith.addi %scan3A_105, %scan3A_106 : i32
      %scan3A_108 = arith.constant 1 : i32
      %scan3A_109:9 = scf.for %scan3A_135 = %scan3A_105 to %scan3A_107 step %scan3A_108 iter_args(%scan3A_136 = %broadcast_in_dim3A_23, %scan3A_137 = %broadcast_in_dim3A_25, %scan3A_138 = %broadcast_in_dim3A_27, %scan3A_139 = %broadcast_in_dim3A_29, %scan3A_140 = %broadcast_in_dim3A_31, %scan3A_141 = %broadcast_in_dim3A_33, %scan3A_142 = %broadcast_in_dim3A_35, %scan3A_143 = %broadcast_in_dim3A_37, %scan3A_144 = %broadcast_in_dim3A_39) -> (vector<16xf32>, vector<16xf32>, vector<16xf32>, vector<16xf32>, vector<16xf32>, vector<16xf32>, vector<16xf32>, vector<16xf32>, vector<16xi32>)  : i32 {
        %mul3A_145 = arith.constant 16 : i32
        %mul3A_146 = arith.muli %scan3A_135, %mul3A_145 : i32
        %get3A = arith.constant 24 : i32
        %get3A_147 = arith.index_cast %get3A : i32 to index
        %get3A_148 = arith.index_cast %mul3A_146 : i32 to index
        %get3A_149 = tpu.vector_load %arg10[%get3A_147, %get3A_148] {strides = array<i32>} : memref<25x128xi32, #tpu.memory_space<vmem>>, vector<16xi32>,
        %eq3A_150 = arith.cmpi eq, %get3A_149, %scan3A_144 : vector<16xi32>
        %reduce_and3A = arith.constant 1.000000e+00 : f32
        %reduce_and3A_151 = arith.constant 0.000000e+00 : f32
        %reduce_and3A_152 = vector.broadcast %reduce_and3A : f32 to vector<16xf32>
        %reduce_and3A_153 = vector.broadcast %reduce_and3A_151 : f32 to vector<16xf32>
        %reduce_and3A_154 = arith.select %eq3A_150, %reduce_and3A_152, %reduce_and3A_153 : vector<16xi1>, vector<16xf32>
        %reduce_and3A_155 = arith.constant true
        %reduce_and3A_156 = vector.broadcast %reduce_and3A_155 : i1 to vector<16xi1>
        %reduce_and3A_157 = tpu.scan <min>, %reduce_and3A_154 masked %reduce_and3A_156 : vector<16xf32>, vector<16xi1> -> vector<16xf32>
        %reduce_and3A_158 = vector.extract %reduce_and3A_157[15] : f32 from vector<16xf32>
        %reduce_and3A_159 = arith.constant 0.000000e+00 : f32
        %reduce_and3A_160 = arith.cmpf ogt, %reduce_and3A_158, %reduce_and3A_159 : f32
        %convert_element_type3A_161 = arith.extui %reduce_and3A_160 : i1 to i32
        %cond3A_162 = arith.constant 0 : i32
        %cond3A_163 = arith.cmpi ne, %convert_element_type3A_161, %cond3A_162 : i32
        %cond3A_164:9 = scf.if %cond3A_163 -> (vector<16xf32>, vector<16xf32>, vector<16xf32>, vector<16xf32>, vector<16xf32>, vector<16xf32>, vector<16xf32>, vector<16xf32>, vector<16xi32>) {
          %add3A_165 = arith.constant 0 : i32
          %add3A_166 = arith.addi %mul3A_146, %add3A_165 : i32
          %broadcast_in_dim3A_167 = vector.broadcast %add3A_166 : i32 to vector<16xi32>
          %gather3A = tpu.vector_load_idx %arg9[%broadcast_in_dim3A_104, %broadcast_in_dim3A_167] : memref<25x128xf32, #tpu.memory_space<vmem>>[vector<16xi32>, vector<16xi32>], vector<16xf32>,
          %add3A_168 = arith.constant 0 : i32
          %add3A_169 = arith.addi %mul3A_146, %add3A_168 : i32
          %get3A_170 = arith.index_cast %add3A_169 : i32 to index
          %get3A_171 = arith.constant 0 : index
          %get3A_172 = tpu.vector_load %arg7[%get3A_170, %get3A_171] {strides = array<i32>} : memref<128x128xf32, #tpu.memory_space<vmem>>, vector<16xf32>,
          %mul3A_173 = arith.mulf %get3A_172, %gather3A : vector<16xf32>
          %add3A_174 = arith.addf %scan3A_136, %mul3A_173 : vector<16xf32>
          %add3A_175 = arith.constant 0 : i32
          %add3A_176 = arith.addi %mul3A_146, %add3A_175 : i32
          %get3A_177 = arith.index_cast %add3A_176 : i32 to index
          %get3A_178 = arith.constant 16 : index
          %get3A_179 = tpu.vector_load %arg7[%get3A_177, %get3A_178] {strides = array<i32>} : memref<128x128xf32, #tpu.memory_space<vmem>>, vector<16xf32>,
          %mul3A_180 = arith.mulf %get3A_179, %gather3A : vector<16xf32>
          %add3A_181 = arith.addf %scan3A_137, %mul3A_180 : vector<16xf32>
          %add3A_182 = arith.constant 0 : i32
          %add3A_183 = arith.addi %mul3A_146, %add3A_182 : i32
          %get3A_184 = arith.index_cast %add3A_183 : i32 to index
          %get3A_185 = arith.constant 32 : index
          %get3A_186 = tpu.vector_load %arg7[%get3A_184, %get3A_185] {strides = array<i32>} : memref<128x128xf32, #tpu.memory_space<vmem>>, vector<16xf32>,
          %mul3A_187 = arith.mulf %get3A_186, %gather3A : vector<16xf32>
          %add3A_188 = arith.addf %scan3A_138, %mul3A_187 : vector<16xf32>
          %add3A_189 = arith.constant 0 : i32
          %add3A_190 = arith.addi %mul3A_146, %add3A_189 : i32
          %get3A_191 = arith.index_cast %add3A_190 : i32 to index
          %get3A_192 = arith.constant 48 : index
          %get3A_193 = tpu.vector_load %arg7[%get3A_191, %get3A_192] {strides = array<i32>} : memref<128x128xf32, #tpu.memory_space<vmem>>, vector<16xf32>,
          %mul3A_194 = arith.mulf %get3A_193, %gather3A : vector<16xf32>
          %add3A_195 = arith.addf %scan3A_139, %mul3A_194 : vector<16xf32>
          %add3A_196 = arith.constant 0 : i32
          %add3A_197 = arith.addi %mul3A_146, %add3A_196 : i32
          %get3A_198 = arith.index_cast %add3A_197 : i32 to index
          %get3A_199 = arith.constant 64 : index
          %get3A_200 = tpu.vector_load %arg7[%get3A_198, %get3A_199] {strides = array<i32>} : memref<128x128xf32, #tpu.memory_space<vmem>>, vector<16xf32>,
          %mul3A_201 = arith.mulf %get3A_200, %gather3A : vector<16xf32>
          %add3A_202 = arith.addf %scan3A_140, %mul3A_201 : vector<16xf32>
          %add3A_203 = arith.constant 0 : i32
          %add3A_204 = arith.addi %mul3A_146, %add3A_203 : i32
          %get3A_205 = arith.index_cast %add3A_204 : i32 to index
          %get3A_206 = arith.constant 80 : index
          %get3A_207 = tpu.vector_load %arg7[%get3A_205, %get3A_206] {strides = array<i32>} : memref<128x128xf32, #tpu.memory_space<vmem>>, vector<16xf32>,
          %mul3A_208 = arith.mulf %get3A_207, %gather3A : vector<16xf32>
          %add3A_209 = arith.addf %scan3A_141, %mul3A_208 : vector<16xf32>
          %add3A_210 = arith.constant 0 : i32
          %add3A_211 = arith.addi %mul3A_146, %add3A_210 : i32
          %get3A_212 = arith.index_cast %add3A_211 : i32 to index
          %get3A_213 = arith.constant 96 : index
          %get3A_214 = tpu.vector_load %arg7[%get3A_212, %get3A_213] {strides = array<i32>} : memref<128x128xf32, #tpu.memory_space<vmem>>, vector<16xf32>,
          %mul3A_215 = arith.mulf %get3A_214, %gather3A : vector<16xf32>
          %add3A_216 = arith.addf %scan3A_142, %mul3A_215 : vector<16xf32>
          %add3A_217 = arith.constant 0 : i32
          %add3A_218 = arith.addi %mul3A_146, %add3A_217 : i32
          %get3A_219 = arith.index_cast %add3A_218 : i32 to index
          %get3A_220 = arith.constant 112 : index
          %get3A_221 = tpu.vector_load %arg7[%get3A_219, %get3A_220] {strides = array<i32>} : memref<128x128xf32, #tpu.memory_space<vmem>>, vector<16xf32>,
          %mul3A_222 = arith.mulf %get3A_221, %gather3A : vector<16xf32>
          %add3A_223 = arith.addf %scan3A_143, %mul3A_222 : vector<16xf32>
          %add3A_224 = arith.constant 1 : i32
          %add3A_225 = arith.addi %mul3A_146, %add3A_224 : i32
          %broadcast_in_dim3A_226 = vector.broadcast %add3A_225 : i32 to vector<16xi32>
          %gather3A_227 = tpu.vector_load_idx %arg9[%broadcast_in_dim3A_104, %broadcast_in_dim3A_226] : memref<25x128xf32, #tpu.memory_space<vmem>>[vector<16xi32>, vector<16xi32>], vector<16xf32>,
          %add3A_228 = arith.constant 1 : i32
          %add3A_229 = arith.addi %mul3A_146, %add3A_228 : i32
          %get3A_230 = arith.index_cast %add3A_229 : i32 to index
          %get3A_231 = arith.constant 0 : index
          %get3A_232 = tpu.vector_load %arg7[%get3A_230, %get3A_231] {strides = array<i32>} : memref<128x128xf32, #tpu.memory_space<vmem>>, vector<16xf32>,
          %mul3A_233 = arith.mulf %get3A_232, %gather3A_227 : vector<16xf32>
          %add3A_234 = arith.addf %add3A_174, %mul3A_233 : vector<16xf32>
          %add3A_235 = arith.constant 1 : i32
          %add3A_236 = arith.addi %mul3A_146, %add3A_235 : i32
          %get3A_237 = arith.index_cast %add3A_236 : i32 to index
          %get3A_238 = arith.constant 16 : index
          %get3A_239 = tpu.vector_load %arg7[%get3A_237, %get3A_238] {strides = array<i32>} : memref<128x128xf32, #tpu.memory_space<vmem>>, vector<16xf32>,
          %mul3A_240 = arith.mulf %get3A_239, %gather3A_227 : vector<16xf32>
          %add3A_241 = arith.addf %add3A_181, %mul3A_240 : vector<16xf32>
          %add3A_242 = arith.constant 1 : i32
          %add3A_243 = arith.addi %mul3A_146, %add3A_242 : i32
          %get3A_244 = arith.index_cast %add3A_243 : i32 to index
          %get3A_245 = arith.constant 32 : index
          %get3A_246 = tpu.vector_load %arg7[%get3A_244, %get3A_245] {strides = array<i32>} : memref<128x128xf32, #tpu.memory_space<vmem>>, vector<16xf32>,
          %mul3A_247 = arith.mulf %get3A_246, %gather3A_227 : vector<16xf32>
          %add3A_248 = arith.addf %add3A_188, %mul3A_247 : vector<16xf32>
          %add3A_249 = arith.constant 1 : i32
          %add3A_250 = arith.addi %mul3A_146, %add3A_249 : i32
          %get3A_251 = arith.index_cast %add3A_250 : i32 to index
          %get3A_252 = arith.constant 48 : index
          %get3A_253 = tpu.vector_load %arg7[%get3A_251, %get3A_252] {strides = array<i32>} : memref<128x128xf32, #tpu.memory_space<vmem>>, vector<16xf32>,
          %mul3A_254 = arith.mulf %get3A_253, %gather3A_227 : vector<16xf32>
          %add3A_255 = arith.addf %add3A_195, %mul3A_254 : vector<16xf32>
          %add3A_256 = arith.constant 1 : i32
          %add3A_257 = arith.addi %mul3A_146, %add3A_256 : i32
          %get3A_258 = arith.index_cast %add3A_257 : i32 to index
          %get3A_259 = arith.constant 64 : index
          %get3A_260 = tpu.vector_load %arg7[%get3A_258, %get3A_259] {strides = array<i32>} : memref<128x128xf32, #tpu.memory_space<vmem>>, vector<16xf32>,
          %mul3A_261 = arith.mulf %get3A_260, %gather3A_227 : vector<16xf32>
          %add3A_262 = arith.addf %add3A_202, %mul3A_261 : vector<16xf32>
          %add3A_263 = arith.constant 1 : i32
          %add3A_264 = arith.addi %mul3A_146, %add3A_263 : i32
          %get3A_265 = arith.index_cast %add3A_264 : i32 to index
          %get3A_266 = arith.constant 80 : index
          %get3A_267 = tpu.vector_load %arg7[%get3A_265, %get3A_266] {strides = array<i32>} : memref<128x128xf32, #tpu.memory_space<vmem>>, vector<16xf32>,
          %mul3A_268 = arith.mulf %get3A_267, %gather3A_227 : vector<16xf32>
          %add3A_269 = arith.addf %add3A_209, %mul3A_268 : vector<16xf32>
          %add3A_270 = arith.constant 1 : i32
          %add3A_271 = arith.addi %mul3A_146, %add3A_270 : i32
          %get3A_272 = arith.index_cast %add3A_271 : i32 to index
          %get3A_273 = arith.constant 96 : index
          %get3A_274 = tpu.vector_load %arg7[%get3A_272, %get3A_273] {strides = array<i32>} : memref<128x128xf32, #tpu.memory_space<vmem>>, vector<16xf32>,
          %mul3A_275 = arith.mulf %get3A_274, %gather3A_227 : vector<16xf32>
          %add3A_276 = arith.addf %add3A_216, %mul3A_275 : vector<16xf32>
          %add3A_277 = arith.constant 1 : i32
          %add3A_278 = arith.addi %mul3A_146, %add3A_277 : i32
          %get3A_279 = arith.index_cast %add3A_278 : i32 to index
          %get3A_280 = arith.constant 112 : index
          %get3A_281 = tpu.vector_load %arg7[%get3A_279, %get3A_280] {strides = array<i32>} : memref<128x128xf32, #tpu.memory_space<vmem>>, vector<16xf32>,
          %mul3A_282 = arith.mulf %get3A_281, %gather3A_227 : vector<16xf32>
          %add3A_283 = arith.addf %add3A_223, %mul3A_282 : vector<16xf32>
          %add3A_284 = arith.constant 2 : i32
          %add3A_285 = arith.addi %mul3A_146, %add3A_284 : i32
          %broadcast_in_dim3A_286 = vector.broadcast %add3A_285 : i32 to vector<16xi32>
          %gather3A_287 = tpu.vector_load_idx %arg9[%broadcast_in_dim3A_104, %broadcast_in_dim3A_286] : memref<25x128xf32, #tpu.memory_space<vmem>>[vector<16xi32>, vector<16xi32>], vector<16xf32>,
          %add3A_288 = arith.constant 2 : i32
          %add3A_289 = arith.addi %mul3A_146, %add3A_288 : i32
          %get3A_290 = arith.index_cast %add3A_289 : i32 to index
          %get3A_291 = arith.constant 0 : index
          %get3A_292 = tpu.vector_load %arg7[%get3A_290, %get3A_291] {strides = array<i32>} : memref<128x128xf32, #tpu.memory_space<vmem>>, vector<16xf32>,
          %mul3A_293 = arith.mulf %get3A_292, %gather3A_287 : vector<16xf32>
          %add3A_294 = arith.addf %add3A_234, %mul3A_293 : vector<16xf32>
          %add3A_295 = arith.constant 2 : i32
          %add3A_296 = arith.addi %mul3A_146, %add3A_295 : i32
          %get3A_297 = arith.index_cast %add3A_296 : i32 to index
          %get3A_298 = arith.constant 16 : index
          %get3A_299 = tpu.vector_load %arg7[%get3A_297, %get3A_298] {strides = array<i32>} : memref<128x128xf32, #tpu.memory_space<vmem>>, vector<16xf32>,
          %mul3A_300 = arith.mulf %get3A_299, %gather3A_287 : vector<16xf32>
          %add3A_301 = arith.addf %add3A_241, %mul3A_300 : vector<16xf32>
          %add3A_302 = arith.constant 2 : i32
          %add3A_303 = arith.addi %mul3A_146, %add3A_302 : i32
          %get3A_304 = arith.index_cast %add3A_303 : i32 to index
          %get3A_305 = arith.constant 32 : index
          %get3A_306 = tpu.vector_load %arg7[%get3A_304, %get3A_305] {strides = array<i32>} : memref<128x128xf32, #tpu.memory_space<vmem>>, vector<16xf32>,
          %mul3A_307 = arith.mulf %get3A_306, %gather3A_287 : vector<16xf32>
          %add3A_308 = arith.addf %add3A_248, %mul3A_307 : vector<16xf32>
          %add3A_309 = arith.constant 2 : i32
          %add3A_310 = arith.addi %mul3A_146, %add3A_309 : i32
          %get3A_311 = arith.index_cast %add3A_310 : i32 to index
          %get3A_312 = arith.constant 48 : index
          %get3A_313 = tpu.vector_load %arg7[%get3A_311, %get3A_312] {strides = array<i32>} : memref<128x128xf32, #tpu.memory_space<vmem>>, vector<16xf32>,
          %mul3A_314 = arith.mulf %get3A_313, %gather3A_287 : vector<16xf32>
          %add3A_315 = arith.addf %add3A_255, %mul3A_314 : vector<16xf32>
          %add3A_316 = arith.constant 2 : i32
          %add3A_317 = arith.addi %mul3A_146, %add3A_316 : i32
          %get3A_318 = arith.index_cast %add3A_317 : i32 to index
          %get3A_319 = arith.constant 64 : index
          %get3A_320 = tpu.vector_load %arg7[%get3A_318, %get3A_319] {strides = array<i32>} : memref<128x128xf32, #tpu.memory_space<vmem>>, vector<16xf32>,
          %mul3A_321 = arith.mulf %get3A_320, %gather3A_287 : vector<16xf32>
          %add3A_322 = arith.addf %add3A_262, %mul3A_321 : vector<16xf32>
          %add3A_323 = arith.constant 2 : i32
          %add3A_324 = arith.addi %mul3A_146, %add3A_323 : i32
          %get3A_325 = arith.index_cast %add3A_324 : i32 to index
          %get3A_326 = arith.constant 80 : index
          %get3A_327 = tpu.vector_load %arg7[%get3A_325, %get3A_326] {strides = array<i32>} : memref<128x128xf32, #tpu.memory_space<vmem>>, vector<16xf32>,
          %mul3A_328 = arith.mulf %get3A_327, %gather3A_287 : vector<16xf32>
          %add3A_329 = arith.addf %add3A_269, %mul3A_328 : vector<16xf32>
          %add3A_330 = arith.constant 2 : i32
          %add3A_331 = arith.addi %mul3A_146, %add3A_330 : i32
          %get3A_332 = arith.index_cast %add3A_331 : i32 to index
          %get3A_333 = arith.constant 96 : index
          %get3A_334 = tpu.vector_load %arg7[%get3A_332, %get3A_333] {strides = array<i32>} : memref<128x128xf32, #tpu.memory_space<vmem>>, vector<16xf32>,
          %mul3A_335 = arith.mulf %get3A_334, %gather3A_287 : vector<16xf32>
          %add3A_336 = arith.addf %add3A_276, %mul3A_335 : vector<16xf32>
          %add3A_337 = arith.constant 2 : i32
          %add3A_338 = arith.addi %mul3A_146, %add3A_337 : i32
          %get3A_339 = arith.index_cast %add3A_338 : i32 to index
          %get3A_340 = arith.constant 112 : index
          %get3A_341 = tpu.vector_load %arg7[%get3A_339, %get3A_340] {strides = array<i32>} : memref<128x128xf32, #tpu.memory_space<vmem>>, vector<16xf32>,
          %mul3A_342 = arith.mulf %get3A_341, %gather3A_287 : vector<16xf32>
          %add3A_343 = arith.addf %add3A_283, %mul3A_342 : vector<16xf32>
          %add3A_344 = arith.constant 3 : i32
          %add3A_345 = arith.addi %mul3A_146, %add3A_344 : i32
          %broadcast_in_dim3A_346 = vector.broadcast %add3A_345 : i32 to vector<16xi32>
          %gather3A_347 = tpu.vector_load_idx %arg9[%broadcast_in_dim3A_104, %broadcast_in_dim3A_346] : memref<25x128xf32, #tpu.memory_space<vmem>>[vector<16xi32>, vector<16xi32>], vector<16xf32>,
          %add3A_348 = arith.constant 3 : i32
          %add3A_349 = arith.addi %mul3A_146, %add3A_348 : i32
          %get3A_350 = arith.index_cast %add3A_349 : i32 to index
          %get3A_351 = arith.constant 0 : index
          %get3A_352 = tpu.vector_load %arg7[%get3A_350, %get3A_351] {strides = array<i32>} : memref<128x128xf32, #tpu.memory_space<vmem>>, vector<16xf32>,
          %mul3A_353 = arith.mulf %get3A_352, %gather3A_347 : vector<16xf32>
          %add3A_354 = arith.addf %add3A_294, %mul3A_353 : vector<16xf32>
          %add3A_355 = arith.constant 3 : i32
          %add3A_356 = arith.addi %mul3A_146, %add3A_355 : i32
          %get3A_357 = arith.index_cast %add3A_356 : i32 to index
          %get3A_358 = arith.constant 16 : index
          %get3A_359 = tpu.vector_load %arg7[%get3A_357, %get3A_358] {strides = array<i32>} : memref<128x128xf32, #tpu.memory_space<vmem>>, vector<16xf32>,
          %mul3A_360 = arith.mulf %get3A_359, %gather3A_347 : vector<16xf32>
          %add3A_361 = arith.addf %add3A_301, %mul3A_360 : vector<16xf32>
          %add3A_362 = arith.constant 3 : i32
          %add3A_363 = arith.addi %mul3A_146, %add3A_362 : i32
          %get3A_364 = arith.index_cast %add3A_363 : i32 to index
          %get3A_365 = arith.constant 32 : index
          %get3A_366 = tpu.vector_load %arg7[%get3A_364, %get3A_365] {strides = array<i32>} : memref<128x128xf32, #tpu.memory_space<vmem>>, vector<16xf32>,
          %mul3A_367 = arith.mulf %get3A_366, %gather3A_347 : vector<16xf32>
          %add3A_368 = arith.addf %add3A_308, %mul3A_367 : vector<16xf32>
          %add3A_369 = arith.constant 3 : i32
          %add3A_370 = arith.addi %mul3A_146, %add3A_369 : i32
          %get3A_371 = arith.index_cast %add3A_370 : i32 to index
          %get3A_372 = arith.constant 48 : index
          %get3A_373 = tpu.vector_load %arg7[%get3A_371, %get3A_372] {strides = array<i32>} : memref<128x128xf32, #tpu.memory_space<vmem>>, vector<16xf32>,
          %mul3A_374 = arith.mulf %get3A_373, %gather3A_347 : vector<16xf32>
          %add3A_375 = arith.addf %add3A_315, %mul3A_374 : vector<16xf32>
          %add3A_376 = arith.constant 3 : i32
          %add3A_377 = arith.addi %mul3A_146, %add3A_376 : i32
          %get3A_378 = arith.index_cast %add3A_377 : i32 to index
          %get3A_379 = arith.constant 64 : index
          %get3A_380 = tpu.vector_load %arg7[%get3A_378, %get3A_379] {strides = array<i32>} : memref<128x128xf32, #tpu.memory_space<vmem>>, vector<16xf32>,
          %mul3A_381 = arith.mulf %get3A_380, %gather3A_347 : vector<16xf32>
          %add3A_382 = arith.addf %add3A_322, %mul3A_381 : vector<16xf32>
          %add3A_383 = arith.constant 3 : i32
          %add3A_384 = arith.addi %mul3A_146, %add3A_383 : i32
          %get3A_385 = arith.index_cast %add3A_384 : i32 to index
          %get3A_386 = arith.constant 80 : index
          %get3A_387 = tpu.vector_load %arg7[%get3A_385, %get3A_386] {strides = array<i32>} : memref<128x128xf32, #tpu.memory_space<vmem>>, vector<16xf32>,
          %mul3A_388 = arith.mulf %get3A_387, %gather3A_347 : vector<16xf32>
          %add3A_389 = arith.addf %add3A_329, %mul3A_388 : vector<16xf32>
          %add3A_390 = arith.constant 3 : i32
          %add3A_391 = arith.addi %mul3A_146, %add3A_390 : i32
          %get3A_392 = arith.index_cast %add3A_391 : i32 to index
          %get3A_393 = arith.constant 96 : index
          %get3A_394 = tpu.vector_load %arg7[%get3A_392, %get3A_393] {strides = array<i32>} : memref<128x128xf32, #tpu.memory_space<vmem>>, vector<16xf32>,
          %mul3A_395 = arith.mulf %get3A_394, %gather3A_347 : vector<16xf32>
          %add3A_396 = arith.addf %add3A_336, %mul3A_395 : vector<16xf32>
          %add3A_397 = arith.constant 3 : i32
          %add3A_398 = arith.addi %mul3A_146, %add3A_397 : i32
          %get3A_399 = arith.index_cast %add3A_398 : i32 to index
          %get3A_400 = arith.constant 112 : index
          %get3A_401 = tpu.vector_load %arg7[%get3A_399, %get3A_400] {strides = array<i32>} : memref<128x128xf32, #tpu.memory_space<vmem>>, vector<16xf32>,
          %mul3A_402 = arith.mulf %get3A_401, %gather3A_347 : vector<16xf32>
          %add3A_403 = arith.addf %add3A_343, %mul3A_402 : vector<16xf32>
          %add3A_404 = arith.constant 4 : i32
          %add3A_405 = arith.addi %mul3A_146, %add3A_404 : i32
          %broadcast_in_dim3A_406 = vector.broadcast %add3A_405 : i32 to vector<16xi32>
          %gather3A_407 = tpu.vector_load_idx %arg9[%broadcast_in_dim3A_104, %broadcast_in_dim3A_406] : memref<25x128xf32, #tpu.memory_space<vmem>>[vector<16xi32>, vector<16xi32>], vector<16xf32>,
          %add3A_408 = arith.constant 4 : i32
          %add3A_409 = arith.addi %mul3A_146, %add3A_408 : i32
          %get3A_410 = arith.index_cast %add3A_409 : i32 to index
          %get3A_411 = arith.constant 0 : index
          %get3A_412 = tpu.vector_load %arg7[%get3A_410, %get3A_411] {strides = array<i32>} : memref<128x128xf32, #tpu.memory_space<vmem>>, vector<16xf32>,
          %mul3A_413 = arith.mulf %get3A_412, %gather3A_407 : vector<16xf32>
          %add3A_414 = arith.addf %add3A_354, %mul3A_413 : vector<16xf32>
          %add3A_415 = arith.constant 4 : i32
          %add3A_416 = arith.addi %mul3A_146, %add3A_415 : i32
          %get3A_417 = arith.index_cast %add3A_416 : i32 to index
          %get3A_418 = arith.constant 16 : index
          %get3A_419 = tpu.vector_load %arg7[%get3A_417, %get3A_418] {strides = array<i32>} : memref<128x128xf32, #tpu.memory_space<vmem>>, vector<16xf32>,
          %mul3A_420 = arith.mulf %get3A_419, %gather3A_407 : vector<16xf32>
          %add3A_421 = arith.addf %add3A_361, %mul3A_420 : vector<16xf32>
          %add3A_422 = arith.constant 4 : i32
          %add3A_423 = arith.addi %mul3A_146, %add3A_422 : i32
          %get3A_424 = arith.index_cast %add3A_423 : i32 to index
          %get3A_425 = arith.constant 32 : index
          %get3A_426 = tpu.vector_load %arg7[%get3A_424, %get3A_425] {strides = array<i32>} : memref<128x128xf32, #tpu.memory_space<vmem>>, vector<16xf32>,
          %mul3A_427 = arith.mulf %get3A_426, %gather3A_407 : vector<16xf32>
          %add3A_428 = arith.addf %add3A_368, %mul3A_427 : vector<16xf32>
          %add3A_429 = arith.constant 4 : i32
          %add3A_430 = arith.addi %mul3A_146, %add3A_429 : i32
          %get3A_431 = arith.index_cast %add3A_430 : i32 to index
          %get3A_432 = arith.constant 48 : index
          %get3A_433 = tpu.vector_load %arg7[%get3A_431, %get3A_432] {strides = array<i32>} : memref<128x128xf32, #tpu.memory_space<vmem>>, vector<16xf32>,
          %mul3A_434 = arith.mulf %get3A_433, %gather3A_407 : vector<16xf32>
          %add3A_435 = arith.addf %add3A_375, %mul3A_434 : vector<16xf32>
          %add3A_436 = arith.constant 4 : i32
          %add3A_437 = arith.addi %mul3A_146, %add3A_436 : i32
          %get3A_438 = arith.index_cast %add3A_437 : i32 to index
          %get3A_439 = arith.constant 64 : index
          %get3A_440 = tpu.vector_load %arg7[%get3A_438, %get3A_439] {strides = array<i32>} : memref<128x128xf32, #tpu.memory_space<vmem>>, vector<16xf32>,
          %mul3A_441 = arith.mulf %get3A_440, %gather3A_407 : vector<16xf32>
          %add3A_442 = arith.addf %add3A_382, %mul3A_441 : vector<16xf32>
          %add3A_443 = arith.constant 4 : i32
          %add3A_444 = arith.addi %mul3A_146, %add3A_443 : i32
          %get3A_445 = arith.index_cast %add3A_444 : i32 to index
          %get3A_446 = arith.constant 80 : index
          %get3A_447 = tpu.vector_load %arg7[%get3A_445, %get3A_446] {strides = array<i32>} : memref<128x128xf32, #tpu.memory_space<vmem>>, vector<16xf32>,
          %mul3A_448 = arith.mulf %get3A_447, %gather3A_407 : vector<16xf32>
          %add3A_449 = arith.addf %add3A_389, %mul3A_448 : vector<16xf32>
          %add3A_450 = arith.constant 4 : i32
          %add3A_451 = arith.addi %mul3A_146, %add3A_450 : i32
          %get3A_452 = arith.index_cast %add3A_451 : i32 to index
          %get3A_453 = arith.constant 96 : index
          %get3A_454 = tpu.vector_load %arg7[%get3A_452, %get3A_453] {strides = array<i32>} : memref<128x128xf32, #tpu.memory_space<vmem>>, vector<16xf32>,
          %mul3A_455 = arith.mulf %get3A_454, %gather3A_407 : vector<16xf32>
          %add3A_456 = arith.addf %add3A_396, %mul3A_455 : vector<16xf32>
          %add3A_457 = arith.constant 4 : i32
          %add3A_458 = arith.addi %mul3A_146, %add3A_457 : i32
          %get3A_459 = arith.index_cast %add3A_458 : i32 to index
          %get3A_460 = arith.constant 112 : index
          %get3A_461 = tpu.vector_load %arg7[%get3A_459, %get3A_460] {strides = array<i32>} : memref<128x128xf32, #tpu.memory_space<vmem>>, vector<16xf32>,
          %mul3A_462 = arith.mulf %get3A_461, %gather3A_407 : vector<16xf32>
          %add3A_463 = arith.addf %add3A_403, %mul3A_462 : vector<16xf32>
          %add3A_464 = arith.constant 5 : i32
          %add3A_465 = arith.addi %mul3A_146, %add3A_464 : i32
          %broadcast_in_dim3A_466 = vector.broadcast %add3A_465 : i32 to vector<16xi32>
          %gather3A_467 = tpu.vector_load_idx %arg9[%broadcast_in_dim3A_104, %broadcast_in_dim3A_466] : memref<25x128xf32, #tpu.memory_space<vmem>>[vector<16xi32>, vector<16xi32>], vector<16xf32>,
          %add3A_468 = arith.constant 5 : i32
          %add3A_469 = arith.addi %mul3A_146, %add3A_468 : i32
          %get3A_470 = arith.index_cast %add3A_469 : i32 to index
          %get3A_471 = arith.constant 0 : index
          %get3A_472 = tpu.vector_load %arg7[%get3A_470, %get3A_471] {strides = array<i32>} : memref<128x128xf32, #tpu.memory_space<vmem>>, vector<16xf32>,
          %mul3A_473 = arith.mulf %get3A_472, %gather3A_467 : vector<16xf32>
          %add3A_474 = arith.addf %add3A_414, %mul3A_473 : vector<16xf32>
          %add3A_475 = arith.constant 5 : i32
          %add3A_476 = arith.addi %mul3A_146, %add3A_475 : i32
          %get3A_477 = arith.index_cast %add3A_476 : i32 to index
          %get3A_478 = arith.constant 16 : index
          %get3A_479 = tpu.vector_load %arg7[%get3A_477, %get3A_478] {strides = array<i32>} : memref<128x128xf32, #tpu.memory_space<vmem>>, vector<16xf32>,
          %mul3A_480 = arith.mulf %get3A_479, %gather3A_467 : vector<16xf32>
          %add3A_481 = arith.addf %add3A_421, %mul3A_480 : vector<16xf32>
          %add3A_482 = arith.constant 5 : i32
          %add3A_483 = arith.addi %mul3A_146, %add3A_482 : i32
          %get3A_484 = arith.index_cast %add3A_483 : i32 to index
          %get3A_485 = arith.constant 32 : index
          %get3A_486 = tpu.vector_load %arg7[%get3A_484, %get3A_485] {strides = array<i32>} : memref<128x128xf32, #tpu.memory_space<vmem>>, vector<16xf32>,
          %mul3A_487 = arith.mulf %get3A_486, %gather3A_467 : vector<16xf32>
          %add3A_488 = arith.addf %add3A_428, %mul3A_487 : vector<16xf32>
          %add3A_489 = arith.constant 5 : i32
          %add3A_490 = arith.addi %mul3A_146, %add3A_489 : i32
          %get3A_491 = arith.index_cast %add3A_490 : i32 to index
          %get3A_492 = arith.constant 48 : index
          %get3A_493 = tpu.vector_load %arg7[%get3A_491, %get3A_492] {strides = array<i32>} : memref<128x128xf32, #tpu.memory_space<vmem>>, vector<16xf32>,
          %mul3A_494 = arith.mulf %get3A_493, %gather3A_467 : vector<16xf32>
          %add3A_495 = arith.addf %add3A_435, %mul3A_494 : vector<16xf32>
          %add3A_496 = arith.constant 5 : i32
          %add3A_497 = arith.addi %mul3A_146, %add3A_496 : i32
          %get3A_498 = arith.index_cast %add3A_497 : i32 to index
          %get3A_499 = arith.constant 64 : index
          %get3A_500 = tpu.vector_load %arg7[%get3A_498, %get3A_499] {strides = array<i32>} : memref<128x128xf32, #tpu.memory_space<vmem>>, vector<16xf32>,
          %mul3A_501 = arith.mulf %get3A_500, %gather3A_467 : vector<16xf32>
          %add3A_502 = arith.addf %add3A_442, %mul3A_501 : vector<16xf32>
          %add3A_503 = arith.constant 5 : i32
          %add3A_504 = arith.addi %mul3A_146, %add3A_503 : i32
          %get3A_505 = arith.index_cast %add3A_504 : i32 to index
          %get3A_506 = arith.constant 80 : index
          %get3A_507 = tpu.vector_load %arg7[%get3A_505, %get3A_506] {strides = array<i32>} : memref<128x128xf32, #tpu.memory_space<vmem>>, vector<16xf32>,
          %mul3A_508 = arith.mulf %get3A_507, %gather3A_467 : vector<16xf32>
          %add3A_509 = arith.addf %add3A_449, %mul3A_508 : vector<16xf32>
          %add3A_510 = arith.constant 5 : i32
          %add3A_511 = arith.addi %mul3A_146, %add3A_510 : i32
          %get3A_512 = arith.index_cast %add3A_511 : i32 to index
          %get3A_513 = arith.constant 96 : index
          %get3A_514 = tpu.vector_load %arg7[%get3A_512, %get3A_513] {strides = array<i32>} : memref<128x128xf32, #tpu.memory_space<vmem>>, vector<16xf32>,
          %mul3A_515 = arith.mulf %get3A_514, %gather3A_467 : vector<16xf32>
          %add3A_516 = arith.addf %add3A_456, %mul3A_515 : vector<16xf32>
          %add3A_517 = arith.constant 5 : i32
          %add3A_518 = arith.addi %mul3A_146, %add3A_517 : i32
          %get3A_519 = arith.index_cast %add3A_518 : i32 to index
          %get3A_520 = arith.constant 112 : index
          %get3A_521 = tpu.vector_load %arg7[%get3A_519, %get3A_520] {strides = array<i32>} : memref<128x128xf32, #tpu.memory_space<vmem>>, vector<16xf32>,
          %mul3A_522 = arith.mulf %get3A_521, %gather3A_467 : vector<16xf32>
          %add3A_523 = arith.addf %add3A_463, %mul3A_522 : vector<16xf32>
          %add3A_524 = arith.constant 6 : i32
          %add3A_525 = arith.addi %mul3A_146, %add3A_524 : i32
          %broadcast_in_dim3A_526 = vector.broadcast %add3A_525 : i32 to vector<16xi32>
          %gather3A_527 = tpu.vector_load_idx %arg9[%broadcast_in_dim3A_104, %broadcast_in_dim3A_526] : memref<25x128xf32, #tpu.memory_space<vmem>>[vector<16xi32>, vector<16xi32>], vector<16xf32>,
          %add3A_528 = arith.constant 6 : i32
          %add3A_529 = arith.addi %mul3A_146, %add3A_528 : i32
          %get3A_530 = arith.index_cast %add3A_529 : i32 to index
          %get3A_531 = arith.constant 0 : index
          %get3A_532 = tpu.vector_load %arg7[%get3A_530, %get3A_531] {strides = array<i32>} : memref<128x128xf32, #tpu.memory_space<vmem>>, vector<16xf32>,
          %mul3A_533 = arith.mulf %get3A_532, %gather3A_527 : vector<16xf32>
          %add3A_534 = arith.addf %add3A_474, %mul3A_533 : vector<16xf32>
          %add3A_535 = arith.constant 6 : i32
          %add3A_536 = arith.addi %mul3A_146, %add3A_535 : i32
          %get3A_537 = arith.index_cast %add3A_536 : i32 to index
          %get3A_538 = arith.constant 16 : index
          %get3A_539 = tpu.vector_load %arg7[%get3A_537, %get3A_538] {strides = array<i32>} : memref<128x128xf32, #tpu.memory_space<vmem>>, vector<16xf32>,
          %mul3A_540 = arith.mulf %get3A_539, %gather3A_527 : vector<16xf32>
          %add3A_541 = arith.addf %add3A_481, %mul3A_540 : vector<16xf32>
          %add3A_542 = arith.constant 6 : i32
          %add3A_543 = arith.addi %mul3A_146, %add3A_542 : i32
          %get3A_544 = arith.index_cast %add3A_543 : i32 to index
          %get3A_545 = arith.constant 32 : index
          %get3A_546 = tpu.vector_load %arg7[%get3A_544, %get3A_545] {strides = array<i32>} : memref<128x128xf32, #tpu.memory_space<vmem>>, vector<16xf32>,
          %mul3A_547 = arith.mulf %get3A_546, %gather3A_527 : vector<16xf32>
          %add3A_548 = arith.addf %add3A_488, %mul3A_547 : vector<16xf32>
          %add3A_549 = arith.constant 6 : i32
          %add3A_550 = arith.addi %mul3A_146, %add3A_549 : i32
          %get3A_551 = arith.index_cast %add3A_550 : i32 to index
          %get3A_552 = arith.constant 48 : index
          %get3A_553 = tpu.vector_load %arg7[%get3A_551, %get3A_552] {strides = array<i32>} : memref<128x128xf32, #tpu.memory_space<vmem>>, vector<16xf32>,
          %mul3A_554 = arith.mulf %get3A_553, %gather3A_527 : vector<16xf32>
          %add3A_555 = arith.addf %add3A_495, %mul3A_554 : vector<16xf32>
          %add3A_556 = arith.constant 6 : i32
          %add3A_557 = arith.addi %mul3A_146, %add3A_556 : i32
          %get3A_558 = arith.index_cast %add3A_557 : i32 to index
          %get3A_559 = arith.constant 64 : index
          %get3A_560 = tpu.vector_load %arg7[%get3A_558, %get3A_559] {strides = array<i32>} : memref<128x128xf32, #tpu.memory_space<vmem>>, vector<16xf32>,
          %mul3A_561 = arith.mulf %get3A_560, %gather3A_527 : vector<16xf32>
          %add3A_562 = arith.addf %add3A_502, %mul3A_561 : vector<16xf32>
          %add3A_563 = arith.constant 6 : i32
          %add3A_564 = arith.addi %mul3A_146, %add3A_563 : i32
          %get3A_565 = arith.index_cast %add3A_564 : i32 to index
          %get3A_566 = arith.constant 80 : index
          %get3A_567 = tpu.vector_load %arg7[%get3A_565, %get3A_566] {strides = array<i32>} : memref<128x128xf32, #tpu.memory_space<vmem>>, vector<16xf32>,
          %mul3A_568 = arith.mulf %get3A_567, %gather3A_527 : vector<16xf32>
          %add3A_569 = arith.addf %add3A_509, %mul3A_568 : vector<16xf32>
          %add3A_570 = arith.constant 6 : i32
          %add3A_571 = arith.addi %mul3A_146, %add3A_570 : i32
          %get3A_572 = arith.index_cast %add3A_571 : i32 to index
          %get3A_573 = arith.constant 96 : index
          %get3A_574 = tpu.vector_load %arg7[%get3A_572, %get3A_573] {strides = array<i32>} : memref<128x128xf32, #tpu.memory_space<vmem>>, vector<16xf32>,
          %mul3A_575 = arith.mulf %get3A_574, %gather3A_527 : vector<16xf32>
          %add3A_576 = arith.addf %add3A_516, %mul3A_575 : vector<16xf32>
          %add3A_577 = arith.constant 6 : i32
          %add3A_578 = arith.addi %mul3A_146, %add3A_577 : i32
          %get3A_579 = arith.index_cast %add3A_578 : i32 to index
          %get3A_580 = arith.constant 112 : index
          %get3A_581 = tpu.vector_load %arg7[%get3A_579, %get3A_580] {strides = array<i32>} : memref<128x128xf32, #tpu.memory_space<vmem>>, vector<16xf32>,
          %mul3A_582 = arith.mulf %get3A_581, %gather3A_527 : vector<16xf32>
          %add3A_583 = arith.addf %add3A_523, %mul3A_582 : vector<16xf32>
          %add3A_584 = arith.constant 7 : i32
          %add3A_585 = arith.addi %mul3A_146, %add3A_584 : i32
          %broadcast_in_dim3A_586 = vector.broadcast %add3A_585 : i32 to vector<16xi32>
          %gather3A_587 = tpu.vector_load_idx %arg9[%broadcast_in_dim3A_104, %broadcast_in_dim3A_586] : memref<25x128xf32, #tpu.memory_space<vmem>>[vector<16xi32>, vector<16xi32>], vector<16xf32>,
          %add3A_588 = arith.constant 7 : i32
          %add3A_589 = arith.addi %mul3A_146, %add3A_588 : i32
          %get3A_590 = arith.index_cast %add3A_589 : i32 to index
          %get3A_591 = arith.constant 0 : index
          %get3A_592 = tpu.vector_load %arg7[%get3A_590, %get3A_591] {strides = array<i32>} : memref<128x128xf32, #tpu.memory_space<vmem>>, vector<16xf32>,
          %mul3A_593 = arith.mulf %get3A_592, %gather3A_587 : vector<16xf32>
          %add3A_594 = arith.addf %add3A_534, %mul3A_593 : vector<16xf32>
          %add3A_595 = arith.constant 7 : i32
          %add3A_596 = arith.addi %mul3A_146, %add3A_595 : i32
          %get3A_597 = arith.index_cast %add3A_596 : i32 to index
          %get3A_598 = arith.constant 16 : index
          %get3A_599 = tpu.vector_load %arg7[%get3A_597, %get3A_598] {strides = array<i32>} : memref<128x128xf32, #tpu.memory_space<vmem>>, vector<16xf32>,
          %mul3A_600 = arith.mulf %get3A_599, %gather3A_587 : vector<16xf32>
          %add3A_601 = arith.addf %add3A_541, %mul3A_600 : vector<16xf32>
          %add3A_602 = arith.constant 7 : i32
          %add3A_603 = arith.addi %mul3A_146, %add3A_602 : i32
          %get3A_604 = arith.index_cast %add3A_603 : i32 to index
          %get3A_605 = arith.constant 32 : index
          %get3A_606 = tpu.vector_load %arg7[%get3A_604, %get3A_605] {strides = array<i32>} : memref<128x128xf32, #tpu.memory_space<vmem>>, vector<16xf32>,
          %mul3A_607 = arith.mulf %get3A_606, %gather3A_587 : vector<16xf32>
          %add3A_608 = arith.addf %add3A_548, %mul3A_607 : vector<16xf32>
          %add3A_609 = arith.constant 7 : i32
          %add3A_610 = arith.addi %mul3A_146, %add3A_609 : i32
          %get3A_611 = arith.index_cast %add3A_610 : i32 to index
          %get3A_612 = arith.constant 48 : index
          %get3A_613 = tpu.vector_load %arg7[%get3A_611, %get3A_612] {strides = array<i32>} : memref<128x128xf32, #tpu.memory_space<vmem>>, vector<16xf32>,
          %mul3A_614 = arith.mulf %get3A_613, %gather3A_587 : vector<16xf32>
          %add3A_615 = arith.addf %add3A_555, %mul3A_614 : vector<16xf32>
          %add3A_616 = arith.constant 7 : i32
          %add3A_617 = arith.addi %mul3A_146, %add3A_616 : i32
          %get3A_618 = arith.index_cast %add3A_617 : i32 to index
          %get3A_619 = arith.constant 64 : index
          %get3A_620 = tpu.vector_load %arg7[%get3A_618, %get3A_619] {strides = array<i32>} : memref<128x128xf32, #tpu.memory_space<vmem>>, vector<16xf32>,
          %mul3A_621 = arith.mulf %get3A_620, %gather3A_587 : vector<16xf32>
          %add3A_622 = arith.addf %add3A_562, %mul3A_621 : vector<16xf32>
          %add3A_623 = arith.constant 7 : i32
          %add3A_624 = arith.addi %mul3A_146, %add3A_623 : i32
          %get3A_625 = arith.index_cast %add3A_624 : i32 to index
          %get3A_626 = arith.constant 80 : index
          %get3A_627 = tpu.vector_load %arg7[%get3A_625, %get3A_626] {strides = array<i32>} : memref<128x128xf32, #tpu.memory_space<vmem>>, vector<16xf32>,
          %mul3A_628 = arith.mulf %get3A_627, %gather3A_587 : vector<16xf32>
          %add3A_629 = arith.addf %add3A_569, %mul3A_628 : vector<16xf32>
          %add3A_630 = arith.constant 7 : i32
          %add3A_631 = arith.addi %mul3A_146, %add3A_630 : i32
          %get3A_632 = arith.index_cast %add3A_631 : i32 to index
          %get3A_633 = arith.constant 96 : index
          %get3A_634 = tpu.vector_load %arg7[%get3A_632, %get3A_633] {strides = array<i32>} : memref<128x128xf32, #tpu.memory_space<vmem>>, vector<16xf32>,
          %mul3A_635 = arith.mulf %get3A_634, %gather3A_587 : vector<16xf32>
          %add3A_636 = arith.addf %add3A_576, %mul3A_635 : vector<16xf32>
          %add3A_637 = arith.constant 7 : i32
          %add3A_638 = arith.addi %mul3A_146, %add3A_637 : i32
          %get3A_639 = arith.index_cast %add3A_638 : i32 to index
          %get3A_640 = arith.constant 112 : index
          %get3A_641 = tpu.vector_load %arg7[%get3A_639, %get3A_640] {strides = array<i32>} : memref<128x128xf32, #tpu.memory_space<vmem>>, vector<16xf32>,
          %mul3A_642 = arith.mulf %get3A_641, %gather3A_587 : vector<16xf32>
          %add3A_643 = arith.addf %add3A_583, %mul3A_642 : vector<16xf32>
          %add3A_644 = arith.constant 8 : i32
          %add3A_645 = arith.addi %mul3A_146, %add3A_644 : i32
          %broadcast_in_dim3A_646 = vector.broadcast %add3A_645 : i32 to vector<16xi32>
          %gather3A_647 = tpu.vector_load_idx %arg9[%broadcast_in_dim3A_104, %broadcast_in_dim3A_646] : memref<25x128xf32, #tpu.memory_space<vmem>>[vector<16xi32>, vector<16xi32>], vector<16xf32>,
          %add3A_648 = arith.constant 8 : i32
          %add3A_649 = arith.addi %mul3A_146, %add3A_648 : i32
          %get3A_650 = arith.index_cast %add3A_649 : i32 to index
          %get3A_651 = arith.constant 0 : index
          %get3A_652 = tpu.vector_load %arg7[%get3A_650, %get3A_651] {strides = array<i32>} : memref<128x128xf32, #tpu.memory_space<vmem>>, vector<16xf32>,
          %mul3A_653 = arith.mulf %get3A_652, %gather3A_647 : vector<16xf32>
          %add3A_654 = arith.addf %add3A_594, %mul3A_653 : vector<16xf32>
          %add3A_655 = arith.constant 8 : i32
          %add3A_656 = arith.addi %mul3A_146, %add3A_655 : i32
          %get3A_657 = arith.index_cast %add3A_656 : i32 to index
          %get3A_658 = arith.constant 16 : index
          %get3A_659 = tpu.vector_load %arg7[%get3A_657, %get3A_658] {strides = array<i32>} : memref<128x128xf32, #tpu.memory_space<vmem>>, vector<16xf32>,
          %mul3A_660 = arith.mulf %get3A_659, %gather3A_647 : vector<16xf32>
          %add3A_661 = arith.addf %add3A_601, %mul3A_660 : vector<16xf32>
          %add3A_662 = arith.constant 8 : i32
          %add3A_663 = arith.addi %mul3A_146, %add3A_662 : i32
          %get3A_664 = arith.index_cast %add3A_663 : i32 to index
          %get3A_665 = arith.constant 32 : index
          %get3A_666 = tpu.vector_load %arg7[%get3A_664, %get3A_665] {strides = array<i32>} : memref<128x128xf32, #tpu.memory_space<vmem>>, vector<16xf32>,
          %mul3A_667 = arith.mulf %get3A_666, %gather3A_647 : vector<16xf32>
          %add3A_668 = arith.addf %add3A_608, %mul3A_667 : vector<16xf32>
          %add3A_669 = arith.constant 8 : i32
          %add3A_670 = arith.addi %mul3A_146, %add3A_669 : i32
          %get3A_671 = arith.index_cast %add3A_670 : i32 to index
          %get3A_672 = arith.constant 48 : index
          %get3A_673 = tpu.vector_load %arg7[%get3A_671, %get3A_672] {strides = array<i32>} : memref<128x128xf32, #tpu.memory_space<vmem>>, vector<16xf32>,
          %mul3A_674 = arith.mulf %get3A_673, %gather3A_647 : vector<16xf32>
          %add3A_675 = arith.addf %add3A_615, %mul3A_674 : vector<16xf32>
          %add3A_676 = arith.constant 8 : i32
          %add3A_677 = arith.addi %mul3A_146, %add3A_676 : i32
          %get3A_678 = arith.index_cast %add3A_677 : i32 to index
          %get3A_679 = arith.constant 64 : index
          %get3A_680 = tpu.vector_load %arg7[%get3A_678, %get3A_679] {strides = array<i32>} : memref<128x128xf32, #tpu.memory_space<vmem>>, vector<16xf32>,
          %mul3A_681 = arith.mulf %get3A_680, %gather3A_647 : vector<16xf32>
          %add3A_682 = arith.addf %add3A_622, %mul3A_681 : vector<16xf32>
          %add3A_683 = arith.constant 8 : i32
          %add3A_684 = arith.addi %mul3A_146, %add3A_683 : i32
          %get3A_685 = arith.index_cast %add3A_684 : i32 to index
          %get3A_686 = arith.constant 80 : index
          %get3A_687 = tpu.vector_load %arg7[%get3A_685, %get3A_686] {strides = array<i32>} : memref<128x128xf32, #tpu.memory_space<vmem>>, vector<16xf32>,
          %mul3A_688 = arith.mulf %get3A_687, %gather3A_647 : vector<16xf32>
          %add3A_689 = arith.addf %add3A_629, %mul3A_688 : vector<16xf32>
          %add3A_690 = arith.constant 8 : i32
          %add3A_691 = arith.addi %mul3A_146, %add3A_690 : i32
          %get3A_692 = arith.index_cast %add3A_691 : i32 to index
          %get3A_693 = arith.constant 96 : index
          %get3A_694 = tpu.vector_load %arg7[%get3A_692, %get3A_693] {strides = array<i32>} : memref<128x128xf32, #tpu.memory_space<vmem>>, vector<16xf32>,
          %mul3A_695 = arith.mulf %get3A_694, %gather3A_647 : vector<16xf32>
          %add3A_696 = arith.addf %add3A_636, %mul3A_695 : vector<16xf32>
          %add3A_697 = arith.constant 8 : i32
          %add3A_698 = arith.addi %mul3A_146, %add3A_697 : i32
          %get3A_699 = arith.index_cast %add3A_698 : i32 to index
          %get3A_700 = arith.constant 112 : index
          %get3A_701 = tpu.vector_load %arg7[%get3A_699, %get3A_700] {strides = array<i32>} : memref<128x128xf32, #tpu.memory_space<vmem>>, vector<16xf32>,
          %mul3A_702 = arith.mulf %get3A_701, %gather3A_647 : vector<16xf32>
          %add3A_703 = arith.addf %add3A_643, %mul3A_702 : vector<16xf32>
          %add3A_704 = arith.constant 9 : i32
          %add3A_705 = arith.addi %mul3A_146, %add3A_704 : i32
          %broadcast_in_dim3A_706 = vector.broadcast %add3A_705 : i32 to vector<16xi32>
          %gather3A_707 = tpu.vector_load_idx %arg9[%broadcast_in_dim3A_104, %broadcast_in_dim3A_706] : memref<25x128xf32, #tpu.memory_space<vmem>>[vector<16xi32>, vector<16xi32>], vector<16xf32>,
          %add3A_708 = arith.constant 9 : i32
          %add3A_709 = arith.addi %mul3A_146, %add3A_708 : i32
          %get3A_710 = arith.index_cast %add3A_709 : i32 to index
          %get3A_711 = arith.constant 0 : index
          %get3A_712 = tpu.vector_load %arg7[%get3A_710, %get3A_711] {strides = array<i32>} : memref<128x128xf32, #tpu.memory_space<vmem>>, vector<16xf32>,
          %mul3A_713 = arith.mulf %get3A_712, %gather3A_707 : vector<16xf32>
          %add3A_714 = arith.addf %add3A_654, %mul3A_713 : vector<16xf32>
          %add3A_715 = arith.constant 9 : i32
          %add3A_716 = arith.addi %mul3A_146, %add3A_715 : i32
          %get3A_717 = arith.index_cast %add3A_716 : i32 to index
          %get3A_718 = arith.constant 16 : index
          %get3A_719 = tpu.vector_load %arg7[%get3A_717, %get3A_718] {strides = array<i32>} : memref<128x128xf32, #tpu.memory_space<vmem>>, vector<16xf32>,
          %mul3A_720 = arith.mulf %get3A_719, %gather3A_707 : vector<16xf32>
          %add3A_721 = arith.addf %add3A_661, %mul3A_720 : vector<16xf32>
          %add3A_722 = arith.constant 9 : i32
          %add3A_723 = arith.addi %mul3A_146, %add3A_722 : i32
          %get3A_724 = arith.index_cast %add3A_723 : i32 to index
          %get3A_725 = arith.constant 32 : index
          %get3A_726 = tpu.vector_load %arg7[%get3A_724, %get3A_725] {strides = array<i32>} : memref<128x128xf32, #tpu.memory_space<vmem>>, vector<16xf32>,
          %mul3A_727 = arith.mulf %get3A_726, %gather3A_707 : vector<16xf32>
          %add3A_728 = arith.addf %add3A_668, %mul3A_727 : vector<16xf32>
          %add3A_729 = arith.constant 9 : i32
          %add3A_730 = arith.addi %mul3A_146, %add3A_729 : i32
          %get3A_731 = arith.index_cast %add3A_730 : i32 to index
          %get3A_732 = arith.constant 48 : index
          %get3A_733 = tpu.vector_load %arg7[%get3A_731, %get3A_732] {strides = array<i32>} : memref<128x128xf32, #tpu.memory_space<vmem>>, vector<16xf32>,
          %mul3A_734 = arith.mulf %get3A_733, %gather3A_707 : vector<16xf32>
          %add3A_735 = arith.addf %add3A_675, %mul3A_734 : vector<16xf32>
          %add3A_736 = arith.constant 9 : i32
          %add3A_737 = arith.addi %mul3A_146, %add3A_736 : i32
          %get3A_738 = arith.index_cast %add3A_737 : i32 to index
          %get3A_739 = arith.constant 64 : index
          %get3A_740 = tpu.vector_load %arg7[%get3A_738, %get3A_739] {strides = array<i32>} : memref<128x128xf32, #tpu.memory_space<vmem>>, vector<16xf32>,
          %mul3A_741 = arith.mulf %get3A_740, %gather3A_707 : vector<16xf32>
          %add3A_742 = arith.addf %add3A_682, %mul3A_741 : vector<16xf32>
          %add3A_743 = arith.constant 9 : i32
          %add3A_744 = arith.addi %mul3A_146, %add3A_743 : i32
          %get3A_745 = arith.index_cast %add3A_744 : i32 to index
          %get3A_746 = arith.constant 80 : index
          %get3A_747 = tpu.vector_load %arg7[%get3A_745, %get3A_746] {strides = array<i32>} : memref<128x128xf32, #tpu.memory_space<vmem>>, vector<16xf32>,
          %mul3A_748 = arith.mulf %get3A_747, %gather3A_707 : vector<16xf32>
          %add3A_749 = arith.addf %add3A_689, %mul3A_748 : vector<16xf32>
          %add3A_750 = arith.constant 9 : i32
          %add3A_751 = arith.addi %mul3A_146, %add3A_750 : i32
          %get3A_752 = arith.index_cast %add3A_751 : i32 to index
          %get3A_753 = arith.constant 96 : index
          %get3A_754 = tpu.vector_load %arg7[%get3A_752, %get3A_753] {strides = array<i32>} : memref<128x128xf32, #tpu.memory_space<vmem>>, vector<16xf32>,
          %mul3A_755 = arith.mulf %get3A_754, %gather3A_707 : vector<16xf32>
          %add3A_756 = arith.addf %add3A_696, %mul3A_755 : vector<16xf32>
          %add3A_757 = arith.constant 9 : i32
          %add3A_758 = arith.addi %mul3A_146, %add3A_757 : i32
          %get3A_759 = arith.index_cast %add3A_758 : i32 to index
          %get3A_760 = arith.constant 112 : index
          %get3A_761 = tpu.vector_load %arg7[%get3A_759, %get3A_760] {strides = array<i32>} : memref<128x128xf32, #tpu.memory_space<vmem>>, vector<16xf32>,
          %mul3A_762 = arith.mulf %get3A_761, %gather3A_707 : vector<16xf32>
          %add3A_763 = arith.addf %add3A_703, %mul3A_762 : vector<16xf32>
          %add3A_764 = arith.constant 10 : i32
          %add3A_765 = arith.addi %mul3A_146, %add3A_764 : i32
          %broadcast_in_dim3A_766 = vector.broadcast %add3A_765 : i32 to vector<16xi32>
          %gather3A_767 = tpu.vector_load_idx %arg9[%broadcast_in_dim3A_104, %broadcast_in_dim3A_766] : memref<25x128xf32, #tpu.memory_space<vmem>>[vector<16xi32>, vector<16xi32>], vector<16xf32>,
          %add3A_768 = arith.constant 10 : i32
          %add3A_769 = arith.addi %mul3A_146, %add3A_768 : i32
          %get3A_770 = arith.index_cast %add3A_769 : i32 to index
          %get3A_771 = arith.constant 0 : index
          %get3A_772 = tpu.vector_load %arg7[%get3A_770, %get3A_771] {strides = array<i32>} : memref<128x128xf32, #tpu.memory_space<vmem>>, vector<16xf32>,
          %mul3A_773 = arith.mulf %get3A_772, %gather3A_767 : vector<16xf32>
          %add3A_774 = arith.addf %add3A_714, %mul3A_773 : vector<16xf32>
          %add3A_775 = arith.constant 10 : i32
          %add3A_776 = arith.addi %mul3A_146, %add3A_775 : i32
          %get3A_777 = arith.index_cast %add3A_776 : i32 to index
          %get3A_778 = arith.constant 16 : index
          %get3A_779 = tpu.vector_load %arg7[%get3A_777, %get3A_778] {strides = array<i32>} : memref<128x128xf32, #tpu.memory_space<vmem>>, vector<16xf32>,
          %mul3A_780 = arith.mulf %get3A_779, %gather3A_767 : vector<16xf32>
          %add3A_781 = arith.addf %add3A_721, %mul3A_780 : vector<16xf32>
          %add3A_782 = arith.constant 10 : i32
          %add3A_783 = arith.addi %mul3A_146, %add3A_782 : i32
          %get3A_784 = arith.index_cast %add3A_783 : i32 to index
          %get3A_785 = arith.constant 32 : index
          %get3A_786 = tpu.vector_load %arg7[%get3A_784, %get3A_785] {strides = array<i32>} : memref<128x128xf32, #tpu.memory_space<vmem>>, vector<16xf32>,
          %mul3A_787 = arith.mulf %get3A_786, %gather3A_767 : vector<16xf32>
          %add3A_788 = arith.addf %add3A_728, %mul3A_787 : vector<16xf32>
          %add3A_789 = arith.constant 10 : i32
          %add3A_790 = arith.addi %mul3A_146, %add3A_789 : i32
          %get3A_791 = arith.index_cast %add3A_790 : i32 to index
          %get3A_792 = arith.constant 48 : index
          %get3A_793 = tpu.vector_load %arg7[%get3A_791, %get3A_792] {strides = array<i32>} : memref<128x128xf32, #tpu.memory_space<vmem>>, vector<16xf32>,
          %mul3A_794 = arith.mulf %get3A_793, %gather3A_767 : vector<16xf32>
          %add3A_795 = arith.addf %add3A_735, %mul3A_794 : vector<16xf32>
          %add3A_796 = arith.constant 10 : i32
          %add3A_797 = arith.addi %mul3A_146, %add3A_796 : i32
          %get3A_798 = arith.index_cast %add3A_797 : i32 to index
          %get3A_799 = arith.constant 64 : index
          %get3A_800 = tpu.vector_load %arg7[%get3A_798, %get3A_799] {strides = array<i32>} : memref<128x128xf32, #tpu.memory_space<vmem>>, vector<16xf32>,
          %mul3A_801 = arith.mulf %get3A_800, %gather3A_767 : vector<16xf32>
          %add3A_802 = arith.addf %add3A_742, %mul3A_801 : vector<16xf32>
          %add3A_803 = arith.constant 10 : i32
          %add3A_804 = arith.addi %mul3A_146, %add3A_803 : i32
          %get3A_805 = arith.index_cast %add3A_804 : i32 to index
          %get3A_806 = arith.constant 80 : index
          %get3A_807 = tpu.vector_load %arg7[%get3A_805, %get3A_806] {strides = array<i32>} : memref<128x128xf32, #tpu.memory_space<vmem>>, vector<16xf32>,
          %mul3A_808 = arith.mulf %get3A_807, %gather3A_767 : vector<16xf32>
          %add3A_809 = arith.addf %add3A_749, %mul3A_808 : vector<16xf32>
          %add3A_810 = arith.constant 10 : i32
          %add3A_811 = arith.addi %mul3A_146, %add3A_810 : i32
          %get3A_812 = arith.index_cast %add3A_811 : i32 to index
          %get3A_813 = arith.constant 96 : index
          %get3A_814 = tpu.vector_load %arg7[%get3A_812, %get3A_813] {strides = array<i32>} : memref<128x128xf32, #tpu.memory_space<vmem>>, vector<16xf32>,
          %mul3A_815 = arith.mulf %get3A_814, %gather3A_767 : vector<16xf32>
          %add3A_816 = arith.addf %add3A_756, %mul3A_815 : vector<16xf32>
          %add3A_817 = arith.constant 10 : i32
          %add3A_818 = arith.addi %mul3A_146, %add3A_817 : i32
          %get3A_819 = arith.index_cast %add3A_818 : i32 to index
          %get3A_820 = arith.constant 112 : index
          %get3A_821 = tpu.vector_load %arg7[%get3A_819, %get3A_820] {strides = array<i32>} : memref<128x128xf32, #tpu.memory_space<vmem>>, vector<16xf32>,
          %mul3A_822 = arith.mulf %get3A_821, %gather3A_767 : vector<16xf32>
          %add3A_823 = arith.addf %add3A_763, %mul3A_822 : vector<16xf32>
          %add3A_824 = arith.constant 11 : i32
          %add3A_825 = arith.addi %mul3A_146, %add3A_824 : i32
          %broadcast_in_dim3A_826 = vector.broadcast %add3A_825 : i32 to vector<16xi32>
          %gather3A_827 = tpu.vector_load_idx %arg9[%broadcast_in_dim3A_104, %broadcast_in_dim3A_826] : memref<25x128xf32, #tpu.memory_space<vmem>>[vector<16xi32>, vector<16xi32>], vector<16xf32>,
          %add3A_828 = arith.constant 11 : i32
          %add3A_829 = arith.addi %mul3A_146, %add3A_828 : i32
          %get3A_830 = arith.index_cast %add3A_829 : i32 to index
          %get3A_831 = arith.constant 0 : index
          %get3A_832 = tpu.vector_load %arg7[%get3A_830, %get3A_831] {strides = array<i32>} : memref<128x128xf32, #tpu.memory_space<vmem>>, vector<16xf32>,
          %mul3A_833 = arith.mulf %get3A_832, %gather3A_827 : vector<16xf32>
          %add3A_834 = arith.addf %add3A_774, %mul3A_833 : vector<16xf32>
          %add3A_835 = arith.constant 11 : i32
          %add3A_836 = arith.addi %mul3A_146, %add3A_835 : i32
          %get3A_837 = arith.index_cast %add3A_836 : i32 to index
          %get3A_838 = arith.constant 16 : index
          %get3A_839 = tpu.vector_load %arg7[%get3A_837, %get3A_838] {strides = array<i32>} : memref<128x128xf32, #tpu.memory_space<vmem>>, vector<16xf32>,
          %mul3A_840 = arith.mulf %get3A_839, %gather3A_827 : vector<16xf32>
          %add3A_841 = arith.addf %add3A_781, %mul3A_840 : vector<16xf32>
          %add3A_842 = arith.constant 11 : i32
          %add3A_843 = arith.addi %mul3A_146, %add3A_842 : i32
          %get3A_844 = arith.index_cast %add3A_843 : i32 to index
          %get3A_845 = arith.constant 32 : index
          %get3A_846 = tpu.vector_load %arg7[%get3A_844, %get3A_845] {strides = array<i32>} : memref<128x128xf32, #tpu.memory_space<vmem>>, vector<16xf32>,
          %mul3A_847 = arith.mulf %get3A_846, %gather3A_827 : vector<16xf32>
          %add3A_848 = arith.addf %add3A_788, %mul3A_847 : vector<16xf32>
          %add3A_849 = arith.constant 11 : i32
          %add3A_850 = arith.addi %mul3A_146, %add3A_849 : i32
          %get3A_851 = arith.index_cast %add3A_850 : i32 to index
          %get3A_852 = arith.constant 48 : index
          %get3A_853 = tpu.vector_load %arg7[%get3A_851, %get3A_852] {strides = array<i32>} : memref<128x128xf32, #tpu.memory_space<vmem>>, vector<16xf32>,
          %mul3A_854 = arith.mulf %get3A_853, %gather3A_827 : vector<16xf32>
          %add3A_855 = arith.addf %add3A_795, %mul3A_854 : vector<16xf32>
          %add3A_856 = arith.constant 11 : i32
          %add3A_857 = arith.addi %mul3A_146, %add3A_856 : i32
          %get3A_858 = arith.index_cast %add3A_857 : i32 to index
          %get3A_859 = arith.constant 64 : index
          %get3A_860 = tpu.vector_load %arg7[%get3A_858, %get3A_859] {strides = array<i32>} : memref<128x128xf32, #tpu.memory_space<vmem>>, vector<16xf32>,
          %mul3A_861 = arith.mulf %get3A_860, %gather3A_827 : vector<16xf32>
          %add3A_862 = arith.addf %add3A_802, %mul3A_861 : vector<16xf32>
          %add3A_863 = arith.constant 11 : i32
          %add3A_864 = arith.addi %mul3A_146, %add3A_863 : i32
          %get3A_865 = arith.index_cast %add3A_864 : i32 to index
          %get3A_866 = arith.constant 80 : index
          %get3A_867 = tpu.vector_load %arg7[%get3A_865, %get3A_866] {strides = array<i32>} : memref<128x128xf32, #tpu.memory_space<vmem>>, vector<16xf32>,
          %mul3A_868 = arith.mulf %get3A_867, %gather3A_827 : vector<16xf32>
          %add3A_869 = arith.addf %add3A_809, %mul3A_868 : vector<16xf32>
          %add3A_870 = arith.constant 11 : i32
          %add3A_871 = arith.addi %mul3A_146, %add3A_870 : i32
          %get3A_872 = arith.index_cast %add3A_871 : i32 to index
          %get3A_873 = arith.constant 96 : index
          %get3A_874 = tpu.vector_load %arg7[%get3A_872, %get3A_873] {strides = array<i32>} : memref<128x128xf32, #tpu.memory_space<vmem>>, vector<16xf32>,
          %mul3A_875 = arith.mulf %get3A_874, %gather3A_827 : vector<16xf32>
          %add3A_876 = arith.addf %add3A_816, %mul3A_875 : vector<16xf32>
          %add3A_877 = arith.constant 11 : i32
          %add3A_878 = arith.addi %mul3A_146, %add3A_877 : i32
          %get3A_879 = arith.index_cast %add3A_878 : i32 to index
          %get3A_880 = arith.constant 112 : index
          %get3A_881 = tpu.vector_load %arg7[%get3A_879, %get3A_880] {strides = array<i32>} : memref<128x128xf32, #tpu.memory_space<vmem>>, vector<16xf32>,
          %mul3A_882 = arith.mulf %get3A_881, %gather3A_827 : vector<16xf32>
          %add3A_883 = arith.addf %add3A_823, %mul3A_882 : vector<16xf32>
          %add3A_884 = arith.constant 12 : i32
          %add3A_885 = arith.addi %mul3A_146, %add3A_884 : i32
          %broadcast_in_dim3A_886 = vector.broadcast %add3A_885 : i32 to vector<16xi32>
          %gather3A_887 = tpu.vector_load_idx %arg9[%broadcast_in_dim3A_104, %broadcast_in_dim3A_886] : memref<25x128xf32, #tpu.memory_space<vmem>>[vector<16xi32>, vector<16xi32>], vector<16xf32>,
          %add3A_888 = arith.constant 12 : i32
          %add3A_889 = arith.addi %mul3A_146, %add3A_888 : i32
          %get3A_890 = arith.index_cast %add3A_889 : i32 to index
          %get3A_891 = arith.constant 0 : index
          %get3A_892 = tpu.vector_load %arg7[%get3A_890, %get3A_891] {strides = array<i32>} : memref<128x128xf32, #tpu.memory_space<vmem>>, vector<16xf32>,
          %mul3A_893 = arith.mulf %get3A_892, %gather3A_887 : vector<16xf32>
          %add3A_894 = arith.addf %add3A_834, %mul3A_893 : vector<16xf32>
          %add3A_895 = arith.constant 12 : i32
          %add3A_896 = arith.addi %mul3A_146, %add3A_895 : i32
          %get3A_897 = arith.index_cast %add3A_896 : i32 to index
          %get3A_898 = arith.constant 16 : index
          %get3A_899 = tpu.vector_load %arg7[%get3A_897, %get3A_898] {strides = array<i32>} : memref<128x128xf32, #tpu.memory_space<vmem>>, vector<16xf32>,
          %mul3A_900 = arith.mulf %get3A_899, %gather3A_887 : vector<16xf32>
          %add3A_901 = arith.addf %add3A_841, %mul3A_900 : vector<16xf32>
          %add3A_902 = arith.constant 12 : i32
          %add3A_903 = arith.addi %mul3A_146, %add3A_902 : i32
          %get3A_904 = arith.index_cast %add3A_903 : i32 to index
          %get3A_905 = arith.constant 32 : index
          %get3A_906 = tpu.vector_load %arg7[%get3A_904, %get3A_905] {strides = array<i32>} : memref<128x128xf32, #tpu.memory_space<vmem>>, vector<16xf32>,
          %mul3A_907 = arith.mulf %get3A_906, %gather3A_887 : vector<16xf32>
          %add3A_908 = arith.addf %add3A_848, %mul3A_907 : vector<16xf32>
          %add3A_909 = arith.constant 12 : i32
          %add3A_910 = arith.addi %mul3A_146, %add3A_909 : i32
          %get3A_911 = arith.index_cast %add3A_910 : i32 to index
          %get3A_912 = arith.constant 48 : index
          %get3A_913 = tpu.vector_load %arg7[%get3A_911, %get3A_912] {strides = array<i32>} : memref<128x128xf32, #tpu.memory_space<vmem>>, vector<16xf32>,
          %mul3A_914 = arith.mulf %get3A_913, %gather3A_887 : vector<16xf32>
          %add3A_915 = arith.addf %add3A_855, %mul3A_914 : vector<16xf32>
          %add3A_916 = arith.constant 12 : i32
          %add3A_917 = arith.addi %mul3A_146, %add3A_916 : i32
          %get3A_918 = arith.index_cast %add3A_917 : i32 to index
          %get3A_919 = arith.constant 64 : index
          %get3A_920 = tpu.vector_load %arg7[%get3A_918, %get3A_919] {strides = array<i32>} : memref<128x128xf32, #tpu.memory_space<vmem>>, vector<16xf32>,
          %mul3A_921 = arith.mulf %get3A_920, %gather3A_887 : vector<16xf32>
          %add3A_922 = arith.addf %add3A_862, %mul3A_921 : vector<16xf32>
          %add3A_923 = arith.constant 12 : i32
          %add3A_924 = arith.addi %mul3A_146, %add3A_923 : i32
          %get3A_925 = arith.index_cast %add3A_924 : i32 to index
          %get3A_926 = arith.constant 80 : index
          %get3A_927 = tpu.vector_load %arg7[%get3A_925, %get3A_926] {strides = array<i32>} : memref<128x128xf32, #tpu.memory_space<vmem>>, vector<16xf32>,
          %mul3A_928 = arith.mulf %get3A_927, %gather3A_887 : vector<16xf32>
          %add3A_929 = arith.addf %add3A_869, %mul3A_928 : vector<16xf32>
          %add3A_930 = arith.constant 12 : i32
          %add3A_931 = arith.addi %mul3A_146, %add3A_930 : i32
          %get3A_932 = arith.index_cast %add3A_931 : i32 to index
          %get3A_933 = arith.constant 96 : index
          %get3A_934 = tpu.vector_load %arg7[%get3A_932, %get3A_933] {strides = array<i32>} : memref<128x128xf32, #tpu.memory_space<vmem>>, vector<16xf32>,
          %mul3A_935 = arith.mulf %get3A_934, %gather3A_887 : vector<16xf32>
          %add3A_936 = arith.addf %add3A_876, %mul3A_935 : vector<16xf32>
          %add3A_937 = arith.constant 12 : i32
          %add3A_938 = arith.addi %mul3A_146, %add3A_937 : i32
          %get3A_939 = arith.index_cast %add3A_938 : i32 to index
          %get3A_940 = arith.constant 112 : index
          %get3A_941 = tpu.vector_load %arg7[%get3A_939, %get3A_940] {strides = array<i32>} : memref<128x128xf32, #tpu.memory_space<vmem>>, vector<16xf32>,
          %mul3A_942 = arith.mulf %get3A_941, %gather3A_887 : vector<16xf32>
          %add3A_943 = arith.addf %add3A_883, %mul3A_942 : vector<16xf32>
          %add3A_944 = arith.constant 13 : i32
          %add3A_945 = arith.addi %mul3A_146, %add3A_944 : i32
          %broadcast_in_dim3A_946 = vector.broadcast %add3A_945 : i32 to vector<16xi32>
          %gather3A_947 = tpu.vector_load_idx %arg9[%broadcast_in_dim3A_104, %broadcast_in_dim3A_946] : memref<25x128xf32, #tpu.memory_space<vmem>>[vector<16xi32>, vector<16xi32>], vector<16xf32>,
          %add3A_948 = arith.constant 13 : i32
          %add3A_949 = arith.addi %mul3A_146, %add3A_948 : i32
          %get3A_950 = arith.index_cast %add3A_949 : i32 to index
          %get3A_951 = arith.constant 0 : index
          %get3A_952 = tpu.vector_load %arg7[%get3A_950, %get3A_951] {strides = array<i32>} : memref<128x128xf32, #tpu.memory_space<vmem>>, vector<16xf32>,
          %mul3A_953 = arith.mulf %get3A_952, %gather3A_947 : vector<16xf32>
          %add3A_954 = arith.addf %add3A_894, %mul3A_953 : vector<16xf32>
          %add3A_955 = arith.constant 13 : i32
          %add3A_956 = arith.addi %mul3A_146, %add3A_955 : i32
          %get3A_957 = arith.index_cast %add3A_956 : i32 to index
          %get3A_958 = arith.constant 16 : index
          %get3A_959 = tpu.vector_load %arg7[%get3A_957, %get3A_958] {strides = array<i32>} : memref<128x128xf32, #tpu.memory_space<vmem>>, vector<16xf32>,
          %mul3A_960 = arith.mulf %get3A_959, %gather3A_947 : vector<16xf32>
          %add3A_961 = arith.addf %add3A_901, %mul3A_960 : vector<16xf32>
          %add3A_962 = arith.constant 13 : i32
          %add3A_963 = arith.addi %mul3A_146, %add3A_962 : i32
          %get3A_964 = arith.index_cast %add3A_963 : i32 to index
          %get3A_965 = arith.constant 32 : index
          %get3A_966 = tpu.vector_load %arg7[%get3A_964, %get3A_965] {strides = array<i32>} : memref<128x128xf32, #tpu.memory_space<vmem>>, vector<16xf32>,
          %mul3A_967 = arith.mulf %get3A_966, %gather3A_947 : vector<16xf32>
          %add3A_968 = arith.addf %add3A_908, %mul3A_967 : vector<16xf32>
          %add3A_969 = arith.constant 13 : i32
          %add3A_970 = arith.addi %mul3A_146, %add3A_969 : i32
          %get3A_971 = arith.index_cast %add3A_970 : i32 to index
          %get3A_972 = arith.constant 48 : index
          %get3A_973 = tpu.vector_load %arg7[%get3A_971, %get3A_972] {strides = array<i32>} : memref<128x128xf32, #tpu.memory_space<vmem>>, vector<16xf32>,
          %mul3A_974 = arith.mulf %get3A_973, %gather3A_947 : vector<16xf32>
          %add3A_975 = arith.addf %add3A_915, %mul3A_974 : vector<16xf32>
          %add3A_976 = arith.constant 13 : i32
          %add3A_977 = arith.addi %mul3A_146, %add3A_976 : i32
          %get3A_978 = arith.index_cast %add3A_977 : i32 to index
          %get3A_979 = arith.constant 64 : index
          %get3A_980 = tpu.vector_load %arg7[%get3A_978, %get3A_979] {strides = array<i32>} : memref<128x128xf32, #tpu.memory_space<vmem>>, vector<16xf32>,
          %mul3A_981 = arith.mulf %get3A_980, %gather3A_947 : vector<16xf32>
          %add3A_982 = arith.addf %add3A_922, %mul3A_981 : vector<16xf32>
          %add3A_983 = arith.constant 13 : i32
          %add3A_984 = arith.addi %mul3A_146, %add3A_983 : i32
          %get3A_985 = arith.index_cast %add3A_984 : i32 to index
          %get3A_986 = arith.constant 80 : index
          %get3A_987 = tpu.vector_load %arg7[%get3A_985, %get3A_986] {strides = array<i32>} : memref<128x128xf32, #tpu.memory_space<vmem>>, vector<16xf32>,
          %mul3A_988 = arith.mulf %get3A_987, %gather3A_947 : vector<16xf32>
          %add3A_989 = arith.addf %add3A_929, %mul3A_988 : vector<16xf32>
          %add3A_990 = arith.constant 13 : i32
          %add3A_991 = arith.addi %mul3A_146, %add3A_990 : i32
          %get3A_992 = arith.index_cast %add3A_991 : i32 to index
          %get3A_993 = arith.constant 96 : index
          %get3A_994 = tpu.vector_load %arg7[%get3A_992, %get3A_993] {strides = array<i32>} : memref<128x128xf32, #tpu.memory_space<vmem>>, vector<16xf32>,
          %mul3A_995 = arith.mulf %get3A_994, %gather3A_947 : vector<16xf32>
          %add3A_996 = arith.addf %add3A_936, %mul3A_995 : vector<16xf32>
          %add3A_997 = arith.constant 13 : i32
          %add3A_998 = arith.addi %mul3A_146, %add3A_997 : i32
          %get3A_999 = arith.index_cast %add3A_998 : i32 to index
          %get3A_1000 = arith.constant 112 : index
          %get3A_1001 = tpu.vector_load %arg7[%get3A_999, %get3A_1000] {strides = array<i32>} : memref<128x128xf32, #tpu.memory_space<vmem>>, vector<16xf32>,
          %mul3A_1002 = arith.mulf %get3A_1001, %gather3A_947 : vector<16xf32>
          %add3A_1003 = arith.addf %add3A_943, %mul3A_1002 : vector<16xf32>
          %add3A_1004 = arith.constant 14 : i32
          %add3A_1005 = arith.addi %mul3A_146, %add3A_1004 : i32
          %broadcast_in_dim3A_1006 = vector.broadcast %add3A_1005 : i32 to vector<16xi32>
          %gather3A_1007 = tpu.vector_load_idx %arg9[%broadcast_in_dim3A_104, %broadcast_in_dim3A_1006] : memref<25x128xf32, #tpu.memory_space<vmem>>[vector<16xi32>, vector<16xi32>], vector<16xf32>,
          %add3A_1008 = arith.constant 14 : i32
          %add3A_1009 = arith.addi %mul3A_146, %add3A_1008 : i32
          %get3A_1010 = arith.index_cast %add3A_1009 : i32 to index
          %get3A_1011 = arith.constant 0 : index
          %get3A_1012 = tpu.vector_load %arg7[%get3A_1010, %get3A_1011] {strides = array<i32>} : memref<128x128xf32, #tpu.memory_space<vmem>>, vector<16xf32>,
          %mul3A_1013 = arith.mulf %get3A_1012, %gather3A_1007 : vector<16xf32>
          %add3A_1014 = arith.addf %add3A_954, %mul3A_1013 : vector<16xf32>
          %add3A_1015 = arith.constant 14 : i32
          %add3A_1016 = arith.addi %mul3A_146, %add3A_1015 : i32
          %get3A_1017 = arith.index_cast %add3A_1016 : i32 to index
          %get3A_1018 = arith.constant 16 : index
          %get3A_1019 = tpu.vector_load %arg7[%get3A_1017, %get3A_1018] {strides = array<i32>} : memref<128x128xf32, #tpu.memory_space<vmem>>, vector<16xf32>,
          %mul3A_1020 = arith.mulf %get3A_1019, %gather3A_1007 : vector<16xf32>
          %add3A_1021 = arith.addf %add3A_961, %mul3A_1020 : vector<16xf32>
          %add3A_1022 = arith.constant 14 : i32
          %add3A_1023 = arith.addi %mul3A_146, %add3A_1022 : i32
          %get3A_1024 = arith.index_cast %add3A_1023 : i32 to index
          %get3A_1025 = arith.constant 32 : index
          %get3A_1026 = tpu.vector_load %arg7[%get3A_1024, %get3A_1025] {strides = array<i32>} : memref<128x128xf32, #tpu.memory_space<vmem>>, vector<16xf32>,
          %mul3A_1027 = arith.mulf %get3A_1026, %gather3A_1007 : vector<16xf32>
          %add3A_1028 = arith.addf %add3A_968, %mul3A_1027 : vector<16xf32>
          %add3A_1029 = arith.constant 14 : i32
          %add3A_1030 = arith.addi %mul3A_146, %add3A_1029 : i32
          %get3A_1031 = arith.index_cast %add3A_1030 : i32 to index
          %get3A_1032 = arith.constant 48 : index
          %get3A_1033 = tpu.vector_load %arg7[%get3A_1031, %get3A_1032] {strides = array<i32>} : memref<128x128xf32, #tpu.memory_space<vmem>>, vector<16xf32>,
          %mul3A_1034 = arith.mulf %get3A_1033, %gather3A_1007 : vector<16xf32>
          %add3A_1035 = arith.addf %add3A_975, %mul3A_1034 : vector<16xf32>
          %add3A_1036 = arith.constant 14 : i32
          %add3A_1037 = arith.addi %mul3A_146, %add3A_1036 : i32
          %get3A_1038 = arith.index_cast %add3A_1037 : i32 to index
          %get3A_1039 = arith.constant 64 : index
          %get3A_1040 = tpu.vector_load %arg7[%get3A_1038, %get3A_1039] {strides = array<i32>} : memref<128x128xf32, #tpu.memory_space<vmem>>, vector<16xf32>,
          %mul3A_1041 = arith.mulf %get3A_1040, %gather3A_1007 : vector<16xf32>
          %add3A_1042 = arith.addf %add3A_982, %mul3A_1041 : vector<16xf32>
          %add3A_1043 = arith.constant 14 : i32
          %add3A_1044 = arith.addi %mul3A_146, %add3A_1043 : i32
          %get3A_1045 = arith.index_cast %add3A_1044 : i32 to index
          %get3A_1046 = arith.constant 80 : index
          %get3A_1047 = tpu.vector_load %arg7[%get3A_1045, %get3A_1046] {strides = array<i32>} : memref<128x128xf32, #tpu.memory_space<vmem>>, vector<16xf32>,
          %mul3A_1048 = arith.mulf %get3A_1047, %gather3A_1007 : vector<16xf32>
          %add3A_1049 = arith.addf %add3A_989, %mul3A_1048 : vector<16xf32>
          %add3A_1050 = arith.constant 14 : i32
          %add3A_1051 = arith.addi %mul3A_146, %add3A_1050 : i32
          %get3A_1052 = arith.index_cast %add3A_1051 : i32 to index
          %get3A_1053 = arith.constant 96 : index
          %get3A_1054 = tpu.vector_load %arg7[%get3A_1052, %get3A_1053] {strides = array<i32>} : memref<128x128xf32, #tpu.memory_space<vmem>>, vector<16xf32>,
          %mul3A_1055 = arith.mulf %get3A_1054, %gather3A_1007 : vector<16xf32>
          %add3A_1056 = arith.addf %add3A_996, %mul3A_1055 : vector<16xf32>
          %add3A_1057 = arith.constant 14 : i32
          %add3A_1058 = arith.addi %mul3A_146, %add3A_1057 : i32
          %get3A_1059 = arith.index_cast %add3A_1058 : i32 to index
          %get3A_1060 = arith.constant 112 : index
          %get3A_1061 = tpu.vector_load %arg7[%get3A_1059, %get3A_1060] {strides = array<i32>} : memref<128x128xf32, #tpu.memory_space<vmem>>, vector<16xf32>,
          %mul3A_1062 = arith.mulf %get3A_1061, %gather3A_1007 : vector<16xf32>
          %add3A_1063 = arith.addf %add3A_1003, %mul3A_1062 : vector<16xf32>
          %add3A_1064 = arith.constant 15 : i32
          %add3A_1065 = arith.addi %mul3A_146, %add3A_1064 : i32
          %broadcast_in_dim3A_1066 = vector.broadcast %add3A_1065 : i32 to vector<16xi32>
          %gather3A_1067 = tpu.vector_load_idx %arg9[%broadcast_in_dim3A_104, %broadcast_in_dim3A_1066] : memref<25x128xf32, #tpu.memory_space<vmem>>[vector<16xi32>, vector<16xi32>], vector<16xf32>,
          %add3A_1068 = arith.constant 15 : i32
          %add3A_1069 = arith.addi %mul3A_146, %add3A_1068 : i32
          %get3A_1070 = arith.index_cast %add3A_1069 : i32 to index
          %get3A_1071 = arith.constant 0 : index
          %get3A_1072 = tpu.vector_load %arg7[%get3A_1070, %get3A_1071] {strides = array<i32>} : memref<128x128xf32, #tpu.memory_space<vmem>>, vector<16xf32>,
          %mul3A_1073 = arith.mulf %get3A_1072, %gather3A_1067 : vector<16xf32>
          %add3A_1074 = arith.addf %add3A_1014, %mul3A_1073 : vector<16xf32>
          %add3A_1075 = arith.constant 15 : i32
          %add3A_1076 = arith.addi %mul3A_146, %add3A_1075 : i32
          %get3A_1077 = arith.index_cast %add3A_1076 : i32 to index
          %get3A_1078 = arith.constant 16 : index
          %get3A_1079 = tpu.vector_load %arg7[%get3A_1077, %get3A_1078] {strides = array<i32>} : memref<128x128xf32, #tpu.memory_space<vmem>>, vector<16xf32>,
          %mul3A_1080 = arith.mulf %get3A_1079, %gather3A_1067 : vector<16xf32>
          %add3A_1081 = arith.addf %add3A_1021, %mul3A_1080 : vector<16xf32>
          %add3A_1082 = arith.constant 15 : i32
          %add3A_1083 = arith.addi %mul3A_146, %add3A_1082 : i32
          %get3A_1084 = arith.index_cast %add3A_1083 : i32 to index
          %get3A_1085 = arith.constant 32 : index
          %get3A_1086 = tpu.vector_load %arg7[%get3A_1084, %get3A_1085] {strides = array<i32>} : memref<128x128xf32, #tpu.memory_space<vmem>>, vector<16xf32>,
          %mul3A_1087 = arith.mulf %get3A_1086, %gather3A_1067 : vector<16xf32>
          %add3A_1088 = arith.addf %add3A_1028, %mul3A_1087 : vector<16xf32>
          %add3A_1089 = arith.constant 15 : i32
          %add3A_1090 = arith.addi %mul3A_146, %add3A_1089 : i32
          %get3A_1091 = arith.index_cast %add3A_1090 : i32 to index
          %get3A_1092 = arith.constant 48 : index
          %get3A_1093 = tpu.vector_load %arg7[%get3A_1091, %get3A_1092] {strides = array<i32>} : memref<128x128xf32, #tpu.memory_space<vmem>>, vector<16xf32>,
          %mul3A_1094 = arith.mulf %get3A_1093, %gather3A_1067 : vector<16xf32>
          %add3A_1095 = arith.addf %add3A_1035, %mul3A_1094 : vector<16xf32>
          %add3A_1096 = arith.constant 15 : i32
          %add3A_1097 = arith.addi %mul3A_146, %add3A_1096 : i32
          %get3A_1098 = arith.index_cast %add3A_1097 : i32 to index
          %get3A_1099 = arith.constant 64 : index
          %get3A_1100 = tpu.vector_load %arg7[%get3A_1098, %get3A_1099] {strides = array<i32>} : memref<128x128xf32, #tpu.memory_space<vmem>>, vector<16xf32>,
          %mul3A_1101 = arith.mulf %get3A_1100, %gather3A_1067 : vector<16xf32>
          %add3A_1102 = arith.addf %add3A_1042, %mul3A_1101 : vector<16xf32>
          %add3A_1103 = arith.constant 15 : i32
          %add3A_1104 = arith.addi %mul3A_146, %add3A_1103 : i32
          %get3A_1105 = arith.index_cast %add3A_1104 : i32 to index
          %get3A_1106 = arith.constant 80 : index
          %get3A_1107 = tpu.vector_load %arg7[%get3A_1105, %get3A_1106] {strides = array<i32>} : memref<128x128xf32, #tpu.memory_space<vmem>>, vector<16xf32>,
          %mul3A_1108 = arith.mulf %get3A_1107, %gather3A_1067 : vector<16xf32>
          %add3A_1109 = arith.addf %add3A_1049, %mul3A_1108 : vector<16xf32>
          %add3A_1110 = arith.constant 15 : i32
          %add3A_1111 = arith.addi %mul3A_146, %add3A_1110 : i32
          %get3A_1112 = arith.index_cast %add3A_1111 : i32 to index
          %get3A_1113 = arith.constant 96 : index
          %get3A_1114 = tpu.vector_load %arg7[%get3A_1112, %get3A_1113] {strides = array<i32>} : memref<128x128xf32, #tpu.memory_space<vmem>>, vector<16xf32>,
          %mul3A_1115 = arith.mulf %get3A_1114, %gather3A_1067 : vector<16xf32>
          %add3A_1116 = arith.addf %add3A_1056, %mul3A_1115 : vector<16xf32>
          %add3A_1117 = arith.constant 15 : i32
          %add3A_1118 = arith.addi %mul3A_146, %add3A_1117 : i32
          %get3A_1119 = arith.index_cast %add3A_1118 : i32 to index
          %get3A_1120 = arith.constant 112 : index
          %get3A_1121 = tpu.vector_load %arg7[%get3A_1119, %get3A_1120] {strides = array<i32>} : memref<128x128xf32, #tpu.memory_space<vmem>>, vector<16xf32>,
          %mul3A_1122 = arith.mulf %get3A_1121, %gather3A_1067 : vector<16xf32>
          %add3A_1123 = arith.addf %add3A_1063, %mul3A_1122 : vector<16xf32>
          scf.yield %add3A_1074, %add3A_1081, %add3A_1088, %add3A_1095, %add3A_1102, %add3A_1109, %add3A_1116, %add3A_1123, %scan3A_144 : vector<16xf32>, vector<16xf32>, vector<16xf32>, vector<16xf32>, vector<16xf32>, vector<16xf32>, vector<16xf32>, vector<16xf32>, vector<16xi32>
        } else {
          %add3A_165 = arith.constant 16 : i32
          %add3A_166 = arith.addi %mul3A_146, %add3A_165 : i32
          %while3A = arith.subi %add3A_166, %mul3A_146 : i32
          %while3A_167 = arith.addi %mul3A_146, %while3A : i32
          %while3A_168 = arith.constant 1 : i32
          %while3A_169 = arith.divsi %while3A, %while3A_168 : i32
          %while3A_170 = arith.muli %while3A_169, %while3A_168 : i32
          %while3A_171 = arith.addi %mul3A_146, %while3A_170 : i32
          %while3A_172 = arith.constant 1 : i32
          %while3A_173:9 = scf.for %while3A_176 = %mul3A_146 to %while3A_171 step %while3A_172 iter_args(%while3A_177 = %scan3A_136, %while3A_178 = %scan3A_137, %while3A_179 = %scan3A_138, %while3A_180 = %scan3A_139, %while3A_181 = %scan3A_140, %while3A_182 = %scan3A_141, %while3A_183 = %scan3A_142, %while3A_184 = %scan3A_143, %while3A_185 = %scan3A_144) -> (vector<16xf32>, vector<16xf32>, vector<16xf32>, vector<16xf32>, vector<16xf32>, vector<16xf32>, vector<16xf32>, vector<16xf32>, vector<16xi32>)  : i32 {
            %broadcast_in_dim3A_186 = vector.broadcast %while3A_176 : i32 to vector<16xi32>
            %gather3A = tpu.vector_load_idx %arg9[%broadcast_in_dim3A_104, %broadcast_in_dim3A_186] : memref<25x128xf32, #tpu.memory_space<vmem>>[vector<16xi32>, vector<16xi32>], vector<16xf32>,
            %gather3A_187 = tpu.vector_load_idx %arg10[%broadcast_in_dim3A_104, %broadcast_in_dim3A_186] : memref<25x128xi32, #tpu.memory_space<vmem>>[vector<16xi32>, vector<16xi32>], vector<16xi32>,
            %eq3A_188 = arith.cmpi eq, %gather3A_187, %while3A_185 : vector<16xi32>
            %reduce_and3A_189 = arith.constant 1.000000e+00 : f32
            %reduce_and3A_190 = arith.constant 0.000000e+00 : f32
            %reduce_and3A_191 = vector.broadcast %reduce_and3A_189 : f32 to vector<16xf32>
            %reduce_and3A_192 = vector.broadcast %reduce_and3A_190 : f32 to vector<16xf32>
            %reduce_and3A_193 = arith.select %eq3A_188, %reduce_and3A_191, %reduce_and3A_192 : vector<16xi1>, vector<16xf32>
            %reduce_and3A_194 = arith.constant true
            %reduce_and3A_195 = vector.broadcast %reduce_and3A_194 : i1 to vector<16xi1>
            %reduce_and3A_196 = tpu.scan <min>, %reduce_and3A_193 masked %reduce_and3A_195 : vector<16xf32>, vector<16xi1> -> vector<16xf32>
            %reduce_and3A_197 = vector.extract %reduce_and3A_196[15] : f32 from vector<16xf32>
            %reduce_and3A_198 = arith.constant 0.000000e+00 : f32
            %reduce_and3A_199 = arith.cmpf ogt, %reduce_and3A_197, %reduce_and3A_198 : f32
            %convert_element_type3A_200 = arith.extui %reduce_and3A_199 : i1 to i32
            %cond3A_201 = arith.constant 0 : i32
            %cond3A_202 = arith.cmpi ne, %convert_element_type3A_200, %cond3A_201 : i32
            %cond3A_203:8 = scf.if %cond3A_202 -> (vector<16xf32>, vector<16xf32>, vector<16xf32>, vector<16xf32>, vector<16xf32>, vector<16xf32>, vector<16xf32>, vector<16xf32>) {
              scf.yield %while3A_177, %while3A_178, %while3A_179, %while3A_180, %while3A_181, %while3A_182, %while3A_183, %while3A_184 : vector<16xf32>, vector<16xf32>, vector<16xf32>, vector<16xf32>, vector<16xf32>, vector<16xf32>, vector<16xf32>, vector<16xf32>
            } else {
              %add3A_244 = arith.constant 0 : i32
              %add3A_245 = vector.broadcast %add3A_244 : i32 to vector<16xi32>
              %add3A_246 = arith.addi %iota3A, %add3A_245 : vector<16xi32>
              tpu.vector_store_idx %arg6[%while3A_185, %add3A_246], %while3A_177 {add = true} : memref<512x128xf32, #tpu.memory_space<vmem>>[vector<16xi32>, vector<16xi32>], vector<16xf32>,
              %add3A_247 = arith.constant 16 : i32
              %add3A_248 = vector.broadcast %add3A_247 : i32 to vector<16xi32>
              %add3A_249 = arith.addi %iota3A, %add3A_248 : vector<16xi32>
              tpu.vector_store_idx %arg6[%while3A_185, %add3A_249], %while3A_178 {add = true} : memref<512x128xf32, #tpu.memory_space<vmem>>[vector<16xi32>, vector<16xi32>], vector<16xf32>,
              %add3A_250 = arith.constant 32 : i32
              %add3A_251 = vector.broadcast %add3A_250 : i32 to vector<16xi32>
              %add3A_252 = arith.addi %iota3A, %add3A_251 : vector<16xi32>
              tpu.vector_store_idx %arg6[%while3A_185, %add3A_252], %while3A_179 {add = true} : memref<512x128xf32, #tpu.memory_space<vmem>>[vector<16xi32>, vector<16xi32>], vector<16xf32>,
              %add3A_253 = arith.constant 48 : i32
              %add3A_254 = vector.broadcast %add3A_253 : i32 to vector<16xi32>
              %add3A_255 = arith.addi %iota3A, %add3A_254 : vector<16xi32>
              tpu.vector_store_idx %arg6[%while3A_185, %add3A_255], %while3A_180 {add = true} : memref<512x128xf32, #tpu.memory_space<vmem>>[vector<16xi32>, vector<16xi32>], vector<16xf32>,
              %add3A_256 = arith.constant 64 : i32
              %add3A_257 = vector.broadcast %add3A_256 : i32 to vector<16xi32>
              %add3A_258 = arith.addi %iota3A, %add3A_257 : vector<16xi32>
              tpu.vector_store_idx %arg6[%while3A_185, %add3A_258], %while3A_181 {add = true} : memref<512x128xf32, #tpu.memory_space<vmem>>[vector<16xi32>, vector<16xi32>], vector<16xf32>,
              %add3A_259 = arith.constant 80 : i32
              %add3A_260 = vector.broadcast %add3A_259 : i32 to vector<16xi32>
              %add3A_261 = arith.addi %iota3A, %add3A_260 : vector<16xi32>
              tpu.vector_store_idx %arg6[%while3A_185, %add3A_261], %while3A_182 {add = true} : memref<512x128xf32, #tpu.memory_space<vmem>>[vector<16xi32>, vector<16xi32>], vector<16xf32>,
              %add3A_262 = arith.constant 96 : i32
              %add3A_263 = vector.broadcast %add3A_262 : i32 to vector<16xi32>
              %add3A_264 = arith.addi %iota3A, %add3A_263 : vector<16xi32>
              tpu.vector_store_idx %arg6[%while3A_185, %add3A_264], %while3A_183 {add = true} : memref<512x128xf32, #tpu.memory_space<vmem>>[vector<16xi32>, vector<16xi32>], vector<16xf32>,
              %add3A_265 = arith.constant 112 : i32
              %add3A_266 = vector.broadcast %add3A_265 : i32 to vector<16xi32>
              %add3A_267 = arith.addi %iota3A, %add3A_266 : vector<16xi32>
              tpu.vector_store_idx %arg6[%while3A_185, %add3A_267], %while3A_184 {add = true} : memref<512x128xf32, #tpu.memory_space<vmem>>[vector<16xi32>, vector<16xi32>], vector<16xf32>,
              scf.yield %broadcast_in_dim3A_23, %broadcast_in_dim3A_25, %broadcast_in_dim3A_27, %broadcast_in_dim3A_29, %broadcast_in_dim3A_31, %broadcast_in_dim3A_33, %broadcast_in_dim3A_35, %broadcast_in_dim3A_37 : vector<16xf32>, vector<16xf32>, vector<16xf32>, vector<16xf32>, vector<16xf32>, vector<16xf32>, vector<16xf32>, vector<16xf32>
            }
            %get3A_204 = arith.index_cast %while3A_176 : i32 to index
            %get3A_205 = arith.constant 0 : index
            %get3A_206 = tpu.vector_load %arg7[%get3A_204, %get3A_205] {strides = array<i32>} : memref<128x128xf32, #tpu.memory_space<vmem>>, vector<16xf32>,
            %mul3A_207 = arith.mulf %get3A_206, %gather3A : vector<16xf32>
            %add3A_208 = arith.addf %cond3A_203#0, %mul3A_207 : vector<16xf32>
            %get3A_209 = arith.index_cast %while3A_176 : i32 to index
            %get3A_210 = arith.constant 16 : index
            %get3A_211 = tpu.vector_load %arg7[%get3A_209, %get3A_210] {strides = array<i32>} : memref<128x128xf32, #tpu.memory_space<vmem>>, vector<16xf32>,
            %mul3A_212 = arith.mulf %get3A_211, %gather3A : vector<16xf32>
            %add3A_213 = arith.addf %cond3A_203#1, %mul3A_212 : vector<16xf32>
            %get3A_214 = arith.index_cast %while3A_176 : i32 to index
            %get3A_215 = arith.constant 32 : index
            %get3A_216 = tpu.vector_load %arg7[%get3A_214, %get3A_215] {strides = array<i32>} : memref<128x128xf32, #tpu.memory_space<vmem>>, vector<16xf32>,
            %mul3A_217 = arith.mulf %get3A_216, %gather3A : vector<16xf32>
            %add3A_218 = arith.addf %cond3A_203#2, %mul3A_217 : vector<16xf32>
            %get3A_219 = arith.index_cast %while3A_176 : i32 to index
            %get3A_220 = arith.constant 48 : index
            %get3A_221 = tpu.vector_load %arg7[%get3A_219, %get3A_220] {strides = array<i32>} : memref<128x128xf32, #tpu.memory_space<vmem>>, vector<16xf32>,
            %mul3A_222 = arith.mulf %get3A_221, %gather3A : vector<16xf32>
            %add3A_223 = arith.addf %cond3A_203#3, %mul3A_222 : vector<16xf32>
            %get3A_224 = arith.index_cast %while3A_176 : i32 to index
            %get3A_225 = arith.constant 64 : index
            %get3A_226 = tpu.vector_load %arg7[%get3A_224, %get3A_225] {strides = array<i32>} : memref<128x128xf32, #tpu.memory_space<vmem>>, vector<16xf32>,
            %mul3A_227 = arith.mulf %get3A_226, %gather3A : vector<16xf32>
            %add3A_228 = arith.addf %cond3A_203#4, %mul3A_227 : vector<16xf32>
            %get3A_229 = arith.index_cast %while3A_176 : i32 to index
            %get3A_230 = arith.constant 80 : index
            %get3A_231 = tpu.vector_load %arg7[%get3A_229, %get3A_230] {strides = array<i32>} : memref<128x128xf32, #tpu.memory_space<vmem>>, vector<16xf32>,
            %mul3A_232 = arith.mulf %get3A_231, %gather3A : vector<16xf32>
            %add3A_233 = arith.addf %cond3A_203#5, %mul3A_232 : vector<16xf32>
            %get3A_234 = arith.index_cast %while3A_176 : i32 to index
            %get3A_235 = arith.constant 96 : index
            %get3A_236 = tpu.vector_load %arg7[%get3A_234, %get3A_235] {strides = array<i32>} : memref<128x128xf32, #tpu.memory_space<vmem>>, vector<16xf32>,
            %mul3A_237 = arith.mulf %get3A_236, %gather3A : vector<16xf32>
            %add3A_238 = arith.addf %cond3A_203#6, %mul3A_237 : vector<16xf32>
            %get3A_239 = arith.index_cast %while3A_176 : i32 to index
            %get3A_240 = arith.constant 112 : index
            %get3A_241 = tpu.vector_load %arg7[%get3A_239, %get3A_240] {strides = array<i32>} : memref<128x128xf32, #tpu.memory_space<vmem>>, vector<16xf32>,
            %mul3A_242 = arith.mulf %get3A_241, %gather3A : vector<16xf32>
            %add3A_243 = arith.addf %cond3A_203#7, %mul3A_242 : vector<16xf32>
            scf.yield %add3A_208, %add3A_213, %add3A_218, %add3A_223, %add3A_228, %add3A_233, %add3A_238, %add3A_243, %gather3A_187 : vector<16xf32>, vector<16xf32>, vector<16xf32>, vector<16xf32>, vector<16xf32>, vector<16xf32>, vector<16xf32>, vector<16xf32>, vector<16xi32>
          }
          %while3A_174 = arith.constant 1 : i32
          %while3A_175:9 = scf.for %while3A_176 = %while3A_171 to %while3A_167 step %while3A_174 iter_args(%while3A_177 = %while3A_173#0, %while3A_178 = %while3A_173#1, %while3A_179 = %while3A_173#2, %while3A_180 = %while3A_173#3, %while3A_181 = %while3A_173#4, %while3A_182 = %while3A_173#5, %while3A_183 = %while3A_173#6, %while3A_184 = %while3A_173#7, %while3A_185 = %while3A_173#8) -> (vector<16xf32>, vector<16xf32>, vector<16xf32>, vector<16xf32>, vector<16xf32>, vector<16xf32>, vector<16xf32>, vector<16xf32>, vector<16xi32>)  : i32 {
            %broadcast_in_dim3A_186 = vector.broadcast %while3A_176 : i32 to vector<16xi32>
            %gather3A = tpu.vector_load_idx %arg9[%broadcast_in_dim3A_104, %broadcast_in_dim3A_186] : memref<25x128xf32, #tpu.memory_space<vmem>>[vector<16xi32>, vector<16xi32>], vector<16xf32>,
            %gather3A_187 = tpu.vector_load_idx %arg10[%broadcast_in_dim3A_104, %broadcast_in_dim3A_186] : memref<25x128xi32, #tpu.memory_space<vmem>>[vector<16xi32>, vector<16xi32>], vector<16xi32>,
            %eq3A_188 = arith.cmpi eq, %gather3A_187, %while3A_185 : vector<16xi32>
            %reduce_and3A_189 = arith.constant 1.000000e+00 : f32
            %reduce_and3A_190 = arith.constant 0.000000e+00 : f32
            %reduce_and3A_191 = vector.broadcast %reduce_and3A_189 : f32 to vector<16xf32>
            %reduce_and3A_192 = vector.broadcast %reduce_and3A_190 : f32 to vector<16xf32>
            %reduce_and3A_193 = arith.select %eq3A_188, %reduce_and3A_191, %reduce_and3A_192 : vector<16xi1>, vector<16xf32>
            %reduce_and3A_194 = arith.constant true
            %reduce_and3A_195 = vector.broadcast %reduce_and3A_194 : i1 to vector<16xi1>
            %reduce_and3A_196 = tpu.scan <min>, %reduce_and3A_193 masked %reduce_and3A_195 : vector<16xf32>, vector<16xi1> -> vector<16xf32>
            %reduce_and3A_197 = vector.extract %reduce_and3A_196[15] : f32 from vector<16xf32>
            %reduce_and3A_198 = arith.constant 0.000000e+00 : f32
            %reduce_and3A_199 = arith.cmpf ogt, %reduce_and3A_197, %reduce_and3A_198 : f32
            %convert_element_type3A_200 = arith.extui %reduce_and3A_199 : i1 to i32
            %cond3A_201 = arith.constant 0 : i32
            %cond3A_202 = arith.cmpi ne, %convert_element_type3A_200, %cond3A_201 : i32
            %cond3A_203:8 = scf.if %cond3A_202 -> (vector<16xf32>, vector<16xf32>, vector<16xf32>, vector<16xf32>, vector<16xf32>, vector<16xf32>, vector<16xf32>, vector<16xf32>) {
              scf.yield %while3A_177, %while3A_178, %while3A_179, %while3A_180, %while3A_181, %while3A_182, %while3A_183, %while3A_184 : vector<16xf32>, vector<16xf32>, vector<16xf32>, vector<16xf32>, vector<16xf32>, vector<16xf32>, vector<16xf32>, vector<16xf32>
            } else {
              %add3A_244 = arith.constant 0 : i32
              %add3A_245 = vector.broadcast %add3A_244 : i32 to vector<16xi32>
              %add3A_246 = arith.addi %iota3A, %add3A_245 : vector<16xi32>
              tpu.vector_store_idx %arg6[%while3A_185, %add3A_246], %while3A_177 {add = true} : memref<512x128xf32, #tpu.memory_space<vmem>>[vector<16xi32>, vector<16xi32>], vector<16xf32>,
              %add3A_247 = arith.constant 16 : i32
              %add3A_248 = vector.broadcast %add3A_247 : i32 to vector<16xi32>
              %add3A_249 = arith.addi %iota3A, %add3A_248 : vector<16xi32>
              tpu.vector_store_idx %arg6[%while3A_185, %add3A_249], %while3A_178 {add = true} : memref<512x128xf32, #tpu.memory_space<vmem>>[vector<16xi32>, vector<16xi32>], vector<16xf32>,
              %add3A_250 = arith.constant 32 : i32
              %add3A_251 = vector.broadcast %add3A_250 : i32 to vector<16xi32>
              %add3A_252 = arith.addi %iota3A, %add3A_251 : vector<16xi32>
              tpu.vector_store_idx %arg6[%while3A_185, %add3A_252], %while3A_179 {add = true} : memref<512x128xf32, #tpu.memory_space<vmem>>[vector<16xi32>, vector<16xi32>], vector<16xf32>,
              %add3A_253 = arith.constant 48 : i32
              %add3A_254 = vector.broadcast %add3A_253 : i32 to vector<16xi32>
              %add3A_255 = arith.addi %iota3A, %add3A_254 : vector<16xi32>
              tpu.vector_store_idx %arg6[%while3A_185, %add3A_255], %while3A_180 {add = true} : memref<512x128xf32, #tpu.memory_space<vmem>>[vector<16xi32>, vector<16xi32>], vector<16xf32>,
              %add3A_256 = arith.constant 64 : i32
              %add3A_257 = vector.broadcast %add3A_256 : i32 to vector<16xi32>
              %add3A_258 = arith.addi %iota3A, %add3A_257 : vector<16xi32>
              tpu.vector_store_idx %arg6[%while3A_185, %add3A_258], %while3A_181 {add = true} : memref<512x128xf32, #tpu.memory_space<vmem>>[vector<16xi32>, vector<16xi32>], vector<16xf32>,
              %add3A_259 = arith.constant 80 : i32
              %add3A_260 = vector.broadcast %add3A_259 : i32 to vector<16xi32>
              %add3A_261 = arith.addi %iota3A, %add3A_260 : vector<16xi32>
              tpu.vector_store_idx %arg6[%while3A_185, %add3A_261], %while3A_182 {add = true} : memref<512x128xf32, #tpu.memory_space<vmem>>[vector<16xi32>, vector<16xi32>], vector<16xf32>,
              %add3A_262 = arith.constant 96 : i32
              %add3A_263 = vector.broadcast %add3A_262 : i32 to vector<16xi32>
              %add3A_264 = arith.addi %iota3A, %add3A_263 : vector<16xi32>
              tpu.vector_store_idx %arg6[%while3A_185, %add3A_264], %while3A_183 {add = true} : memref<512x128xf32, #tpu.memory_space<vmem>>[vector<16xi32>, vector<16xi32>], vector<16xf32>,
              %add3A_265 = arith.constant 112 : i32
              %add3A_266 = vector.broadcast %add3A_265 : i32 to vector<16xi32>
              %add3A_267 = arith.addi %iota3A, %add3A_266 : vector<16xi32>
              tpu.vector_store_idx %arg6[%while3A_185, %add3A_267], %while3A_184 {add = true} : memref<512x128xf32, #tpu.memory_space<vmem>>[vector<16xi32>, vector<16xi32>], vector<16xf32>,
              scf.yield %broadcast_in_dim3A_23, %broadcast_in_dim3A_25, %broadcast_in_dim3A_27, %broadcast_in_dim3A_29, %broadcast_in_dim3A_31, %broadcast_in_dim3A_33, %broadcast_in_dim3A_35, %broadcast_in_dim3A_37 : vector<16xf32>, vector<16xf32>, vector<16xf32>, vector<16xf32>, vector<16xf32>, vector<16xf32>, vector<16xf32>, vector<16xf32>
            }
            %get3A_204 = arith.index_cast %while3A_176 : i32 to index
            %get3A_205 = arith.constant 0 : index
            %get3A_206 = tpu.vector_load %arg7[%get3A_204, %get3A_205] {strides = array<i32>} : memref<128x128xf32, #tpu.memory_space<vmem>>, vector<16xf32>,
            %mul3A_207 = arith.mulf %get3A_206, %gather3A : vector<16xf32>
            %add3A_208 = arith.addf %cond3A_203#0, %mul3A_207 : vector<16xf32>
            %get3A_209 = arith.index_cast %while3A_176 : i32 to index
            %get3A_210 = arith.constant 16 : index
            %get3A_211 = tpu.vector_load %arg7[%get3A_209, %get3A_210] {strides = array<i32>} : memref<128x128xf32, #tpu.memory_space<vmem>>, vector<16xf32>,
            %mul3A_212 = arith.mulf %get3A_211, %gather3A : vector<16xf32>
            %add3A_213 = arith.addf %cond3A_203#1, %mul3A_212 : vector<16xf32>
            %get3A_214 = arith.index_cast %while3A_176 : i32 to index
            %get3A_215 = arith.constant 32 : index
            %get3A_216 = tpu.vector_load %arg7[%get3A_214, %get3A_215] {strides = array<i32>} : memref<128x128xf32, #tpu.memory_space<vmem>>, vector<16xf32>,
            %mul3A_217 = arith.mulf %get3A_216, %gather3A : vector<16xf32>
            %add3A_218 = arith.addf %cond3A_203#2, %mul3A_217 : vector<16xf32>
            %get3A_219 = arith.index_cast %while3A_176 : i32 to index
            %get3A_220 = arith.constant 48 : index
            %get3A_221 = tpu.vector_load %arg7[%get3A_219, %get3A_220] {strides = array<i32>} : memref<128x128xf32, #tpu.memory_space<vmem>>, vector<16xf32>,
            %mul3A_222 = arith.mulf %get3A_221, %gather3A : vector<16xf32>
            %add3A_223 = arith.addf %cond3A_203#3, %mul3A_222 : vector<16xf32>
            %get3A_224 = arith.index_cast %while3A_176 : i32 to index
            %get3A_225 = arith.constant 64 : index
            %get3A_226 = tpu.vector_load %arg7[%get3A_224, %get3A_225] {strides = array<i32>} : memref<128x128xf32, #tpu.memory_space<vmem>>, vector<16xf32>,
            %mul3A_227 = arith.mulf %get3A_226, %gather3A : vector<16xf32>
            %add3A_228 = arith.addf %cond3A_203#4, %mul3A_227 : vector<16xf32>
            %get3A_229 = arith.index_cast %while3A_176 : i32 to index
            %get3A_230 = arith.constant 80 : index
            %get3A_231 = tpu.vector_load %arg7[%get3A_229, %get3A_230] {strides = array<i32>} : memref<128x128xf32, #tpu.memory_space<vmem>>, vector<16xf32>,
            %mul3A_232 = arith.mulf %get3A_231, %gather3A : vector<16xf32>
            %add3A_233 = arith.addf %cond3A_203#5, %mul3A_232 : vector<16xf32>
            %get3A_234 = arith.index_cast %while3A_176 : i32 to index
            %get3A_235 = arith.constant 96 : index
            %get3A_236 = tpu.vector_load %arg7[%get3A_234, %get3A_235] {strides = array<i32>} : memref<128x128xf32, #tpu.memory_space<vmem>>, vector<16xf32>,
            %mul3A_237 = arith.mulf %get3A_236, %gather3A : vector<16xf32>
            %add3A_238 = arith.addf %cond3A_203#6, %mul3A_237 : vector<16xf32>
            %get3A_239 = arith.index_cast %while3A_176 : i32 to index
            %get3A_240 = arith.constant 112 : index
            %get3A_241 = tpu.vector_load %arg7[%get3A_239, %get3A_240] {strides = array<i32>} : memref<128x128xf32, #tpu.memory_space<vmem>>, vector<16xf32>,
            %mul3A_242 = arith.mulf %get3A_241, %gather3A : vector<16xf32>
            %add3A_243 = arith.addf %cond3A_203#7, %mul3A_242 : vector<16xf32>
            scf.yield %add3A_208, %add3A_213, %add3A_218, %add3A_223, %add3A_228, %add3A_233, %add3A_238, %add3A_243, %gather3A_187 : vector<16xf32>, vector<16xf32>, vector<16xf32>, vector<16xf32>, vector<16xf32>, vector<16xf32>, vector<16xf32>, vector<16xf32>, vector<16xi32>
          }
          scf.yield %while3A_175#0, %while3A_175#1, %while3A_175#2, %while3A_175#3, %while3A_175#4, %while3A_175#5, %while3A_175#6, %while3A_175#7, %while3A_175#8 : vector<16xf32>, vector<16xf32>, vector<16xf32>, vector<16xf32>, vector<16xf32>, vector<16xf32>, vector<16xf32>, vector<16xf32>, vector<16xi32>
        }
        scf.yield %cond3A_164#0, %cond3A_164#1, %cond3A_164#2, %cond3A_164#3, %cond3A_164#4, %cond3A_164#5, %cond3A_164#6, %cond3A_164#7, %cond3A_164#8 : vector<16xf32>, vector<16xf32>, vector<16xf32>, vector<16xf32>, vector<16xf32>, vector<16xf32>, vector<16xf32>, vector<16xf32>, vector<16xi32>
      }
      %scan3A_110 = arith.constant 2 : i32
      %add3A_111 = arith.constant 0 : i32
      %add3A_112 = vector.broadcast %add3A_111 : i32 to vector<16xi32>
      %add3A_113 = arith.addi %iota3A, %add3A_112 : vector<16xi32>
      tpu.vector_store_idx %arg6[%scan3A_109#8, %add3A_113], %scan3A_109#0 {add = true} : memref<512x128xf32, #tpu.memory_space<vmem>>[vector<16xi32>, vector<16xi32>], vector<16xf32>,
      %add3A_114 = arith.constant 16 : i32
      %add3A_115 = vector.broadcast %add3A_114 : i32 to vector<16xi32>
      %add3A_116 = arith.addi %iota3A, %add3A_115 : vector<16xi32>
      tpu.vector_store_idx %arg6[%scan3A_109#8, %add3A_116], %scan3A_109#1 {add = true} : memref<512x128xf32, #tpu.memory_space<vmem>>[vector<16xi32>, vector<16xi32>], vector<16xf32>,
      %add3A_117 = arith.constant 32 : i32
      %add3A_118 = vector.broadcast %add3A_117 : i32 to vector<16xi32>
      %add3A_119 = arith.addi %iota3A, %add3A_118 : vector<16xi32>
      tpu.vector_store_idx %arg6[%scan3A_109#8, %add3A_119], %scan3A_109#2 {add = true} : memref<512x128xf32, #tpu.memory_space<vmem>>[vector<16xi32>, vector<16xi32>], vector<16xf32>,
      %add3A_120 = arith.constant 48 : i32
      %add3A_121 = vector.broadcast %add3A_120 : i32 to vector<16xi32>
      %add3A_122 = arith.addi %iota3A, %add3A_121 : vector<16xi32>
      tpu.vector_store_idx %arg6[%scan3A_109#8, %add3A_122], %scan3A_109#3 {add = true} : memref<512x128xf32, #tpu.memory_space<vmem>>[vector<16xi32>, vector<16xi32>], vector<16xf32>,
      %add3A_123 = arith.constant 64 : i32
      %add3A_124 = vector.broadcast %add3A_123 : i32 to vector<16xi32>
      %add3A_125 = arith.addi %iota3A, %add3A_124 : vector<16xi32>
      tpu.vector_store_idx %arg6[%scan3A_109#8, %add3A_125], %scan3A_109#4 {add = true} : memref<512x128xf32, #tpu.memory_space<vmem>>[vector<16xi32>, vector<16xi32>], vector<16xf32>,
      %add3A_126 = arith.constant 80 : i32
      %add3A_127 = vector.broadcast %add3A_126 : i32 to vector<16xi32>
      %add3A_128 = arith.addi %iota3A, %add3A_127 : vector<16xi32>
      tpu.vector_store_idx %arg6[%scan3A_109#8, %add3A_128], %scan3A_109#5 {add = true} : memref<512x128xf32, #tpu.memory_space<vmem>>[vector<16xi32>, vector<16xi32>], vector<16xf32>,
      %add3A_129 = arith.constant 96 : i32
      %add3A_130 = vector.broadcast %add3A_129 : i32 to vector<16xi32>
      %add3A_131 = arith.addi %iota3A, %add3A_130 : vector<16xi32>
      tpu.vector_store_idx %arg6[%scan3A_109#8, %add3A_131], %scan3A_109#6 {add = true} : memref<512x128xf32, #tpu.memory_space<vmem>>[vector<16xi32>, vector<16xi32>], vector<16xf32>,
      %add3A_132 = arith.constant 112 : i32
      %add3A_133 = vector.broadcast %add3A_132 : i32 to vector<16xi32>
      %add3A_134 = arith.addi %iota3A, %add3A_133 : vector<16xi32>
      tpu.vector_store_idx %arg6[%scan3A_109#8, %add3A_134], %scan3A_109#7 {add = true} : memref<512x128xf32, #tpu.memory_space<vmem>>[vector<16xi32>, vector<16xi32>], vector<16xf32>,
    } else {
    }
    "tpu.region"() ({
      %run_scoped3A = tpu.sem_alloc : memref<!tpu.dma_semaphore, #tpu.memory_space<semaphore_mem>>
      %dma_start3A_103 = arith.constant 0 : i32
      %dma_start3A_104 = arith.constant 0 : i32
      %dma_start3A_105 = tpu.memref_slice %arg5[%arg0, %arg1, %dma_start3A_103, %dma_start3A_104] : memref<2x16x512x128xf32, #tpu.memory_space<hbm>> -> memref<1x1x512x128xf32, #tpu.memory_space<hbm>>
      %dma_start3A_106 = tpu.memref_squeeze %dma_start3A_105 : memref<1x1x512x128xf32, #tpu.memory_space<hbm>> -> memref<512x128xf32, #tpu.memory_space<hbm>>
      %dma_start3A_107 = arith.constant 0 : i32
      %dma_start3A_108 = arith.constant 0 : i32
      %dma_start3A_109 = tpu.memref_slice %arg5[%arg0, %arg1, %dma_start3A_107, %dma_start3A_108] : memref<2x16x512x128xf32, #tpu.memory_space<hbm>> -> memref<1x1x512x128xf32, #tpu.memory_space<hbm>>
      %dma_start3A_110 = tpu.memref_squeeze %dma_start3A_109 : memref<1x1x512x128xf32, #tpu.memory_space<hbm>> -> memref<512x128xf32, #tpu.memory_space<hbm>>
      tpu.enqueue_dma source(%arg6 : memref<512x128xf32, #tpu.memory_space<vmem>>) target(%dma_start3A_110 : memref<512x128xf32, #tpu.memory_space<hbm>>) target_semaphore(%run_scoped3A : memref<!tpu.dma_semaphore, #tpu.memory_space<semaphore_mem>>)
      %dma_wait3A_111 = arith.constant 0 : i32
      %dma_wait3A_112 = arith.constant 0 : i32
      %dma_wait3A_113 = tpu.memref_slice %arg5[%arg0, %arg1, %dma_wait3A_111, %dma_wait3A_112] : memref<2x16x512x128xf32, #tpu.memory_space<hbm>> -> memref<1x1x512x128xf32, #tpu.memory_space<hbm>>
      %dma_wait3A_114 = tpu.memref_squeeze %dma_wait3A_113 : memref<1x1x512x128xf32, #tpu.memory_space<hbm>> -> memref<512x128xf32, #tpu.memory_space<hbm>>
      %dma_wait3A_115 = arith.constant 0 : i32
      %dma_wait3A_116 = arith.constant 0 : i32
      %dma_wait3A_117 = tpu.memref_slice %arg5[%arg0, %arg1, %dma_wait3A_115, %dma_wait3A_116] : memref<2x16x512x128xf32, #tpu.memory_space<hbm>> -> memref<1x1x512x128xf32, #tpu.memory_space<hbm>>
      %dma_wait3A_118 = tpu.memref_squeeze %dma_wait3A_117 : memref<1x1x512x128xf32, #tpu.memory_space<hbm>> -> memref<512x128xf32, #tpu.memory_space<hbm>>
      tpu.wait_dma2 semaphore(%run_scoped3A : memref<!tpu.dma_semaphore, #tpu.memory_space<semaphore_mem>>) src(%arg6 : memref<512x128xf32, #tpu.memory_space<vmem>>) dst(%dma_wait3A_118 : memref<512x128xf32, #tpu.memory_space<hbm>>)
      tpu.yield
    }) : () -> ()
    return
  }
}

module attributes {stable_mosaic.version = 14 : i64} {
  func.func @_att_kernel(%arg0: i32, %arg1: memref<4000x256xf32, #tpu.memory_space<vmem>>, %arg2: memref<128x256xf32, #tpu.memory_space<vmem>>, %arg3: memref<1x128xf32, #tpu.memory_space<vmem>>, %arg4: memref<1x128xf32, #tpu.memory_space<vmem>>, %arg5: memref<25x1x4000xf32, #tpu.memory_space<vmem>>, %arg6: memref<1x1xf32, #tpu.memory_space<vmem>>, %arg7: memref<25x1x4000xf32, #tpu.memory_space<vmem>>, %arg8: memref<1xf32, #tpu.memory_space<smem>>) attributes {dimension_semantics = [#tpu.dimension_semantics<arbitrary>], iteration_bounds = array<i64: 25>, scalar_prefetch = 0 : i64, scratch_operands = 2 : i64, tpu.core_type = #tpu.core_type<tc>, window_params = [{transform_indices = @transform_0, window_bounds = array<i64: 4000, 256>}, {pipeline_mode = #tpu.pipeline_mode<synchronous>, transform_indices = @transform_1, window_bounds = array<i64: 128, 256>}, {pipeline_mode = #tpu.pipeline_mode<synchronous>, transform_indices = @transform_2, window_bounds = array<i64: 1, 128>}, {pipeline_mode = #tpu.pipeline_mode<synchronous>, transform_indices = @transform_3, window_bounds = array<i64: 1, 128>}, {pipeline_mode = #tpu.pipeline_mode<synchronous>, transform_indices = @transform_4, window_bounds = array<i64: 25, 1, 4000>}, {pipeline_mode = #tpu.pipeline_mode<synchronous>, transform_indices = @transform_5, window_bounds = array<i64: 1, 1>}]} {
    %get3A = arith.constant 0 : index
    %get3A_0 = arith.constant 0 : index
    %get3A_1 = vector.load %arg1[%get3A, %get3A_0] : memref<4000x256xf32, #tpu.memory_space<vmem>>, vector<4000x256xf32>
    %get3A_2 = arith.constant 0 : index
    %get3A_3 = arith.constant 0 : index
    %get3A_4 = vector.load %arg2[%get3A_2, %get3A_3] : memref<128x256xf32, #tpu.memory_space<vmem>>, vector<128x256xf32>
    %dot_general3A = arith.constant dense<0.000000e+00> : vector<4000x128xf32>
    %dot_general3A_5 = tpu.matmul %get3A_1, %get3A_4, %dot_general3A {dimension_numbers = #tpu.dot_dimension_numbers<[1], [1], [0], [0], [0, 0, 1, 0], [], []>, transpose_lhs_hint = false} : vector<4000x256xf32>, vector<128x256xf32>, vector<4000x128xf32> -> vector<4000x128xf32>
    %get3A_6 = arith.constant 0 : index
    %get3A_7 = arith.constant 0 : index
    %get3A_8 = vector.load %arg3[%get3A_6, %get3A_7] : memref<1x128xf32, #tpu.memory_space<vmem>>, vector<1x128xf32>
    %add3A = vector.broadcast %get3A_8 : vector<1x128xf32> to vector<4000x128xf32>
    %add3A_9 = arith.addf %dot_general3A_5, %add3A : vector<4000x128xf32>
    %tanh3A = math.tanh %add3A_9 : vector<4000x128xf32>
    %get3A_10 = arith.constant 0 : index
    %get3A_11 = arith.constant 0 : index
    %get3A_12 = vector.load %arg4[%get3A_10, %get3A_11] : memref<1x128xf32, #tpu.memory_space<vmem>>, vector<1x128xf32>
    %dot_general3A_13 = arith.constant dense<0.000000e+00> : vector<1x4000xf32>
    %dot_general3A_14 = tpu.matmul %get3A_12, %tanh3A, %dot_general3A_13 {dimension_numbers = #tpu.dot_dimension_numbers<[1], [1], [0], [0], [0, 0, 1, 0], [], []>, transpose_lhs_hint = false} : vector<1x128xf32>, vector<4000x128xf32>, vector<1x4000xf32> -> vector<1x4000xf32>
    %reshape3A = vector.shape_cast %dot_general3A_14 : vector<1x4000xf32> to vector<1x1x4000xf32>
    %squeeze3A = vector.shape_cast %reshape3A : vector<1x1x4000xf32> to vector<1x4000xf32>
    %swap3A = arith.index_cast %arg0 : i32 to index
    %swap3A_15 = arith.constant 0 : index
    %swap3A_16 = arith.constant 0 : index
    %swap3A_17 = vector.load %arg7[%swap3A, %swap3A_15, %swap3A_16] : memref<25x1x4000xf32, #tpu.memory_space<vmem>>, vector<1x1x4000xf32>
    %swap3A_18 = vector.shape_cast %swap3A_17 : vector<1x1x4000xf32> to vector<1x4000xf32>
    %swap3A_19 = vector.shape_cast %squeeze3A : vector<1x4000xf32> to vector<1x1x4000xf32>
    tpu.vector_store %arg7[%swap3A, %swap3A_15, %swap3A_16], %swap3A_19 {strides = array<i32>} : memref<25x1x4000xf32, #tpu.memory_space<vmem>>, vector<1x1x4000xf32>,
    %reduce_max3A = vector.shape_cast %dot_general3A_14 : vector<1x4000xf32> to vector<1x1x4000xf32>
    %reduce_max3A_20 = arith.constant dense<0xFF800000> : vector<1xf32>
    %reduce_max3A_21 = vector.multi_reduction <maximumf>, %reduce_max3A, %reduce_max3A_20 [1, 2] : vector<1x1x4000xf32> to vector<1xf32>
    %reduce_max3A_22 = vector.shape_cast %reduce_max3A_21 : vector<1xf32> to vector<1x1x1xf32>
    %reduce_max3A_23 = vector.extract %reduce_max3A_22[0, 0, 0] : f32 from vector<1x1x1xf32>
    %eq3A = arith.constant 0 : i32
    %eq3A_24 = arith.cmpi eq, %arg0, %eq3A : i32
    %convert_element_type3A = arith.extui %eq3A_24 : i1 to i32
    %cond3A = arith.constant 0 : i32
    %cond3A_25 = arith.cmpi ne, %convert_element_type3A, %cond3A : i32
    scf.if %cond3A_25 {
      %swap3A_35 = arith.constant 0 : index
      %swap3A_36 = memref.load %arg8[%swap3A_35] : memref<1xf32, #tpu.memory_space<smem>>
      memref.store %reduce_max3A_23, %arg8[%swap3A_35] : memref<1xf32, #tpu.memory_space<smem>>
    } else {
    }
    %gt3A = arith.constant 0 : i32
    %gt3A_26 = arith.cmpi sgt, %arg0, %gt3A : i32
    %convert_element_type3A_27 = arith.extui %gt3A_26 : i1 to i32
    %cond3A_28 = arith.constant 0 : i32
    %cond3A_29 = arith.cmpi ne, %convert_element_type3A_27, %cond3A_28 : i32
    scf.if %cond3A_29 {
      %get3A_35 = arith.constant 0 : index
      %get3A_36 = memref.load %arg8[%get3A_35] : memref<1xf32, #tpu.memory_space<smem>>
      %max3A = arith.maximumf %get3A_36, %reduce_max3A_23 : f32
      %swap3A_37 = arith.constant 0 : index
      %swap3A_38 = memref.load %arg8[%swap3A_37] : memref<1xf32, #tpu.memory_space<smem>>
      memref.store %max3A, %arg8[%swap3A_37] : memref<1xf32, #tpu.memory_space<smem>>
    } else {
    }
    %eq3A_30 = arith.constant 24 : i32
    %eq3A_31 = arith.cmpi eq, %arg0, %eq3A_30 : i32
    %convert_element_type3A_32 = arith.extui %eq3A_31 : i1 to i32
    %cond3A_33 = arith.constant 0 : i32
    %cond3A_34 = arith.cmpi ne, %convert_element_type3A_32, %cond3A_33 : i32
    scf.if %cond3A_34 {
      %get3A_35 = arith.constant 0 : index
      %get3A_36 = arith.constant 0 : index
      %get3A_37 = arith.constant 0 : index
      %get3A_38 = vector.load %arg7[%get3A_35, %get3A_36, %get3A_37] : memref<25x1x4000xf32, #tpu.memory_space<vmem>>, vector<25x1x4000xf32>
      %get3A_39 = arith.constant 0 : index
      %get3A_40 = memref.load %arg8[%get3A_39] : memref<1xf32, #tpu.memory_space<smem>>
      %sub3A = vector.broadcast %get3A_40 : f32 to vector<25x1x4000xf32>
      %sub3A_41 = arith.subf %get3A_38, %sub3A : vector<25x1x4000xf32>
      %exp3A = math.exp %sub3A_41 : vector<25x1x4000xf32>
      %swap3A_42 = arith.constant 0 : index
      %swap3A_43 = arith.constant 0 : index
      %swap3A_44 = arith.constant 0 : index
      %swap3A_45 = vector.load %arg5[%swap3A_42, %swap3A_43, %swap3A_44] : memref<25x1x4000xf32, #tpu.memory_space<vmem>>, vector<25x1x4000xf32>
      tpu.vector_store %arg5[%swap3A_42, %swap3A_43, %swap3A_44], %exp3A {strides = array<i32>} : memref<25x1x4000xf32, #tpu.memory_space<vmem>>, vector<25x1x4000xf32>,
      %reduce_sum3A = vector.shape_cast %exp3A : vector<25x1x4000xf32> to vector<1x25x1x4000xf32>
      %reduce_sum3A_46 = arith.constant dense<0.000000e+00> : vector<1xf32>
      %reduce_sum3A_47 = vector.multi_reduction <add>, %reduce_sum3A, %reduce_sum3A_46 [1, 2, 3] : vector<1x25x1x4000xf32> to vector<1xf32>
      %reduce_sum3A_48 = vector.shape_cast %reduce_sum3A_47 : vector<1xf32> to vector<1x1x1x1xf32>
      %reduce_sum3A_49 = vector.extract %reduce_sum3A_48[0, 0, 0, 0] : f32 from vector<1x1x1x1xf32>
      %reshape3A_50 = vector.broadcast %reduce_sum3A_49 : f32 to vector<1x1xf32>
      %swap3A_51 = arith.constant 0 : index
      %swap3A_52 = arith.constant 0 : index
      %swap3A_53 = vector.load %arg6[%swap3A_51, %swap3A_52] : memref<1x1xf32, #tpu.memory_space<vmem>>, vector<1x1xf32>
      tpu.vector_store %arg6[%swap3A_51, %swap3A_52], %reshape3A_50 {strides = array<i32>} : memref<1x1xf32, #tpu.memory_space<vmem>>, vector<1x1xf32>,
    } else {
    }
    return
  }
  func.func @transform_0(%arg0: i32) -> (i32, i32) {
    %c0_i32 = arith.constant 0 : i32
    %c0_i32_0 = arith.constant 0 : i32
    return %arg0, %c0_i32 : i32, i32
  }
  func.func @transform_1(%arg0: i32) -> (i32, i32) {
    %c0_i32 = arith.constant 0 : i32
    %c0_i32_0 = arith.constant 0 : i32
    %c0_i32_1 = arith.constant 0 : i32
    return %c0_i32, %c0_i32_0 : i32, i32
  }
  func.func @transform_2(%arg0: i32) -> (i32, i32) {
    %c0_i32 = arith.constant 0 : i32
    %c0_i32_0 = arith.constant 0 : i32
    %c0_i32_1 = arith.constant 0 : i32
    return %c0_i32, %c0_i32_0 : i32, i32
  }
  func.func @transform_3(%arg0: i32) -> (i32, i32) {
    %c0_i32 = arith.constant 0 : i32
    %c0_i32_0 = arith.constant 0 : i32
    %c0_i32_1 = arith.constant 0 : i32
    return %c0_i32, %c0_i32_0 : i32, i32
  }
  func.func @transform_4(%arg0: i32) -> (i32, i32, i32) {
    %c0_i32 = arith.constant 0 : i32
    %c0_i32_0 = arith.constant 0 : i32
    %c0_i32_1 = arith.constant 0 : i32
    %c0_i32_2 = arith.constant 0 : i32
    return %c0_i32, %c0_i32_0, %c0_i32_1 : i32, i32, i32
  }
  func.func @transform_5(%arg0: i32) -> (i32, i32) {
    %c0_i32 = arith.constant 0 : i32
    %c0_i32_0 = arith.constant 0 : i32
    %c0_i32_1 = arith.constant 0 : i32
    return %c0_i32, %c0_i32_0 : i32, i32
  }
}

module attributes {stable_mosaic.version = 14 : i64} {
  func.func @_tc_segsum(%arg0: i32, %arg1: memref<4000x128xf32, #tpu.memory_space<vmem>>, %arg2: memref<1x1x4000xf32, #tpu.memory_space<vmem>>, %arg3: memref<1x1x4000xi32, #tpu.memory_space<vmem>>, %arg4: memref<512x128xf32, #tpu.memory_space<vmem>>, %arg5: memref<512x128xf32, #tpu.memory_space<vmem>>) attributes {dimension_semantics = [#tpu.dimension_semantics<arbitrary>], iteration_bounds = array<i64: 25>, scalar_prefetch = 0 : i64, scratch_operands = 1 : i64, tpu.core_type = #tpu.core_type<tc>, window_params = [{transform_indices = @transform_0, window_bounds = array<i64: 4000, 128>}, {transform_indices = @transform_1, window_bounds = array<i64: 1, 1, 4000>}, {transform_indices = @transform_2, window_bounds = array<i64: 1, 1, 4000>}, {pipeline_mode = #tpu.pipeline_mode<synchronous>, transform_indices = @transform_3, window_bounds = array<i64: 512, 128>}]} {
    %eq3A = arith.constant 0 : i32
    %eq3A_0 = arith.cmpi eq, %arg0, %eq3A : i32
    %convert_element_type3A = arith.extui %eq3A_0 : i1 to i32
    %cond3A = arith.constant 0 : i32
    %cond3A_1 = arith.cmpi ne, %convert_element_type3A, %cond3A : i32
    scf.if %cond3A_1 {
      %broadcast_in_dim3A_31 = arith.constant 0.000000e+00 : f32
      %broadcast_in_dim3A_32 = vector.broadcast %broadcast_in_dim3A_31 : f32 to vector<512x128xf32>
      %swap3A_33 = arith.constant 0 : index
      %swap3A_34 = arith.constant 0 : index
      %swap3A_35 = vector.load %arg5[%swap3A_33, %swap3A_34] : memref<512x128xf32, #tpu.memory_space<vmem>>, vector<512x128xf32>
      tpu.vector_store %arg5[%swap3A_33, %swap3A_34], %broadcast_in_dim3A_32 {strides = array<i32>} : memref<512x128xf32, #tpu.memory_space<vmem>>, vector<512x128xf32>,
    } else {
    }
    %get3A = arith.constant 0 : index
    %get3A_2 = arith.constant 0 : index
    %get3A_3 = arith.constant 0 : index
    %get3A_4 = vector.load %arg3[%get3A, %get3A_2, %get3A_3] : memref<1x1x4000xi32, #tpu.memory_space<vmem>>, vector<1x1x4000xi32>
    %get3A_5 = vector.shape_cast %get3A_4 : vector<1x1x4000xi32> to vector<4000xi32>
    %get3A_6 = arith.constant 0 : index
    %get3A_7 = arith.constant 0 : index
    %get3A_8 = arith.constant 0 : index
    %get3A_9 = vector.load %arg2[%get3A_6, %get3A_7, %get3A_8] : memref<1x1x4000xf32, #tpu.memory_space<vmem>>, vector<1x1x4000xf32>
    %get3A_10 = vector.shape_cast %get3A_9 : vector<1x1x4000xf32> to vector<4000xf32>
    %iota3A = tpu.iota {dimensions = array<i32: 0>} : vector<512x4000xi32>
    %broadcast_in_dim3A = vector.shape_cast %get3A_5 : vector<4000xi32> to vector<1x4000xi32>
    %eq3A_11 = vector.broadcast %broadcast_in_dim3A : vector<1x4000xi32> to vector<512x4000xi32>
    %eq3A_12 = arith.cmpi eq, %iota3A, %eq3A_11 : vector<512x4000xi32>
    %broadcast_in_dim3A_13 = vector.shape_cast %get3A_10 : vector<4000xf32> to vector<1x4000xf32>
    %jit3A = arith.constant 0.000000e+00 : f32
    %broadcast_in_dim3A_14 = vector.shape_cast %broadcast_in_dim3A_13 : vector<1x4000xf32> to vector<1x4000xf32>
    %broadcast_in_dim3A_15 = vector.broadcast %broadcast_in_dim3A_14 : vector<1x4000xf32> to vector<512x4000xf32>
    %broadcast_in_dim3A_16 = vector.broadcast %jit3A : f32 to vector<512x4000xf32>
    %select_n3A = arith.select %eq3A_12, %broadcast_in_dim3A_15, %broadcast_in_dim3A_16 : vector<512x4000xi1>, vector<512x4000xf32>
    %get3A_17 = arith.constant 0 : index
    %get3A_18 = arith.constant 0 : index
    %get3A_19 = vector.load %arg5[%get3A_17, %get3A_18] : memref<512x128xf32, #tpu.memory_space<vmem>>, vector<512x128xf32>
    %get3A_20 = arith.constant 0 : index
    %get3A_21 = arith.constant 0 : index
    %get3A_22 = vector.load %arg1[%get3A_20, %get3A_21] : memref<4000x128xf32, #tpu.memory_space<vmem>>, vector<4000x128xf32>
    %dot_general3A = arith.constant dense<0.000000e+00> : vector<512x128xf32>
    %dot_general3A_23 = tpu.matmul %select_n3A, %get3A_22, %dot_general3A {dimension_numbers = #tpu.dot_dimension_numbers<[1], [0], [0], [1], [0, 0, 1, 1], [], []>, transpose_lhs_hint = false} : vector<512x4000xf32>, vector<4000x128xf32>, vector<512x128xf32> -> vector<512x128xf32>
    %add3A = arith.addf %get3A_19, %dot_general3A_23 : vector<512x128xf32>
    %swap3A = arith.constant 0 : index
    %swap3A_24 = arith.constant 0 : index
    %swap3A_25 = vector.load %arg5[%swap3A, %swap3A_24] : memref<512x128xf32, #tpu.memory_space<vmem>>, vector<512x128xf32>
    tpu.vector_store %arg5[%swap3A, %swap3A_24], %add3A {strides = array<i32>} : memref<512x128xf32, #tpu.memory_space<vmem>>, vector<512x128xf32>,
    %eq3A_26 = arith.constant 24 : i32
    %eq3A_27 = arith.cmpi eq, %arg0, %eq3A_26 : i32
    %convert_element_type3A_28 = arith.extui %eq3A_27 : i1 to i32
    %cond3A_29 = arith.constant 0 : i32
    %cond3A_30 = arith.cmpi ne, %convert_element_type3A_28, %cond3A_29 : i32
    scf.if %cond3A_30 {
      %get3A_31 = arith.constant 0 : index
      %get3A_32 = arith.constant 0 : index
      %get3A_33 = vector.load %arg5[%get3A_31, %get3A_32] : memref<512x128xf32, #tpu.memory_space<vmem>>, vector<512x128xf32>
      %swap3A_34 = arith.constant 0 : index
      %swap3A_35 = arith.constant 0 : index
      %swap3A_36 = vector.load %arg4[%swap3A_34, %swap3A_35] : memref<512x128xf32, #tpu.memory_space<vmem>>, vector<512x128xf32>
      tpu.vector_store %arg4[%swap3A_34, %swap3A_35], %get3A_33 {strides = array<i32>} : memref<512x128xf32, #tpu.memory_space<vmem>>, vector<512x128xf32>,
    } else {
    }
    return
  }
  func.func @transform_0(%arg0: i32) -> (i32, i32) {
    %c1_i32 = arith.constant 1 : i32
    %c0_i32 = arith.constant 0 : i32
    return %arg0, %c1_i32 : i32, i32
  }
  func.func @transform_1(%arg0: i32) -> (i32, i32, i32) {
    %c0_i32 = arith.constant 0 : i32
    %c0_i32_0 = arith.constant 0 : i32
    %c0_i32_1 = arith.constant 0 : i32
    return %arg0, %c0_i32, %c0_i32_0 : i32, i32, i32
  }
  func.func @transform_2(%arg0: i32) -> (i32, i32, i32) {
    %c0_i32 = arith.constant 0 : i32
    %c0_i32_0 = arith.constant 0 : i32
    %c0_i32_1 = arith.constant 0 : i32
    return %arg0, %c0_i32, %c0_i32_0 : i32, i32, i32
  }
  func.func @transform_3(%arg0: i32) -> (i32, i32) {
    %c0_i32 = arith.constant 0 : i32
    %c0_i32_0 = arith.constant 0 : i32
    %c0_i32_1 = arith.constant 0 : i32
    return %c0_i32, %c0_i32_0 : i32, i32
  }
}

module attributes {stable_mosaic.version = 14 : i64} {
  func.func @_mlp_kernel(%arg0: memref<2x16x512x128xf32, #tpu.memory_space<vmem>>, %arg1: memref<512x128xf32, #tpu.memory_space<vmem>>, %arg2: memref<1x1xf32, #tpu.memory_space<vmem>>, %arg3: memref<128x256xf32, #tpu.memory_space<vmem>>, %arg4: memref<1x128xf32, #tpu.memory_space<vmem>>, %arg5: memref<64x128xf32, #tpu.memory_space<vmem>>, %arg6: memref<1x64xf32, #tpu.memory_space<vmem>>, %arg7: memref<16x64xf32, #tpu.memory_space<vmem>>, %arg8: memref<1x16xf32, #tpu.memory_space<vmem>>, %arg9: memref<512x16xf32, #tpu.memory_space<vmem>>) attributes {dimension_semantics = [], scalar_prefetch = 0 : i64, scratch_operands = 0 : i64, tpu.core_type = #tpu.core_type<tc>} {
    %get3A = arith.constant 0 : index
    %get3A_0 = arith.constant 0 : index
    %get3A_1 = arith.constant 0 : index
    %get3A_2 = arith.constant 0 : index
    %get3A_3 = vector.load %arg0[%get3A, %get3A_0, %get3A_1, %get3A_2] : memref<2x16x512x128xf32, #tpu.memory_space<vmem>>, vector<1x16x512x128xf32>
    %get3A_4 = vector.shape_cast %get3A_3 : vector<1x16x512x128xf32> to vector<16x512x128xf32>
    %get3A_5 = arith.constant 1 : index
    %get3A_6 = arith.constant 0 : index
    %get3A_7 = arith.constant 0 : index
    %get3A_8 = arith.constant 0 : index
    %get3A_9 = vector.load %arg0[%get3A_5, %get3A_6, %get3A_7, %get3A_8] : memref<2x16x512x128xf32, #tpu.memory_space<vmem>>, vector<1x16x512x128xf32>
    %get3A_10 = vector.shape_cast %get3A_9 : vector<1x16x512x128xf32> to vector<16x512x128xf32>
    %add3A = arith.addf %get3A_4, %get3A_10 : vector<16x512x128xf32>
    %reduce_sum3A = arith.constant dense<0.000000e+00> : vector<512x128xf32>
    %reduce_sum3A_11 = vector.multi_reduction <add>, %add3A, %reduce_sum3A [0] : vector<16x512x128xf32> to vector<512x128xf32>
    %get3A_12 = arith.constant 0 : index
    %get3A_13 = arith.constant 0 : index
    %get3A_14 = vector.load %arg1[%get3A_12, %get3A_13] : memref<512x128xf32, #tpu.memory_space<vmem>>, vector<512x128xf32>
    %concatenate3A = tpu.concatenate %reduce_sum3A_11, %get3A_14 in 1 : vector<512x128xf32>, vector<512x128xf32> -> vector<512x256xf32>
    %get3A_15 = arith.constant 0 : index
    %get3A_16 = arith.constant 0 : index
    %get3A_17 = vector.load %arg2[%get3A_15, %get3A_16] : memref<1x1xf32, #tpu.memory_space<vmem>>, vector<1x1xf32>
    %div3A = vector.broadcast %get3A_17 : vector<1x1xf32> to vector<512x256xf32>
    %div3A_18 = arith.divf %concatenate3A, %div3A : vector<512x256xf32>
    %get3A_19 = arith.constant 0 : index
    %get3A_20 = arith.constant 0 : index
    %get3A_21 = vector.load %arg3[%get3A_19, %get3A_20] : memref<128x256xf32, #tpu.memory_space<vmem>>, vector<128x256xf32>
    %dot_general3A = arith.constant dense<0.000000e+00> : vector<512x128xf32>
    %dot_general3A_22 = tpu.matmul %div3A_18, %get3A_21, %dot_general3A {dimension_numbers = #tpu.dot_dimension_numbers<[1], [1], [0], [0], [0, 0, 1, 0], [], []>, transpose_lhs_hint = false} : vector<512x256xf32>, vector<128x256xf32>, vector<512x128xf32> -> vector<512x128xf32>
    %get3A_23 = arith.constant 0 : index
    %get3A_24 = arith.constant 0 : index
    %get3A_25 = vector.load %arg4[%get3A_23, %get3A_24] : memref<1x128xf32, #tpu.memory_space<vmem>>, vector<1x128xf32>
    %add3A_26 = vector.broadcast %get3A_25 : vector<1x128xf32> to vector<512x128xf32>
    %add3A_27 = arith.addf %dot_general3A_22, %add3A_26 : vector<512x128xf32>
    %max3A = arith.constant 0.000000e+00 : f32
    %max3A_28 = vector.broadcast %max3A : f32 to vector<512x128xf32>
    %max3A_29 = arith.maximumf %add3A_27, %max3A_28 : vector<512x128xf32>
    %get3A_30 = arith.constant 0 : index
    %get3A_31 = arith.constant 0 : index
    %get3A_32 = vector.load %arg5[%get3A_30, %get3A_31] : memref<64x128xf32, #tpu.memory_space<vmem>>, vector<64x128xf32>
    %dot_general3A_33 = arith.constant dense<0.000000e+00> : vector<512x64xf32>
    %dot_general3A_34 = tpu.matmul %max3A_29, %get3A_32, %dot_general3A_33 {dimension_numbers = #tpu.dot_dimension_numbers<[1], [1], [0], [0], [0, 0, 1, 0], [], []>, transpose_lhs_hint = false} : vector<512x128xf32>, vector<64x128xf32>, vector<512x64xf32> -> vector<512x64xf32>
    %get3A_35 = arith.constant 0 : index
    %get3A_36 = arith.constant 0 : index
    %get3A_37 = vector.load %arg6[%get3A_35, %get3A_36] : memref<1x64xf32, #tpu.memory_space<vmem>>, vector<1x64xf32>
    %add3A_38 = vector.broadcast %get3A_37 : vector<1x64xf32> to vector<512x64xf32>
    %add3A_39 = arith.addf %dot_general3A_34, %add3A_38 : vector<512x64xf32>
    %max3A_40 = arith.constant 0.000000e+00 : f32
    %max3A_41 = vector.broadcast %max3A_40 : f32 to vector<512x64xf32>
    %max3A_42 = arith.maximumf %add3A_39, %max3A_41 : vector<512x64xf32>
    %get3A_43 = arith.constant 0 : index
    %get3A_44 = arith.constant 0 : index
    %get3A_45 = vector.load %arg7[%get3A_43, %get3A_44] : memref<16x64xf32, #tpu.memory_space<vmem>>, vector<16x64xf32>
    %dot_general3A_46 = arith.constant dense<0.000000e+00> : vector<512x16xf32>
    %dot_general3A_47 = tpu.matmul %max3A_42, %get3A_45, %dot_general3A_46 {dimension_numbers = #tpu.dot_dimension_numbers<[1], [1], [0], [0], [0, 0, 1, 0], [], []>, transpose_lhs_hint = false} : vector<512x64xf32>, vector<16x64xf32>, vector<512x16xf32> -> vector<512x16xf32>
    %get3A_48 = arith.constant 0 : index
    %get3A_49 = arith.constant 0 : index
    %get3A_50 = vector.load %arg8[%get3A_48, %get3A_49] : memref<1x16xf32, #tpu.memory_space<vmem>>, vector<1x16xf32>
    %add3A_51 = vector.broadcast %get3A_50 : vector<1x16xf32> to vector<512x16xf32>
    %add3A_52 = arith.addf %dot_general3A_47, %add3A_51 : vector<512x16xf32>
    %swap3A = arith.constant 0 : index
    %swap3A_53 = arith.constant 0 : index
    %swap3A_54 = vector.load %arg9[%swap3A, %swap3A_53] : memref<512x16xf32, #tpu.memory_space<vmem>>, vector<512x16xf32>
    tpu.vector_store %arg9[%swap3A, %swap3A_53], %add3A_52 {strides = array<i32>} : memref<512x16xf32, #tpu.memory_space<vmem>>, vector<512x16xf32>,
    return
  }
}

</mosaic_0001>

<sc_bundles>
// kernel: kernel.6.cloned.1.call-start
scs
__scs_entry_jumppad:
0x0: {  	(pc) =	sbr.rel $0x88, $3  }
0x1: {  	(tag) =	ssettag $0x0;
	lr =	simm.s32 $0x1  }
0x2: {  	[smem:$0x3F96] =	sst lr;
	_ =	strace $0xD0000000  }
0x3: {  	_ = 	snop  }
0x4: {  	_ = 	snop  }
0x5: {  	_ = 	snop  }
0x6: {  	_ = 	snop  }
0x7: {  	_ = 	snop  }
__scs_overlays_trampoline_lowered:
0x8: {  	[smem:$0x3FA5] =	sst s0  }
0x9: {  	[smem:$0x3FA6] =	sst s1  }
0xa: {  	[smem:$0x3FA7] =	sst s2  }
0xb: {  	[smem:$0x3FA8] =	sst s3  }
0xc: {  	[smem:$0x3FA9] =	sst s4  }
0xd: {  	[smem:$0x3FAA] =	sst s5  }
0xe: {  	[smem:$0x3FAB] =	sst s6  }
0xf: {  	[smem:$0x3FAC] =	sst s7  }
0x10: {  	[smem:$0x3FAD] =	sst s8  }
0x11: {  	[smem:$0x3FAE] =	sst s9;
	s0 =	simm.s32 @!p0 $0x0  }
0x12: {  	s1 =	sld [smem:$0x3F94];
	s0 =	simm.s32 @p0 $0x1  }
0x13: {  	[smem:$0x3FAF] =	sst s0;
	s0 =	simm.s32 @!p1 $0x0  }
0x14: {  	s2 =	sld [smem:$0x3F93];
	s0 =	simm.s32 @p1 $0x1  }
0x15: {  	[smem:$0x3FB0] =	sst s0;
	s0 =	simm.s32 @!p2 $0x0  }
0x16: {  	s3 =	sld [smem:$0x3FDB];
	s0 =	simm.s32 @p2 $0x1  }
0x17: {  	s4 =	simm.s32 $0x1BF5;
	[smem:$0x3FB2] =	sst s0  }
0x18: {  	s0 =	sld [smem:$0x3F95];
	_ =	swait.ge [sflag:s4], $0x0  }
0x19: {  	s7 =	sld [smem:$0x3F96]  }
0x1a: {  	s8 =	sadd.s32 $0xFFFFE003, lr  }
0x1b: {  	s9 =	sadd.s32 $0xFFFFFEF7, lr;
	s5 =	simm.s32 $0xFFFFFFFF;
	p2 =	slt.u32 s8, $0xFFFFF086  }
0x1c: {  	p1 =	slt.u32 s9, $0xF7A;
	s5 =	simm.s32 @!p2 $0x0  }
0x1d: {  	s5 =	simm.s32 @p1 $0x1;
	p0 =	seq.s32 s7, s2  }
0x1e: {  	s7 =	smul.u32 @!p0 $0xF7A, s2;
	p2 =	seq.s32 @!p0 s5, $0x0  }
0x1f: {  	s9 =	smul.u32 $0xF7A, s1;
	s8 =	simm.s32 @!p0 $0x1BF5;
	p2 =	por !p2, p0  }
0x20: {  	[sflag:s8] =	ssyncset.s32 @!p0 $0xFFFFF086;
	s6 =	sadd.s32 @!p0 s3, s7;
	s7 =	simm.s32 @!p0 $0x108  }
0x21: {  	s3 =	sadd.s32 s3, s9;
	s6 =	sadd.s32 @!p0 $0x88, s6;
	s7 =	simm.s32 @p2 $0x1082  }
0x22: {  	[simem:s7], [sflag:s8] =	dma.local @!p0 [hbm:s6], $0xF7A  }
0x23: {  	s9 =	sor.u32 $0xD0000000, s2;
	s6 =	simm.s32 $0x108;
	_ =	swait.ge @!p0 [sflag:s8], $0x0  }
0x24: {  	s3 =	sadd.s32 $0x88, s3;
	s6 =	simm.s32 @!p1 $0x1082;
	[sflag:s4] =	ssyncset.s32 $0xFFFFF086  }
0x25: {  	[simem:s6], [sflag:s4] =	dma.local [hbm:s3], $0xF7A  }
0x26: {  	[smem:$0x3F96] =	sst s1;
	(tag) =	ssettag s2;
	_ =	strace s9  }
0x27: {  	s1 =	sld [smem:$0x3FA6]  }
0x28: {  	s2 =	sld [smem:$0x3FA7]  }
0x29: {  	s4 =	sld [smem:$0x3FA9]  }
0x2a: {  	p0 =	seq.s32 s5, $0x0;
	s5 =	sld [smem:$0x3FAA]  }
0x2b: {  	s6 =	sld [smem:$0x3FAB]  }
0x2c: {  	s7 =	sld [smem:$0x3FAC]  }
0x2d: {  	s3 =	simm.s32 $0x108;
	s8 =	sld [smem:$0x3FAD]  }
0x2e: {  	s3 =	simm.s32 @!p0 $0x1082;
	s9 =	sld [smem:$0x3FAE]  }
0x2f: {  	lr =	sadd.s32 s0, s3;
	s0 =	sld [smem:$0x3FA5]  }
0x30: {  	s3 =	sld [smem:$0x3FA8]  }
0x31: {  	[smem:$0x3FB1] =	sst s10  }
0x32: {  	s10 =	sld [smem:$0x3FAF];
	_ =	sdelay $0x3  }
0x33: {  	p0 =	seq.s32 s10, $0x1;
	s10 =	sld [smem:$0x3FB1];
	_ =	sdelay $0x3  }
0x34: {  	[smem:$0x3FB1] =	sst s10  }
0x35: {  	s10 =	sld [smem:$0x3FB0];
	_ =	sdelay $0x3  }
0x36: {  	p1 =	seq.s32 s10, $0x1;
	s10 =	sld [smem:$0x3FB1];
	_ =	sdelay $0x3  }
0x37: {  	[smem:$0x3FB1] =	sst s10  }
0x38: {  	s10 =	sld [smem:$0x3FB2]  }
0x39: {  	_ = 	snop;
	(pc) =	sbr.ind lr, $3  }
0x3a: {  	_ = 	snop  }
0x3b: {  	_ = 	snop  }
0x3c: {  	p2 =	seq.s32 s10, $0x1;
	s10 =	sld [smem:$0x3FB1]  }
0x3d: {  	_ =	shalt  }
0x3e: {  	_ =	shalt  }
0x3f: {  	_ =	shalt  }
0x40: {  	_ =	shalt  }
0x41: {  	_ =	shalt  }
0x42: {  	_ =	shalt  }
0x43: {  	_ =	shalt  }
0x44: {  	_ =	shalt  }
0x45: {  	_ =	shalt  }
0x46: {  	_ =	shalt  }
0x47: {  	_ =	shalt  }
0x48: {  	_ =	shalt  }
0x49: {  	_ =	shalt  }
0x4a: {  	_ =	shalt  }
0x4b: {  	_ =	shalt  }
0x4c: {  	_ =	shalt  }
0x4d: {  	_ =	shalt  }
0x4e: {  	_ =	shalt  }
0x4f: {  	_ =	shalt  }
0x50: {  	_ =	shalt  }
0x51: {  	_ =	shalt  }
0x52: {  	_ =	shalt  }
0x53: {  	_ =	shalt  }
0x54: {  	_ =	shalt  }
0x55: {  	_ =	shalt  }
0x56: {  	_ =	shalt  }
0x57: {  	_ =	shalt  }
0x58: {  	_ =	shalt  }
0x59: {  	_ =	shalt  }
0x5a: {  	_ =	shalt  }
0x5b: {  	_ =	shalt  }
0x5c: {  	_ =	shalt  }
0x5d: {  	_ =	shalt  }
0x5e: {  	_ =	shalt  }
0x5f: {  	_ =	shalt  }
0x60: {  	_ =	shalt  }
0x61: {  	_ =	shalt  }
0x62: {  	_ =	shalt  }
0x63: {  	_ =	shalt  }
0x64: {  	_ =	shalt  }
0x65: {  	_ =	shalt  }
0x66: {  	_ =	shalt  }
0x67: {  	_ =	shalt  }
0x68: {  	_ =	shalt  }
0x69: {  	_ =	shalt  }
0x6a: {  	_ =	shalt  }
0x6b: {  	_ =	shalt  }
0x6c: {  	_ =	shalt  }
0x6d: {  	_ =	shalt  }
0x6e: {  	_ =	shalt  }
0x6f: {  	_ =	shalt  }
0x70: {  	_ =	shalt  }
0x71: {  	_ =	shalt  }
0x72: {  	_ =	shalt  }
0x73: {  	_ =	shalt  }
0x74: {  	_ =	shalt  }
0x75: {  	_ =	shalt  }
0x76: {  	_ =	shalt  }
0x77: {  	_ =	shalt  }
0x78: {  	_ =	shalt  }
0x79: {  	_ =	shalt  }
0x7a: {  	_ =	shalt  }
0x7b: {  	_ =	shalt  }
0x7c: {  	_ =	shalt  }
0x7d: {  	_ =	shalt  }
0x7e: {  	_ =	shalt  }
0x7f: {  	_ =	shalt  }
0x80: {  	_ =	shalt  }
0x81: {  	_ =	shalt  }
0x82: {  	_ =	shalt  }
0x83: {  	_ =	shalt  }
0x84: {  	_ =	shalt  }
0x85: {  	_ =	shalt  }
0x86: {  	_ =	shalt  }
0x87: {  	_ =	shalt  }
.Lfunc_end0:
.L_simem_size_0:
called_computation_lowered:
.L_overlay_start_0:
0x88: {  	s2 =	sld [smem:$0x3FD9]  }
0x89: {  	s3 =	sld [smem:$0x3FFE];
	_ =	sdelay $0x1  }
0x8a: {  	s1 =	srdreg.scid  }
0x8b: {  	s0 =	sand.u32 $0x1, s1  }
0x8c: {  	s17 =	sshll.u32 s0, $0xA;
	s2 =	sadd.s32 s3, s2  }
0x8d: {  	s2 =	sadd.s32 s2, s17  }
0x8e: {  	[smem:$0x3FBD] =	sst s2  }
0x8f: {  	_ = 	snop  }
0x90: {  	s2 =	sld [smem:$0x3FC9];
	(tm) =	ssettm $0x1  }
0x91: {  	s18 =	sld [smem:$0x3FFB];
	_ =	sdelay $0x3  }
0x92: {  	_ =	strace s18  }
0x93: {  	s3 =	sld [smem:$0x3FFC];
	_ =	sdelay $0x3  }
0x94: {  	_ =	strace s3  }
0x95: {  	s3 =	sld [smem:$0x3FFD];
	_ =	sdelay $0x3  }
0x96: {  	_ =	strace s3  }
0x97: {  	_ =	strace $0x8FFFFFFF  }
0x98: {  	s19 =	sld [smem:$0x3FDB];
	_ =	sdelay $0x1  }
0x99: {  	s4 =	simm.s32 $_scs_section_size  }
0x9a: {  	s5 =	simm.s32 $_size__tile_overlayer_lowered;
	s6 =	simm.s32 $_tile_overlayer_lowered  }
0x9b: {  	s22 =	simm.s32 $0x1BFF;
	s21 =	sshll.u32 s6, $0x1;
	s3 =	sadd.s32 s4, s19  }
0x9c: {  	s7 =	simm.s32 $0x0;
	s20 =	sshll.u32 s5, $0x1;
	s5 =	sadd.s32 s21, s3  }
0x9d: {  	[timem:s7], [sflag:s22] =	dma.local [hbm:s5], s20  }
0x9e: {  	_ =	swait.ge [sflag:s22], s20  }
0x9f: {  	s4 =	ssub.s32 $0x0, s20;
	[sflag:s22] =	ssyncset.done $0x0  }
0xa0: {  	[sflag:s22] =	ssyncadd.s32 s4;
	_ =	sdelay $0x1  }
0xa1: {  	s23 =	simm.s32 $0x1B8B  }
0xa2: {  	_ =	swait.ge [sflag:s23], $0x1  }
0xa3: {  	[sflag:s23] =	ssyncset.done $0x0  }
0xa4: {  	s25 =	simm.s32 $0x1B8E;
	s24 =	sld [smem:$0x3FFE];
	[sflag:s23] =	ssyncadd.s32 $0xFFFFFFFF  }
0xa5: {  	s26 =	simm.s32 $execute0_lowered;
	[smem:$0x3FD2] =	sst s25  }
0xa6: {  	s5 =	sshll.u32 s26, $0x1;
	_ =	strace $0x80000046;
	[dreg:$0x1] =	wrdreg $0xFFFFFFFF  }
0xa7: {  	s28 =	simm.s32 $_size_execute0_lowered;
	s3 =	sadd.s32 s3, s5;
	[dreg:$0x0] =	wrdreg $0x0  }
0xa8: {  	s5 =	sshll.u32 s28, $0x1;
	[dreg:$0x2] =	wrdreg s3  }
0xa9: {  	[dreg:$0x3] =	wrdreg s5  }
0xaa: {  	[dreg:$0x4] =	wrdreg $0xC0  }
0xab: {  	_ =	task [dreg:s7], $0x5FFFF  }
0xac: {  	[dreg:$0x1] =	wrdreg $0xFFFFFFFF  }
0xad: {  	[dreg:$0x0] =	wrdreg $0x60  }
0xae: {  	[dreg:$0x2] =	wrdreg s2  }
0xaf: {  	[dreg:$0x3] =	wrdreg s24  }
0xb0: {  	[dreg:$0x4] =	wrdreg $0x9  }
0xb1: {  	_ =	task.clear_ibuf [dreg:s7], $0x5FFFF;
	_ =	strace $0x90000046  }
0xb2: {  	s29 =	simm.s32 $0x9;
	_ =	strace $0x80000048  }
0xb3: {  	_ =	swait.ge [sflag:s29], $0x1  }
0xb4: {  	[sflag:s29] =	ssyncadd.s32 $0xFFFFFFFF  }
0xb5: {  	_ =	strace $0x90000048  }
0xb6: {  	_ =	sfence  }
0xb7: {  	s30 =	sld [smem:$0x0];
	_ =	sdelay $0x2  }
0xb8: {  	s31 =	sshll.u32 s1, $0xD;
	s1 =	sshrl.u32 s1, $0x2  }
0xb9: {  	s3 =	sand.u32 $0x4000, s31;
	s1 =	sadd.s32 s1, s30  }
0xba: {  	s0 =	sor.u32 s3, s0;
	s1 =	sshll.u32 s1, $0x11  }
0xbb: {  	s0 =	sor.u32 s1, s0  }
0xbc: {  	s0 =	sadd.s32 $0x8F2B, s0  }
0xbd: {  	[sflag:s0] =	ssyncadd.remote.s32 $0x1  }
0xbe: {  	_ =	sfence.sel $0xFFFF  }
0xbf: {  	[dreg:$0x0] =	wrdreg $0xFFFFFFFF;
	(pc) =	sbr.abs _section_cstart, $3  }
0xc0: {  	[dreg:$0x1] =	wrdreg $0xFFFFFFFF  }
0xc1: {  	_ =	task.clear_ibuf [dreg:s7], $0x2FFFF;
	_ =	strace $0x9FFFFFFF  }
0xc2: {  	(tm) =	ssettm $0x7FFFFFFF  }
0xc3: {  	_ =	shalt  }
tec
execute0_lowered:
.L_overlay_start_1:
0x0: {  	(tag) =	ssettag $0x1  }
0x1: {  	s0 =	rddreg [dreg:$0x0]  }
0x2: {  	s1 =	rddreg [dreg:$0x1]  }
0x3: {  	s3 =	srdreg.scid;
	s8 =	stileid.u32;
	s2 =	simm.s32 $0x0  }
0x4: {  	s13 =	simm.s32 $0x1000;
	s14 =	simm.s32 $0x18000;
	s15 =	simm.s32 $0x19000  }
0x5: {  	s16 =	simm.s32 $0x400;
	s17 =	simm.s32 $0x800;
	s20 =	simm.s32 $0x3  }
0x6: {  	s21 =	simm.s32 $0x1;
	s22 =	simm.s32 $0x2;
	s23 =	simm.s32 $0x4  }
0x7: {  	s24 =	simm.s32 $0x0;
	s6 =	sand.u32 $0x1, s3;
	s26 =	sshll.u32 s8, $0x1  }
0x8: {  	[smem:$0x7FF] =	sst s2;
	s28 =	sshll.u32 s8, $0xD;
	s8 =	sadd.s32 $0x40000, s0  }
0x9: {  	s3 =	sor.u32 s6, s26;
	_ =	strace $0x80000047;
	s5 =	ssub.s32 $0x2, s6  }
0xa: {  	s31 =	sshll.u32 s6, $0x11;
	s4 =	sshll.u32 s3, $0x4;
	s29 =	sshrl.u32 s5, $0x1  }
.Ltmp0:
0xb: {  	s30 =	sshll.u32 s3, $0xC;
	p0 =	sne.s32 s3, $0xD;
	(pc) =	sbr.rel .LBB2_1-.Ltmp0, $4  }
0xc: {  	s7 =	sadd.s32 s4, s1;
	s1 =	sadd.s32 s28, s1;
	s9 =	ssub.s32 s5, s29  }
0xd: {  	s5 =	sadd.s32 s0, s30;
	s0 =	sadd.s32 $0x30D000, s0;
	s4 =	sadd.s32 $0x4A00, s7  }
0xe: {  	s6 =	sadd.s32 $0x1800, s7;
	s7 =	sadd.s32 $0x20000, s5;
	s1 =	sadd.s32 s31, s1  }
0xf: {  	v0 =	vimm.f32 $0.0e+00;
	[dreg:$0x3] =	wrdreg s0;
	s11 =	smax.u32 s9, $0x1;
	s10 =	sadd.s32 $0x7C00, s1  }
.LBB2_36:
0x10: {  	v1 =	vshll.u32 v9, $0x7;
	v2 =	vlaneseq.u32  }
0x11: {  	v2 =	vor.u32 v2, v1  }
0x12: {  	v3 =	vld [tilespmem:$0x1FFF0]  }
0x13: {  	v4 =	vld [tilespmem:$0x1FFE0]  }
0x14: {  	v5 =	vld [tilespmem:$0x1FFD0]  }
0x15: {  	v6 =	vld [tilespmem:$0x1FFC0]  }
0x16: {  	[tilespmem:v2+s2+$0x0] =	vst.idx.add.f32.msk $0xffff, v16  }
0x17: {  	v2 =	vld [tilespmem:$0x1FFB0]  }
0x18: {  	v3 =	vor.u32 v3, v1  }
0x19: {  	v4 =	vor.u32 v4, v1  }
0x1a: {  	v5 =	vor.u32 v5, v1  }
0x1b: {  	v6 =	vor.u32 v6, v1  }
0x1c: {  	v2 =	vor.u32 v2, v1  }
0x1d: {  	[tilespmem:v3+s2+$0x0] =	vst.idx.add.f32.msk $0xffff, v17;
	v3 =	vor.u32 v7, v1  }
0x1e: {  	[tilespmem:v4+s2+$0x0] =	vst.idx.add.f32.msk $0xffff, v15;
	v1 =	vor.u32 v8, v1  }
0x1f: {  	[tilespmem:v5+s2+$0x0] =	vst.idx.add.f32.msk $0xffff, v14  }
0x20: {  	[tilespmem:v6+s2+$0x0] =	vst.idx.add.f32.msk $0xffff, v13  }
0x21: {  	[tilespmem:v2+s2+$0x0] =	vst.idx.add.f32.msk $0xffff, v12  }
0x22: {  	[tilespmem:v3+s2+$0x0] =	vst.idx.add.f32.msk $0xffff, v11  }
0x23: {  	[tilespmem:v1+s2+$0x0] =	vst.idx.add.f32.msk $0xffff, v10  }
.LBB2_37:
0x24: {  	s24 =	sadd.s32 $0x1, s24  }
0x25: {  	p1 =	sne.s32 s24, s11  }
.Ltmp1:
0x26: {  	_ = 	snop;
	(pc) =	sbr.rel @!p1 .LBB2_38-.Ltmp1, $4  }
0x27: {  	[hbm4b:s10+s2] =	stream.linear.scatter [tilespmem:s2], [sflag:$0x4], $0x10000, $0x38;
	[tilespmem:$0x1A000] =	vst v63  }
0x28: {  	_ =	swait.ge [sflag:s23], $0x10000  }
0x29: {  	[sflag:s23] =	ssyncset.done $0x0  }
0x2a: {  	[sflag:s23] =	ssyncadd.s32 $0xFFFF0000  }
.LBB2_1:
0x2b: {  	s0 =	simm.s32 $0x80  }
0x2c: {  	[tilespmem:s14], [sflag:$0x3] =	stream.strided.gather [hbm4b:s4+s0], $0xC80, s13, s0, $0x38;
	[tilespmem:$0x1A000] =	vst v63  }
0x2d: {  	_ = 	snop  }
0x2e: {  	[tilespmem:s15], [sflag:$0x3] =	stream.strided.gather [hbm4b:s6+s0], $0xC80, s13, s0, $0x38;
	[tilespmem:$0x1A000] =	vst v63  }
0x2f: {  	s1 =	simm.s32 $0x200;
	s0 =	simm.s32 $0x0  }
.LBB2_2:
0x30: {  	p1 =	sne.s32 s1, $0x3FE00;
	[tilespmem:s0+$0x70] =	vst v0  }
0x31: {  	[tilespmem:s0+$0x0] =	vst v0  }
0x32: {  	[tilespmem:s0+$0x10] =	vst v0  }
.Ltmp2:
0x33: {  	[tilespmem:s0+$0x20] =	vst v0;
	(pc) =	sbr.rel @p1 .LBB2_2-.Ltmp2, $4  }
0x34: {  	[tilespmem:s0+$0x30] =	vst v0  }
0x35: {  	[tilespmem:s0+$0x40] =	vst v0  }
0x36: {  	[tilespmem:s0+$0x50] =	vst v0  }
0x37: {  	[tilespmem:s0+$0x60] =	vst v0;
	s0 =	sshra.s32 s1, $0x2;
	s1 =	sadd.s32 $0x200, s1  }
0x38: {  	[tilespmem:s0+$0x70] =	vst v0  }
0x39: {  	[tilespmem:s0+$0x0] =	vst v0  }
0x3a: {  	[tilespmem:s0+$0x10] =	vst v0  }
0x3b: {  	[tilespmem:s0+$0x20] =	vst v0  }
0x3c: {  	[tilespmem:s0+$0x30] =	vst v0  }
0x3d: {  	[tilespmem:s0+$0x40] =	vst v0  }
0x3e: {  	[tilespmem:s0+$0x50] =	vst v0  }
0x3f: {  	[tilespmem:s0+$0x60] =	vst v0;
	s30 =	simm.s32 $0x10000  }
0x40: {  	[tilespmem:s30], [sflag:$0x1] =	stream.strided.gather [hbm4b:s5+s16], $0x4000, s17, s16, $0x38;
	[tilespmem:$0x1A000] =	vst v63  }
0x41: {  	s31 =	simm.s32 $0x14000  }
0x42: {  	[tilespmem:s31], [sflag:$0x2] =	stream.strided.gather [hbm4b:s7+s16], $0x4000, s17, s16, $0x38;
	[tilespmem:$0x1A000] =	vst v63  }
0x43: {  	_ =	swait.ge [sflag:s20], $0xC80  }
.Ltmp3:
0x44: {  	[sflag:s20] =	ssyncset.done $0x0;
	(pc) =	sbr.rel .LBB2_4-.Ltmp3, $4  }
0x45: {  	[sflag:s20] =	ssyncadd.s32 $0xFFFFF380  }
0x46: {  	v9 =	vimm.f32 $0.0e+00;
	v2 =	vimm.s32 $0x0;
	v10 =	vimm.f32 $0.0e+00;
	_ =	swait.ge [sflag:s20], $0xC80  }
0x47: {  	v11 =	vimm.f32 $0.0e+00;
	v14 =	vimm.f32 $0.0e+00;
	v12 =	vimm.f32 $0.0e+00;
	[sflag:s20] =	ssyncset.done $0x0  }
0x48: {  	s25 =	simm.s32 $0x0;
	v13 =	vimm.f32 $0.0e+00;
	v8 =	vimm.f32 $0.0e+00;
	v7 =	vimm.f32 $0.0e+00;
	[sflag:s20] =	ssyncadd.s32 $0xFFFFF380  }
.LBB2_21:
0x49: {  	p1 =	sgt.u32 s26, $0x2CC  }
0x4a: {  	s0 =	sshll.u32 @!p1 s26, $0xC;
	s1 =	simm.s32 @!p1 $0x400  }
0x4b: {  	s9 =	simm.s32 @!p1 $0x800;
	s12 =	simm.s32 @!p1 $0x14000;
	s0 =	sadd.s32 @!p1 s0, s8  }
0x4c: {  	[tilespmem:s12], [sflag:$0x2] =	stream.strided.gather @!p1 [hbm4b:s0+s1], $0x4000, s9, s1, $0x38;
	[tilespmem:$0x1A000] =	vst v63  }
.LBB2_22:
0x4d: {  	s25 =	sadd.s32 $0x1, s25  }
0x4e: {  	p1 =	sne.s32 s25, $0xD  }
.Ltmp4:
0x4f: {  	_ = 	snop;
	(pc) =	sbr.rel @!p1 .LBB2_23-.Ltmp4, $1  }
0x50: {  	_ =	sdelay $0x3  }
.LBB2_4:
0x51: {  	s0 =	sshll.u32 s25, $0x6  }
0x52: {  	s28 =	sor.u32 s3, s0  }
0x53: {  	p1 =	sgt.u32 s28, $0x30C  }
.Ltmp5:
0x54: {  	_ = 	snop;
	(pc) =	sbr.rel @p1 .LBB2_13-.Ltmp5, $2  }
0x55: {  	_ =	sdelay $0x2  }
0x56: {  	s26 =	sshll.u32 s25, $0x1  }
.Ltmp6:
0x57: {  	(pc) =	sbr.rel .LBB2_6-.Ltmp6, $4  }
0x58: {  	s0 =	sshll.u32 s25, $0x8  }
0x59: {  	_ =	swait.ge [sflag:s21], $0x4000;
	v3 =	vmov s26;
	s0 =	sand.u32 $0x3FFFFF00, s0  }
0x5a: {  	s29 =	simm.s32 $0x0;
	[sflag:s21] =	ssyncset.done $0x0;
	v3 =	vshll.u32 v3, $0x7;
	s0 =	sadd.s32 $0x19000, s0  }
0x5b: {  	s19 =	simm.s32 $0x10040;
	s31 =	simm.s32 $0x0;
	[sflag:s21] =	ssyncadd.s32 $0xFFFFC000;
	v4 =	vbroadcast v3, $0x0;
	v5 =	vmov s0  }
.LBB2_7:
0x5c: {  	s1 =	sshll.u32 s31, $0xB  }
0x5d: {  	s1 =	sand.u32 $0x3FFFF800, s1  }
0x5e: {  	v15 =	vld [tilespmem:s1+$0x10000]  }
0x5f: {  	v25 =	vld [tilespmem:s1+$0x10010]  }
0x60: {  	v26 =	vld [tilespmem:s1+$0x10020]  }
0x61: {  	v27 =	vld [tilespmem:s1+$0x10030]  }
0x62: {  	v29 =	vld [tilespmem:s1+$0x10040]  }
0x63: {  	s9 =	sor.u32 $0x1, s0;
	v32 =	vld [tilespmem:s1+$0x10050]  }
0x64: {  	v6 =	vmov s0;
	s30 =	sshll.u32 s9, $0x7;
	v36 =	vld [tilespmem:s1+$0x10060]  }
0x65: {  	v6 =	vand.u32 $0x70, v6;
	v37 =	vld [tilespmem:s1+$0x10070];
	s1 =	sand.u32 $0x3FFFFF80, s30  }
0x66: {  	v6 =	vor.u32 v3, v6;
	v39 =	vld [tilespmem:s1+$0x10000]  }
0x67: {  	v6 =	vbroadcast v6, $0x0;
	v40 =	vld [tilespmem:s1+$0x10010]  }
0x68: {  	v41 =	vld [tilespmem:s1+$0x10020]  }
0x69: {  	v42 =	vld [tilespmem:s1+$0x10030]  }
0x6a: {  	v43 =	vld [tilespmem:s1+$0x10040]  }
0x6b: {  	v44 =	vld [tilespmem:s1+$0x10050]  }
0x6c: {  	s12 =	sor.u32 $0x2, s0;
	v45 =	vld [tilespmem:s1+$0x10060]  }
0x6d: {  	s18 =	sshll.u32 s12, $0x7;
	v38 =	vld.idx.msk [tilespmem:v6+s14+$0x0], $0xffff;
	v6 =	vmov s9  }
0x6e: {  	v46 =	vld [tilespmem:s1+$0x10070];
	s1 =	sand.u32 $0x3FFFFF80, s18;
	v6 =	vand.u32 $0x71, v6  }
0x6f: {  	v48 =	vld [tilespmem:s1+$0x10000];
	v6 =	vor.u32 v3, v6  }
0x70: {  	v49 =	vld [tilespmem:s1+$0x10010];
	v6 =	vbroadcast v6, $0x0  }
0x71: {  	v50 =	vld [tilespmem:s1+$0x10020]  }
0x72: {  	v51 =	vld [tilespmem:s1+$0x10030]  }
0x73: {  	v52 =	vld [tilespmem:s1+$0x10040]  }
0x74: {  	v53 =	vld [tilespmem:s1+$0x10050]  }
0x75: {  	s30 =	sor.u32 $0x3, s0;
	v54 =	vld [tilespmem:s1+$0x10060]  }
0x76: {  	v47 =	vld.idx.msk [tilespmem:v6+s14+$0x0], $0xffff;
	v6 =	vmov s12;
	s12 =	sshll.u32 s30, $0x7  }
0x77: {  	v55 =	vld [tilespmem:s1+$0x10070];
	v6 =	vand.u32 $0x72, v6;
	s1 =	sand.u32 $0x3FFFFF80, s12  }
0x78: {  	s12 =	sor.u32 $0x5, s0;
	v6 =	vor.u32 v3, v6;
	v57 =	vld [tilespmem:s1+$0x10000]  }
0x79: {  	v58 =	vld [tilespmem:s1+$0x10010];
	v17 =	vmov s12;
	v6 =	vbroadcast v6, $0x0  }
0x7a: {  	v59 =	vld [tilespmem:s1+$0x10020];
	v17 =	vand.u32 $0x75, v17  }
0x7b: {  	v60 =	vld [tilespmem:s1+$0x10030];
	v17 =	vor.u32 v3, v17  }
0x7c: {  	v1 =	vmul.f32 v15, v38;
	v34 =	vld [tilespmem:s1+$0x10040];
	v63 =	vbroadcast v17, $0x0  }
0x7d: {  	v25 =	vmul.f32 v25, v38;
	v26 =	vmul.f32 v26, v38;
	v35 =	vld [tilespmem:s1+$0x10050]  }
0x7e: {  	s18 =	sor.u32 $0x4, s0;
	v27 =	vmul.f32 v27, v38;
	v29 =	vmul.f32 v29, v38;
	v30 =	vld [tilespmem:s1+$0x10060]  }
0x7f: {  	v32 =	vmul.f32 v32, v38;
	v36 =	vmul.f32 v36, v38;
	v56 =	vld.idx.msk [tilespmem:v6+s14+$0x0], $0xffff;
	v6 =	vmov s30;
	s30 =	sshll.u32 s18, $0x7  }
0x80: {  	v13 =	vadd.f32 v26, v13;
	v26 =	vadd.f32 v27, v12;
	v33 =	vld [tilespmem:s1+$0x10070];
	v6 =	vand.u32 $0x73, v6;
	s1 =	sand.u32 $0x3FFFFF80, s30;
	s30 =	sor.u32 $0x6, s0  }
0x81: {  	v27 =	vadd.f32 v29, v14;
	v6 =	vor.u32 v3, v6;
	v62 =	vld [tilespmem:s1+$0x10000];
	v14 =	vmov s30  }
0x82: {  	v32 =	vadd.f32 v32, v11;
	v11 =	vld.idx.msk [tilespmem:v63+s14+$0x0], $0xffff;
	v6 =	vbroadcast v6, $0x0;
	v63 =	vand.u32 $0x76, v14  }
0x83: {  	v37 =	vmul.f32 v37, v38;
	v38 =	vmul.f32 v39, v47;
	v31 =	vld [tilespmem:s1+$0x10010];
	v63 =	vor.u32 v3, v63  }
0x84: {  	v39 =	vmul.f32 v40, v47;
	v28 =	vld [tilespmem:s1+$0x10020];
	v40 =	vbroadcast v63, $0x0  }
0x85: {  	v1 =	vadd.f32 v1, v7;
	v23 =	vld [tilespmem:s1+$0x10030]  }
0x86: {  	v24 =	vld [tilespmem:s1+$0x10040]  }
0x87: {  	v1 =	vadd.f32 v38, v1;
	v21 =	vld [tilespmem:s1+$0x10050]  }
0x88: {  	v38 =	vmul.f32 v42, v47;
	v42 =	vmul.f32 v44, v47;
	v61 =	vld.idx.msk [tilespmem:v6+s14+$0x0], $0xffff;
	v6 =	vmov s18  }
0x89: {  	v22 =	vld [tilespmem:s1+$0x10060];
	v6 =	vand.u32 $0x74, v6  }
0x8a: {  	v42 =	vadd.f32 v42, v32;
	s18 =	sshll.u32 s12, $0x7;
	v6 =	vor.u32 v3, v6;
	v32 =	vld.idx.msk [tilespmem:v40+s14+$0x0], $0xffff  }
0x8b: {  	v16 =	vbroadcast v6, $0x0;
	v6 =	vld [tilespmem:s1+$0x10070];
	s1 =	sand.u32 $0x3FFFFF80, s18  }
0x8c: {  	v19 =	vld [tilespmem:s1+$0x10000]  }
0x8d: {  	v18 =	vld [tilespmem:s1+$0x10010]  }
0x8e: {  	v20 =	vld [tilespmem:s1+$0x10020]  }
0x8f: {  	v17 =	vld [tilespmem:s1+$0x10030]  }
0x90: {  	v15 =	vld [tilespmem:s1+$0x10040]  }
0x91: {  	v7 =	vld [tilespmem:s1+$0x10050]  }
0x92: {  	v25 =	vadd.f32 v25, v8;
	s12 =	sshll.u32 s30, $0x7;
	v8 =	vld [tilespmem:s1+$0x10060]  }
0x93: {  	v12 =	vld [tilespmem:s1+$0x10070];
	s1 =	sand.u32 $0x3FFFFF80, s12  }
0x94: {  	v14 =	vld [tilespmem:s1+$0x10000]  }
0x95: {  	v29 =	vld [tilespmem:s1+$0x10010]  }
0x96: {  	v36 =	vadd.f32 v36, v10;
	v41 =	vmul.f32 v41, v47;
	v10 =	vld [tilespmem:s1+$0x10020]  }
0x97: {  	v37 =	vadd.f32 v37, v9;
	v9 =	vld [tilespmem:s1+$0x10030]  }
0x98: {  	v41 =	vadd.f32 v41, v13;
	v63 =	vmul.f32 v43, v47;
	v13 =	vld [tilespmem:s1+$0x10040]  }
0x99: {  	v38 =	vadd.f32 v38, v26;
	s18 =	sor.u32 $0x7, s0;
	v26 =	vld [tilespmem:s1+$0x10050]  }
0x9a: {  	v43 =	vmul.f32 v45, v47;
	v44 =	vadd.f32 v63, v27;
	s30 =	sshll.u32 s18, $0x7;
	v27 =	vld [tilespmem:s1+$0x10060]  }
0x9b: {  	v39 =	vadd.f32 v39, v25;
	v45 =	vmul.f32 v46, v47;
	v53 =	vmul.f32 v53, v56;
	v25 =	vld [tilespmem:s1+$0x10070];
	s1 =	sand.u32 $0x3FFFFF80, s30  }
0x9c: {  	v52 =	vmul.f32 v52, v56;
	v63 =	vmul.f32 v48, v56;
	v43 =	vadd.f32 v43, v36;
	v36 =	vld [tilespmem:s1+$0x10000]  }
0x9d: {  	v45 =	vadd.f32 v45, v37;
	v37 =	vmul.f32 v49, v56;
	v42 =	vadd.f32 v53, v42;
	v49 =	vld [tilespmem:s1+$0x10010]  }
0x9e: {  	v1 =	vadd.f32 v63, v1;
	v63 =	vmul.f32 v51, v56;
	v40 =	vmul.f32 v50, v56;
	v50 =	vld [tilespmem:s1+$0x10020]  }
0x9f: {  	v54 =	vmul.f32 v54, v56;
	v39 =	vadd.f32 v37, v39;
	v44 =	vadd.f32 v52, v44;
	v47 =	vld [tilespmem:s1+$0x10030]  }
0xa0: {  	v38 =	vadd.f32 v63, v38;
	v56 =	vmul.f32 v55, v56;
	v48 =	vmov s18;
	v51 =	vld [tilespmem:s1+$0x10040]  }
0xa1: {  	v40 =	vadd.f32 v40, v41;
	v41 =	vadd.f32 v54, v43;
	v63 =	vmul.f32 v57, v61;
	v37 =	vld [tilespmem:s1+$0x10050]  }
0xa2: {  	s12 =	sor.u32 $0x8, s0;
	v46 =	vand.u32 $0x77, v48;
	v57 =	vmul.f32 v58, v61;
	v58 =	vmul.f32 v59, v61;
	v54 =	vld [tilespmem:s1+$0x10060]  }
0xa3: {  	v59 =	vmul.f32 v60, v61;
	s18 =	sshll.u32 s12, $0x7;
	v34 =	vmul.f32 v34, v61;
	v46 =	vor.u32 v3, v46;
	v43 =	vld [tilespmem:s1+$0x10070]  }
0xa4: {  	v60 =	vmov s12;
	v35 =	vmul.f32 v35, v61;
	s1 =	sand.u32 $0x3FFFFF80, s18;
	v46 =	vbroadcast v46, $0x0;
	v16 =	vld.idx.msk [tilespmem:v16+s14+$0x0], $0xffff  }
0xa5: {  	v30 =	vmul.f32 v30, v61;
	s30 =	sor.u32 $0x9, s0;
	v48 =	vand.u32 $0x78, v60;
	v39 =	vadd.f32 v57, v39;
	v52 =	vld [tilespmem:s1+$0x10000]  }
0xa6: {  	v40 =	vadd.f32 v58, v40;
	v38 =	vadd.f32 v59, v38;
	v53 =	vld [tilespmem:s1+$0x10010];
	v57 =	vmov s30  }
0xa7: {  	v48 =	vor.u32 v3, v48;
	v55 =	vld [tilespmem:s1+$0x10020];
	v30 =	vadd.f32 v30, v41;
	v59 =	vand.u32 $0x79, v57  }
0xa8: {  	v41 =	vld [tilespmem:s1+$0x10030];
	v48 =	vbroadcast v48, $0x0;
	v58 =	vmul.f32 v19, v11;
	v19 =	vor.u32 v3, v59  }
0xa9: {  	v35 =	vadd.f32 v35, v42;
	v42 =	vld [tilespmem:s1+$0x10040];
	v19 =	vbroadcast v19, $0x0;
	v31 =	vmul.f32 v31, v16  }
0xaa: {  	v46 =	vld.idx.msk [tilespmem:v46+s14+$0x0], $0xffff;
	v28 =	vmul.f32 v28, v16  }
0xab: {  	v34 =	vadd.f32 v34, v44;
	v24 =	vmul.f32 v24, v16;
	v31 =	vadd.f32 v31, v39;
	v39 =	vld [tilespmem:s1+$0x10050]  }
0xac: {  	v45 =	vadd.f32 v56, v45;
	v22 =	vmul.f32 v22, v16;
	v28 =	vadd.f32 v28, v40;
	v40 =	vld [tilespmem:s1+$0x10060]  }
0xad: {  	v33 =	vmul.f32 v33, v61;
	v1 =	vadd.f32 v63, v1;
	v24 =	vadd.f32 v24, v34;
	v34 =	vld [tilespmem:s1+$0x10070]  }
0xae: {  	s12 =	sshll.u32 s30, $0x7;
	v63 =	vmul.f32 v62, v16;
	v21 =	vmul.f32 v21, v16;
	v22 =	vadd.f32 v22, v30;
	v30 =	vld.idx.msk [tilespmem:v48+s14+$0x0], $0xffff  }
0xaf: {  	v23 =	vmul.f32 v23, v16;
	v6 =	vmul.f32 v6, v16;
	s1 =	sand.u32 $0x3FFFFF80, s12;
	v16 =	vld.idx.msk [tilespmem:v19+s14+$0x0], $0xffff  }
0xb0: {  	v33 =	vadd.f32 v33, v45;
	v18 =	vmul.f32 v18, v11;
	v21 =	vadd.f32 v21, v35;
	v35 =	vld [tilespmem:s1+$0x10000]  }
0xb1: {  	v20 =	vmul.f32 v20, v11;
	v17 =	vmul.f32 v17, v11;
	v23 =	vadd.f32 v23, v38;
	v38 =	vld [tilespmem:s1+$0x10010]  }
0xb2: {  	v15 =	vmul.f32 v15, v11;
	v7 =	vmul.f32 v7, v11;
	v6 =	vadd.f32 v6, v33;
	v33 =	vld [tilespmem:s1+$0x10020]  }
0xb3: {  	v8 =	vmul.f32 v8, v11;
	v11 =	vmul.f32 v12, v11;
	v12 =	vld [tilespmem:s1+$0x10050]  }
0xb4: {  	v14 =	vmul.f32 v14, v32;
	v61 =	vmul.f32 v29, v32;
	v60 =	vadd.f32 v18, v31;
	v18 =	vld [tilespmem:s1+$0x10030]  }
0xb5: {  	s18 =	sor.u32 $0xA, s0;
	v10 =	vmul.f32 v10, v32;
	v9 =	vmul.f32 v9, v32;
	v17 =	vadd.f32 v17, v23;
	v23 =	vld [tilespmem:s1+$0x10040]  }
0xb6: {  	s30 =	sshll.u32 s18, $0x7;
	v13 =	vmul.f32 v13, v32;
	v62 =	vmov s18;
	v15 =	vadd.f32 v15, v24;
	v24 =	vld [tilespmem:s1+$0x10060]  }
0xb7: {  	v1 =	vadd.f32 v63, v1;
	v19 =	vand.u32 $0x7A, v62;
	v6 =	vadd.f32 v11, v6;
	v11 =	vld [tilespmem:s1+$0x10070];
	s1 =	sand.u32 $0x3FFFFF80, s30  }
0xb8: {  	v63 =	vmul.f32 v26, v32;
	s12 =	sor.u32 $0xB, s0;
	v19 =	vor.u32 v3, v19;
	v7 =	vadd.f32 v7, v21;
	v21 =	vld [tilespmem:s1+$0x10000]  }
0xb9: {  	v48 =	vmov s12;
	v1 =	vadd.f32 v58, v1;
	v20 =	vadd.f32 v20, v28;
	v26 =	vld [tilespmem:s1+$0x10010]  }
0xba: {  	v8 =	vadd.f32 v8, v22;
	v31 =	vmul.f32 v27, v32;
	v19 =	vbroadcast v19, $0x0;
	v27 =	vld [tilespmem:s1+$0x10020]  }
0xbb: {  	v36 =	vmul.f32 v36, v46;
	v22 =	vld [tilespmem:s1+$0x10040];
	v13 =	vadd.f32 v13, v15;
	v15 =	vmul.f32 v25, v32  }
0xbc: {  	v44 =	vmul.f32 v50, v46;
	v28 =	vld [tilespmem:s1+$0x10050];
	v1 =	vadd.f32 v14, v1;
	v14 =	vadd.f32 v61, v60  }
0xbd: {  	v9 =	vadd.f32 v9, v17;
	v17 =	vld [tilespmem:s1+$0x10030];
	v6 =	vadd.f32 v15, v6;
	v15 =	vmul.f32 v49, v46  }
0xbe: {  	v45 =	vmul.f32 v47, v46;
	v47 =	vmul.f32 v51, v46;
	v8 =	vadd.f32 v31, v8;
	v31 =	vld [tilespmem:s1+$0x10060]  }
0xbf: {  	s18 =	sshll.u32 s12, $0x7;
	v50 =	vmul.f32 v54, v46;
	v51 =	vmul.f32 v43, v46;
	s30 =	sor.u32 $0xC, s0;
	v14 =	vadd.f32 v15, v14;
	v15 =	vld [tilespmem:s1+$0x10070]  }
0xc0: {  	v62 =	vmov s30;
	v10 =	vadd.f32 v10, v20;
	v7 =	vadd.f32 v63, v7;
	v19 =	vld.idx.msk [tilespmem:v19+s14+$0x0], $0xffff;
	s1 =	sand.u32 $0x3FFFFF80, s18  }
0xc1: {  	v20 =	vand.u32 $0x7B, v48;
	v25 =	vand.u32 $0x7C, v62;
	v54 =	vmul.f32 v52, v30;
	v32 =	vld [tilespmem:s1+$0x10000]  }
0xc2: {  	v20 =	vor.u32 v3, v20;
	v56 =	vmul.f32 v53, v30;
	v57 =	vmul.f32 v55, v30;
	v43 =	vld [tilespmem:s1+$0x10010]  }
0xc3: {  	v58 =	vmul.f32 v41, v30;
	v59 =	vmul.f32 v42, v30;
	v10 =	vadd.f32 v44, v10;
	v44 =	vld [tilespmem:s1+$0x10020]  }
0xc4: {  	v39 =	vmul.f32 v39, v30;
	v60 =	vmul.f32 v40, v30;
	v1 =	vadd.f32 v36, v1;
	v36 =	vld [tilespmem:s1+$0x10030]  }
0xc5: {  	v30 =	vmul.f32 v34, v30;
	v25 =	vor.u32 v3, v25;
	v49 =	vmul.f32 v37, v46;
	v37 =	vld [tilespmem:s1+$0x10040]  }
0xc6: {  	v9 =	vadd.f32 v45, v9;
	v13 =	vadd.f32 v47, v13;
	v20 =	vbroadcast v20, $0x0;
	v41 =	vld [tilespmem:s1+$0x10050]  }
0xc7: {  	s12 =	sshll.u32 s30, $0x7;
	v61 =	vmul.f32 v35, v16;
	v63 =	vmul.f32 v38, v16;
	v6 =	vadd.f32 v51, v6;
	v34 =	vld [tilespmem:s1+$0x10060]  }
0xc8: {  	v8 =	vadd.f32 v50, v8;
	v33 =	vmul.f32 v33, v16;
	v25 =	vbroadcast v25, $0x0;
	v35 =	vld [tilespmem:s1+$0x10070];
	s1 =	sand.u32 $0x3FFFFF80, s12  }
0xc9: {  	v12 =	vmul.f32 v12, v16;
	v7 =	vadd.f32 v49, v7;
	v6 =	vadd.f32 v30, v6;
	v30 =	vld [tilespmem:s1+$0x10000]  }
0xca: {  	v18 =	vmul.f32 v18, v16;
	v1 =	vadd.f32 v54, v1;
	v9 =	vadd.f32 v58, v9;
	v38 =	vld [tilespmem:s1+$0x10010]  }
0xcb: {  	v23 =	vmul.f32 v23, v16;
	v10 =	vadd.f32 v57, v10;
	v13 =	vadd.f32 v59, v13;
	v40 =	vld [tilespmem:s1+$0x10020]  }
0xcc: {  	v42 =	vmul.f32 v24, v16;
	v8 =	vadd.f32 v60, v8;
	v9 =	vadd.f32 v18, v9;
	v18 =	vld [tilespmem:s1+$0x10030]  }
0xcd: {  	v11 =	vmul.f32 v11, v16;
	s18 =	sor.u32 $0xD, s0;
	v14 =	vadd.f32 v56, v14;
	v7 =	vadd.f32 v39, v7;
	v16 =	vld [tilespmem:s1+$0x10040]  }
0xce: {  	v49 =	vmov s18;
	s12 =	sor.u32 $0xE, s0;
	v1 =	vadd.f32 v61, v1;
	v10 =	vadd.f32 v33, v10;
	v46 =	vld [tilespmem:s1+$0x10050]  }
0xcf: {  	v47 =	vld [tilespmem:s1+$0x10060];
	v51 =	vmov s12;
	v14 =	vadd.f32 v63, v14;
	v7 =	vadd.f32 v12, v7  }
0xd0: {  	v20 =	vld.idx.msk [tilespmem:v20+s14+$0x0], $0xffff;
	v6 =	vadd.f32 v11, v6;
	v12 =	vmul.f32 v21, v19;
	v45 =	vmul.f32 v26, v19  }
0xd1: {  	s30 =	sshll.u32 s18, $0x7;
	v48 =	vld.idx.msk [tilespmem:v25+s14+$0x0], $0xffff;
	v11 =	vmul.f32 v27, v19;
	v22 =	vmul.f32 v22, v19;
	v21 =	vand.u32 $0x7D, v49  }
0xd2: {  	v52 =	vmul.f32 v28, v19;
	v1 =	vadd.f32 v12, v1;
	v12 =	vadd.f32 v45, v14;
	v14 =	vld [tilespmem:s1+$0x10070];
	s1 =	sand.u32 $0x3FFFFF80, s30  }
0xd3: {  	v26 =	vand.u32 $0x7E, v51;
	v31 =	vmul.f32 v31, v19;
	v21 =	vor.u32 v3, v21;
	v50 =	vld [tilespmem:s1+$0x10000]  }
0xd4: {  	v26 =	vor.u32 v3, v26;
	v10 =	vadd.f32 v11, v10;
	v11 =	vmul.f32 v17, v19;
	v53 =	vld [tilespmem:s1+$0x10010]  }
0xd5: {  	v8 =	vadd.f32 v42, v8;
	v21 =	vbroadcast v21, $0x0;
	v55 =	vbroadcast v26, $0x0;
	v54 =	vld [tilespmem:s1+$0x10020]  }
0xd6: {  	v57 =	vld [tilespmem:s1+$0x10040];
	v9 =	vadd.f32 v11, v9;
	v11 =	vmul.f32 v15, v19;
	v56 =	vmul.f32 v32, v20  }
0xd7: {  	v13 =	vadd.f32 v23, v13;
	v58 =	vld [tilespmem:s1+$0x10050];
	v59 =	vmul.f32 v44, v20;
	v60 =	vmul.f32 v36, v20  }
0xd8: {  	v8 =	vadd.f32 v31, v8;
	v61 =	vld [tilespmem:s1+$0x10060];
	v63 =	vmul.f32 v41, v20;
	v31 =	vmul.f32 v34, v20  }
0xd9: {  	s18 =	sshll.u32 s12, $0x7;
	v13 =	vadd.f32 v22, v13;
	v62 =	vld [tilespmem:s1+$0x10070];
	v30 =	vmul.f32 v30, v48;
	v38 =	vmul.f32 v38, v48  }
0xda: {  	v7 =	vadd.f32 v52, v7;
	s30 =	sor.u32 $0xF, s0;
	v15 =	vld [tilespmem:s1+$0x10030];
	s1 =	sand.u32 $0x3FFFFF80, s18;
	v40 =	vmul.f32 v40, v48;
	v18 =	vmul.f32 v18, v48  }
0xdb: {  	v34 =	vmov s30;
	v16 =	vmul.f32 v16, v48;
	v45 =	vmul.f32 v47, v48;
	v39 =	vld [tilespmem:s1+$0x10010]  }
0xdc: {  	v19 =	vand.u32 $0x7F, v34;
	v41 =	vld [tilespmem:s1+$0x10020];
	v6 =	vadd.f32 v11, v6;
	v1 =	vadd.f32 v56, v1  }
0xdd: {  	v42 =	vld [tilespmem:s1+$0x10030];
	v11 =	vmul.f32 v43, v20;
	v10 =	vadd.f32 v59, v10;
	v9 =	vadd.f32 v60, v9  }
0xde: {  	v7 =	vadd.f32 v63, v7;
	v8 =	vadd.f32 v31, v8;
	v19 =	vor.u32 v3, v19;
	v21 =	vld.idx.msk [tilespmem:v21+s14+$0x0], $0xffff  }
0xdf: {  	s0 =	sshll.u32 s30, $0x7;
	v44 =	vld [tilespmem:s1+$0x10040];
	v43 =	vmul.f32 v46, v48;
	v11 =	vadd.f32 v11, v12;
	v12 =	vmul.f32 v37, v20  }
0xe0: {  	s0 =	sand.u32 $0x3FFFFF80, s0;
	v49 =	vld [tilespmem:s1+$0x10070];
	v20 =	vmul.f32 v35, v20;
	v1 =	vadd.f32 v30, v1;
	v10 =	vadd.f32 v40, v10  }
0xe1: {  	v52 =	vld [tilespmem:s0+$0x10000];
	v19 =	vbroadcast v19, $0x0;
	v9 =	vadd.f32 v18, v9;
	v7 =	vadd.f32 v43, v7  }
0xe2: {  	v46 =	vld [tilespmem:s1+$0x10050];
	v14 =	vmul.f32 v14, v48;
	v8 =	vadd.f32 v45, v8;
	v6 =	vadd.f32 v20, v6  }
0xe3: {  	v37 =	vld [tilespmem:s1+$0x10000];
	v12 =	vadd.f32 v12, v13;
	v11 =	vadd.f32 v38, v11;
	v47 =	vmul.f32 v50, v21  }
0xe4: {  	v13 =	vld.idx.msk [tilespmem:v55+s14+$0x0], $0xffff;
	v6 =	vadd.f32 v14, v6;
	v14 =	vmul.f32 v53, v21;
	v50 =	vmul.f32 v54, v21  }
0xe5: {  	v56 =	vld [tilespmem:s0+$0x10030];
	v12 =	vadd.f32 v16, v12;
	v15 =	vmul.f32 v15, v21;
	v51 =	vmul.f32 v58, v21  }
0xe6: {  	v59 =	vld [tilespmem:s0+$0x10050];
	v1 =	vadd.f32 v47, v1;
	v11 =	vadd.f32 v14, v11;
	v14 =	vmul.f32 v57, v21  }
0xe7: {  	v48 =	vld [tilespmem:s1+$0x10060];
	v10 =	vadd.f32 v50, v10;
	v9 =	vadd.f32 v15, v9;
	v15 =	vmul.f32 v61, v21  }
0xe8: {  	v19 =	vld.idx.msk [tilespmem:v19+s14+$0x0], $0xffff;
	v7 =	vadd.f32 v51, v7;
	v12 =	vadd.f32 v14, v12;
	v14 =	vmul.f32 v62, v21  }
0xe9: {  	v53 =	vld [tilespmem:s0+$0x10010];
	v55 =	vmul.f32 v39, v13;
	v8 =	vadd.f32 v15, v8;
	v15 =	vmul.f32 v37, v13  }
0xea: {  	v54 =	vld [tilespmem:s0+$0x10020];
	v57 =	vmul.f32 v42, v13;
	v6 =	vadd.f32 v14, v6;
	v14 =	vmul.f32 v41, v13  }
0xeb: {  	v60 =	vld [tilespmem:s0+$0x10060];
	v11 =	vadd.f32 v55, v11;
	v1 =	vadd.f32 v15, v1;
	v15 =	vmul.f32 v44, v13  }
0xec: {  	v58 =	vld [tilespmem:s0+$0x10040];
	v9 =	vadd.f32 v57, v9;
	v10 =	vadd.f32 v14, v10;
	v14 =	vmul.f32 v46, v13  }
0xed: {  	v61 =	vld [tilespmem:s0+$0x10070];
	v15 =	vadd.f32 v15, v12;
	v12 =	vmul.f32 v48, v13;
	v13 =	vmul.f32 v49, v13  }
0xee: {  	v62 =	vadd.f32 v14, v7;
	v7 =	vmul.f32 v52, v19;
	v14 =	vmul.f32 v53, v19  }
0xef: {  	v63 =	vadd.f32 v12, v8;
	v6 =	vadd.f32 v13, v6;
	v12 =	vmul.f32 v54, v19  }
0xf0: {  	v7 =	vadd.f32 v7, v1;
	v8 =	vadd.f32 v14, v11;
	v1 =	vmul.f32 v56, v19  }
0xf1: {  	v13 =	vadd.f32 v12, v10;
	v10 =	vmul.f32 v58, v19;
	v11 =	vmul.f32 v59, v19  }
0xf2: {  	v12 =	vadd.f32 v1, v9;
	v1 =	vmul.f32 v60, v19;
	v9 =	vmul.f32 v61, v19  }
0xf3: {  	v14 =	vadd.f32 v10, v15;
	v11 =	vadd.f32 v11, v62  }
0xf4: {  	v10 =	vadd.f32 v1, v63;
	v9 =	vadd.f32 v9, v6  }
.LBB2_11:
0xf5: {  	s31 =	sadd.s32 $0x1, s31  }
0xf6: {  	p1 =	sne.s32 s31, $0x8  }
.Ltmp7:
0xf7: {  	_ = 	snop;
	(pc) =	sbr.rel @!p1 .LBB2_12-.Ltmp7, $2  }
0xf8: {  	_ =	sdelay $0x2  }
0xf9: {  	s29 =	sadd.s32 $0x10, s29;
	s19 =	sadd.s32 $0x800, s19  }
.LBB2_6:
0xfa: {  	_ =	sdelay $0x2  }
0xfb: {  	s0 =	sshll.u32 s31, $0x4  }
0xfc: {  	v6 =	vld.idx.msk [tilespmem:v5+s0+$0x0 ss:$0x1], $0xffff;
	_ =	sdelay $0x4  }
0xfd: {  	vm0 =	veq.s32 v6, v2  }
0xfe: {  	v6 =	vsel vm0, $0x3F800000, v0  }
0xff: {  	(xrf0) =	vmin.scan.msk.f32 $0xffff, v6;
	_ =	sdelay $0x5  }
0x100: {  	v6, _, _ =	vpop (xrf0)  }
0x101: {  	(v2sf) =	vpush v6, $0xF;
	_ =	sdelay $0xe  }
0x102: {  	s1 =	spop (v2sf)  }
0x103: {  	p1 =	sgt.f32 s1, $0.0e+00  }
.Ltmp8:
0x104: {  	_ = 	snop;
	(pc) =	sbr.rel @p1 .LBB2_7-.Ltmp8, $1  }
0x105: {  	_ =	sdelay $0x3  }
0x106: {  	s0 =	sadd.s32 $0x0, s29  }
0x107: {  	v1 =	vmov s0  }
0x108: {  	v6 =	vand.u32 $0x7FFFFF80, v1  }
0x109: {  	v1 =	vand.u32 $0x7F, v1;
	v6 =	vadd.s32 v4, v6  }
0x10a: {  	v1 =	vor.u32 v1, v6;
	_ =	sdelay $0x4  }
0x10b: {  	v15 =	vld.idx.msk [tilespmem:v1+s15+$0x0], $0xffff;
	_ =	sdelay $0x4  }
0x10c: {  	vm0 =	veq.s32 v15, v2  }
0x10d: {  	v6 =	vsel vm0, $0x3F800000, v0  }
0x10e: {  	(xrf0) =	vmin.scan.msk.f32 $0xffff, v6;
	_ =	sdelay $0x5  }
0x10f: {  	v6, _, _ =	vpop (xrf0)  }
0x110: {  	(v2sf) =	vpush v6, $0xF;
	_ =	sdelay $0xd  }
0x111: {  	s18 =	sadd.s32 $0x2, s29  }
0x112: {  	s12 =	sadd.s32 $0x1, s29;
	v17 =	vmov s18;
	s1 =	spop (v2sf)  }
0x113: {  	v18 =	vand.u32 $0x7FFFFF80, v17;
	v17 =	vand.u32 $0x7F, v17;
	v6 =	vmov s12;
	p1 =	sgt.f32 s1, $0.0e+00  }
0x114: {  	v18 =	vadd.s32 v4, v18;
	v16 =	vand.u32 $0x7FFFFF80, v6;
	v6 =	vand.u32 $0x7F, v6  }
0x115: {  	v16 =	vadd.s32 v4, v16;
	v21 =	vshll.u32 @!p1 v2, $0x7;
	v22 =	vlaneseq.u32 @!p1  }
0x116: {  	v2 =	vor.u32 v6, v16;
	v6 =	vor.u32 v17, v18;
	v24 =	vor.u32 @!p1 v22, v21  }
0x117: {  	v16 =	vor.u32 @!p1 $0x10, v22;
	v18 =	vor.u32 @!p1 $0x50, v22;
	v19 =	vor.u32 @!p1 $0x20, v22  }
0x118: {  	v23 =	vor.u32 @!p1 $0x40, v22;
	v25 =	vor.u32 @!p1 $0x60, v22;
	v17 =	vor.u32 @!p1 v16, v21  }
0x119: {  	v26 =	vor.u32 @!p1 $0x70, v22;
	v16 =	vor.u32 @!p1 $0x30, v22;
	v20 =	vor.u32 @!p1 v19, v21  }
0x11a: {  	s0 =	sadd.s32 $0x80, s19;
	s12 =	simm.s32 @!p1 $0x0;
	v18 =	vor.u32 @!p1 v18, v21;
	v23 =	vor.u32 @!p1 v23, v21;
	v19 =	vor.u32 @!p1 v16, v21;
	v16 =	vld.idx.msk [tilespmem:v1+s14+$0x0], $0xffff  }
0x11b: {  	s9 =	simm.s32 $0x3;
	s30 =	smov.u32 s19;
	s1 =	smov.u32 s0;
	v22 =	vor.u32 @!p1 v25, v21;
	v21 =	vor.u32 @!p1 v26, v21;
	[tilespmem:v24+s12+$0x0] =	vst.idx.add.f32.msk @!p1 $0xffff, v7  }
.LBB2_9:
0x11c: {  	s0 =	sadd.s32 $0x80, s0;
	s18 =	smov.u32 s9;
	s9 =	sadd.s32 $0x1, s9  }
0x11d: {  	p2 =	sne.s32 s9, $0x10;
	[tilespmem:v17+s12+$0x0] =	vst.idx.add.f32.msk @!p1 $0xffff, v8  }
0x11e: {  	[tilespmem:v20+s12+$0x0] =	vst.idx.add.f32.msk @!p1 $0xffff, v13  }
0x11f: {  	[tilespmem:v19+s12+$0x0] =	vst.idx.add.f32.msk @!p1 $0xffff, v12  }
0x120: {  	[tilespmem:v23+s12+$0x0] =	vst.idx.add.f32.msk @!p1 $0xffff, v14  }
0x121: {  	[tilespmem:v18+s12+$0x0] =	vst.idx.add.f32.msk @!p1 $0xffff, v11  }
0x122: {  	[tilespmem:v22+s12+$0x0] =	vst.idx.add.f32.msk @!p1 $0xffff, v10  }
0x123: {  	[tilespmem:v21+s12+$0x0] =	vst.idx.add.f32.msk @!p1 $0xffff, v9  }
0x124: {  	v1 =	vld.idx.msk [tilespmem:v2+s15+$0x0], $0xffff  }
0x125: {  	v17 =	vld [tilespmem:s30+$0x10]  }
0x126: {  	v18 =	vld [tilespmem:s30+$0xFFFFFFC0]  }
0x127: {  	v19 =	vld [tilespmem:s30+$0xFFFFFFD0]  }
0x128: {  	v20 =	vld [tilespmem:s30+$0xFFFFFFE0]  }
0x129: {  	v14 =	vpsel !p1, $0x0, v14;
	v21 =	vld [tilespmem:s30+$0x0]  }
0x12a: {  	vm0 =	veq.s32 v1, v15;
	v17 =	vmul.f32 v17, v16;
	v22 =	vld [tilespmem:s30+$0x20]  }
0x12b: {  	v11 =	vpsel !p1, $0x0, v11;
	v23 =	vsel vm0, $0x3F800000, v0;
	v18 =	vmul.f32 v18, v16;
	v24 =	vld [tilespmem:s30+$0x30]  }
0x12c: {  	v7 =	vpsel !p1, $0x0, v7;
	(xrf0) =	vmin.scan.msk.f32 $0xffff, v23;
	v19 =	vmul.f32 v19, v16;
	v11 =	vadd.f32 v17, v11  }
0x12d: {  	v8 =	vpsel !p1, $0x0, v8;
	v7 =	vadd.f32 v18, v7;
	v17 =	vmul.f32 v20, v16  }
0x12e: {  	v13 =	vpsel !p1, $0x0, v13;
	v8 =	vadd.f32 v19, v8;
	v18 =	vmul.f32 v21, v16  }
0x12f: {  	v13 =	vadd.f32 v17, v13;
	v19 =	vmul.f32 v22, v16  }
0x130: {  	v10 =	vpsel !p1, $0x0, v10;
	v14 =	vadd.f32 v18, v14;
	v18 =	vmul.f32 v24, v16  }
0x131: {  	v9 =	vpsel !p1, $0x0, v9;
	v10 =	vadd.f32 v19, v10  }
0x132: {  	v17, _, _ =	vpop (xrf0);
	v9 =	vadd.f32 v18, v9  }
0x133: {  	(v2sf) =	vpush v17, $0xF;
	_ =	sdelay $0x4  }
0x134: {  	v17 =	vld [tilespmem:s30+$0xFFFFFFF0];
	s30 =	smov.u32 s1;
	s1 =	smov.u32 s0;
	_ =	sdelay $0x4  }
0x135: {  	s12 =	sadd.s32 s18, s29;
	v16 =	vmul.f32 v17, v16  }
0x136: {  	v12 =	vpsel !p1, $0x0, v12;
	v17 =	vmov s12  }
0x137: {  	v18 =	vand.u32 $0x7FFFFF80, v17;
	v12 =	vadd.f32 v16, v12  }
0x138: {  	v16 =	vand.u32 $0x7F, v17;
	v17 =	vadd.s32 v4, v18  }
0x139: {  	v24 =	vor.u32 v16, v17  }
0x13a: {  	s12 =	spop (v2sf)  }
0x13b: {  	p1 =	sgt.f32 s12, $0.0e+00;
	_ =	sdelay $0x1  }
0x13c: {  	v21 =	vshll.u32 @!p1 v15, $0x7;
	v16 =	vlaneseq.u32 @!p1;
	v15 =	vmov v1  }
0x13d: {  	v1 =	vor.u32 @!p1 v16, v21;
	v17 =	vor.u32 @!p1 $0x10, v16;
	v18 =	vor.u32 @!p1 $0x50, v16  }
.Ltmp9:
0x13e: {  	v19 =	vor.u32 @!p1 $0x20, v16;
	v22 =	vor.u32 @!p1 $0x30, v16;
	v17 =	vor.u32 @!p1 v17, v21;
	(pc) =	sbr.rel @p2 .LBB2_9-.Ltmp9, $4  }
0x13f: {  	v20 =	vor.u32 @!p1 v19, v21;
	v19 =	vor.u32 @!p1 v22, v21;
	v22 =	vor.u32 @!p1 $0x40, v16  }
0x140: {  	v25 =	vor.u32 @!p1 $0x60, v16;
	v26 =	vor.u32 @!p1 $0x70, v16;
	v18 =	vor.u32 @!p1 v18, v21  }
0x141: {  	s12 =	simm.s32 @!p1 $0x0;
	v23 =	vor.u32 @!p1 v22, v21;
	v22 =	vor.u32 @!p1 v25, v21;
	v21 =	vor.u32 @!p1 v26, v21;
	v16 =	vld.idx.msk [tilespmem:v2+s14+$0x0], $0xffff  }
0x142: {  	v2 =	vmov v6;
	v6 =	vmov v24;
	[tilespmem:v1+s12+$0x0] =	vst.idx.add.f32.msk @!p1 $0xffff, v7  }
0x143: {  	_ =	sdelay $0x3  }
0x144: {  	[tilespmem:v17+s12+$0x0] =	vst.idx.add.f32.msk @!p1 $0xffff, v8  }
0x145: {  	[tilespmem:v20+s12+$0x0] =	vst.idx.add.f32.msk @!p1 $0xffff, v13  }
0x146: {  	[tilespmem:v19+s12+$0x0] =	vst.idx.add.f32.msk @!p1 $0xffff, v12  }
0x147: {  	[tilespmem:v23+s12+$0x0] =	vst.idx.add.f32.msk @!p1 $0xffff, v14  }
0x148: {  	[tilespmem:v18+s12+$0x0] =	vst.idx.add.f32.msk @!p1 $0xffff, v11  }
0x149: {  	[tilespmem:v22+s12+$0x0] =	vst.idx.add.f32.msk @!p1 $0xffff, v10  }
0x14a: {  	[tilespmem:v21+s12+$0x0] =	vst.idx.add.f32.msk @!p1 $0xffff, v9  }
0x14b: {  	v1 =	vld.idx.msk [tilespmem:v2+s15+$0x0], $0xffff;
	_ =	sdelay $0x4  }
0x14c: {  	vm0 =	veq.s32 v1, v15  }
0x14d: {  	v51 =	vsel vm0, $0x3F800000, v0  }
0x14e: {  	(xrf0) =	vmin.scan.msk.f32 $0xffff, v51;
	_ =	sdelay $0x5  }
0x14f: {  	v17, _, _ =	vpop (xrf0)  }
0x150: {  	(v2sf) =	vpush v17, $0xF;
	_ =	sdelay $0x9  }
0x151: {  	v18 =	vld [tilespmem:s30+$0xFFFFFFC0]  }
0x152: {  	v19 =	vld [tilespmem:s30+$0xFFFFFFD0]  }
0x153: {  	v20 =	vld [tilespmem:s30+$0xFFFFFFE0]  }
0x154: {  	v21 =	vld [tilespmem:s30+$0xFFFFFFF0];
	_ =	sdelay $0x1  }
0x155: {  	v7 =	vpsel !p1, $0x0, v7;
	v8 =	vpsel !p1, $0x0, v8;
	s9 =	spop (v2sf)  }
0x156: {  	v13 =	vpsel !p1, $0x0, v13;
	v12 =	vpsel !p1, $0x0, v12;
	v22 =	vld [tilespmem:s30+$0x0];
	v18 =	vmul.f32 v18, v16;
	p2 =	sgt.f32 s9, $0.0e+00  }
0x157: {  	v14 =	vpsel !p1, $0x0, v14;
	v24 =	vld [tilespmem:s30+$0x20];
	v19 =	vmul.f32 v19, v16;
	v53 =	vmul.f32 v20, v16  }
0x158: {  	v21 =	vmul.f32 v21, v16;
	v15 =	vshll.u32 @!p2 v15, $0x7;
	v20 =	vlaneseq.u32 @!p2  }
0x159: {  	v8 =	vadd.f32 v19, v8;
	v19 =	vor.u32 @!p2 v20, v15;
	v23 =	vor.u32 @!p2 $0x10, v20  }
0x15a: {  	v52 =	vld [tilespmem:s30+$0x10];
	v7 =	vadd.f32 v18, v7;
	v18 =	vor.u32 @!p2 v23, v15;
	v23 =	vor.u32 @!p2 $0x20, v20  }
0x15b: {  	v22 =	vmul.f32 v22, v16;
	v25 =	vor.u32 @!p2 $0x30, v20;
	v23 =	vor.u32 @!p2 v23, v15  }
0x15c: {  	v26 =	vld [tilespmem:s30+$0x30];
	v54 =	vmul.f32 v24, v16;
	v27 =	vor.u32 @!p2 $0x40, v20;
	v25 =	vor.u32 @!p2 v25, v15  }
0x15d: {  	v28 =	vld.idx.msk [tilespmem:v2+s14+$0x0], $0xffff;
	v12 =	vadd.f32 v21, v12;
	s9 =	simm.s32 @!p2 $0x0;
	v21 =	vor.u32 @!p2 $0x50, v20;
	v2 =	vor.u32 @!p2 v27, v15  }
0x15e: {  	v13 =	vadd.f32 v53, v13;
	v21 =	vor.u32 @!p2 v21, v15;
	[tilespmem:v19+s9+$0x0] =	vst.idx.add.f32.msk @!p2 $0xffff, v7;
	v19 =	vor.u32 @!p2 $0x60, v20  }
0x15f: {  	v17 =	vmul.f32 v52, v16;
	v20 =	vor.u32 @!p2 $0x70, v20;
	[tilespmem:v18+s9+$0x0] =	vst.idx.add.f32.msk @!p2 $0xffff, v8;
	v19 =	vor.u32 @!p2 v19, v15  }
0x160: {  	v11 =	vpsel !p1, $0x0, v11;
	v14 =	vadd.f32 v22, v14;
	v15 =	vor.u32 @!p2 v20, v15;
	[tilespmem:v23+s9+$0x0] =	vst.idx.add.f32.msk @!p2 $0xffff, v13  }
0x161: {  	v10 =	vpsel !p1, $0x0, v10;
	v55 =	vmul.f32 v26, v16;
	v11 =	vadd.f32 v17, v11;
	[tilespmem:v25+s9+$0x0] =	vst.idx.add.f32.msk @!p2 $0xffff, v12  }
0x162: {  	v9 =	vpsel !p1, $0x0, v9;
	v10 =	vadd.f32 v54, v10;
	[tilespmem:v2+s9+$0x0] =	vst.idx.add.f32.msk @!p2 $0xffff, v14  }
0x163: {  	v9 =	vadd.f32 v55, v9;
	[tilespmem:v21+s9+$0x0] =	vst.idx.add.f32.msk @!p2 $0xffff, v11  }
0x164: {  	[tilespmem:v19+s9+$0x0] =	vst.idx.add.f32.msk @!p2 $0xffff, v10  }
0x165: {  	[tilespmem:v15+s9+$0x0] =	vst.idx.add.f32.msk @!p2 $0xffff, v9  }
0x166: {  	v2 =	vld.idx.msk [tilespmem:v6+s15+$0x0], $0xffff;
	_ =	sdelay $0x4  }
0x167: {  	vm15 =	veq.s32 v2, v1  }
0x168: {  	v15 =	vsel vm15, $0x3F800000, v0  }
0x169: {  	(xrf0) =	vmin.scan.msk.f32 $0xffff, v15;
	_ =	sdelay $0x5  }
0x16a: {  	v15, _, _ =	vpop (xrf0)  }
0x16b: {  	(v2sf) =	vpush v15, $0xF;
	_ =	sdelay $0x8  }
0x16c: {  	v56 =	vld [tilespmem:s1+$0xFFFFFFD0]  }
0x16d: {  	v15 =	vld [tilespmem:s1+$0xFFFFFFC0];
	_ =	sdelay $0x2  }
0x16e: {  	v57 =	vld [tilespmem:s1+$0xFFFFFFE0]  }
0x16f: {  	v58 =	vld [tilespmem:s1+$0x0]  }
0x170: {  	v16 =	vmul.f32 v56, v28;
	v15 =	vmul.f32 v15, v28;
	s30 =	spop (v2sf)  }
0x171: {  	v7 =	vpsel !p2, $0x0, v7;
	v8 =	vpsel !p2, $0x0, v8;
	v13 =	vpsel !p2, $0x0, v13;
	p1 =	sgt.f32 s30, $0.0e+00  }
0x172: {  	v14 =	vpsel !p2, $0x0, v14;
	v59 =	vld [tilespmem:s1+$0xFFFFFFF0];
	v8 =	vadd.f32 v16, v8;
	v7 =	vadd.f32 v15, v7  }
0x173: {  	v15 =	vmul.f32 v57, v28;
	v1 =	vshll.u32 @!p1 v1, $0x7;
	v16 =	vlaneseq.u32 @!p1  }
0x174: {  	v18 =	vmul.f32 v58, v28;
	v19 =	vor.u32 @!p1 v16, v1;
	v20 =	vor.u32 @!p1 $0x10, v16  }
0x175: {  	v21 =	vld [tilespmem:s1+$0x10];
	v13 =	vadd.f32 v15, v13;
	v15 =	vor.u32 @!p1 v20, v1;
	v20 =	vor.u32 @!p1 $0x20, v16  }
0x176: {  	v60 =	vld [tilespmem:s1+$0x20];
	v14 =	vadd.f32 v18, v14;
	v18 =	vor.u32 @!p1 $0x30, v16;
	v20 =	vor.u32 @!p1 v20, v1  }
0x177: {  	v23 =	vld [tilespmem:s1+$0x30];
	v17 =	vmul.f32 v59, v28;
	v24 =	vor.u32 @!p1 $0x40, v16;
	v18 =	vor.u32 @!p1 v18, v1  }
0x178: {  	v12 =	vpsel !p2, $0x0, v12;
	v6 =	vld.idx.msk [tilespmem:v6+s14+$0x0], $0xffff;
	s1 =	simm.s32 @!p1 $0x0;
	v25 =	vor.u32 @!p1 $0x50, v16;
	v24 =	vor.u32 @!p1 v24, v1  }
0x179: {  	v12 =	vadd.f32 v17, v12;
	v17 =	vor.u32 @!p1 v25, v1;
	[tilespmem:v19+s1+$0x0] =	vst.idx.add.f32.msk @!p1 $0xffff, v7;
	v19 =	vor.u32 @!p1 $0x60, v16  }
0x17a: {  	v16 =	vor.u32 @!p1 $0x70, v16;
	[tilespmem:v15+s1+$0x0] =	vst.idx.add.f32.msk @!p1 $0xffff, v8;
	v15 =	vmul.f32 v21, v28;
	v19 =	vor.u32 @!p1 v19, v1  }
0x17b: {  	v11 =	vpsel !p2, $0x0, v11;
	v61 =	vmul.f32 v60, v28;
	v1 =	vor.u32 @!p1 v16, v1;
	[tilespmem:v20+s1+$0x0] =	vst.idx.add.f32.msk @!p1 $0xffff, v13  }
0x17c: {  	v10 =	vpsel !p2, $0x0, v10;
	v11 =	vadd.f32 v15, v11;
	v15 =	vmul.f32 v23, v28;
	[tilespmem:v18+s1+$0x0] =	vst.idx.add.f32.msk @!p1 $0xffff, v12  }
0x17d: {  	v9 =	vpsel !p2, $0x0, v9;
	v10 =	vadd.f32 v61, v10;
	[tilespmem:v24+s1+$0x0] =	vst.idx.add.f32.msk @!p1 $0xffff, v14  }
0x17e: {  	v9 =	vadd.f32 v15, v9;
	[tilespmem:v17+s1+$0x0] =	vst.idx.add.f32.msk @!p1 $0xffff, v11  }
0x17f: {  	[tilespmem:v19+s1+$0x0] =	vst.idx.add.f32.msk @!p1 $0xffff, v10  }
0x180: {  	s0 =	sadd.s32 $0x80, s0;
	[tilespmem:v1+s1+$0x0] =	vst.idx.add.f32.msk @!p1 $0xffff, v9  }
0x181: {  	v1 =	vld [tilespmem:s0+$0x10]  }
0x182: {  	v15 =	vld [tilespmem:s0+$0xFFFFFFC0]  }
0x183: {  	v62 =	vld [tilespmem:s0+$0xFFFFFFD0]  }
0x184: {  	v17 =	vld [tilespmem:s0+$0xFFFFFFE0]  }
0x185: {  	v18 =	vld [tilespmem:s0+$0x0]  }
0x186: {  	v19 =	vld [tilespmem:s0+$0x20]  }
0x187: {  	v20 =	vld [tilespmem:s0+$0x30];
	v1 =	vmul.f32 v1, v6  }
0x188: {  	v7 =	vpsel !p1, $0x0, v7;
	v11 =	vpsel !p1, $0x0, v11;
	v63 =	vld [tilespmem:s0+$0xFFFFFFF0];
	v15 =	vmul.f32 v15, v6  }
0x189: {  	v13 =	vpsel !p1, $0x0, v13;
	v16 =	vmul.f32 v62, v6;
	v11 =	vadd.f32 v1, v11  }
0x18a: {  	v1 =	vpsel !p1, $0x0, v8;
	v7 =	vadd.f32 v15, v7;
	v15 =	vmul.f32 v17, v6  }
.Ltmp10:
0x18b: {  	v14 =	vpsel !p1, $0x0, v14;
	v8 =	vadd.f32 v16, v1;
	v1 =	vmul.f32 v18, v6;
	(pc) =	sbr.rel .LBB2_11-.Ltmp10, $4  }
0x18c: {  	v10 =	vpsel !p1, $0x0, v10;
	v13 =	vadd.f32 v15, v13;
	v15 =	vmul.f32 v19, v6  }
0x18d: {  	v14 =	vadd.f32 v1, v14;
	v1 =	vmul.f32 v20, v6;
	v6 =	vmul.f32 v63, v6  }
0x18e: {  	v12 =	vpsel !p1, $0x0, v12;
	v9 =	vpsel !p1, $0x0, v9;
	v10 =	vadd.f32 v15, v10  }
0x18f: {  	v9 =	vadd.f32 v1, v9;
	v12 =	vadd.f32 v6, v12  }
.LBB2_12:
0x190: {  	p1 =	sgt.u32 s28, $0x2CC  }
0x191: {  	s0 =	sshll.u32 @!p1 s28, $0xC;
	s1 =	simm.s32 @!p1 $0x400  }
0x192: {  	s9 =	simm.s32 @!p1 $0x800;
	s12 =	simm.s32 @!p1 $0x10000;
	s0 =	sadd.s32 @!p1 s0, s8  }
0x193: {  	[tilespmem:s12], [sflag:$0x1] =	stream.strided.gather @!p1 [hbm4b:s0+s1], $0x4000, s9, s1, $0x38;
	[tilespmem:$0x1A000] =	vst v63  }
.LBB2_13:
0x194: {  	s0 =	sor.u32 $0x1, s26  }
0x195: {  	s1 =	sshll.u32 s0, $0x5  }
0x196: {  	s26 =	sor.u32 s3, s1  }
0x197: {  	p1 =	sgt.u32 s26, $0x30C  }
.Ltmp11:
0x198: {  	_ = 	snop;
	(pc) =	sbr.rel @p1 .LBB2_22-.Ltmp11, $1  }
0x199: {  	_ =	sdelay $0x3  }
.Ltmp12:
0x19a: {  	(pc) =	sbr.rel .LBB2_15-.Ltmp12, $4  }
0x19b: {  	s1 =	sshll.u32 s0, $0x7  }
0x19c: {  	_ =	swait.ge [sflag:s22], $0x4000;
	v1 =	vmov s0;
	s31 =	sand.u32 $0x3FFFFF80, s1  }
0x19d: {  	s28 =	simm.s32 $0x0;
	[sflag:s22] =	ssyncset.done $0x0;
	v3 =	vshll.u32 v1, $0x7;
	s0 =	sadd.s32 $0x19000, s31  }
0x19e: {  	s29 =	simm.s32 $0x14040;
	s30 =	simm.s32 $0x0;
	[sflag:s22] =	ssyncadd.s32 $0xFFFFC000;
	v4 =	vbroadcast v3, $0x0;
	v5 =	vmov s0  }
.LBB2_16:
0x19f: {  	s1 =	sshll.u32 s30, $0xB  }
0x1a0: {  	s1 =	sand.u32 $0x3FFFF800, s1  }
0x1a1: {  	v15 =	vld [tilespmem:s1+$0x14000]  }
0x1a2: {  	v25 =	vld [tilespmem:s1+$0x14010]  }
0x1a3: {  	v26 =	vld [tilespmem:s1+$0x14020]  }
0x1a4: {  	v27 =	vld [tilespmem:s1+$0x14030]  }
0x1a5: {  	v29 =	vld [tilespmem:s1+$0x14040]  }
0x1a6: {  	s9 =	sor.u32 $0x1, s0;
	v32 =	vld [tilespmem:s1+$0x14050]  }
0x1a7: {  	s12 =	sshll.u32 s9, $0x7;
	v36 =	vld [tilespmem:s1+$0x14060]  }
0x1a8: {  	v37 =	vld [tilespmem:s1+$0x14070];
	s1 =	sand.u32 $0x3FFFFF80, s12  }
0x1a9: {  	v38 =	vld [tilespmem:s1+$0x14000]  }
0x1aa: {  	v39 =	vld [tilespmem:s1+$0x14010]  }
0x1ab: {  	v40 =	vld [tilespmem:s1+$0x14020]  }
0x1ac: {  	v41 =	vld [tilespmem:s1+$0x14030]  }
0x1ad: {  	v42 =	vld [tilespmem:s1+$0x14040]  }
0x1ae: {  	s18 =	sor.u32 $0x2, s0;
	v43 =	vld [tilespmem:s1+$0x14050]  }
0x1af: {  	v6 =	vmov s9;
	s19 =	sshll.u32 s18, $0x7;
	v44 =	vld [tilespmem:s1+$0x14060]  }
0x1b0: {  	v6 =	vand.u32 $0x71, v6;
	v45 =	vld [tilespmem:s1+$0x14070];
	s1 =	sand.u32 $0x3FFFFF80, s19  }
0x1b1: {  	v6 =	vor.u32 v3, v6;
	v47 =	vld [tilespmem:s1+$0x14000]  }
0x1b2: {  	v6 =	vbroadcast v6, $0x0;
	v48 =	vld [tilespmem:s1+$0x14010]  }
0x1b3: {  	v49 =	vld [tilespmem:s1+$0x14020]  }
0x1b4: {  	v50 =	vld [tilespmem:s1+$0x14030]  }
0x1b5: {  	v51 =	vld [tilespmem:s1+$0x14040]  }
0x1b6: {  	v52 =	vld [tilespmem:s1+$0x14050]  }
0x1b7: {  	s31 =	sor.u32 $0x3, s0;
	v53 =	vld [tilespmem:s1+$0x14060]  }
0x1b8: {  	s12 =	sshll.u32 s31, $0x7;
	v46 =	vld.idx.msk [tilespmem:v6+s14+$0x0], $0xffff;
	v6 =	vmov s18  }
0x1b9: {  	v54 =	vld [tilespmem:s1+$0x14070];
	s1 =	sand.u32 $0x3FFFFF80, s12;
	v6 =	vand.u32 $0x72, v6  }
0x1ba: {  	v1 =	vmov s0;
	v56 =	vld [tilespmem:s1+$0x14000];
	v6 =	vor.u32 v3, v6  }
0x1bb: {  	v1 =	vand.u32 $0x70, v1;
	v57 =	vld [tilespmem:s1+$0x14010];
	v6 =	vbroadcast v6, $0x0  }
0x1bc: {  	v1 =	vor.u32 v3, v1;
	v58 =	vld [tilespmem:s1+$0x14020]  }
0x1bd: {  	v1 =	vbroadcast v1, $0x0;
	v59 =	vld [tilespmem:s1+$0x14030]  }
0x1be: {  	v34 =	vld [tilespmem:s1+$0x14040]  }
0x1bf: {  	v35 =	vld [tilespmem:s1+$0x14050]  }
0x1c0: {  	v30 =	vld [tilespmem:s1+$0x14060]  }
0x1c1: {  	s18 =	sor.u32 $0x4, s0;
	v55 =	vld.idx.msk [tilespmem:v6+s14+$0x0], $0xffff;
	v6 =	vmov s31  }
0x1c2: {  	v33 =	vld [tilespmem:s1+$0x14070];
	s19 =	sshll.u32 s18, $0x7;
	s31 =	sor.u32 $0x5, s0;
	v6 =	vand.u32 $0x73, v6  }
0x1c3: {  	v1 =	vld.idx.msk [tilespmem:v1+s14+$0x0], $0xffff;
	s1 =	sand.u32 $0x3FFFFF80, s19;
	v17 =	vmov s31;
	v6 =	vor.u32 v3, v6  }
0x1c4: {  	v61 =	vld [tilespmem:s1+$0x14000];
	v17 =	vand.u32 $0x75, v17;
	v6 =	vbroadcast v6, $0x0  }
0x1c5: {  	v31 =	vld [tilespmem:s1+$0x14010];
	v17 =	vor.u32 v3, v17  }
0x1c6: {  	v28 =	vld [tilespmem:s1+$0x14020];
	v62 =	vbroadcast v17, $0x0  }
0x1c7: {  	v23 =	vld [tilespmem:s1+$0x14030]  }
0x1c8: {  	v24 =	vld [tilespmem:s1+$0x14040]  }
0x1c9: {  	v21 =	vld [tilespmem:s1+$0x14050]  }
0x1ca: {  	v32 =	vmul.f32 v32, v1;
	v60 =	vld.idx.msk [tilespmem:v6+s14+$0x0], $0xffff;
	v6 =	vmov s18  }
0x1cb: {  	v22 =	vld [tilespmem:s1+$0x14060];
	v6 =	vand.u32 $0x74, v6  }
0x1cc: {  	v32 =	vadd.f32 v32, v11;
	s12 =	sshll.u32 s31, $0x7;
	v11 =	vld.idx.msk [tilespmem:v62+s14+$0x0], $0xffff;
	v6 =	vor.u32 v3, v6  }
0x1cd: {  	v16 =	vbroadcast v6, $0x0;
	v6 =	vld [tilespmem:s1+$0x14070];
	s1 =	sand.u32 $0x3FFFFF80, s12  }
0x1ce: {  	v19 =	vld [tilespmem:s1+$0x14000]  }
0x1cf: {  	v18 =	vld [tilespmem:s1+$0x14010]  }
0x1d0: {  	v20 =	vld [tilespmem:s1+$0x14020]  }
0x1d1: {  	v63 =	vmul.f32 v15, v1;
	v17 =	vld [tilespmem:s1+$0x14030]  }
0x1d2: {  	v25 =	vmul.f32 v25, v1;
	v26 =	vmul.f32 v26, v1;
	v15 =	vld [tilespmem:s1+$0x14040]  }
0x1d3: {  	v27 =	vmul.f32 v27, v1;
	v29 =	vmul.f32 v29, v1;
	v63 =	vadd.f32 v63, v7;
	s18 =	sor.u32 $0x6, s0;
	v7 =	vld [tilespmem:s1+$0x14050]  }
0x1d4: {  	v25 =	vadd.f32 v25, v8;
	v13 =	vadd.f32 v26, v13;
	s19 =	sshll.u32 s18, $0x7;
	v8 =	vld [tilespmem:s1+$0x14060]  }
0x1d5: {  	v26 =	vadd.f32 v27, v12;
	v27 =	vadd.f32 v29, v14;
	v14 =	vmov s18;
	v12 =	vld [tilespmem:s1+$0x14070];
	s1 =	sand.u32 $0x3FFFFF80, s19  }
0x1d6: {  	v36 =	vmul.f32 v36, v1;
	v62 =	vand.u32 $0x76, v14;
	v14 =	vld [tilespmem:s1+$0x14000]  }
0x1d7: {  	v1 =	vmul.f32 v37, v1;
	v29 =	vld [tilespmem:s1+$0x14010]  }
0x1d8: {  	v37 =	vmul.f32 v38, v46;
	v40 =	vmul.f32 v40, v46;
	v36 =	vadd.f32 v36, v10;
	v10 =	vld [tilespmem:s1+$0x14020]  }
0x1d9: {  	v38 =	vmul.f32 v39, v46;
	v41 =	vmul.f32 v41, v46;
	v1 =	vadd.f32 v1, v9;
	v9 =	vld [tilespmem:s1+$0x14030]  }
0x1da: {  	v37 =	vadd.f32 v37, v63;
	v40 =	vadd.f32 v40, v13;
	v63 =	vmul.f32 v42, v46;
	v13 =	vld [tilespmem:s1+$0x14040]  }
0x1db: {  	v45 =	vmul.f32 v45, v46;
	v41 =	vadd.f32 v41, v26;
	s31 =	sor.u32 $0x7, s0;
	v62 =	vor.u32 v3, v62;
	v26 =	vld [tilespmem:s1+$0x14050]  }
0x1dc: {  	s12 =	sshll.u32 s31, $0x7;
	v39 =	vbroadcast v62, $0x0;
	v62 =	vmul.f32 v44, v46;
	v44 =	vadd.f32 v63, v27;
	v27 =	vld [tilespmem:s1+$0x14060]  }
0x1dd: {  	v38 =	vadd.f32 v38, v25;
	v63 =	vmul.f32 v47, v55;
	v25 =	vld [tilespmem:s1+$0x14070];
	s1 =	sand.u32 $0x3FFFFF80, s12  }
0x1de: {  	v42 =	vmul.f32 v43, v46;
	v1 =	vadd.f32 v45, v1;
	v43 =	vadd.f32 v62, v36;
	v36 =	vld [tilespmem:s1+$0x14000]  }
0x1df: {  	v47 =	vmov s31;
	v45 =	vadd.f32 v63, v37;
	v63 =	vmul.f32 v50, v55;
	v50 =	vld [tilespmem:s1+$0x14020]  }
0x1e0: {  	v37 =	vmul.f32 v48, v55;
	v62 =	vand.u32 $0x77, v47;
	v47 =	vld [tilespmem:s1+$0x14030]  }
0x1e1: {  	v42 =	vadd.f32 v42, v32;
	v48 =	vmul.f32 v51, v55;
	v51 =	vld [tilespmem:s1+$0x14040];
	v46 =	vor.u32 v3, v62  }
0x1e2: {  	v62 =	vmul.f32 v52, v55;
	v38 =	vadd.f32 v37, v38;
	v46 =	vbroadcast v46, $0x0;
	v37 =	vld [tilespmem:s1+$0x14050]  }
0x1e3: {  	v44 =	vadd.f32 v48, v44;
	v32 =	vld.idx.msk [tilespmem:v39+s14+$0x0], $0xffff;
	v39 =	vmul.f32 v49, v55  }
0x1e4: {  	v48 =	vmul.f32 v54, v55;
	v54 =	vld [tilespmem:s1+$0x14060];
	v42 =	vadd.f32 v62, v42;
	v62 =	vmul.f32 v56, v60  }
0x1e5: {  	v16 =	vld.idx.msk [tilespmem:v16+s14+$0x0], $0xffff;
	v39 =	vadd.f32 v39, v40;
	v40 =	vadd.f32 v63, v41;
	v63 =	vmul.f32 v53, v55  }
0x1e6: {  	s18 =	sor.u32 $0x8, s0;
	v34 =	vmul.f32 v34, v60;
	v35 =	vmul.f32 v35, v60;
	v49 =	vld [tilespmem:s1+$0x14010]  }
0x1e7: {  	s19 =	sshll.u32 s18, $0x7;
	v30 =	vmul.f32 v30, v60;
	v41 =	vadd.f32 v63, v43;
	v43 =	vadd.f32 v62, v45;
	v45 =	vld [tilespmem:s1+$0x14070]  }
0x1e8: {  	s31 =	sor.u32 $0x9, s0;
	v33 =	vmul.f32 v33, v60;
	v18 =	vmul.f32 v18, v11;
	v46 =	vld.idx.msk [tilespmem:v46+s14+$0x0], $0xffff;
	s1 =	sand.u32 $0x3FFFFF80, s19  }
0x1e9: {  	v56 =	vmov s31;
	v20 =	vmul.f32 v20, v11;
	v15 =	vmul.f32 v15, v11;
	v52 =	vld [tilespmem:s1+$0x14000]  }
0x1ea: {  	v7 =	vmul.f32 v7, v11;
	v1 =	vadd.f32 v48, v1;
	v34 =	vadd.f32 v34, v44;
	v53 =	vld [tilespmem:s1+$0x14010]  }
0x1eb: {  	v35 =	vadd.f32 v35, v42;
	v63 =	vmul.f32 v57, v60;
	v57 =	vmul.f32 v58, v60;
	v55 =	vld [tilespmem:s1+$0x14020]  }
0x1ec: {  	v1 =	vadd.f32 v33, v1;
	v58 =	vmul.f32 v59, v60;
	v24 =	vmul.f32 v24, v16;
	v42 =	vld [tilespmem:s1+$0x14040]  }
0x1ed: {  	v31 =	vmul.f32 v31, v16;
	v38 =	vadd.f32 v63, v38;
	v30 =	vadd.f32 v30, v41;
	v41 =	vld [tilespmem:s1+$0x14030]  }
0x1ee: {  	v28 =	vmul.f32 v28, v16;
	v39 =	vadd.f32 v57, v39;
	v24 =	vadd.f32 v24, v34;
	v34 =	vld [tilespmem:s1+$0x14070]  }
0x1ef: {  	s12 =	sshll.u32 s31, $0x7;
	v59 =	vmov s18;
	v21 =	vmul.f32 v21, v16;
	v31 =	vadd.f32 v31, v38;
	v38 =	vld [tilespmem:s1+$0x14050]  }
0x1f0: {  	v23 =	vmul.f32 v23, v16;
	v40 =	vadd.f32 v58, v40;
	v28 =	vadd.f32 v28, v39;
	v39 =	vld [tilespmem:s1+$0x14060];
	s1 =	sand.u32 $0x3FFFFF80, s12  }
0x1f1: {  	v6 =	vmul.f32 v6, v16;
	v21 =	vadd.f32 v21, v35;
	v58 =	vand.u32 $0x79, v56;
	v35 =	vld [tilespmem:s1+$0x14000]  }
0x1f2: {  	v57 =	vmul.f32 v19, v11;
	v19 =	vor.u32 v3, v58;
	v23 =	vadd.f32 v23, v40;
	v40 =	vld [tilespmem:s1+$0x14010]  }
0x1f3: {  	v8 =	vmul.f32 v8, v11;
	v48 =	vand.u32 $0x78, v59;
	v59 =	vbroadcast v19, $0x0;
	v19 =	vld [tilespmem:s1+$0x14020]  }
0x1f4: {  	v1 =	vadd.f32 v6, v1;
	v6 =	vmul.f32 v17, v11;
	v11 =	vmul.f32 v12, v11;
	v12 =	vld [tilespmem:s1+$0x14050]  }
0x1f5: {  	v62 =	vmul.f32 v61, v16;
	v15 =	vadd.f32 v15, v24;
	v24 =	vld [tilespmem:s1+$0x14060]  }
0x1f6: {  	v22 =	vmul.f32 v22, v16;
	s18 =	sor.u32 $0xA, s0;
	v14 =	vmul.f32 v14, v32;
	v1 =	vadd.f32 v11, v1;
	v11 =	vld [tilespmem:s1+$0x14070]  }
0x1f7: {  	v60 =	vmul.f32 v29, v32;
	s19 =	sshll.u32 s18, $0x7;
	v10 =	vmul.f32 v10, v32;
	v18 =	vadd.f32 v18, v31;
	v31 =	vld [tilespmem:s1+$0x14030]  }
0x1f8: {  	v9 =	vmul.f32 v9, v32;
	v63 =	vadd.f32 v62, v43;
	v6 =	vadd.f32 v6, v23;
	v23 =	vld [tilespmem:s1+$0x14040];
	s1 =	sand.u32 $0x3FFFFF80, s19  }
0x1f9: {  	v13 =	vmul.f32 v13, v32;
	v48 =	vor.u32 v3, v48;
	v7 =	vadd.f32 v7, v21;
	v21 =	vld [tilespmem:s1+$0x14000]  }
0x1fa: {  	v22 =	vadd.f32 v22, v30;
	v16 =	vadd.f32 v57, v63;
	v63 =	vmul.f32 v26, v32;
	v26 =	vld [tilespmem:s1+$0x14010]  }
0x1fb: {  	v33 =	vmul.f32 v27, v32;
	v62 =	vmov s18;
	v48 =	vbroadcast v48, $0x0;
	v27 =	vld [tilespmem:s1+$0x14020]  }
0x1fc: {  	v36 =	vmul.f32 v36, v46;
	v43 =	vmul.f32 v50, v46;
	v8 =	vadd.f32 v8, v22;
	v22 =	vld [tilespmem:s1+$0x14040]  }
0x1fd: {  	v44 =	vmul.f32 v47, v46;
	v47 =	vmul.f32 v51, v46;
	v20 =	vadd.f32 v20, v28;
	v28 =	vld [tilespmem:s1+$0x14050]  }
0x1fe: {  	v50 =	vmul.f32 v54, v46;
	v14 =	vadd.f32 v14, v16;
	v7 =	vadd.f32 v63, v7;
	v16 =	vld [tilespmem:s1+$0x14070]  }
0x1ff: {  	s31 =	sor.u32 $0xB, s0;
	v51 =	vmul.f32 v45, v46;
	v6 =	vadd.f32 v9, v6;
	v9 =	vadd.f32 v13, v15;
	v15 =	vld [tilespmem:s1+$0x14030]  }
0x200: {  	s12 =	sshll.u32 s31, $0x7;
	v61 =	vadd.f32 v60, v18;
	v18 =	vand.u32 $0x7A, v62;
	v13 =	vmul.f32 v25, v32;
	v32 =	vld [tilespmem:s1+$0x14060]  }
0x201: {  	v10 =	vadd.f32 v10, v20;
	v8 =	vadd.f32 v33, v8;
	s1 =	sand.u32 $0x3FFFFF80, s12;
	v30 =	vld.idx.msk [tilespmem:v48+s14+$0x0], $0xffff;
	v18 =	vor.u32 v3, v18  }
0x202: {  	v14 =	vadd.f32 v36, v14;
	v48 =	vmov s31;
	v33 =	vld [tilespmem:s1+$0x14000];
	v18 =	vbroadcast v18, $0x0  }
0x203: {  	v56 =	vld [tilespmem:s1+$0x14030];
	v1 =	vadd.f32 v13, v1;
	v13 =	vmul.f32 v49, v46;
	v20 =	vand.u32 $0x7B, v48  }
0x204: {  	v17 =	vld.idx.msk [tilespmem:v59+s14+$0x0], $0xffff;
	v10 =	vadd.f32 v43, v10;
	v6 =	vadd.f32 v44, v6;
	v20 =	vor.u32 v3, v20  }
0x205: {  	v9 =	vadd.f32 v47, v9;
	v49 =	vmul.f32 v37, v46;
	v43 =	vld [tilespmem:s1+$0x14010];
	v20 =	vbroadcast v20, $0x0  }
0x206: {  	v44 =	vld [tilespmem:s1+$0x14020];
	v8 =	vadd.f32 v50, v8;
	v52 =	vmul.f32 v52, v30;
	v54 =	vmul.f32 v53, v30  }
0x207: {  	v37 =	vld [tilespmem:s1+$0x14040];
	v13 =	vadd.f32 v13, v61;
	v55 =	vmul.f32 v55, v30;
	v57 =	vmul.f32 v41, v30  }
0x208: {  	s18 =	sor.u32 $0xC, s0;
	v7 =	vadd.f32 v49, v7;
	v58 =	vmul.f32 v42, v30;
	v38 =	vmul.f32 v38, v30;
	v41 =	vld [tilespmem:s1+$0x14050]  }
0x209: {  	v61 =	vmov s18;
	v59 =	vmul.f32 v39, v30;
	v30 =	vmul.f32 v34, v30;
	v34 =	vld [tilespmem:s1+$0x14060]  }
0x20a: {  	s19 =	sshll.u32 s18, $0x7;
	v1 =	vadd.f32 v51, v1;
	v25 =	vand.u32 $0x7C, v61;
	v60 =	vmul.f32 v35, v17;
	v35 =	vld [tilespmem:s1+$0x14070]  }
0x20b: {  	v25 =	vor.u32 v3, v25;
	s1 =	sand.u32 $0x3FFFFF80, s19;
	v62 =	vmul.f32 v40, v17;
	v19 =	vmul.f32 v19, v17;
	v18 =	vld.idx.msk [tilespmem:v18+s14+$0x0], $0xffff  }
0x20c: {  	v31 =	vmul.f32 v31, v17;
	v23 =	vmul.f32 v23, v17;
	v1 =	vadd.f32 v30, v1;
	v30 =	vld [tilespmem:s1+$0x14000]  }
0x20d: {  	v25 =	vbroadcast v25, $0x0;
	v12 =	vmul.f32 v12, v17;
	v14 =	vadd.f32 v52, v14;
	v63 =	vld [tilespmem:s1+$0x14010]  }
0x20e: {  	v39 =	vmul.f32 v24, v17;
	v13 =	vadd.f32 v54, v13;
	v10 =	vadd.f32 v55, v10;
	v29 =	vld [tilespmem:s1+$0x14020]  }
0x20f: {  	s18 =	sor.u32 $0xE, s0;
	v11 =	vmul.f32 v11, v17;
	v6 =	vadd.f32 v57, v6;
	v9 =	vadd.f32 v58, v9;
	v17 =	vld [tilespmem:s1+$0x14040]  }
0x210: {  	s31 =	sor.u32 $0xD, s0;
	v45 =	vmov s18;
	v7 =	vadd.f32 v38, v7;
	v8 =	vadd.f32 v59, v8;
	v24 =	vld [tilespmem:s1+$0x14050]  }
0x211: {  	v42 =	vmov s31;
	v20 =	vld.idx.msk [tilespmem:v20+s14+$0x0], $0xffff;
	v14 =	vadd.f32 v60, v14;
	v13 =	vadd.f32 v62, v13  }
0x212: {  	v10 =	vadd.f32 v19, v10;
	v19 =	vld [tilespmem:s1+$0x14030];
	v7 =	vadd.f32 v12, v7;
	v12 =	vmul.f32 v21, v18  }
0x213: {  	s12 =	sshll.u32 s31, $0x7;
	s31 =	sor.u32 $0xF, s0;
	v9 =	vadd.f32 v23, v9;
	v1 =	vadd.f32 v11, v1;
	v23 =	vld [tilespmem:s1+$0x14060];
	v11 =	vmul.f32 v27, v18  }
0x214: {  	v61 =	vmov s31;
	v6 =	vadd.f32 v31, v6;
	v12 =	vadd.f32 v12, v14;
	v14 =	vld [tilespmem:s1+$0x14070]  }
0x215: {  	v8 =	vadd.f32 v39, v8;
	v10 =	vadd.f32 v11, v10;
	v11 =	vmul.f32 v15, v18;
	v15 =	vld.idx.msk [tilespmem:v25+s14+$0x0], $0xffff;
	s1 =	sand.u32 $0x3FFFFF80, s12  }
0x216: {  	v40 =	vmul.f32 v26, v18;
	v22 =	vmul.f32 v22, v18;
	v21 =	vand.u32 $0x7D, v42;
	v25 =	vld [tilespmem:s1+$0x14000]  }
0x217: {  	v46 =	vmul.f32 v28, v18;
	v26 =	vand.u32 $0x7E, v45;
	v48 =	vmul.f32 v32, v18;
	v47 =	vld [tilespmem:s1+$0x14010]  }
0x218: {  	v21 =	vor.u32 v3, v21;
	v26 =	vor.u32 v3, v26;
	v13 =	vadd.f32 v40, v13;
	v49 =	vld [tilespmem:s1+$0x14020]  }
0x219: {  	v21 =	vbroadcast v21, $0x0;
	v51 =	vbroadcast v26, $0x0;
	v9 =	vadd.f32 v22, v9;
	v50 =	vld [tilespmem:s1+$0x14030]  }
0x21a: {  	v7 =	vadd.f32 v46, v7;
	v52 =	vmul.f32 v33, v20;
	v55 =	vmul.f32 v44, v20;
	v53 =	vld [tilespmem:s1+$0x14040]  }
0x21b: {  	v8 =	vadd.f32 v48, v8;
	v56 =	vmul.f32 v56, v20;
	v59 =	vmul.f32 v41, v20;
	v54 =	vld [tilespmem:s1+$0x14050]  }
0x21c: {  	s19 =	sshll.u32 s18, $0x7;
	v60 =	vmul.f32 v34, v20;
	v57 =	vld [tilespmem:s1+$0x14060];
	v6 =	vadd.f32 v11, v6;
	v11 =	vmul.f32 v16, v18  }
0x21d: {  	v58 =	vld [tilespmem:s1+$0x14070];
	s1 =	sand.u32 $0x3FFFFF80, s19;
	v12 =	vadd.f32 v52, v12;
	v10 =	vadd.f32 v55, v10;
	v18 =	vand.u32 $0x7F, v61  }
0x21e: {  	v62 =	vld [tilespmem:s1+$0x14000];
	v18 =	vor.u32 v3, v18;
	v1 =	vadd.f32 v11, v1;
	v11 =	vmul.f32 v43, v20  }
0x21f: {  	v7 =	vadd.f32 v59, v7;
	v39 =	vld [tilespmem:s1+$0x14020];
	v18 =	vbroadcast v18, $0x0;
	v30 =	vmul.f32 v30, v15  }
0x220: {  	v8 =	vadd.f32 v60, v8;
	v40 =	vld [tilespmem:s1+$0x14030];
	v63 =	vmul.f32 v63, v15;
	v38 =	vmul.f32 v29, v15  }
0x221: {  	v6 =	vadd.f32 v56, v6;
	v19 =	vmul.f32 v19, v15;
	v41 =	vmul.f32 v24, v15;
	v21 =	vld.idx.msk [tilespmem:v21+s14+$0x0], $0xffff  }
0x222: {  	v42 =	vld [tilespmem:s1+$0x14040];
	v43 =	vmul.f32 v23, v15;
	v11 =	vadd.f32 v11, v13;
	v13 =	vmul.f32 v37, v20  }
0x223: {  	s0 =	sshll.u32 s31, $0x7;
	v45 =	vld [tilespmem:s1+$0x14060];
	v20 =	vmul.f32 v35, v20;
	v12 =	vadd.f32 v30, v12;
	v10 =	vadd.f32 v38, v10  }
0x224: {  	s0 =	sand.u32 $0x3FFFFF80, s0;
	v46 =	vld [tilespmem:s1+$0x14070];
	v17 =	vmul.f32 v17, v15;
	v6 =	vadd.f32 v19, v6;
	v7 =	vadd.f32 v41, v7  }
0x225: {  	v52 =	vld [tilespmem:s0+$0x14020];
	v14 =	vmul.f32 v14, v15;
	v8 =	vadd.f32 v43, v8;
	v1 =	vadd.f32 v20, v1  }
0x226: {  	v37 =	vld [tilespmem:s1+$0x14010];
	v9 =	vadd.f32 v13, v9;
	v11 =	vadd.f32 v63, v11;
	v44 =	vmul.f32 v25, v21  }
0x227: {  	v13 =	vld.idx.msk [tilespmem:v51+s14+$0x0], $0xffff;
	v1 =	vadd.f32 v14, v1;
	v14 =	vmul.f32 v47, v21;
	v47 =	vmul.f32 v49, v21  }
0x228: {  	v55 =	vld [tilespmem:s0+$0x14030];
	v9 =	vadd.f32 v17, v9;
	v16 =	vmul.f32 v50, v21;
	v48 =	vmul.f32 v54, v21  }
0x229: {  	v59 =	vld [tilespmem:s0+$0x14050];
	v12 =	vadd.f32 v44, v12;
	v11 =	vadd.f32 v14, v11;
	v14 =	vmul.f32 v53, v21  }
0x22a: {  	v15 =	vld [tilespmem:s1+$0x14050];
	v50 =	vmul.f32 v57, v21;
	v10 =	vadd.f32 v47, v10;
	v6 =	vadd.f32 v16, v6  }
0x22b: {  	v51 =	vld [tilespmem:s0+$0x14010];
	v7 =	vadd.f32 v48, v7;
	v9 =	vadd.f32 v14, v9;
	v14 =	vmul.f32 v58, v21  }
0x22c: {  	v18 =	vld.idx.msk [tilespmem:v18+s14+$0x0], $0xffff;
	v8 =	vadd.f32 v50, v8;
	v53 =	vmul.f32 v62, v13;
	v54 =	vmul.f32 v37, v13  }
0x22d: {  	v49 =	vld [tilespmem:s0+$0x14000];
	v56 =	vmul.f32 v40, v13;
	v1 =	vadd.f32 v14, v1;
	v14 =	vmul.f32 v39, v13  }
0x22e: {  	v61 =	vld [tilespmem:s0+$0x14070];
	v60 =	vmul.f32 v45, v13;
	v12 =	vadd.f32 v53, v12;
	v11 =	vadd.f32 v54, v11  }
0x22f: {  	v57 =	vld [tilespmem:s0+$0x14040];
	v58 =	vmul.f32 v42, v13;
	v10 =	vadd.f32 v14, v10;
	v14 =	vmul.f32 v15, v13  }
0x230: {  	v6 =	vadd.f32 v56, v6;
	v16 =	vadd.f32 v60, v8;
	v15 =	vld [tilespmem:s0+$0x14060];
	v13 =	vmul.f32 v46, v13  }
0x231: {  	v63 =	vmul.f32 v59, v18;
	v62 =	vadd.f32 v14, v7;
	v14 =	vmul.f32 v51, v18  }
0x232: {  	v7 =	vmul.f32 v49, v18;
	v1 =	vadd.f32 v13, v1;
	v13 =	vmul.f32 v52, v18  }
0x233: {  	v9 =	vadd.f32 v58, v9;
	v8 =	vadd.f32 v14, v11;
	v11 =	vmul.f32 v55, v18  }
0x234: {  	v7 =	vadd.f32 v7, v12;
	v13 =	vadd.f32 v13, v10;
	v10 =	vmul.f32 v57, v18  }
0x235: {  	v12 =	vadd.f32 v11, v6;
	v6 =	vmul.f32 v15, v18;
	v15 =	vmul.f32 v61, v18  }
0x236: {  	v14 =	vadd.f32 v10, v9;
	v11 =	vadd.f32 v63, v62  }
0x237: {  	v10 =	vadd.f32 v6, v16;
	v9 =	vadd.f32 v15, v1  }
.LBB2_20:
0x238: {  	s30 =	sadd.s32 $0x1, s30  }
0x239: {  	p1 =	sne.s32 s30, $0x8  }
.Ltmp13:
0x23a: {  	_ = 	snop;
	(pc) =	sbr.rel @!p1 .LBB2_21-.Ltmp13, $2  }
0x23b: {  	_ =	sdelay $0x2  }
0x23c: {  	s28 =	sadd.s32 $0x10, s28;
	s29 =	sadd.s32 $0x800, s29  }
.LBB2_15:
0x23d: {  	_ =	sdelay $0x2  }
0x23e: {  	s0 =	sshll.u32 s30, $0x4  }
0x23f: {  	v1 =	vld.idx.msk [tilespmem:v5+s0+$0x0 ss:$0x1], $0xffff;
	_ =	sdelay $0x4  }
0x240: {  	vm0 =	veq.s32 v1, v2  }
0x241: {  	v1 =	vsel vm0, $0x3F800000, v0  }
0x242: {  	(xrf0) =	vmin.scan.msk.f32 $0xffff, v1;
	_ =	sdelay $0x5  }
0x243: {  	v1, _, _ =	vpop (xrf0)  }
0x244: {  	(v2sf) =	vpush v1, $0xF;
	_ =	sdelay $0xe  }
0x245: {  	s1 =	spop (v2sf)  }
0x246: {  	p1 =	sgt.f32 s1, $0.0e+00  }
.Ltmp14:
0x247: {  	_ = 	snop;
	(pc) =	sbr.rel @p1 .LBB2_16-.Ltmp14, $1  }
0x248: {  	_ =	sdelay $0x3  }
0x249: {  	s0 =	sadd.s32 $0x0, s28  }
0x24a: {  	v1 =	vmov s0  }
0x24b: {  	v6 =	vand.u32 $0x7FFFFF80, v1  }
0x24c: {  	v1 =	vand.u32 $0x7F, v1;
	v6 =	vadd.s32 v4, v6  }
0x24d: {  	v1 =	vor.u32 v1, v6;
	_ =	sdelay $0x4  }
0x24e: {  	v15 =	vld.idx.msk [tilespmem:v1+s15+$0x0], $0xffff;
	_ =	sdelay $0x4  }
0x24f: {  	vm0 =	veq.s32 v15, v2  }
0x250: {  	v6 =	vsel vm0, $0x3F800000, v0  }
0x251: {  	(xrf0) =	vmin.scan.msk.f32 $0xffff, v6;
	_ =	sdelay $0x5  }
0x252: {  	v6, _, _ =	vpop (xrf0)  }
0x253: {  	(v2sf) =	vpush v6, $0xF;
	_ =	sdelay $0xd  }
0x254: {  	s31 =	sadd.s32 $0x2, s28  }
0x255: {  	s19 =	sadd.s32 $0x1, s28;
	v17 =	vmov s31;
	s1 =	spop (v2sf)  }
0x256: {  	v18 =	vand.u32 $0x7FFFFF80, v17;
	v17 =	vand.u32 $0x7F, v17;
	v6 =	vmov s19;
	p1 =	sgt.f32 s1, $0.0e+00  }
0x257: {  	v18 =	vadd.s32 v4, v18;
	v16 =	vand.u32 $0x7FFFFF80, v6;
	v6 =	vand.u32 $0x7F, v6  }
0x258: {  	v16 =	vadd.s32 v4, v16;
	v21 =	vshll.u32 @!p1 v2, $0x7;
	v22 =	vlaneseq.u32 @!p1  }
0x259: {  	v2 =	vor.u32 v6, v16;
	v6 =	vor.u32 v17, v18;
	v24 =	vor.u32 @!p1 v22, v21  }
0x25a: {  	v16 =	vor.u32 @!p1 $0x10, v22;
	v18 =	vor.u32 @!p1 $0x50, v22;
	v19 =	vor.u32 @!p1 $0x20, v22  }
0x25b: {  	v23 =	vor.u32 @!p1 $0x40, v22;
	v25 =	vor.u32 @!p1 $0x60, v22;
	v17 =	vor.u32 @!p1 v16, v21  }
0x25c: {  	v26 =	vor.u32 @!p1 $0x70, v22;
	v16 =	vor.u32 @!p1 $0x30, v22;
	v20 =	vor.u32 @!p1 v19, v21  }
0x25d: {  	s0 =	sadd.s32 $0x80, s29;
	s12 =	simm.s32 @!p1 $0x0;
	v18 =	vor.u32 @!p1 v18, v21;
	v23 =	vor.u32 @!p1 v23, v21;
	v19 =	vor.u32 @!p1 v16, v21;
	v16 =	vld.idx.msk [tilespmem:v1+s14+$0x0], $0xffff  }
0x25e: {  	s9 =	simm.s32 $0x3;
	s19 =	smov.u32 s29;
	s1 =	smov.u32 s0;
	v22 =	vor.u32 @!p1 v25, v21;
	v21 =	vor.u32 @!p1 v26, v21;
	[tilespmem:v24+s12+$0x0] =	vst.idx.add.f32.msk @!p1 $0xffff, v7  }
.LBB2_18:
0x25f: {  	s0 =	sadd.s32 $0x80, s0;
	s18 =	smov.u32 s9;
	s9 =	sadd.s32 $0x1, s9  }
0x260: {  	p2 =	sne.s32 s9, $0x10;
	[tilespmem:v17+s12+$0x0] =	vst.idx.add.f32.msk @!p1 $0xffff, v8  }
0x261: {  	[tilespmem:v20+s12+$0x0] =	vst.idx.add.f32.msk @!p1 $0xffff, v13  }
0x262: {  	[tilespmem:v19+s12+$0x0] =	vst.idx.add.f32.msk @!p1 $0xffff, v12  }
0x263: {  	[tilespmem:v23+s12+$0x0] =	vst.idx.add.f32.msk @!p1 $0xffff, v14  }
0x264: {  	[tilespmem:v18+s12+$0x0] =	vst.idx.add.f32.msk @!p1 $0xffff, v11  }
0x265: {  	[tilespmem:v22+s12+$0x0] =	vst.idx.add.f32.msk @!p1 $0xffff, v10  }
0x266: {  	[tilespmem:v21+s12+$0x0] =	vst.idx.add.f32.msk @!p1 $0xffff, v9  }
0x267: {  	v1 =	vld.idx.msk [tilespmem:v2+s15+$0x0], $0xffff  }
0x268: {  	v17 =	vld [tilespmem:s19+$0x10]  }
0x269: {  	v18 =	vld [tilespmem:s19+$0xFFFFFFC0]  }
0x26a: {  	v19 =	vld [tilespmem:s19+$0xFFFFFFD0]  }
0x26b: {  	v20 =	vld [tilespmem:s19+$0xFFFFFFE0]  }
0x26c: {  	v14 =	vpsel !p1, $0x0, v14;
	v21 =	vld [tilespmem:s19+$0x0]  }
0x26d: {  	vm0 =	veq.s32 v1, v15;
	v17 =	vmul.f32 v17, v16;
	v22 =	vld [tilespmem:s19+$0x20]  }
0x26e: {  	v11 =	vpsel !p1, $0x0, v11;
	v23 =	vsel vm0, $0x3F800000, v0;
	v18 =	vmul.f32 v18, v16;
	v24 =	vld [tilespmem:s19+$0x30]  }
0x26f: {  	v7 =	vpsel !p1, $0x0, v7;
	(xrf0) =	vmin.scan.msk.f32 $0xffff, v23;
	v19 =	vmul.f32 v19, v16;
	v11 =	vadd.f32 v17, v11  }
0x270: {  	v8 =	vpsel !p1, $0x0, v8;
	v7 =	vadd.f32 v18, v7;
	v17 =	vmul.f32 v20, v16  }
0x271: {  	v13 =	vpsel !p1, $0x0, v13;
	v8 =	vadd.f32 v19, v8;
	v18 =	vmul.f32 v21, v16  }
0x272: {  	v13 =	vadd.f32 v17, v13;
	v19 =	vmul.f32 v22, v16  }
0x273: {  	v10 =	vpsel !p1, $0x0, v10;
	v14 =	vadd.f32 v18, v14;
	v18 =	vmul.f32 v24, v16  }
0x274: {  	v9 =	vpsel !p1, $0x0, v9;
	v10 =	vadd.f32 v19, v10  }
0x275: {  	v17, _, _ =	vpop (xrf0);
	v9 =	vadd.f32 v18, v9  }
0x276: {  	(v2sf) =	vpush v17, $0xF;
	_ =	sdelay $0x4  }
0x277: {  	v17 =	vld [tilespmem:s19+$0xFFFFFFF0];
	s19 =	smov.u32 s1;
	s1 =	smov.u32 s0;
	_ =	sdelay $0x4  }
0x278: {  	s12 =	sadd.s32 s18, s28;
	v16 =	vmul.f32 v17, v16  }
0x279: {  	v12 =	vpsel !p1, $0x0, v12;
	v17 =	vmov s12  }
0x27a: {  	v18 =	vand.u32 $0x7FFFFF80, v17;
	v12 =	vadd.f32 v16, v12  }
0x27b: {  	v16 =	vand.u32 $0x7F, v17;
	v17 =	vadd.s32 v4, v18  }
0x27c: {  	v24 =	vor.u32 v16, v17  }
0x27d: {  	s12 =	spop (v2sf)  }
0x27e: {  	p1 =	sgt.f32 s12, $0.0e+00;
	_ =	sdelay $0x1  }
0x27f: {  	v21 =	vshll.u32 @!p1 v15, $0x7;
	v16 =	vlaneseq.u32 @!p1;
	v15 =	vmov v1  }
0x280: {  	v1 =	vor.u32 @!p1 v16, v21;
	v17 =	vor.u32 @!p1 $0x10, v16;
	v18 =	vor.u32 @!p1 $0x50, v16  }
.Ltmp15:
0x281: {  	v19 =	vor.u32 @!p1 $0x20, v16;
	v22 =	vor.u32 @!p1 $0x30, v16;
	v17 =	vor.u32 @!p1 v17, v21;
	(pc) =	sbr.rel @p2 .LBB2_18-.Ltmp15, $4  }
0x282: {  	v20 =	vor.u32 @!p1 v19, v21;
	v19 =	vor.u32 @!p1 v22, v21;
	v22 =	vor.u32 @!p1 $0x40, v16  }
0x283: {  	v25 =	vor.u32 @!p1 $0x60, v16;
	v26 =	vor.u32 @!p1 $0x70, v16;
	v18 =	vor.u32 @!p1 v18, v21  }
0x284: {  	s12 =	simm.s32 @!p1 $0x0;
	v23 =	vor.u32 @!p1 v22, v21;
	v22 =	vor.u32 @!p1 v25, v21;
	v21 =	vor.u32 @!p1 v26, v21;
	v16 =	vld.idx.msk [tilespmem:v2+s14+$0x0], $0xffff  }
0x285: {  	v2 =	vmov v6;
	v6 =	vmov v24;
	[tilespmem:v1+s12+$0x0] =	vst.idx.add.f32.msk @!p1 $0xffff, v7  }
0x286: {  	_ =	sdelay $0x3  }
0x287: {  	[tilespmem:v17+s12+$0x0] =	vst.idx.add.f32.msk @!p1 $0xffff, v8  }
0x288: {  	[tilespmem:v20+s12+$0x0] =	vst.idx.add.f32.msk @!p1 $0xffff, v13  }
0x289: {  	[tilespmem:v19+s12+$0x0] =	vst.idx.add.f32.msk @!p1 $0xffff, v12  }
0x28a: {  	[tilespmem:v23+s12+$0x0] =	vst.idx.add.f32.msk @!p1 $0xffff, v14  }
0x28b: {  	[tilespmem:v18+s12+$0x0] =	vst.idx.add.f32.msk @!p1 $0xffff, v11  }
0x28c: {  	[tilespmem:v22+s12+$0x0] =	vst.idx.add.f32.msk @!p1 $0xffff, v10  }
0x28d: {  	[tilespmem:v21+s12+$0x0] =	vst.idx.add.f32.msk @!p1 $0xffff, v9  }
0x28e: {  	v1 =	vld.idx.msk [tilespmem:v2+s15+$0x0], $0xffff;
	_ =	sdelay $0x4  }
0x28f: {  	vm0 =	veq.s32 v1, v15  }
0x290: {  	v51 =	vsel vm0, $0x3F800000, v0  }
0x291: {  	(xrf0) =	vmin.scan.msk.f32 $0xffff, v51;
	_ =	sdelay $0x5  }
0x292: {  	v17, _, _ =	vpop (xrf0)  }
0x293: {  	(v2sf) =	vpush v17, $0xF;
	_ =	sdelay $0x9  }
0x294: {  	v18 =	vld [tilespmem:s19+$0xFFFFFFC0]  }
0x295: {  	v19 =	vld [tilespmem:s19+$0xFFFFFFD0]  }
0x296: {  	v20 =	vld [tilespmem:s19+$0xFFFFFFE0]  }
0x297: {  	v21 =	vld [tilespmem:s19+$0xFFFFFFF0];
	_ =	sdelay $0x1  }
0x298: {  	v7 =	vpsel !p1, $0x0, v7;
	v8 =	vpsel !p1, $0x0, v8;
	s9 =	spop (v2sf)  }
0x299: {  	v13 =	vpsel !p1, $0x0, v13;
	v12 =	vpsel !p1, $0x0, v12;
	v22 =	vld [tilespmem:s19+$0x0];
	v18 =	vmul.f32 v18, v16;
	p2 =	sgt.f32 s9, $0.0e+00  }
0x29a: {  	v14 =	vpsel !p1, $0x0, v14;
	v24 =	vld [tilespmem:s19+$0x20];
	v19 =	vmul.f32 v19, v16;
	v53 =	vmul.f32 v20, v16  }
0x29b: {  	v21 =	vmul.f32 v21, v16;
	v15 =	vshll.u32 @!p2 v15, $0x7;
	v20 =	vlaneseq.u32 @!p2  }
0x29c: {  	v8 =	vadd.f32 v19, v8;
	v19 =	vor.u32 @!p2 v20, v15;
	v23 =	vor.u32 @!p2 $0x10, v20  }
0x29d: {  	v52 =	vld [tilespmem:s19+$0x10];
	v7 =	vadd.f32 v18, v7;
	v18 =	vor.u32 @!p2 v23, v15;
	v23 =	vor.u32 @!p2 $0x20, v20  }
0x29e: {  	v22 =	vmul.f32 v22, v16;
	v25 =	vor.u32 @!p2 $0x30, v20;
	v23 =	vor.u32 @!p2 v23, v15  }
0x29f: {  	v26 =	vld [tilespmem:s19+$0x30];
	v54 =	vmul.f32 v24, v16;
	v27 =	vor.u32 @!p2 $0x40, v20;
	v25 =	vor.u32 @!p2 v25, v15  }
0x2a0: {  	v28 =	vld.idx.msk [tilespmem:v2+s14+$0x0], $0xffff;
	v12 =	vadd.f32 v21, v12;
	s9 =	simm.s32 @!p2 $0x0;
	v21 =	vor.u32 @!p2 $0x50, v20;
	v2 =	vor.u32 @!p2 v27, v15  }
0x2a1: {  	v13 =	vadd.f32 v53, v13;
	v21 =	vor.u32 @!p2 v21, v15;
	[tilespmem:v19+s9+$0x0] =	vst.idx.add.f32.msk @!p2 $0xffff, v7;
	v19 =	vor.u32 @!p2 $0x60, v20  }
0x2a2: {  	v17 =	vmul.f32 v52, v16;
	v20 =	vor.u32 @!p2 $0x70, v20;
	[tilespmem:v18+s9+$0x0] =	vst.idx.add.f32.msk @!p2 $0xffff, v8;
	v19 =	vor.u32 @!p2 v19, v15  }
0x2a3: {  	v11 =	vpsel !p1, $0x0, v11;
	v14 =	vadd.f32 v22, v14;
	v15 =	vor.u32 @!p2 v20, v15;
	[tilespmem:v23+s9+$0x0] =	vst.idx.add.f32.msk @!p2 $0xffff, v13  }
0x2a4: {  	v10 =	vpsel !p1, $0x0, v10;
	v55 =	vmul.f32 v26, v16;
	v11 =	vadd.f32 v17, v11;
	[tilespmem:v25+s9+$0x0] =	vst.idx.add.f32.msk @!p2 $0xffff, v12  }
0x2a5: {  	v9 =	vpsel !p1, $0x0, v9;
	v10 =	vadd.f32 v54, v10;
	[tilespmem:v2+s9+$0x0] =	vst.idx.add.f32.msk @!p2 $0xffff, v14  }
0x2a6: {  	v9 =	vadd.f32 v55, v9;
	[tilespmem:v21+s9+$0x0] =	vst.idx.add.f32.msk @!p2 $0xffff, v11  }
0x2a7: {  	[tilespmem:v19+s9+$0x0] =	vst.idx.add.f32.msk @!p2 $0xffff, v10  }
0x2a8: {  	[tilespmem:v15+s9+$0x0] =	vst.idx.add.f32.msk @!p2 $0xffff, v9  }
0x2a9: {  	v2 =	vld.idx.msk [tilespmem:v6+s15+$0x0], $0xffff;
	_ =	sdelay $0x4  }
0x2aa: {  	vm15 =	veq.s32 v2, v1  }
0x2ab: {  	v15 =	vsel vm15, $0x3F800000, v0  }
0x2ac: {  	(xrf0) =	vmin.scan.msk.f32 $0xffff, v15;
	_ =	sdelay $0x5  }
0x2ad: {  	v15, _, _ =	vpop (xrf0)  }
0x2ae: {  	(v2sf) =	vpush v15, $0xF;
	_ =	sdelay $0x8  }
0x2af: {  	v56 =	vld [tilespmem:s1+$0xFFFFFFD0]  }
0x2b0: {  	v15 =	vld [tilespmem:s1+$0xFFFFFFC0];
	_ =	sdelay $0x2  }
0x2b1: {  	v57 =	vld [tilespmem:s1+$0xFFFFFFE0]  }
0x2b2: {  	v58 =	vld [tilespmem:s1+$0x0]  }
0x2b3: {  	v16 =	vmul.f32 v56, v28;
	v15 =	vmul.f32 v15, v28;
	s31 =	spop (v2sf)  }
0x2b4: {  	v7 =	vpsel !p2, $0x0, v7;
	v8 =	vpsel !p2, $0x0, v8;
	v13 =	vpsel !p2, $0x0, v13;
	p1 =	sgt.f32 s31, $0.0e+00  }
0x2b5: {  	v14 =	vpsel !p2, $0x0, v14;
	v59 =	vld [tilespmem:s1+$0xFFFFFFF0];
	v8 =	vadd.f32 v16, v8;
	v7 =	vadd.f32 v15, v7  }
0x2b6: {  	v15 =	vmul.f32 v57, v28;
	v1 =	vshll.u32 @!p1 v1, $0x7;
	v16 =	vlaneseq.u32 @!p1  }
0x2b7: {  	v18 =	vmul.f32 v58, v28;
	v19 =	vor.u32 @!p1 v16, v1;
	v20 =	vor.u32 @!p1 $0x10, v16  }
0x2b8: {  	v21 =	vld [tilespmem:s1+$0x10];
	v13 =	vadd.f32 v15, v13;
	v15 =	vor.u32 @!p1 v20, v1;
	v20 =	vor.u32 @!p1 $0x20, v16  }
0x2b9: {  	v60 =	vld [tilespmem:s1+$0x20];
	v14 =	vadd.f32 v18, v14;
	v18 =	vor.u32 @!p1 $0x30, v16;
	v20 =	vor.u32 @!p1 v20, v1  }
0x2ba: {  	v23 =	vld [tilespmem:s1+$0x30];
	v17 =	vmul.f32 v59, v28;
	v24 =	vor.u32 @!p1 $0x40, v16;
	v18 =	vor.u32 @!p1 v18, v1  }
0x2bb: {  	v12 =	vpsel !p2, $0x0, v12;
	v6 =	vld.idx.msk [tilespmem:v6+s14+$0x0], $0xffff;
	s1 =	simm.s32 @!p1 $0x0;
	v25 =	vor.u32 @!p1 $0x50, v16;
	v24 =	vor.u32 @!p1 v24, v1  }
0x2bc: {  	v12 =	vadd.f32 v17, v12;
	v17 =	vor.u32 @!p1 v25, v1;
	[tilespmem:v19+s1+$0x0] =	vst.idx.add.f32.msk @!p1 $0xffff, v7;
	v19 =	vor.u32 @!p1 $0x60, v16  }
0x2bd: {  	v16 =	vor.u32 @!p1 $0x70, v16;
	[tilespmem:v15+s1+$0x0] =	vst.idx.add.f32.msk @!p1 $0xffff, v8;
	v15 =	vmul.f32 v21, v28;
	v19 =	vor.u32 @!p1 v19, v1  }
0x2be: {  	v11 =	vpsel !p2, $0x0, v11;
	v61 =	vmul.f32 v60, v28;
	v1 =	vor.u32 @!p1 v16, v1;
	[tilespmem:v20+s1+$0x0] =	vst.idx.add.f32.msk @!p1 $0xffff, v13  }
0x2bf: {  	v10 =	vpsel !p2, $0x0, v10;
	v11 =	vadd.f32 v15, v11;
	v15 =	vmul.f32 v23, v28;
	[tilespmem:v18+s1+$0x0] =	vst.idx.add.f32.msk @!p1 $0xffff, v12  }
0x2c0: {  	v9 =	vpsel !p2, $0x0, v9;
	v10 =	vadd.f32 v61, v10;
	[tilespmem:v24+s1+$0x0] =	vst.idx.add.f32.msk @!p1 $0xffff, v14  }
0x2c1: {  	v9 =	vadd.f32 v15, v9;
	[tilespmem:v17+s1+$0x0] =	vst.idx.add.f32.msk @!p1 $0xffff, v11  }
0x2c2: {  	[tilespmem:v19+s1+$0x0] =	vst.idx.add.f32.msk @!p1 $0xffff, v10  }
0x2c3: {  	s0 =	sadd.s32 $0x80, s0;
	[tilespmem:v1+s1+$0x0] =	vst.idx.add.f32.msk @!p1 $0xffff, v9  }
0x2c4: {  	v1 =	vld [tilespmem:s0+$0x10]  }
0x2c5: {  	v15 =	vld [tilespmem:s0+$0xFFFFFFC0]  }
0x2c6: {  	v62 =	vld [tilespmem:s0+$0xFFFFFFD0]  }
0x2c7: {  	v17 =	vld [tilespmem:s0+$0xFFFFFFE0]  }
0x2c8: {  	v18 =	vld [tilespmem:s0+$0x0]  }
0x2c9: {  	v19 =	vld [tilespmem:s0+$0x20]  }
0x2ca: {  	v20 =	vld [tilespmem:s0+$0x30];
	v1 =	vmul.f32 v1, v6  }
0x2cb: {  	v7 =	vpsel !p1, $0x0, v7;
	v11 =	vpsel !p1, $0x0, v11;
	v63 =	vld [tilespmem:s0+$0xFFFFFFF0];
	v15 =	vmul.f32 v15, v6  }
0x2cc: {  	v13 =	vpsel !p1, $0x0, v13;
	v16 =	vmul.f32 v62, v6;
	v11 =	vadd.f32 v1, v11  }
0x2cd: {  	v1 =	vpsel !p1, $0x0, v8;
	v7 =	vadd.f32 v15, v7;
	v15 =	vmul.f32 v17, v6  }
.Ltmp16:
0x2ce: {  	v14 =	vpsel !p1, $0x0, v14;
	v8 =	vadd.f32 v16, v1;
	v1 =	vmul.f32 v18, v6;
	(pc) =	sbr.rel .LBB2_20-.Ltmp16, $4  }
0x2cf: {  	v10 =	vpsel !p1, $0x0, v10;
	v13 =	vadd.f32 v15, v13;
	v15 =	vmul.f32 v19, v6  }
0x2d0: {  	v14 =	vadd.f32 v1, v14;
	v1 =	vmul.f32 v20, v6;
	v6 =	vmul.f32 v63, v6  }
0x2d1: {  	v12 =	vpsel !p1, $0x0, v12;
	v9 =	vpsel !p1, $0x0, v9;
	v10 =	vadd.f32 v15, v10  }
0x2d2: {  	v9 =	vadd.f32 v1, v9;
	v12 =	vadd.f32 v6, v12  }
.LBB2_23:
0x2d3: {  	v1 =	vshll.u32 v2, $0x7;
	v2 =	vlaneseq.u32  }
0x2d4: {  	v15 =	vor.u32 v2, v1;
	v3 =	vor.u32 $0x10, v2  }
0x2d5: {  	[tilespmem:$0x1FFF0] =	vst v3;
	v16 =	vor.u32 v3, v1;
	v3 =	vor.u32 $0x20, v2  }
0x2d6: {  	v4 =	vor.u32 $0x30, v2;
	v17 =	vor.u32 v3, v1  }
0x2d7: {  	v5 =	vor.u32 $0x40, v2;
	v18 =	vor.u32 v4, v1  }
0x2d8: {  	v6 =	vor.u32 $0x50, v2;
	v19 =	vor.u32 v5, v1  }
0x2d9: {  	v62 =	vor.u32 v6, v1;
	[tilespmem:v15+s2+$0x0] =	vst.idx.add.f32.msk $0xffff, v7;
	v7 =	vor.u32 $0x60, v2  }
0x2da: {  	[tilespmem:v16+s2+$0x0] =	vst.idx.add.f32.msk $0xffff, v8;
	v63 =	vor.u32 v7, v1;
	v8 =	vor.u32 $0x70, v2  }
0x2db: {  	[tilespmem:v17+s2+$0x0] =	vst.idx.add.f32.msk $0xffff, v13;
	v1 =	vor.u32 v8, v1  }
.Ltmp17:
0x2dc: {  	[tilespmem:v18+s2+$0x0] =	vst.idx.add.f32.msk $0xffff, v12;
	(pc) =	sbr.rel @p0 .LBB2_37-.Ltmp17, $4  }
0x2dd: {  	[tilespmem:v19+s2+$0x0] =	vst.idx.add.f32.msk $0xffff, v14  }
0x2de: {  	[tilespmem:v62+s2+$0x0] =	vst.idx.add.f32.msk $0xffff, v11  }
0x2df: {  	[tilespmem:v63+s2+$0x0] =	vst.idx.add.f32.msk $0xffff, v10  }
0x2e0: {  	[tilespmem:v1+s2+$0x0] =	vst.idx.add.f32.msk $0xffff, v9  }
0x2e1: {  	[tilespmem:$0x1FFB0] =	vst v6  }
0x2e2: {  	[tilespmem:$0x1FFC0] =	vst v5  }
0x2e3: {  	[tilespmem:$0x1FFD0] =	vst v4  }
.Ltmp18:
0x2e4: {  	[tilespmem:$0x1FFE0] =	vst v3;
	s0 =	rddreg [dreg:$0x3];
	s1 =	simm.s32 $0x10000;
	(pc) =	sbr.rel .LBB2_25-.Ltmp18, $4  }
0x2e5: {  	[tilespmem:s1], [sflag:$0x4] =	stream.strided.gather [hbm4b:s0+s16], $0x1000, s17, s16, $0x38;
	[tilespmem:$0x1A000] =	vst v63  }
0x2e6: {  	v11 =	vimm.f32 $0.0e+00;
	v9 =	vimm.s32 $0x0;
	v10 =	vimm.f32 $0.0e+00;
	_ =	swait.ge [sflag:s23], $0x1000  }
0x2e7: {  	v12 =	vimm.f32 $0.0e+00;
	v13 =	vimm.f32 $0.0e+00;
	v14 =	vimm.f32 $0.0e+00;
	p2 =	por $0x1, $0x1;
	[sflag:s23] =	ssyncset.done $0x0  }
0x2e8: {  	s25 =	simm.s32 $0x10;
	v15 =	vimm.f32 $0.0e+00;
	v17 =	vimm.f32 $0.0e+00;
	v16 =	vimm.f32 $0.0e+00;
	s0 =	simm.s32 $0x0;
	[sflag:s23] =	ssyncadd.s32 $0xFFFFF000  }
.LBB2_39:
0x2e9: {  	s0 =	sand.u32 $0x3FFFF800, s0  }
0x2ea: {  	v19 =	vld [tilespmem:s0+$0x10000]  }
0x2eb: {  	v29 =	vld [tilespmem:s0+$0x10010]  }
0x2ec: {  	v30 =	vld [tilespmem:s0+$0x10020]  }
0x2ed: {  	v31 =	vld [tilespmem:s0+$0x10030]  }
0x2ee: {  	v33 =	vld [tilespmem:s0+$0x10040]  }
0x2ef: {  	s1 =	sor.u32 $0x1, s28;
	v36 =	vld [tilespmem:s0+$0x10050]  }
0x2f0: {  	v40 =	vld [tilespmem:s0+$0x10060];
	s19 =	sshll.u32 s1, $0x7  }
0x2f1: {  	v41 =	vld [tilespmem:s0+$0x10070];
	s0 =	sand.u32 $0x3FFFFF80, s19  }
0x2f2: {  	v42 =	vld [tilespmem:s0+$0x10000]  }
0x2f3: {  	v43 =	vld [tilespmem:s0+$0x10010]  }
0x2f4: {  	v44 =	vld [tilespmem:s0+$0x10020]  }
0x2f5: {  	v45 =	vld [tilespmem:s0+$0x10030]  }
0x2f6: {  	v46 =	vld [tilespmem:s0+$0x10040]  }
0x2f7: {  	s26 =	sor.u32 $0x2, s28;
	v47 =	vld [tilespmem:s0+$0x10050]  }
0x2f8: {  	s29 =	sshll.u32 s26, $0x7;
	v48 =	vld [tilespmem:s0+$0x10060]  }
0x2f9: {  	v18 =	vmov s1;
	v49 =	vld [tilespmem:s0+$0x10070];
	s0 =	sand.u32 $0x3FFFFF80, s29  }
0x2fa: {  	v18 =	vand.u32 $0x71, v18;
	v51 =	vld [tilespmem:s0+$0x10000]  }
0x2fb: {  	v18 =	vor.u32 $0xC00, v18;
	v52 =	vld [tilespmem:s0+$0x10010]  }
0x2fc: {  	v18 =	vbroadcast v18, $0x0;
	v53 =	vld [tilespmem:s0+$0x10020]  }
0x2fd: {  	v1 =	vmov s28;
	v54 =	vld [tilespmem:s0+$0x10030]  }
0x2fe: {  	v1 =	vand.u32 $0x70, v1;
	v55 =	vld [tilespmem:s0+$0x10040]  }
0x2ff: {  	v1 =	vor.u32 $0xC00, v1;
	v56 =	vld [tilespmem:s0+$0x10050]  }
0x300: {  	s30 =	sor.u32 $0x3, s28;
	v1 =	vbroadcast v1, $0x0;
	v57 =	vld [tilespmem:s0+$0x10060]  }
0x301: {  	s31 =	sshll.u32 s30, $0x7;
	v58 =	vld [tilespmem:s0+$0x10070]  }
0x302: {  	s0 =	sand.u32 $0x3FFFFF80, s31;
	v50 =	vld.idx.msk [tilespmem:v18+s14+$0x0], $0xffff;
	v18 =	vmov s26  }
0x303: {  	s18 =	sor.u32 $0x5, s28;
	v60 =	vld [tilespmem:s0+$0x10000];
	v18 =	vand.u32 $0x72, v18  }
0x304: {  	v21 =	vmov s18;
	v61 =	vld [tilespmem:s0+$0x10010];
	v18 =	vor.u32 $0xC00, v18  }
0x305: {  	v21 =	vand.u32 $0x75, v21;
	v62 =	vld [tilespmem:s0+$0x10020];
	v18 =	vbroadcast v18, $0x0  }
0x306: {  	v21 =	vor.u32 $0xC00, v21;
	v1 =	vld.idx.msk [tilespmem:v1+s14+$0x0], $0xffff  }
0x307: {  	v4 =	vbroadcast v21, $0x0;
	v63 =	vld [tilespmem:s0+$0x10030]  }
0x308: {  	v38 =	vld [tilespmem:s0+$0x10040]  }
0x309: {  	v39 =	vld [tilespmem:s0+$0x10050]  }
0x30a: {  	v34 =	vld [tilespmem:s0+$0x10060]  }
0x30b: {  	s9 =	sor.u32 $0x4, s28;
	v36 =	vmul.f32 v36, v1;
	v59 =	vld.idx.msk [tilespmem:v18+s14+$0x0], $0xffff;
	v18 =	vmov s30  }
0x30c: {  	s12 =	sshll.u32 s9, $0x7;
	v37 =	vld [tilespmem:s0+$0x10070];
	s26 =	sor.u32 $0x6, s28;
	v18 =	vand.u32 $0x73, v18  }
0x30d: {  	s0 =	sand.u32 $0x3FFFFF80, s12;
	v36 =	vadd.f32 v36, v12;
	v12 =	vld.idx.msk [tilespmem:v4+s14+$0x0], $0xffff;
	v4 =	vmov s26;
	v18 =	vor.u32 $0xC00, v18  }
0x30e: {  	v3 =	vld [tilespmem:s0+$0x10000];
	v4 =	vand.u32 $0x76, v4;
	v18 =	vbroadcast v18, $0x0  }
0x30f: {  	v35 =	vld [tilespmem:s0+$0x10010];
	v33 =	vmul.f32 v33, v1;
	v4 =	vor.u32 $0xC00, v4  }
0x310: {  	v32 =	vld [tilespmem:s0+$0x10020];
	v5 =	vmul.f32 v19, v1;
	v4 =	vbroadcast v4, $0x0  }
0x311: {  	v27 =	vld [tilespmem:s0+$0x10030];
	v31 =	vmul.f32 v31, v1;
	v6 =	vadd.f32 v33, v13;
	v13 =	vmul.f32 v40, v1  }
0x312: {  	v28 =	vld [tilespmem:s0+$0x10040];
	v5 =	vadd.f32 v5, v16;
	v40 =	vmul.f32 v42, v50  }
0x313: {  	v25 =	vld [tilespmem:s0+$0x10050];
	v45 =	vmul.f32 v45, v50;
	v31 =	vadd.f32 v31, v14;
	v42 =	vadd.f32 v13, v11  }
0x314: {  	v5 =	vadd.f32 v40, v5;
	v40 =	vmul.f32 v47, v50;
	v2 =	vld.idx.msk [tilespmem:v18+s14+$0x0], $0xffff;
	v18 =	vmov s9  }
0x315: {  	v26 =	vld [tilespmem:s0+$0x10060];
	v13 =	vmul.f32 v44, v50;
	v44 =	vadd.f32 v45, v31;
	v18 =	vand.u32 $0x74, v18  }
0x316: {  	s19 =	sshll.u32 s18, $0x7;
	v45 =	vmul.f32 v48, v50;
	v48 =	vadd.f32 v40, v36;
	v36 =	vld.idx.msk [tilespmem:v4+s14+$0x0], $0xffff;
	v18 =	vor.u32 $0xC00, v18  }
0x317: {  	v20 =	vbroadcast v18, $0x0;
	v18 =	vld [tilespmem:s0+$0x10070];
	s0 =	sand.u32 $0x3FFFFF80, s19  }
0x318: {  	v23 =	vld [tilespmem:s0+$0x10000]  }
0x319: {  	v22 =	vld [tilespmem:s0+$0x10010]  }
0x31a: {  	v24 =	vld [tilespmem:s0+$0x10020]  }
0x31b: {  	v21 =	vld [tilespmem:s0+$0x10030]  }
0x31c: {  	v29 =	vmul.f32 v29, v1;
	v19 =	vld [tilespmem:s0+$0x10040]  }
0x31d: {  	v16 =	vld [tilespmem:s0+$0x10050]  }
0x31e: {  	s29 =	sshll.u32 s26, $0x7;
	v30 =	vmul.f32 v30, v1;
	v29 =	vadd.f32 v29, v17;
	v17 =	vld [tilespmem:s0+$0x10060]  }
0x31f: {  	v14 =	vld [tilespmem:s0+$0x10070];
	s0 =	sand.u32 $0x3FFFFF80, s29  }
0x320: {  	v30 =	vadd.f32 v30, v15;
	v15 =	vld [tilespmem:s0+$0x10000]  }
0x321: {  	v1 =	vmul.f32 v41, v1;
	v33 =	vld [tilespmem:s0+$0x10010]  }
0x322: {  	v11 =	vld [tilespmem:s0+$0x10020]  }
0x323: {  	v41 =	vmul.f32 v43, v50;
	v1 =	vadd.f32 v1, v10;
	v10 =	vld [tilespmem:s0+$0x10030]  }
0x324: {  	v43 =	vadd.f32 v13, v30;
	v13 =	vld [tilespmem:s0+$0x10040]  }
0x325: {  	v41 =	vadd.f32 v41, v29;
	v29 =	vmul.f32 v46, v50;
	s30 =	sor.u32 $0x7, s28;
	v30 =	vld [tilespmem:s0+$0x10050]  }
0x326: {  	v46 =	vmul.f32 v49, v50;
	s31 =	sshll.u32 s30, $0x7;
	v31 =	vld [tilespmem:s0+$0x10060]  }
0x327: {  	v6 =	vadd.f32 v29, v6;
	v29 =	vld [tilespmem:s0+$0x10070];
	s0 =	sand.u32 $0x3FFFFF80, s31  }
0x328: {  	v42 =	vadd.f32 v45, v42;
	v1 =	vadd.f32 v46, v1;
	v4 =	vmov s30;
	v40 =	vld [tilespmem:s0+$0x10000]  }
0x329: {  	v47 =	vmul.f32 v51, v59;
	v52 =	vmul.f32 v52, v59;
	v4 =	vand.u32 $0x77, v4;
	v50 =	vld [tilespmem:s0+$0x10010]  }
0x32a: {  	v46 =	vmul.f32 v53, v59;
	v54 =	vmul.f32 v54, v59;
	v4 =	vor.u32 $0xC00, v4;
	v51 =	vld [tilespmem:s0+$0x10020]  }
0x32b: {  	v55 =	vmul.f32 v55, v59;
	v5 =	vadd.f32 v47, v5;
	v4 =	vbroadcast v4, $0x0;
	v47 =	vld [tilespmem:s0+$0x10030]  }
0x32c: {  	v56 =	vmul.f32 v56, v59;
	v57 =	vmul.f32 v57, v59;
	v45 =	vadd.f32 v52, v41;
	v52 =	vld [tilespmem:s0+$0x10040]  }
0x32d: {  	v59 =	vmul.f32 v58, v59;
	v43 =	vadd.f32 v46, v43;
	v44 =	vadd.f32 v54, v44;
	v41 =	vld [tilespmem:s0+$0x10050]  }
0x32e: {  	v6 =	vadd.f32 v55, v6;
	v48 =	vadd.f32 v56, v48;
	v55 =	vld [tilespmem:s0+$0x10060]  }
0x32f: {  	v42 =	vadd.f32 v57, v42;
	v1 =	vadd.f32 v59, v1;
	s9 =	sor.u32 $0x8, s28;
	v60 =	vmul.f32 v60, v2;
	v20 =	vld.idx.msk [tilespmem:v20+s14+$0x0], $0xffff  }
0x330: {  	s12 =	sshll.u32 s9, $0x7;
	v58 =	vmov s9;
	v61 =	vmul.f32 v61, v2;
	v62 =	vmul.f32 v62, v2;
	v46 =	vld [tilespmem:s0+$0x10070]  }
0x331: {  	v49 =	vand.u32 $0x78, v58;
	v57 =	vmul.f32 v63, v2;
	v38 =	vmul.f32 v38, v2;
	v4 =	vld.idx.msk [tilespmem:v4+s14+$0x0], $0xffff;
	s0 =	sand.u32 $0x3FFFFF80, s12  }
0x332: {  	v59 =	vor.u32 $0xC00, v49;
	v39 =	vmul.f32 v39, v2;
	v34 =	vmul.f32 v34, v2;
	v53 =	vld [tilespmem:s0+$0x10000]  }
0x333: {  	v2 =	vmul.f32 v37, v2;
	v37 =	vbroadcast v59, $0x0;
	v5 =	vadd.f32 v60, v5;
	v49 =	vld [tilespmem:s0+$0x10010]  }
0x334: {  	v45 =	vadd.f32 v61, v45;
	v6 =	vadd.f32 v38, v6;
	v38 =	vld [tilespmem:s0+$0x10020];
	v3 =	vmul.f32 v3, v20  }
0x335: {  	v43 =	vadd.f32 v62, v43;
	v34 =	vadd.f32 v34, v42;
	v42 =	vld [tilespmem:s0+$0x10030];
	v35 =	vmul.f32 v35, v20  }
0x336: {  	v1 =	vadd.f32 v2, v1;
	v28 =	vmul.f32 v28, v20;
	v2 =	vadd.f32 v3, v5;
	v5 =	vld [tilespmem:s0+$0x10040]  }
0x337: {  	v44 =	vadd.f32 v57, v44;
	v26 =	vmul.f32 v26, v20;
	v60 =	vadd.f32 v35, v45;
	v35 =	vld [tilespmem:s0+$0x10050]  }
0x338: {  	s18 =	sor.u32 $0x9, s28;
	v39 =	vadd.f32 v39, v48;
	v3 =	vmul.f32 v32, v20;
	v6 =	vadd.f32 v28, v6;
	v28 =	vld [tilespmem:s0+$0x10070]  }
0x339: {  	s19 =	sshll.u32 s18, $0x7;
	v61 =	vmov s18;
	v62 =	vmul.f32 v23, v12;
	v26 =	vadd.f32 v26, v34;
	v34 =	vld.idx.msk [tilespmem:v37+s14+$0x0], $0xffff  }
0x33a: {  	v22 =	vmul.f32 v22, v12;
	v25 =	vmul.f32 v25, v20;
	v3 =	vadd.f32 v3, v43;
	v43 =	vld [tilespmem:s0+$0x10060];
	s0 =	sand.u32 $0x3FFFFF80, s19  }
0x33b: {  	v63 =	vand.u32 $0x79, v61;
	v24 =	vmul.f32 v24, v12;
	v27 =	vmul.f32 v27, v20;
	v37 =	vld [tilespmem:s0+$0x10000]  }
0x33c: {  	v23 =	vor.u32 $0xC00, v63;
	v19 =	vmul.f32 v19, v12;
	v25 =	vadd.f32 v25, v39;
	v39 =	vld [tilespmem:s0+$0x10010]  }
0x33d: {  	v18 =	vmul.f32 v18, v20;
	v27 =	vadd.f32 v27, v44;
	v44 =	vbroadcast v23, $0x0;
	v23 =	vld [tilespmem:s0+$0x10020]  }
0x33e: {  	v16 =	vmul.f32 v16, v12;
	v17 =	vmul.f32 v17, v12;
	v45 =	vadd.f32 v22, v60;
	v22 =	vld [tilespmem:s0+$0x10030]  }
0x33f: {  	s30 =	sor.u32 $0xB, s28;
	v1 =	vadd.f32 v18, v1;
	v18 =	vmul.f32 v21, v12;
	v12 =	vmul.f32 v14, v12;
	v14 =	vld [tilespmem:s0+$0x10050]  }
0x340: {  	s26 =	sor.u32 $0xA, s28;
	v59 =	vmov s30;
	v16 =	vadd.f32 v16, v25;
	v25 =	vld [tilespmem:s0+$0x10060]  }
0x341: {  	s29 =	sshll.u32 s26, $0x7;
	v15 =	vmul.f32 v15, v36;
	v11 =	vmul.f32 v11, v36;
	v1 =	vadd.f32 v12, v1;
	v12 =	vld [tilespmem:s0+$0x10070]  }
0x342: {  	v10 =	vmul.f32 v10, v36;
	v13 =	vmul.f32 v13, v36;
	v3 =	vadd.f32 v24, v3;
	v24 =	vld [tilespmem:s0+$0x10040];
	s0 =	sand.u32 $0x3FFFFF80, s29  }
0x343: {  	v48 =	vmov s26;
	v54 =	vmul.f32 v30, v36;
	v57 =	vmul.f32 v51, v4;
	v21 =	vld [tilespmem:s0+$0x10000]  }
0x344: {  	v58 =	vmul.f32 v52, v4;
	v20 =	vand.u32 $0x7A, v48;
	v18 =	vadd.f32 v18, v27;
	v56 =	vld [tilespmem:s0+$0x10010]  }
0x345: {  	v61 =	vmul.f32 v55, v4;
	v20 =	vor.u32 $0xC00, v20;
	v6 =	vadd.f32 v19, v6;
	v30 =	vld [tilespmem:s0+$0x10020]  }
0x346: {  	v2 =	vadd.f32 v62, v2;
	v19 =	vmul.f32 v33, v36;
	v10 =	vadd.f32 v10, v18;
	v18 =	vld [tilespmem:s0+$0x10030]  }
0x347: {  	s9 =	sor.u32 $0xC, s28;
	v17 =	vadd.f32 v17, v26;
	v6 =	vadd.f32 v13, v6;
	v13 =	vmul.f32 v29, v36;
	v26 =	vld [tilespmem:s0+$0x10040]  }
0x348: {  	v51 =	vmov s9;
	v20 =	vbroadcast v20, $0x0;
	v2 =	vadd.f32 v15, v2;
	v33 =	vld [tilespmem:s0+$0x10060]  }
0x349: {  	v15 =	vadd.f32 v19, v45;
	v19 =	vld.idx.msk [tilespmem:v44+s14+$0x0], $0xffff;
	v1 =	vadd.f32 v13, v1;
	v13 =	vmul.f32 v50, v4  }
0x34a: {  	s31 =	sshll.u32 s30, $0x7;
	v60 =	vmul.f32 v41, v4;
	v3 =	vadd.f32 v11, v3;
	v11 =	vmul.f32 v31, v36;
	v31 =	vld [tilespmem:s0+$0x10050]  }
0x34b: {  	v16 =	vadd.f32 v54, v16;
	v62 =	vmul.f32 v53, v34;
	v13 =	vadd.f32 v13, v15;
	v15 =	vld [tilespmem:s0+$0x10070];
	s0 =	sand.u32 $0x3FFFFF80, s31  }
0x34c: {  	v63 =	vmul.f32 v49, v34;
	v11 =	vadd.f32 v11, v17;
	v17 =	vmul.f32 v40, v4;
	v36 =	vld [tilespmem:s0+$0x10000]  }
0x34d: {  	v48 =	vmul.f32 v42, v34;
	v28 =	vmul.f32 v28, v34;
	v6 =	vadd.f32 v58, v6;
	v41 =	vld [tilespmem:s0+$0x10010]  }
0x34e: {  	s18 =	sor.u32 $0xD, s28;
	v44 =	vld [tilespmem:s0+$0x10020];
	v2 =	vadd.f32 v17, v2;
	v17 =	vmul.f32 v47, v4;
	v4 =	vmul.f32 v46, v4  }
0x34f: {  	v16 =	vadd.f32 v60, v16;
	v58 =	vmov s18;
	v49 =	vmul.f32 v43, v34;
	v50 =	vld [tilespmem:s0+$0x10060]  }
0x350: {  	v3 =	vadd.f32 v57, v3;
	v47 =	vld [tilespmem:s0+$0x10030];
	v1 =	vadd.f32 v4, v1;
	v4 =	vmul.f32 v38, v34  }
0x351: {  	v11 =	vadd.f32 v61, v11;
	v10 =	vadd.f32 v17, v10;
	v17 =	vld.idx.msk [tilespmem:v20+s14+$0x0], $0xffff;
	v20 =	vand.u32 $0x7B, v59  }
0x352: {  	v38 =	vld [tilespmem:s0+$0x10040];
	v3 =	vadd.f32 v4, v3;
	v4 =	vmul.f32 v5, v34;
	v5 =	vmul.f32 v35, v34  }
0x353: {  	s12 =	sshll.u32 s9, $0x7;
	v23 =	vmul.f32 v23, v19;
	v22 =	vmul.f32 v22, v19;
	v20 =	vor.u32 $0xC00, v20;
	v35 =	vld [tilespmem:s0+$0x10050]  }
0x354: {  	v2 =	vadd.f32 v62, v2;
	v20 =	vbroadcast v20, $0x0;
	v5 =	vadd.f32 v5, v16;
	v16 =	vld [tilespmem:s0+$0x10070];
	s0 =	sand.u32 $0x3FFFFF80, s12  }
0x355: {  	v10 =	vadd.f32 v48, v10;
	v1 =	vadd.f32 v28, v1;
	v28 =	vand.u32 $0x7C, v51;
	v52 =	vld [tilespmem:s0+$0x10000]  }
0x356: {  	v28 =	vor.u32 $0xC00, v28;
	v4 =	vadd.f32 v4, v6;
	v6 =	vmul.f32 v37, v19;
	v53 =	vld [tilespmem:s0+$0x10010]  }
0x357: {  	v13 =	vadd.f32 v63, v13;
	v14 =	vmul.f32 v14, v19;
	v54 =	vbroadcast v28, $0x0;
	v55 =	vld [tilespmem:s0+$0x10020]  }
0x358: {  	v10 =	vadd.f32 v22, v10;
	v22 =	vld [tilespmem:s0+$0x10030];
	v2 =	vadd.f32 v6, v2;
	v6 =	vmul.f32 v39, v19  }
0x359: {  	v12 =	vmul.f32 v12, v19;
	v57 =	vld [tilespmem:s0+$0x10050];
	v5 =	vadd.f32 v14, v5;
	v14 =	vmul.f32 v21, v17  }
0x35a: {  	v3 =	vadd.f32 v23, v3;
	v20 =	vld.idx.msk [tilespmem:v20+s14+$0x0], $0xffff;
	v6 =	vadd.f32 v6, v13;
	v13 =	vmul.f32 v24, v19  }
0x35b: {  	v1 =	vadd.f32 v12, v1;
	v12 =	vmul.f32 v30, v17;
	v2 =	vadd.f32 v14, v2;
	v14 =	vld [tilespmem:s0+$0x10070]  }
0x35c: {  	s26 =	sor.u32 $0xE, s28;
	v11 =	vadd.f32 v49, v11;
	v4 =	vadd.f32 v13, v4;
	v13 =	vmul.f32 v25, v19;
	v19 =	vld [tilespmem:s0+$0x10040]  }
0x35d: {  	s19 =	sshll.u32 s18, $0x7;
	v61 =	vmov s26;
	v3 =	vadd.f32 v12, v3;
	v12 =	vmul.f32 v18, v17;
	v18 =	vld.idx.msk [tilespmem:v54+s14+$0x0], $0xffff  }
0x35e: {  	v56 =	vmul.f32 v56, v17;
	v59 =	vmul.f32 v26, v17;
	v11 =	vadd.f32 v13, v11;
	v13 =	vld [tilespmem:s0+$0x10060];
	s0 =	sand.u32 $0x3FFFFF80, s19  }
0x35f: {  	v62 =	vmul.f32 v31, v17;
	v26 =	vand.u32 $0x7E, v61;
	v21 =	vand.u32 $0x7D, v58;
	v60 =	vld [tilespmem:s0+$0x10000]  }
0x360: {  	v39 =	vmul.f32 v33, v17;
	v26 =	vor.u32 $0xC00, v26;
	v21 =	vor.u32 $0xC00, v21;
	v63 =	vld [tilespmem:s0+$0x10010]  }
0x361: {  	v21 =	vbroadcast v21, $0x0;
	v10 =	vadd.f32 v12, v10;
	v12 =	vmul.f32 v15, v17;
	v40 =	vld [tilespmem:s0+$0x10020]  }
0x362: {  	v5 =	vadd.f32 v62, v5;
	v17 =	vbroadcast v26, $0x0;
	v6 =	vadd.f32 v56, v6;
	v15 =	vld [tilespmem:s0+$0x10030]  }
0x363: {  	v1 =	vadd.f32 v12, v1;
	v42 =	vmul.f32 v36, v20;
	v43 =	vld [tilespmem:s0+$0x10040];
	v12 =	vmul.f32 v41, v20  }
0x364: {  	v4 =	vadd.f32 v59, v4;
	v45 =	vld [tilespmem:s0+$0x10050];
	v46 =	vmul.f32 v44, v20;
	v47 =	vmul.f32 v47, v20  }
0x365: {  	v48 =	vld [tilespmem:s0+$0x10060];
	v35 =	vmul.f32 v35, v20;
	v50 =	vmul.f32 v50, v20;
	v11 =	vadd.f32 v39, v11  }
0x366: {  	s29 =	sshll.u32 s26, $0x7;
	v49 =	vld [tilespmem:s0+$0x10070];
	v16 =	vmul.f32 v16, v20;
	v2 =	vadd.f32 v42, v2;
	v6 =	vadd.f32 v12, v6  }
0x367: {  	s0 =	sand.u32 $0x3FFFFF80, s29;
	v21 =	vld.idx.msk [tilespmem:v21+s14+$0x0], $0xffff;
	v12 =	vmul.f32 v38, v20;
	v3 =	vadd.f32 v46, v3;
	v10 =	vadd.f32 v47, v10  }
0x368: {  	v51 =	vld [tilespmem:s0+$0x10000];
	v5 =	vadd.f32 v35, v5;
	v52 =	vmul.f32 v52, v18;
	v53 =	vmul.f32 v53, v18  }
0x369: {  	v54 =	vld [tilespmem:s0+$0x10010];
	v1 =	vadd.f32 v16, v1;
	v16 =	vmul.f32 v55, v18;
	v22 =	vmul.f32 v22, v18  }
0x36a: {  	s30 =	sor.u32 $0xF, s28;
	v56 =	vld [tilespmem:s0+$0x10030];
	v14 =	vmul.f32 v14, v18;
	v11 =	vadd.f32 v50, v11;
	v4 =	vadd.f32 v12, v4  }
0x36b: {  	v12 =	vld.idx.msk [tilespmem:v17+s14+$0x0], $0xffff;
	v17 =	vmov s30;
	v2 =	vadd.f32 v52, v2;
	v6 =	vadd.f32 v53, v6  }
0x36c: {  	v55 =	vld [tilespmem:s0+$0x10020];
	v3 =	vadd.f32 v16, v3;
	v16 =	vmul.f32 v19, v18;
	v17 =	vand.u32 $0x7F, v17  }
0x36d: {  	v19 =	vmul.f32 v57, v18;
	v57 =	vld [tilespmem:s0+$0x10040];
	v13 =	vmul.f32 v13, v18;
	v17 =	vor.u32 $0xC00, v17  }
0x36e: {  	v18 =	vld [tilespmem:s0+$0x10050];
	v1 =	vadd.f32 v14, v1;
	v4 =	vadd.f32 v16, v4;
	v17 =	vbroadcast v17, $0x0  }
0x36f: {  	s31 =	sshll.u32 s30, $0x7;
	v14 =	vld [tilespmem:s0+$0x10070];
	v16 =	vmul.f32 v60, v21;
	v11 =	vadd.f32 v13, v11;
	v13 =	vmul.f32 v63, v21  }
0x370: {  	v10 =	vadd.f32 v22, v10;
	v5 =	vadd.f32 v19, v5;
	v19 =	vld [tilespmem:s0+$0x10060];
	v15 =	vmul.f32 v15, v21;
	s0 =	sand.u32 $0x3FFFFF80, s31  }
0x371: {  	v59 =	vld [tilespmem:s0+$0x10000];
	v2 =	vadd.f32 v16, v2;
	v16 =	vmul.f32 v40, v21;
	v6 =	vadd.f32 v13, v6  }
0x372: {  	v61 =	vld [tilespmem:s0+$0x10030];
	v13 =	vmul.f32 v43, v21;
	v10 =	vadd.f32 v15, v10;
	v15 =	vmul.f32 v48, v21  }
0x373: {  	v62 =	vld [tilespmem:s0+$0x10040];
	v60 =	vmul.f32 v54, v12;
	v24 =	vmul.f32 v56, v12  }
0x374: {  	v4 =	vadd.f32 v13, v4;
	v13 =	vmul.f32 v49, v21;
	v58 =	vld.idx.msk [tilespmem:v17+s14+$0x0], $0xffff;
	v17 =	vmul.f32 v45, v21  }
0x375: {  	v3 =	vadd.f32 v16, v3;
	v16 =	vld [tilespmem:s0+$0x10010];
	v11 =	vadd.f32 v15, v11;
	v15 =	vmul.f32 v51, v12  }
0x376: {  	v1 =	vadd.f32 v13, v1;
	v13 =	vmul.f32 v55, v12;
	v5 =	vadd.f32 v17, v5;
	v17 =	vld [tilespmem:s0+$0x10020]  }
0x377: {  	v63 =	vld [tilespmem:s0+$0x10050];
	v6 =	vadd.f32 v60, v6;
	v2 =	vadd.f32 v15, v2;
	v15 =	vmul.f32 v57, v12  }
0x378: {  	v10 =	vadd.f32 v24, v10;
	v3 =	vadd.f32 v13, v3;
	v13 =	vmul.f32 v18, v12;
	v18 =	vld [tilespmem:s0+$0x10060]  }
0x379: {  	v4 =	vadd.f32 v15, v4;
	v15 =	vmul.f32 v19, v12;
	v12 =	vmul.f32 v14, v12;
	v19 =	vld [tilespmem:s0+$0x10070]  }
0x37a: {  	v5 =	vadd.f32 v13, v5;
	v13 =	vmul.f32 v59, v58;
	v14 =	vmul.f32 v16, v58  }
0x37b: {  	v11 =	vadd.f32 v15, v11;
	v1 =	vadd.f32 v12, v1;
	v12 =	vmul.f32 v17, v58  }
0x37c: {  	v16 =	vadd.f32 v13, v2;
	v17 =	vadd.f32 v14, v6;
	v2 =	vmul.f32 v61, v58  }
0x37d: {  	v6 =	vmul.f32 v63, v58;
	v15 =	vadd.f32 v12, v3;
	v3 =	vmul.f32 v62, v58  }
0x37e: {  	v14 =	vadd.f32 v2, v10;
	v2 =	vmul.f32 v18, v58;
	v10 =	vmul.f32 v19, v58  }
0x37f: {  	v12 =	vadd.f32 v6, v5;
	v13 =	vadd.f32 v3, v4  }
0x380: {  	v11 =	vadd.f32 v2, v11;
	v10 =	vadd.f32 v10, v1  }
.LBB2_35:
.Ltmp19:
0x381: {  	(pc) =	sbr.rel @!p1 .LBB2_36-.Ltmp19, $2  }
0x382: {  	_ =	sdelay $0x2  }
0x383: {  	s25 =	sadd.s32 $0x10, s25;
	s0 =	simm.s32 $0x1;
	p2 =	por $0x0, $0x0  }
.LBB2_25:
0x384: {  	s28 =	sshll.u32 s0, $0x4  }
0x385: {  	v1 =	vld [tilespmem:s28+$0x19C00];
	_ =	sdelay $0x4  }
0x386: {  	vm0 =	veq.s32 v1, v9  }
0x387: {  	v1 =	vsel vm0, $0x3F800000, v0  }
0x388: {  	(xrf0) =	vmin.scan.msk.f32 $0xffff, v1;
	_ =	sdelay $0x5  }
0x389: {  	v1, _, _ =	vpop (xrf0)  }
0x38a: {  	(v2sf) =	vpush v1, $0xF;
	_ =	sdelay $0xe  }
0x38b: {  	s1 =	spop (v2sf)  }
0x38c: {  	p3 =	sgt.f32 s1, $0.0e+00  }
.Ltmp20:
0x38d: {  	_ = 	snop;
	(pc) =	sbr.rel @p3 .LBB2_39-.Ltmp20, $2  }
0x38e: {  	_ =	sdelay $0x2  }
0x38f: {  	p1 =	por p2, p2;
	s0 =	sshll.u32 s0, $0xB  }
0x390: {  	s1 =	sadd.s32 $0x1, s28  }
0x391: {  	p4 =	sne.s32 s25, s1  }
.Ltmp21:
0x392: {  	_ = 	snop;
	(pc) =	sbr.rel @!p4 .LBB2_27-.Ltmp21, $4  }
0x393: {  	_ = 	snop  }
0x394: {  	v1 =	vmov s28  }
0x395: {  	s0 =	sand.u32 $0x3FFFF800, s0;
	v1 =	vand.u32 $0x7FFFFFFF, v1  }
0x396: {  	p2 =	por $0x0, $0x0;
	p3 =	por $0x0, $0x0;
	s26 =	sadd.s32 $0x10040, s0;
	v18 =	vadd.s32 $0xC00, v1  }
0x397: {  	_ = 	snop  }
0x398: {  	s0 =	sadd.s32 $0x1, s1  }
0x399: {  	p4 =	sne.s32 s25, s0  }
.Ltmp22:
0x39a: {  	_ = 	snop;
	(pc) =	sbr.rel @!p4 .LBB2_29-.Ltmp22, $4  }
0x39b: {  	v22 =	vld.idx.msk [tilespmem:v18+s15+$0x0], $0xffff  }
0x39c: {  	v1 =	vmov s1  }
0x39d: {  	v1 =	vand.u32 $0x7FFFFFFF, v1  }
0x39e: {  	p2 =	por $0x1, $0x1;
	v21 =	vadd.s32 $0xC00, v1  }
0x39f: {  	_ = 	snop  }
0x3a0: {  	vm0 =	veq.s32 v22, v9  }
0x3a1: {  	v1 =	vsel vm0, $0x3F800000, v0  }
0x3a2: {  	(xrf0) =	vmin.scan.msk.f32 $0xffff, v1;
	_ =	sdelay $0x5  }
0x3a3: {  	v1, _, _ =	vpop (xrf0)  }
0x3a4: {  	(v2sf) =	vpush v1, $0xF;
	_ =	sdelay $0xe  }
0x3a5: {  	s1 =	spop (v2sf)  }
0x3a6: {  	p4 =	sgt.f32 s1, $0.0e+00;
	_ =	sdelay $0x1  }
0x3a7: {  	v1 =	vshll.u32 @!p4 v9, $0x7;
	v2 =	vlaneseq.u32 @!p4  }
0x3a8: {  	v3 =	vor.u32 @!p4 v2, v1;
	v4 =	vor.u32 @!p4 $0x10, v2  }
0x3a9: {  	v5 =	vor.u32 @!p4 $0x20, v2;
	v4 =	vor.u32 @!p4 v4, v1  }
0x3aa: {  	v6 =	vor.u32 @!p4 $0x30, v2;
	v5 =	vor.u32 @!p4 v5, v1  }
0x3ab: {  	v9 =	vor.u32 @!p4 $0x40, v2;
	v6 =	vor.u32 @!p4 v6, v1  }
0x3ac: {  	v24 =	vld.idx.msk [tilespmem:v18+s14+$0x0], $0xffff;
	s1 =	simm.s32 @!p4 $0x0;
	v19 =	vor.u32 @!p4 $0x50, v2;
	v9 =	vor.u32 @!p4 v9, v1  }
0x3ad: {  	v18 =	vor.u32 @!p4 v19, v1;
	v19 =	vor.u32 @!p4 $0x60, v2;
	[tilespmem:v3+s1+$0x0] =	vst.idx.add.f32.msk @!p4 $0xffff, v16  }
0x3ae: {  	v2 =	vor.u32 @!p4 $0x70, v2;
	v3 =	vor.u32 @!p4 v19, v1;
	[tilespmem:v4+s1+$0x0] =	vst.idx.add.f32.msk @!p4 $0xffff, v17  }
0x3af: {  	v1 =	vor.u32 @!p4 v2, v1;
	[tilespmem:v5+s1+$0x0] =	vst.idx.add.f32.msk @!p4 $0xffff, v15  }
0x3b0: {  	[tilespmem:v6+s1+$0x0] =	vst.idx.add.f32.msk @!p4 $0xffff, v14  }
0x3b1: {  	[tilespmem:v9+s1+$0x0] =	vst.idx.add.f32.msk @!p4 $0xffff, v13  }
0x3b2: {  	[tilespmem:v18+s1+$0x0] =	vst.idx.add.f32.msk @!p4 $0xffff, v12  }
0x3b3: {  	[tilespmem:v3+s1+$0x0] =	vst.idx.add.f32.msk @!p4 $0xffff, v11  }
0x3b4: {  	[tilespmem:v1+s1+$0x0] =	vst.idx.add.f32.msk @!p4 $0xffff, v10  }
0x3b5: {  	s19 =	sadd.s32 $0x1, s0;
	v1 =	vld [tilespmem:s26+$0xFFFFFFC0]  }
0x3b6: {  	p5 =	sne.s32 s25, s19;
	v2 =	vld [tilespmem:s26+$0x30]  }
.Ltmp23:
0x3b7: {  	v19 =	vld.idx.msk [tilespmem:v21+s15+$0x0], $0xffff;
	(pc) =	sbr.rel @!p5 .LBB2_31-.Ltmp23, $4  }
0x3b8: {  	v31 =	vld [tilespmem:s26+$0x20]  }
0x3b9: {  	v20 =	vmov v11;
	v25 =	vmov v12;
	v3 =	vmov s0;
	v32 =	vld [tilespmem:s26+$0x10]  }
0x3ba: {  	v29 =	vmovc v13;
	v26 =	vmovc v14;
	v23 =	vpsel !p4, $0x0, v10;
	s0 =	sadd.s32 $0x80, s26;
	v3 =	vand.u32 $0x7FFFFFFF, v3;
	v33 =	vld [tilespmem:s26+$0x0];
	v35 =	vmul.f32 v1, v24  }
0x3bb: {  	p3 =	por $0x1, $0x1;
	s28 =	smov.u32 s26;
	v28 =	vmovc v15;
	v27 =	vmovc v17;
	v36 =	vpsel !p4, $0x0, v16;
	s1 =	smov.u32 s0;
	v18 =	vadd.s32 $0xC00, v3;
	v34 =	vld [tilespmem:s26+$0xFFFFFFF0];
	v30 =	vmul.f32 v2, v24  }
.LBB2_32:
0x3bc: {  	s0 =	sadd.s32 $0x80, s0;
	v1 =	vpsel !p4, $0x0, v20;
	v2 =	vadd.f32 v35, v36;
	v3 =	vld [tilespmem:s28+$0xFFFFFFE0];
	s9 =	smov.u32 s19;
	s19 =	sadd.s32 $0x1, s19  }
0x3bd: {  	vm0 =	veq.s32 v19, v22;
	p5 =	sne.s32 s25, s19;
	v4 =	vld [tilespmem:s28+$0xFFFFFFD0];
	v5 =	vmul.f32 v31, v24;
	v6 =	vadd.f32 v30, v23;
	s28 =	smov.u32 s1;
	s1 =	smov.u32 s0  }
0x3be: {  	v9 =	vsel vm0, $0x3F800000, v0;
	v23 =	vpsel !p4, $0x0, v25;
	v25 =	vmul.f32 v32, v24  }
0x3bf: {  	(xrf0) =	vmin.scan.msk.f32 $0xffff, v9;
	v9 =	vpsel !p4, $0x0, v29;
	v29 =	vmul.f32 v33, v24;
	v20 =	vadd.f32 v5, v1  }
0x3c0: {  	v1 =	vpsel !p4, $0x0, v26;
	v5 =	vmul.f32 v34, v24;
	v25 =	vadd.f32 v25, v23  }
0x3c1: {  	v23 =	vpsel !p4, $0x0, v28;
	v3 =	vmul.f32 v3, v24;
	v29 =	vadd.f32 v29, v9  }
0x3c2: {  	v9 =	vpsel !p4, $0x0, v27;
	v4 =	vmul.f32 v4, v24;
	v26 =	vadd.f32 v5, v1  }
0x3c3: {  	v28 =	vadd.f32 v3, v23  }
0x3c4: {  	v27 =	vadd.f32 v4, v9  }
0x3c5: {  	v1, _, _ =	vpop (xrf0)  }
0x3c6: {  	(v2sf) =	vpush v1, $0xF;
	_ =	sdelay $0xe  }
0x3c7: {  	s12 =	spop (v2sf)  }
0x3c8: {  	p4 =	sgt.f32 s12, $0.0e+00;
	_ =	sdelay $0x1  }
0x3c9: {  	v23 =	vpsel !p4, $0x0, v6;
	v1 =	vshll.u32 @!p4 v22, $0x7;
	v3 =	vlaneseq.u32 @!p4;
	v22 =	vmovc v19  }
0x3ca: {  	v4 =	vor.u32 @!p4 v3, v1;
	v5 =	vor.u32 @!p4 $0x10, v3;
	v9 =	vor.u32 @!p4 $0x20, v3  }
0x3cb: {  	v19 =	vor.u32 @!p4 $0x30, v3;
	v5 =	vor.u32 @!p4 v5, v1;
	v9 =	vor.u32 @!p4 v9, v1  }
0x3cc: {  	v24 =	vor.u32 @!p4 $0x40, v3;
	v30 =	vor.u32 @!p4 $0x50, v3;
	v19 =	vor.u32 @!p4 v19, v1  }
0x3cd: {  	v32 =	vor.u32 @!p4 $0x60, v3;
	v31 =	vor.u32 @!p4 v24, v1;
	v30 =	vor.u32 @!p4 v30, v1  }
0x3ce: {  	s12 =	simm.s32 @!p4 $0x0;
	v3 =	vor.u32 @!p4 $0x70, v3;
	v32 =	vor.u32 @!p4 v32, v1;
	v24 =	vld.idx.msk [tilespmem:v21+s14+$0x0], $0xffff;
	v21 =	vmov v18  }
0x3cf: {  	v1 =	vor.u32 @!p4 v3, v1;
	[tilespmem:v4+s12+$0x0] =	vst.idx.add.f32.msk @!p4 $0xffff, v2  }
0x3d0: {  	[tilespmem:v5+s12+$0x0] =	vst.idx.add.f32.msk @!p4 $0xffff, v27  }
0x3d1: {  	[tilespmem:v9+s12+$0x0] =	vst.idx.add.f32.msk @!p4 $0xffff, v28  }
0x3d2: {  	v3 =	vmov s9;
	[tilespmem:v19+s12+$0x0] =	vst.idx.add.f32.msk @!p4 $0xffff, v26  }
0x3d3: {  	v3 =	vand.u32 $0x7FFFFFFF, v3;
	[tilespmem:v31+s12+$0x0] =	vst.idx.add.f32.msk @!p4 $0xffff, v29  }
0x3d4: {  	v18 =	vadd.s32 $0xC00, v3;
	[tilespmem:v30+s12+$0x0] =	vst.idx.add.f32.msk @!p4 $0xffff, v25  }
0x3d5: {  	[tilespmem:v32+s12+$0x0] =	vst.idx.add.f32.msk @!p4 $0xffff, v20  }
0x3d6: {  	[tilespmem:v1+s12+$0x0] =	vst.idx.add.f32.msk @!p4 $0xffff, v6  }
0x3d7: {  	v1 =	vld [tilespmem:s28+$0xFFFFFFC0]  }
0x3d8: {  	v3 =	vld [tilespmem:s28+$0x30]  }
.Ltmp24:
0x3d9: {  	v19 =	vld.idx.msk [tilespmem:v21+s15+$0x0], $0xffff;
	(pc) =	sbr.rel @p5 .LBB2_32-.Ltmp24, $4  }
0x3da: {  	v31 =	vld [tilespmem:s28+$0x20]  }
0x3db: {  	v32 =	vld [tilespmem:s28+$0x10]  }
0x3dc: {  	v35 =	vmul.f32 v1, v24;
	v33 =	vld [tilespmem:s28+$0x0]  }
0x3dd: {  	v36 =	vpsel !p4, $0x0, v2;
	v34 =	vld [tilespmem:s28+$0xFFFFFFF0];
	v30 =	vmul.f32 v3, v24  }
0x3de: {  	v9 =	vmov v22;
	v37 =	vmov v21  }
.LBB2_34:
0x3df: {  	vm0 =	veq.s32 @p2 v19, v9  }
0x3e0: {  	v1 =	vsel @p2 vm0, $0x3F800000, v0  }
0x3e1: {  	(xrf0) =	vmin.scan.msk.f32 @p2 $0xffff, v1;
	_ =	sdelay $0x5  }
0x3e2: {  	v1, _, _ =	vpop @p2 (xrf0)  }
0x3e3: {  	(v2sf) =	vpush @p2 v1, $0xF;
	_ =	sdelay $0xd  }
0x3e4: {  	v3 =	vld @p3 [tilespmem:s28+$0xFFFFFFD0]  }
0x3e5: {  	p5 =	por !p4, !p3;
	v2 =	vadd.f32 @p3 v35, v36;
	v4 =	vmul.f32 @p3 v31, v24;
	v5 =	vmul.f32 @p3 v32, v24;
	v1 =	vld @p3 [tilespmem:s28+$0xFFFFFFE0];
	s9 =	spop @p2 (v2sf)  }
0x3e6: {  	v25 =	vpsel p5, $0x0, v25;
	v29 =	vpsel p5, $0x0, v29;
	v26 =	vpsel p5, $0x0, v26;
	p4 =	sgt.f32 @p2 s9, $0.0e+00  }
0x3e7: {  	v28 =	vpsel p5, $0x0, v28;
	v27 =	vpsel p5, $0x0, v27;
	v6 =	vmul.f32 @p3 v33, v24  }
0x3e8: {  	v2 =	vpsel p3, v2, v16;
	v21 =	vmul.f32 @p3 v34, v24;
	v5 =	vadd.f32 @p3 v5, v25;
	p6 =	por p4, !p2  }
0x3e9: {  	v3 =	vmul.f32 @p3 v3, v24;
	v9 =	vshll.u32 @!p6 v9, $0x7;
	v22 =	vlaneseq.u32 @!p6  }
0x3ea: {  	v1 =	vmul.f32 @p3 v1, v24;
	v24 =	vor.u32 @!p6 v22, v9;
	v25 =	vor.u32 @!p6 $0x10, v22  }
0x3eb: {  	v21 =	vadd.f32 @p3 v21, v26;
	v26 =	vor.u32 @!p6 $0x20, v22;
	v25 =	vor.u32 @!p6 v25, v9  }
0x3ec: {  	v1 =	vadd.f32 @p3 v1, v28;
	v28 =	vor.u32 @!p6 $0x30, v22;
	v26 =	vor.u32 @!p6 v26, v9  }
0x3ed: {  	v3 =	vadd.f32 @p3 v3, v27;
	v27 =	vor.u32 @!p6 v28, v9;
	v28 =	vor.u32 @!p6 $0x40, v22  }
0x3ee: {  	v31 =	vld.idx.msk @p2 [tilespmem:v37+s14+$0x0], $0xffff;
	v6 =	vadd.f32 @p3 v6, v29;
	s9 =	simm.s32 @!p6 $0x0;
	v29 =	vor.u32 @!p6 $0x50, v22;
	v28 =	vor.u32 @!p6 v28, v9  }
0x3ef: {  	v3 =	vpsel p3, v3, v17;
	v29 =	vor.u32 @!p6 v29, v9;
	[tilespmem:v24+s9+$0x0] =	vst.idx.add.f32.msk @!p6 $0xffff, v2;
	v24 =	vor.u32 @!p6 $0x60, v22  }
0x3f0: {  	v1 =	vpsel p3, v1, v15;
	v22 =	vor.u32 @!p6 $0x70, v22;
	v24 =	vor.u32 @!p6 v24, v9;
	[tilespmem:v25+s9+$0x0] =	vst.idx.add.f32.msk @!p6 $0xffff, v3  }
0x3f1: {  	v20 =	vpsel p5, $0x0, v20;
	v21 =	vpsel p3, v21, v14;
	v9 =	vor.u32 @!p6 v22, v9;
	[tilespmem:v26+s9+$0x0] =	vst.idx.add.f32.msk @!p6 $0xffff, v1  }
0x3f2: {  	v4 =	vadd.f32 @p3 v4, v20;
	v6 =	vpsel p3, v6, v13;
	[tilespmem:v27+s9+$0x0] =	vst.idx.add.f32.msk @!p6 $0xffff, v21  }
0x3f3: {  	v20 =	vadd.f32 @p3 v30, v23;
	v5 =	vpsel p3, v5, v12;
	[tilespmem:v28+s9+$0x0] =	vst.idx.add.f32.msk @!p6 $0xffff, v6  }
0x3f4: {  	v4 =	vpsel p3, v4, v11;
	[tilespmem:v29+s9+$0x0] =	vst.idx.add.f32.msk @!p6 $0xffff, v5  }
0x3f5: {  	v20 =	vpsel p3, v20, v10;
	[tilespmem:v24+s9+$0x0] =	vst.idx.add.f32.msk @!p6 $0xffff, v4  }
0x3f6: {  	[tilespmem:v9+s9+$0x0] =	vst.idx.add.f32.msk @!p6 $0xffff, v20  }
0x3f7: {  	v9 =	vld.idx.msk [tilespmem:v18+s15+$0x0], $0xffff;
	_ =	sdelay $0x4  }
0x3f8: {  	vm15 =	veq.s32 v9, v19  }
0x3f9: {  	v61 =	vsel vm15, $0x3F800000, v0  }
0x3fa: {  	(xrf0) =	vmin.scan.msk.f32 $0xffff, v61;
	_ =	sdelay $0x5  }
0x3fb: {  	v22, _, _ =	vpop (xrf0)  }
0x3fc: {  	(v2sf) =	vpush v22, $0xF;
	_ =	sdelay $0x4  }
0x3fd: {  	v23 =	vld @p2 [tilespmem:s1+$0x30]  }
0x3fe: {  	v22 =	vld @p2 [tilespmem:s1+$0xFFFFFFC0]  }
0x3ff: {  	v24 =	vld @p2 [tilespmem:s1+$0x20]  }
0x400: {  	p6 =	por !p4, !p2;
	v25 =	vld @p2 [tilespmem:s1+$0x10]  }
0x401: {  	p4 =	por @!p2 p0, p0;
	v26 =	vld @p2 [tilespmem:s1+$0x0];
	v2 =	vpsel p6, $0x0, v2  }
0x402: {  	v28 =	vpsel p2, v31, v0;
	v27 =	vld @p2 [tilespmem:s1+$0xFFFFFFF0];
	v20 =	vpsel p6, $0x0, v20;
	p4 =	por !p4, !p2;
	v2 =	vpsel p2, v2, v0  }
0x403: {  	v20 =	vpsel p2, v20, v0;
	v5 =	vpsel p4, $0x0, v5;
	v22 =	vmul.f32 @p2 v22, v31  }
0x404: {  	v6 =	vpsel p4, $0x0, v6;
	v21 =	vpsel p4, $0x0, v21;
	v1 =	vpsel p4, $0x0, v1;
	s1 =	smov.u32 @p2 s1  }
0x405: {  	v23 =	vmul.f32 @p2 v23, v31;
	v24 =	vpsel p2, v24, v0;
	v29 =	vld @p2 [tilespmem:s1+$0xFFFFFFE0];
	v22 =	vpsel p2, v22, v0  }
0x406: {  	v25 =	vpsel p2, v25, v0;
	v26 =	vpsel p2, v26, v0;
	v2 =	vadd.f32 @p2 v22, v2;
	v22 =	vld @p2 [tilespmem:s1+$0xFFFFFFD0]  }
0x407: {  	v27 =	vpsel p2, v27, v0;
	v25 =	vmul.f32 @p2 v25, v28;
	v26 =	vmul.f32 @p2 v26, v28;
	s31 =	spop (v2sf)  }
0x408: {  	v3 =	vpsel p4, $0x0, v3;
	v24 =	vmul.f32 @p2 v24, v28;
	v27 =	vmul.f32 @p2 v27, v28;
	p3 =	sgt.f32 s31, $0.0e+00  }
0x409: {  	v23 =	vpsel p2, v23, v0;
	v5 =	vadd.f32 @p2 v25, v5;
	v6 =	vadd.f32 @p2 v26, v6  }
0x40a: {  	v25 =	vmul.f32 @p2 v29, v28;
	v19 =	vshll.u32 @!p3 v19, $0x7;
	v26 =	vlaneseq.u32 @!p3  }
0x40b: {  	v22 =	vmul.f32 @p2 v22, v28;
	v28 =	vor.u32 @!p3 v26, v19;
	v29 =	vor.u32 @!p3 $0x10, v26  }
0x40c: {  	v21 =	vadd.f32 @p2 v27, v21;
	v27 =	vor.u32 @!p3 $0x20, v26;
	v29 =	vor.u32 @!p3 v29, v19  }
0x40d: {  	v1 =	vadd.f32 @p2 v25, v1;
	v25 =	vor.u32 @!p3 v27, v19;
	v27 =	vor.u32 @!p3 $0x30, v26  }
0x40e: {  	v3 =	vadd.f32 @p2 v22, v3;
	v22 =	vor.u32 @!p3 v27, v19;
	v27 =	vor.u32 @!p3 $0x40, v26  }
0x40f: {  	v18 =	vld.idx.msk [tilespmem:v18+s14+$0x0], $0xffff;
	v2 =	vpsel p2, v2, v16;
	s1 =	simm.s32 @!p3 $0x0;
	v30 =	vor.u32 @!p3 $0x50, v26;
	v27 =	vor.u32 @!p3 v27, v19  }
0x410: {  	v3 =	vpsel p2, v3, v17;
	v16 =	vor.u32 @!p3 v30, v19;
	v30 =	vor.u32 @!p3 $0x60, v26;
	[tilespmem:v28+s1+$0x0] =	vst.idx.add.f32.msk @!p3 $0xffff, v2  }
0x411: {  	v1 =	vpsel p2, v1, v15;
	v17 =	vor.u32 @!p3 v30, v19;
	v26 =	vor.u32 @!p3 $0x70, v26;
	[tilespmem:v29+s1+$0x0] =	vst.idx.add.f32.msk @!p3 $0xffff, v3  }
0x412: {  	v4 =	vpsel p4, $0x0, v4;
	v14 =	vpsel p2, v21, v14;
	v15 =	vor.u32 @!p3 v26, v19;
	[tilespmem:v25+s1+$0x0] =	vst.idx.add.f32.msk @!p3 $0xffff, v1  }
0x413: {  	v4 =	vadd.f32 @p2 v24, v4;
	v6 =	vpsel p2, v6, v13;
	[tilespmem:v22+s1+$0x0] =	vst.idx.add.f32.msk @!p3 $0xffff, v14  }
0x414: {  	v13 =	vadd.f32 @p2 v23, v20;
	v5 =	vpsel p2, v5, v12;
	[tilespmem:v27+s1+$0x0] =	vst.idx.add.f32.msk @!p3 $0xffff, v6  }
0x415: {  	v4 =	vpsel p2, v4, v11;
	[tilespmem:v16+s1+$0x0] =	vst.idx.add.f32.msk @!p3 $0xffff, v5  }
0x416: {  	s0 =	sadd.s32 @p2 $0x80, s0;
	v10 =	vpsel p2, v13, v10;
	[tilespmem:v17+s1+$0x0] =	vst.idx.add.f32.msk @!p3 $0xffff, v4  }
0x417: {  	s26 =	smov.u32 @p2 s0;
	[tilespmem:v15+s1+$0x0] =	vst.idx.add.f32.msk @!p3 $0xffff, v10  }
0x418: {  	v11 =	vld [tilespmem:s26+$0xFFFFFFC0]  }
0x419: {  	v12 =	vld [tilespmem:s26+$0x30]  }
0x41a: {  	v13 =	vld [tilespmem:s26+$0x20]  }
0x41b: {  	v15 =	vld [tilespmem:s26+$0x10]  }
0x41c: {  	v17 =	vld [tilespmem:s26+$0x0]  }
0x41d: {  	v19 =	vld [tilespmem:s26+$0xFFFFFFF0]  }
0x41e: {  	v2 =	vpsel !p3, $0x0, v2;
	v63 =	vld [tilespmem:s26+$0xFFFFFFD0]  }
0x41f: {  	v3 =	vpsel !p3, $0x0, v3;
	v1 =	vpsel !p3, $0x0, v1;
	v62 =	vld [tilespmem:s26+$0xFFFFFFE0];
	v11 =	vmul.f32 v11, v18  }
0x420: {  	v6 =	vpsel !p3, $0x0, v6;
	v5 =	vpsel !p3, $0x0, v5;
	v12 =	vmul.f32 v12, v18  }
0x421: {  	v10 =	vpsel !p3, $0x0, v10;
	v16 =	vadd.f32 v11, v2;
	v2 =	vmul.f32 v13, v18  }
.Ltmp25:
0x422: {  	v4 =	vpsel !p3, $0x0, v4;
	v10 =	vadd.f32 v12, v10;
	v12 =	vmul.f32 v15, v18;
	(pc) =	sbr.rel .LBB2_35-.Ltmp25, $4  }
0x423: {  	v13 =	vmul.f32 v17, v18;
	v17 =	vmul.f32 v63, v18;
	v11 =	vadd.f32 v2, v4  }
0x424: {  	v4 =	vmul.f32 v19, v18;
	v12 =	vadd.f32 v12, v5;
	v5 =	vmul.f32 v62, v18  }
0x425: {  	v2 =	vpsel !p3, $0x0, v14;
	v13 =	vadd.f32 v13, v6;
	v17 =	vadd.f32 v17, v3  }
0x426: {  	v14 =	vadd.f32 v4, v2;
	v15 =	vadd.f32 v5, v1  }
.LBB2_27:
.Ltmp26:
0x427: {  	(pc) =	sbr.rel .LBB2_34-.Ltmp26, $3  }
0x428: {  	_ =	sdelay $0x1  }
0x429: {  	v19 =	vmov v9;
	v20 =	vmov v11  }
0x42a: {  	s0 =	smov.u32 s26;
	v25 =	vmovc v12;
	v29 =	vmovc v13;
	v26 =	vmov v14;
	v28 =	vmov v15;
	v27 =	vmov v17  }
.LBB2_29:
.Ltmp27:
0x42b: {  	(pc) =	sbr.rel .LBB2_34-.Ltmp27, $3  }
0x42c: {  	_ =	sdelay $0x1  }
0x42d: {  	v37 =	vmovc v18;
	v20 =	vmov v11;
	v25 =	vmov v12;
	v29 =	vmov v13  }
0x42e: {  	s0 =	smov.u32 s26;
	s1 =	smov.u32 s26;
	v26 =	vmovc v14;
	v28 =	vmovc v15;
	v27 =	vmov v17;
	v18 =	vmov v21;
	v19 =	vmov v22  }
.LBB2_31:
.Ltmp28:
0x42f: {  	(pc) =	sbr.rel .LBB2_34-.Ltmp28, $3  }
0x430: {  	_ =	sdelay $0x1  }
0x431: {  	v20 =	vmov v11;
	v9 =	vmov v22;
	v25 =	vmov v12  }
0x432: {  	s28 =	smov.u32 s26;
	s1 =	smov.u32 s0;
	v29 =	vmovc v13;
	v26 =	vmovc v14;
	v28 =	vmov v15;
	v27 =	vmov v17;
	v37 =	vmov v21  }
.LBB2_38:
0x433: {  	_ =	sfence.sel $0x180000  }
0x434: {  	[bflag:$0x0] =	sbarrier.arrive $0xFFFF  }
0x435: {  	_ =	strace $0x90000047  }
0x436: {  	s0 =	stileid.u32;
	[bflag:$0x2] =	sbarrier.arrive $0xFFFF  }
0x437: {  	p0 =	sne.s32 s0, $0x0;
	s0 =	rddreg [dreg:$0x2]  }
0x438: {  	s0 =	sadd.s32 @!p0 $0x100000, s0  }
0x439: {  	[sflag:s0] =	ssyncadd.tile.s32 @!p0 $0x1;
	_ =	shalt  }
.Lfunc_end2:
_tile_overlayer_lowered:
.L_overlay_start_2:
0x43a: {  	(tag) =	ssettag $0x2  }
0x43b: {  	s0 =	rddreg [dreg:$0x0];
	s2 =	stileid.u32  }
0x43c: {  	s1 =	rddreg [dreg:$0x1];
	p0 =	sne.s32 s2, $0x0  }
0x43d: {  	s3 =	rddreg [dreg:$0x2];
	[bflag:$0x3] =	sbarrier.arrive $0xFFFF;
	s2 =	simm.s32 @!p0 $0x1C04  }
0x43e: {  	[timem:s3], [sflag:s2] =	dma.local @!p0 [hbm:s0], s1  }
0x43f: {  	s0 =	simm.s32 @!p0 $0x4  }
0x440: {  	_ =	swait.ge @!p0 [sflag:s0], s1  }
0x441: {  	s1 =	ssub.s32 @!p0 $0x0, s1;
	[sflag:s0] =	ssyncset.done @!p0 $0x0  }
0x442: {  	[sflag:s0] =	ssyncadd.s32 @!p0 s1  }
0x443: {  	[bflag:$0x3] =	sbarrier.arrive $0xFFFF  }
0x444: {  	_ =	shalt  }

</sc_bundles>
